<compile_context>
chip_gen: v7x
topology: tpu7x:2x2x1
jax: 0.10.2.dev20260603
libtpu: 0.0.44.dev20260713+nightly
codegen_flags: <defaults>
</compile_context>

<pallas_src>
import functools

import jax
import jax.numpy as jnp
from jax import lax
from jax.experimental import pallas as pl
from jax.experimental.pallas import tpu as pltpu
from jax.experimental.pallas import tpu_sc as plsc

D = 128
K = 128


def _fast_rsqrt(y):
    bits = lax.bitcast_convert_type(y, jnp.int32)
    bits = 0x5F3759DF - lax.shift_right_arithmetic(bits, 1)
    g = lax.bitcast_convert_type(bits, jnp.float32)
    for _ in range(3):
        g = g * (1.5 - 0.5 * y * g * g)
    return g


def _mm_body(x_ref, w_ref, o_ref):
    o_ref[...] = jnp.dot(x_ref[...], w_ref[...],
                         preferred_element_type=jnp.float32)


def _layer2_body(p0_ref, p1_ref, h1_ref, d2_ref, b1_ref, w2_ref, o_ref):
    d2 = d2_ref[...]
    pre = d2 * (p0_ref[0] + p1_ref[0]) + d2 * d2 * h1_ref[...] + b1_ref[...]
    act = jnp.maximum(pre, 0.0)
    o_ref[...] = jnp.dot(act, w2_ref[...],
                         preferred_element_type=jnp.float32)


_SC_PARAMS = pltpu.CompilerParams(needs_layout_passes=False)


def _make_sc_degw(NPAD, EPAD):
    ESUB = EPAD // 16
    NCHS = ESUB // K
    RPT = NPAD // 16
    mesh = plsc.VectorSubcoreMesh(core_axis_name="c", subcore_axis_name="s")

    @functools.partial(
        pl.kernel,
        out_type=jax.ShapeDtypeStruct((NPAD,), jnp.float32),
        mesh=mesh,
        scratch_types=[
            pltpu.VMEM_SHARED((NPAD,), jnp.float32),
            pltpu.VMEM((NCHS, K), jnp.int32),
            pltpu.VMEM((ESUB,), jnp.float32),
            pltpu.VMEM((NPAD,), jnp.float32),
            pltpu.SemaphoreType.DMA,
        ],
        compiler_params=_SC_PARAMS,
    )
    def sc_degw(col3d1, ew, zer_n,
                dis_out,
                deg_sh, colbuf, ewbuf, disbuf, semD):
        c = lax.axis_index("c")
        s = lax.axis_index("s")

        pltpu.sync_copy(zer_n.at[pl.ds(s * RPT, RPT)],
                        deg_sh.at[pl.ds(s * RPT, RPT)])
        plsc.subcore_barrier()

        pltpu.sync_copy(col3d1.at[s], colbuf)
        pltpu.sync_copy(ew.at[pl.ds(s * ESUB, ESUB)], ewbuf)

        def p1(g8, carry):
            for u in range(8):
                g = g8 * 8 + u
                pltpu.make_async_copy(ewbuf.at[pl.ds(g * K, K)],
                                      deg_sh.at[colbuf.at[g]],
                                      semD).start(add=True)
            for u in range(8):
                g = g8 * 8 + u
                pltpu.make_async_copy(ewbuf.at[pl.ds(g * K, K)],
                                      deg_sh.at[colbuf.at[g]],
                                      semD).wait()
            return carry
        lax.fori_loop(0, NCHS // 8, p1, None)
        plsc.subcore_barrier()

        pltpu.sync_copy(deg_sh, disbuf)

        def p2(i, carry):
            sl = pl.ds(i * 16, 16)
            disbuf[sl] = _fast_rsqrt(disbuf[sl] + 1.0)
            return carry
        lax.fori_loop(0, NPAD // 16, p2, None)

        @pl.when(c == 0)
        def _():
            pltpu.sync_copy(disbuf.at[pl.ds(s * RPT, RPT)],
                            dis_out.at[pl.ds(s * RPT, RPT)])

    return sc_degw


def _make_sc_layer1(NPAD, EPAD):
    EPT = EPAD // 32
    NCH = EPT // K
    RPT = NPAD // 16
    mesh = plsc.VectorSubcoreMesh(core_axis_name="c", subcore_axis_name="s")

    @functools.partial(
        pl.kernel,
        out_type=jax.ShapeDtypeStruct((2, NPAD, D), jnp.float32),
        mesh=mesh,
        scratch_types=[
            pltpu.VMEM_SHARED((NPAD, D), jnp.float32),
            pltpu.VMEM((K,), jnp.int32),
            pltpu.VMEM((K,), jnp.int32),
            pltpu.VMEM((K,), jnp.int32),
            pltpu.VMEM((K,), jnp.int32),
            pltpu.VMEM((K,), jnp.float32),
            pltpu.VMEM((K,), jnp.float32),
            pltpu.VMEM((K, D), jnp.float32),
            pltpu.VMEM((K, D), jnp.float32),
            pltpu.VMEM((NPAD,), jnp.float32),
            pltpu.SemaphoreType.DMA,
            pltpu.SemaphoreType.DMA,
        ],
        compiler_params=_SC_PARAMS,
    )
    def sc_layer1(h1, row, col, w_in, dis,
                  parts,
                  acc_sh, rowchA, rowchB, colchA, colchB, wchA, wchB,
                  rowsA, rowsB, disbuf, semGA, semGB):
        c = lax.axis_index("c")
        s = lax.axis_index("s")
        t = c * 16 + s

        def z(k2, carry):
            for j in range(8):
                rowsA[k2, pl.ds(j * 16, 16)] = jnp.zeros((16,), jnp.float32)
            return carry
        lax.fori_loop(0, K, z, None)

        def zcp(q, carry):
            pltpu.sync_copy(rowsA,
                            acc_sh.at[pl.ds(s * RPT + q * K, K), :])
            return carry
        lax.fori_loop(0, RPT // K, zcp, None)
        plsc.subcore_barrier()

        base0 = t * EPT
        pltpu.sync_copy(dis, disbuf)

        def loadA(g):
            pltpu.sync_copy(row.at[pl.ds(base0 + g * K, K)], rowchA)
            pltpu.sync_copy(w_in.at[pl.ds(base0 + g * K, K)], wchA)
            pltpu.sync_copy(col.at[pl.ds(base0 + g * K, K)], colchA)

        def loadB(g):
            pltpu.sync_copy(row.at[pl.ds(base0 + g * K, K)], rowchB)
            pltpu.sync_copy(w_in.at[pl.ds(base0 + g * K, K)], wchB)
            pltpu.sync_copy(col.at[pl.ds(base0 + g * K, K)], colchB)

        def gatherA():
            return pltpu.make_async_copy(h1.at[rowchA], rowsA, semGA)

        def gatherB():
            return pltpu.make_async_copy(h1.at[rowchB], rowsB, semGB)

        def scale(rows, wch, rowch):
            def edge16(k16, c2):
                sl16 = pl.ds(k16 * 16, 16)
                dv = plsc.load_gather(disbuf, [rowch[sl16]])
                wv = dv * wch[sl16]
                for u in range(16):
                    k = k16 * 16 + u
                    bw = wv[u]
                    for j in range(8):
                        sl = pl.ds(j * 16, 16)
                        rows[k, sl] = rows[k, sl] * bw
                return c2
            lax.fori_loop(0, K // 16, edge16, None)

        loadA(0)
        gatherA().start()
        loadB(1)
        gatherB().start()

        def pair(m, carry):
            a = 2 * m
            b = a + 1
            gatherA().wait()
            scale(rowsA, wchA, rowchA)
            pltpu.sync_copy(rowsA, acc_sh.at[colchA], add=True)

            @pl.when(a + 2 < NCH)
            def _():
                loadA(a + 2)
                gatherA().start()

            gatherB().wait()
            scale(rowsB, wchB, rowchB)
            pltpu.sync_copy(rowsB, acc_sh.at[colchB], add=True)

            @pl.when(b + 2 < NCH)
            def _():
                loadB(b + 2)
                gatherB().start()
            return carry
        lax.fori_loop(0, NCH // 2, pair, None)
        plsc.subcore_barrier()

        @pl.when(c == 0)
        def _():
            pltpu.sync_copy(acc_sh.at[pl.ds(s * RPT, RPT), :],
                            parts.at[0, pl.ds(s * RPT, RPT), :])

        @pl.when(c == 1)
        def _():
            pltpu.sync_copy(acc_sh.at[pl.ds(s * RPT, RPT), :],
                            parts.at[1, pl.ds(s * RPT, RPT), :])

    return sc_layer1


def _make_sc_layer2(NPAD, EPAD):
    ESUB = EPAD // 16
    NCHS = ESUB // K
    RPT = NPAD // 16
    mesh = plsc.VectorSubcoreMesh(core_axis_name="c", subcore_axis_name="s")

    @functools.partial(
        pl.kernel,
        out_type=jax.ShapeDtypeStruct((NPAD,), jnp.float32),
        mesh=mesh,
        scratch_types=[
            pltpu.VMEM_SHARED((NPAD,), jnp.float32),
            pltpu.VMEM((NPAD,), jnp.float32),
            pltpu.VMEM((NPAD,), jnp.float32),
            pltpu.VMEM((ESUB,), jnp.int32),
            pltpu.VMEM((ESUB,), jnp.float32),
            pltpu.VMEM((NCHS, K), jnp.int32),
            pltpu.VMEM((K,), jnp.float32),
            pltpu.VMEM((16,), jnp.float32),
        ],
        compiler_params=_SC_PARAMS,
    )
    def sc_layer2(ytab, w_in, row, col3d1, dis, zer_n, b2v,
                  out2,
                  acc2_sh, ybuf, disb, rowbuf, wbuf, colbuf, valbuf,
                  b2buf):
        c = lax.axis_index("c")
        s = lax.axis_index("s")

        @pl.when(c == 0)
        def _():
            pltpu.sync_copy(zer_n.at[pl.ds(s * RPT, RPT)],
                            acc2_sh.at[pl.ds(s * RPT, RPT)])
            plsc.subcore_barrier()

            pltpu.sync_copy(ytab, ybuf)
            pltpu.sync_copy(dis, disb)
            pltpu.sync_copy(row.at[pl.ds(s * ESUB, ESUB)], rowbuf)
            pltpu.sync_copy(w_in.at[pl.ds(s * ESUB, ESUB)], wbuf)
            pltpu.sync_copy(col3d1.at[s], colbuf)
            pltpu.sync_copy(b2v, b2buf)

            def chunk(g, carry):
                def grp(i, c2):
                    sl = pl.ds(g * K + i * 16, 16)
                    idx = rowbuf[sl]
                    yv = plsc.load_gather(ybuf, [idx])
                    dv = plsc.load_gather(disb, [idx])
                    valbuf[pl.ds(i * 16, 16)] = yv * dv * wbuf[sl]
                    return c2
                lax.fori_loop(0, K // 16, grp, None)
                pltpu.sync_copy(valbuf, acc2_sh.at[colbuf.at[g]], add=True)
                return carry
            lax.fori_loop(0, NCHS, chunk, None)
            plsc.subcore_barrier()

            pltpu.sync_copy(acc2_sh.at[pl.ds(s * RPT, RPT)],
                            wbuf.at[pl.ds(0, RPT)])

            def ep(i, carry):
                sl = pl.ds(i * 16, 16)
                a = wbuf[sl]
                dv = disb[pl.ds(s * RPT + i * 16, 16)]
                yv = ybuf[pl.ds(s * RPT + i * 16, 16)]
                wbuf[sl] = dv * a + dv * dv * yv + b2buf[...]
                return carry
            lax.fori_loop(0, RPT // 16, ep, None)
            pltpu.sync_copy(wbuf.at[pl.ds(0, RPT)],
                            out2.at[pl.ds(s * RPT, RPT)])

    return sc_layer2


def kernel(x, edge_index, edge_attr, W1, b1, W2, b2):
    N = x.shape[0]
    E = edge_index.shape[1]
    NPAD = ((N + 1279) // 1280) * 1280
    EPAD = ((E + 8191) // 8192) * 8192
    RB = 1024

    row = jnp.pad(edge_index[0].astype(jnp.int32), (0, EPAD - E))
    col = jnp.pad(edge_index[1].astype(jnp.int32), (0, EPAD - E),
                  constant_values=NPAD - 1)
    ew = jnp.pad(edge_attr.astype(jnp.float32), (0, EPAD - E))
    col3d1 = col.reshape(16, EPAD // (16 * K), K)
    x_pad = jnp.pad(x, ((0, NPAD - N), (0, 0)))
    zer_n = jnp.zeros((NPAD,), jnp.float32)
    W2t = jnp.tile(W2, (1, D))
    b1r = b1.reshape(1, D)
    b2v = jnp.broadcast_to(b2, (16,))

    dis = _make_sc_degw(NPAD, EPAD)(col3d1, ew, zer_n)

    nblk = NPAD // RB
    h1 = pl.pallas_call(
        _mm_body,
        grid=(nblk,),
        in_specs=[pl.BlockSpec((RB, D), lambda i: (i, 0)),
                  pl.BlockSpec((D, D), lambda i: (0, 0))],
        out_specs=pl.BlockSpec((RB, D), lambda i: (i, 0)),
        out_shape=jax.ShapeDtypeStruct((NPAD, D), jnp.float32),
    )(x_pad, W1)

    parts = _make_sc_layer1(NPAD, EPAD)(h1, row, col, ew, dis)

    dis2d = jnp.broadcast_to(dis[:, None], (NPAD, D))
    y2 = pl.pallas_call(
        _layer2_body,
        grid=(nblk,),
        in_specs=[pl.BlockSpec((1, RB, D), lambda i: (0, i, 0)),
                  pl.BlockSpec((1, RB, D), lambda i: (1, i, 0)),
                  pl.BlockSpec((RB, D), lambda i: (i, 0)),
                  pl.BlockSpec((RB, D), lambda i: (i, 0)),
                  pl.BlockSpec((1, D), lambda i: (0, 0)),
                  pl.BlockSpec((D, D), lambda i: (0, 0))],
        out_specs=pl.BlockSpec((RB, D), lambda i: (i, 0)),
        out_shape=jax.ShapeDtypeStruct((NPAD, D), jnp.float32),
    )(parts, parts, h1, dis2d, b1r, W2t)
    ytab = y2[:, 0]

    out2 = _make_sc_layer2(NPAD, EPAD)(
        ytab, ew, row, col3d1, dis, zer_n, b2v)

    return out2[:N].reshape(N, 1)

# --- scband reference (transcript-rebuilt; emitter-appended) ---
"""Pipeline reference for scband-py-ggcnmodel-67216238182417 (READ-ONLY COPY).

The authoritative reference and input builder live on the scoring server;
editing this copy changes nothing except your own understanding.
"""

import jax, jax.numpy as jnp
import numpy as np

N_NODES = 10000
N_EDGES = 320000
D_FEAT = 128
D_HIDDEN = 128


def gcn_conv(x, edge_index, edge_weight, W, b):
    """Faithful PyG GCNConv: linear -> add self loops -> symmetric norm -> scatter-add -> bias."""
    N = x.shape[0]
    row = edge_index[0]
    col = edge_index[1]
    loop = jnp.arange(N, dtype=edge_index.dtype)
    row = jnp.concatenate([row, loop])
    col = jnp.concatenate([col, loop])
    ew = jnp.concatenate([edge_weight, jnp.ones((N,), dtype=x.dtype)])
    # gcn_norm: deg over target (col) index, including self loops
    deg = jax.ops.segment_sum(ew, col, num_segments=N)
    deg_inv_sqrt = jnp.where(deg > 0, jax.lax.rsqrt(deg), 0.0)
    norm = deg_inv_sqrt[row] * ew * deg_inv_sqrt[col]
    h = x @ W  # lin (bias=False inside GCNConv's Linear)
    msg = h[row] * norm[:, None]
    out = jax.ops.segment_sum(msg, col, num_segments=N)
    return out + b


def setup_inputs(seed: int = 0) -> dict:
    key = jax.random.key(seed)
    k0, k1, k2, k3, k4 = jax.random.split(key, 5)
    x = jax.random.normal(k0, (N_NODES, D_FEAT), dtype=jnp.float32)
    edge_index = jax.random.randint(k1, (2, N_EDGES), 0, N_NODES, dtype=jnp.int64)
    edge_attr = jax.random.uniform(k2, (N_EDGES,), dtype=jnp.float32)
    W1 = jax.random.normal(k3, (D_FEAT, D_HIDDEN), dtype=jnp.float32) * 0.05
    b1 = jnp.zeros((D_HIDDEN,), dtype=jnp.float32)
    W2 = jax.random.normal(k4, (D_HIDDEN, 1), dtype=jnp.float32) * 0.05
    b2 = jnp.zeros((1,), dtype=jnp.float32)
    return {"x": x, "edge_index": edge_index, "edge_attr": edge_attr,
            "W1": W1, "b1": b1, "W2": W2, "b2": b2}


def reference(x, edge_index, edge_attr, W1, b1, W2, b2):
    # n_edge_attr == 1 -> edge_attr is used as edge_weight in both convs.
    # ln_input is defined in __init__ but never called in forward -> omitted.
    # dropout(p=0.5) is identity in eval mode.
    h = gcn_conv(x, edge_index, edge_attr, W1, b1)
    h = jax.nn.relu(h)
    out = gcn_conv(h, edge_index, edge_attr, W2, b2)
    return out

if __name__ == "__main__":
    import jax
    _d = setup_inputs()
    print(jax.jit(kernel)(*tuple(_d.values())))

</pallas_src>

<mosaic_0001>
#map = affine_map<(d0, d1) -> (0, 0)>
#map1 = affine_map<(d0, d1) -> (0)>
#map2 = affine_map<(d0, d1) -> (0, 0, 0)>
module attributes {stable_mosaic.version = 14 : i64} {
  func.func @sc_layer1(%arg0: i32, %arg1: i32, %arg2: memref<10240x128xf32, #tpu.memory_space<hbm>>, %arg3: memref<327680xi32, #tpu.memory_space<hbm>>, %arg4: memref<327680xi32, #tpu.memory_space<hbm>>, %arg5: memref<327680xf32, #tpu.memory_space<hbm>>, %arg6: memref<10240xf32, #tpu.memory_space<hbm>>, %arg7: memref<2x10240x128xf32, #tpu.memory_space<hbm>>, %arg8: memref<10240x128xf32, #tpu.memory_space<vmem_shared>>, %arg9: memref<128xi32, #tpu.memory_space<vmem>>, %arg10: memref<128xi32, #tpu.memory_space<vmem>>, %arg11: memref<128xi32, #tpu.memory_space<vmem>>, %arg12: memref<128xi32, #tpu.memory_space<vmem>>, %arg13: memref<128xf32, #tpu.memory_space<vmem>>, %arg14: memref<128xf32, #tpu.memory_space<vmem>>, %arg15: memref<128x128xf32, #tpu.memory_space<vmem>>, %arg16: memref<128x128xf32, #tpu.memory_space<vmem>>, %arg17: memref<10240xf32, #tpu.memory_space<vmem>>, %arg18: memref<!tpu.dma_semaphore, #tpu.memory_space<semaphore_mem>>, %arg19: memref<!tpu.dma_semaphore, #tpu.memory_space<semaphore_mem>>) attributes {dimension_semantics = [#tpu.dimension_semantics<core_parallel>, #tpu.dimension_semantics<subcore_parallel>], iteration_bounds = array<i64: 2, 16>, scalar_prefetch = 0 : i64, scratch_operands = 12 : i64, tpu.core_type = #tpu.core_type<sc_vector_subcore>, window_params = [{transform_indices = #map}, {transform_indices = #map1}, {transform_indices = #map1}, {transform_indices = #map1}, {transform_indices = #map1}, {transform_indices = #map2}]} {
    %mul3A = arith.constant 16 : i32
    %mul3A_0 = arith.muli %arg0, %mul3A : i32
    %add3A = arith.addi %mul3A_0, %arg1 : i32
    %scan3A = arith.constant 0 : i32
    %scan3A_1 = arith.constant 128 : i32
    %scan3A_2 = arith.addi %scan3A, %scan3A_1 : i32
    %scan3A_3 = arith.constant 1 : i32
    scf.for %scan3A_42 = %scan3A to %scan3A_2 step %scan3A_3  : i32 {
      %broadcast_in_dim3A = arith.constant 0.000000e+00 : f32
      %broadcast_in_dim3A_43 = vector.broadcast %broadcast_in_dim3A : f32 to vector<16xf32>
      %swap3A = arith.index_cast %scan3A_42 : i32 to index
      %swap3A_44 = arith.constant 0 : index
      %swap3A_45 = tpu.vector_load %arg15[%swap3A, %swap3A_44] {strides = array<i32>} : memref<128x128xf32, #tpu.memory_space<vmem>>, vector<16xf32>,
      tpu.vector_store %arg15[%swap3A, %swap3A_44], %broadcast_in_dim3A_43 {strides = array<i32>} : memref<128x128xf32, #tpu.memory_space<vmem>>, vector<16xf32>,
      %broadcast_in_dim3A_46 = arith.constant 0.000000e+00 : f32
      %broadcast_in_dim3A_47 = vector.broadcast %broadcast_in_dim3A_46 : f32 to vector<16xf32>
      %swap3A_48 = arith.index_cast %scan3A_42 : i32 to index
      %swap3A_49 = arith.constant 16 : index
      %swap3A_50 = tpu.vector_load %arg15[%swap3A_48, %swap3A_49] {strides = array<i32>} : memref<128x128xf32, #tpu.memory_space<vmem>>, vector<16xf32>,
      tpu.vector_store %arg15[%swap3A_48, %swap3A_49], %broadcast_in_dim3A_47 {strides = array<i32>} : memref<128x128xf32, #tpu.memory_space<vmem>>, vector<16xf32>,
      %broadcast_in_dim3A_51 = arith.constant 0.000000e+00 : f32
      %broadcast_in_dim3A_52 = vector.broadcast %broadcast_in_dim3A_51 : f32 to vector<16xf32>
      %swap3A_53 = arith.index_cast %scan3A_42 : i32 to index
      %swap3A_54 = arith.constant 32 : index
      %swap3A_55 = tpu.vector_load %arg15[%swap3A_53, %swap3A_54] {strides = array<i32>} : memref<128x128xf32, #tpu.memory_space<vmem>>, vector<16xf32>,
      tpu.vector_store %arg15[%swap3A_53, %swap3A_54], %broadcast_in_dim3A_52 {strides = array<i32>} : memref<128x128xf32, #tpu.memory_space<vmem>>, vector<16xf32>,
      %broadcast_in_dim3A_56 = arith.constant 0.000000e+00 : f32
      %broadcast_in_dim3A_57 = vector.broadcast %broadcast_in_dim3A_56 : f32 to vector<16xf32>
      %swap3A_58 = arith.index_cast %scan3A_42 : i32 to index
      %swap3A_59 = arith.constant 48 : index
      %swap3A_60 = tpu.vector_load %arg15[%swap3A_58, %swap3A_59] {strides = array<i32>} : memref<128x128xf32, #tpu.memory_space<vmem>>, vector<16xf32>,
      tpu.vector_store %arg15[%swap3A_58, %swap3A_59], %broadcast_in_dim3A_57 {strides = array<i32>} : memref<128x128xf32, #tpu.memory_space<vmem>>, vector<16xf32>,
      %broadcast_in_dim3A_61 = arith.constant 0.000000e+00 : f32
      %broadcast_in_dim3A_62 = vector.broadcast %broadcast_in_dim3A_61 : f32 to vector<16xf32>
      %swap3A_63 = arith.index_cast %scan3A_42 : i32 to index
      %swap3A_64 = arith.constant 64 : index
      %swap3A_65 = tpu.vector_load %arg15[%swap3A_63, %swap3A_64] {strides = array<i32>} : memref<128x128xf32, #tpu.memory_space<vmem>>, vector<16xf32>,
      tpu.vector_store %arg15[%swap3A_63, %swap3A_64], %broadcast_in_dim3A_62 {strides = array<i32>} : memref<128x128xf32, #tpu.memory_space<vmem>>, vector<16xf32>,
      %broadcast_in_dim3A_66 = arith.constant 0.000000e+00 : f32
      %broadcast_in_dim3A_67 = vector.broadcast %broadcast_in_dim3A_66 : f32 to vector<16xf32>
      %swap3A_68 = arith.index_cast %scan3A_42 : i32 to index
      %swap3A_69 = arith.constant 80 : index
      %swap3A_70 = tpu.vector_load %arg15[%swap3A_68, %swap3A_69] {strides = array<i32>} : memref<128x128xf32, #tpu.memory_space<vmem>>, vector<16xf32>,
      tpu.vector_store %arg15[%swap3A_68, %swap3A_69], %broadcast_in_dim3A_67 {strides = array<i32>} : memref<128x128xf32, #tpu.memory_space<vmem>>, vector<16xf32>,
      %broadcast_in_dim3A_71 = arith.constant 0.000000e+00 : f32
      %broadcast_in_dim3A_72 = vector.broadcast %broadcast_in_dim3A_71 : f32 to vector<16xf32>
      %swap3A_73 = arith.index_cast %scan3A_42 : i32 to index
      %swap3A_74 = arith.constant 96 : index
      %swap3A_75 = tpu.vector_load %arg15[%swap3A_73, %swap3A_74] {strides = array<i32>} : memref<128x128xf32, #tpu.memory_space<vmem>>, vector<16xf32>,
      tpu.vector_store %arg15[%swap3A_73, %swap3A_74], %broadcast_in_dim3A_72 {strides = array<i32>} : memref<128x128xf32, #tpu.memory_space<vmem>>, vector<16xf32>,
      %broadcast_in_dim3A_76 = arith.constant 0.000000e+00 : f32
      %broadcast_in_dim3A_77 = vector.broadcast %broadcast_in_dim3A_76 : f32 to vector<16xf32>
      %swap3A_78 = arith.index_cast %scan3A_42 : i32 to index
      %swap3A_79 = arith.constant 112 : index
      %swap3A_80 = tpu.vector_load %arg15[%swap3A_78, %swap3A_79] {strides = array<i32>} : memref<128x128xf32, #tpu.memory_space<vmem>>, vector<16xf32>,
      tpu.vector_store %arg15[%swap3A_78, %swap3A_79], %broadcast_in_dim3A_77 {strides = array<i32>} : memref<128x128xf32, #tpu.memory_space<vmem>>, vector<16xf32>,
    }
    %scan3A_4 = arith.constant 128 : i32
    %scan3A_5 = arith.constant 0 : i32
    %scan3A_6 = arith.constant 5 : i32
    %scan3A_7 = arith.addi %scan3A_5, %scan3A_6 : i32
    %scan3A_8 = arith.constant 1 : i32
    scf.for %scan3A_42 = %scan3A_5 to %scan3A_7 step %scan3A_8  : i32 {
      %mul3A_43 = arith.constant 640 : i32
      %mul3A_44 = arith.muli %arg1, %mul3A_43 : i32
      %mul3A_45 = arith.constant 128 : i32
      %mul3A_46 = arith.muli %scan3A_42, %mul3A_45 : i32
      %add3A_47 = arith.addi %mul3A_44, %mul3A_46 : i32
      "tpu.region"() ({
        %run_scoped3A = tpu.sem_alloc : memref<!tpu.dma_semaphore, #tpu.memory_space<semaphore_mem>>
        %dma_start3A_48 = arith.constant 0 : i32
        %dma_start3A_49 = tpu.memref_slice %arg8[%add3A_47, %dma_start3A_48] : memref<10240x128xf32, #tpu.memory_space<vmem_shared>> -> memref<128x128xf32, #tpu.memory_space<vmem_shared>>
        %dma_start3A_50 = arith.constant 0 : i32
        %dma_start3A_51 = tpu.memref_slice %arg8[%add3A_47, %dma_start3A_50] : memref<10240x128xf32, #tpu.memory_space<vmem_shared>> -> memref<128x128xf32, #tpu.memory_space<vmem_shared>>
        tpu.enqueue_dma source(%arg15 : memref<128x128xf32, #tpu.memory_space<vmem>>) target(%dma_start3A_51 : memref<128x128xf32, #tpu.memory_space<vmem_shared>>) target_semaphore(%run_scoped3A : memref<!tpu.dma_semaphore, #tpu.memory_space<semaphore_mem>>)
        %dma_wait3A = arith.constant 0 : i32
        %dma_wait3A_52 = tpu.memref_slice %arg8[%add3A_47, %dma_wait3A] : memref<10240x128xf32, #tpu.memory_space<vmem_shared>> -> memref<128x128xf32, #tpu.memory_space<vmem_shared>>
        %dma_wait3A_53 = arith.constant 0 : i32
        %dma_wait3A_54 = tpu.memref_slice %arg8[%add3A_47, %dma_wait3A_53] : memref<10240x128xf32, #tpu.memory_space<vmem_shared>> -> memref<128x128xf32, #tpu.memory_space<vmem_shared>>
        tpu.wait_dma2 semaphore(%run_scoped3A : memref<!tpu.dma_semaphore, #tpu.memory_space<semaphore_mem>>) src(%arg15 : memref<128x128xf32, #tpu.memory_space<vmem>>) dst(%dma_wait3A_54 : memref<128x128xf32, #tpu.memory_space<vmem_shared>>)
        tpu.yield
      }) : () -> ()
    }
    %scan3A_9 = arith.constant 5 : i32
    %barrier3A = arith.constant 0 : index
    tpu.barrier barrier_id(%barrier3A)
    %mul3A_10 = arith.constant 10240 : i32
    %mul3A_11 = arith.muli %add3A, %mul3A_10 : i32
    "tpu.region"() ({
      %run_scoped3A = tpu.sem_alloc : memref<!tpu.dma_semaphore, #tpu.memory_space<semaphore_mem>>
      tpu.enqueue_dma source(%arg6 : memref<10240xf32, #tpu.memory_space<hbm>>) target(%arg17 : memref<10240xf32, #tpu.memory_space<vmem>>) target_semaphore(%run_scoped3A : memref<!tpu.dma_semaphore, #tpu.memory_space<semaphore_mem>>)
      tpu.wait_dma2 semaphore(%run_scoped3A : memref<!tpu.dma_semaphore, #tpu.memory_space<semaphore_mem>>) src(%arg6 : memref<10240xf32, #tpu.memory_space<hbm>>) dst(%arg17 : memref<10240xf32, #tpu.memory_space<vmem>>)
      tpu.yield
    }) : () -> ()
    %add3A_12 = arith.constant 0 : i32
    %add3A_13 = arith.addi %mul3A_11, %add3A_12 : i32
    "tpu.region"() ({
      %run_scoped3A = tpu.sem_alloc : memref<!tpu.dma_semaphore, #tpu.memory_space<semaphore_mem>>
      %dma_start3A_42 = tpu.memref_slice %arg3[%add3A_13] : memref<327680xi32, #tpu.memory_space<hbm>> -> memref<128xi32, #tpu.memory_space<hbm>>
      %dma_start3A_43 = tpu.memref_slice %arg3[%add3A_13] : memref<327680xi32, #tpu.memory_space<hbm>> -> memref<128xi32, #tpu.memory_space<hbm>>
      tpu.enqueue_dma source(%dma_start3A_43 : memref<128xi32, #tpu.memory_space<hbm>>) target(%arg9 : memref<128xi32, #tpu.memory_space<vmem>>) target_semaphore(%run_scoped3A : memref<!tpu.dma_semaphore, #tpu.memory_space<semaphore_mem>>)
      %dma_wait3A = tpu.memref_slice %arg3[%add3A_13] : memref<327680xi32, #tpu.memory_space<hbm>> -> memref<128xi32, #tpu.memory_space<hbm>>
      %dma_wait3A_44 = tpu.memref_slice %arg3[%add3A_13] : memref<327680xi32, #tpu.memory_space<hbm>> -> memref<128xi32, #tpu.memory_space<hbm>>
      tpu.wait_dma2 semaphore(%run_scoped3A : memref<!tpu.dma_semaphore, #tpu.memory_space<semaphore_mem>>) src(%dma_wait3A_44 : memref<128xi32, #tpu.memory_space<hbm>>) dst(%arg9 : memref<128xi32, #tpu.memory_space<vmem>>)
      tpu.yield
    }) : () -> ()
    %add3A_14 = arith.constant 0 : i32
    %add3A_15 = arith.addi %mul3A_11, %add3A_14 : i32
    "tpu.region"() ({
      %run_scoped3A = tpu.sem_alloc : memref<!tpu.dma_semaphore, #tpu.memory_space<semaphore_mem>>
      %dma_start3A_42 = tpu.memref_slice %arg5[%add3A_15] : memref<327680xf32, #tpu.memory_space<hbm>> -> memref<128xf32, #tpu.memory_space<hbm>>
      %dma_start3A_43 = tpu.memref_slice %arg5[%add3A_15] : memref<327680xf32, #tpu.memory_space<hbm>> -> memref<128xf32, #tpu.memory_space<hbm>>
      tpu.enqueue_dma source(%dma_start3A_43 : memref<128xf32, #tpu.memory_space<hbm>>) target(%arg13 : memref<128xf32, #tpu.memory_space<vmem>>) target_semaphore(%run_scoped3A : memref<!tpu.dma_semaphore, #tpu.memory_space<semaphore_mem>>)
      %dma_wait3A = tpu.memref_slice %arg5[%add3A_15] : memref<327680xf32, #tpu.memory_space<hbm>> -> memref<128xf32, #tpu.memory_space<hbm>>
      %dma_wait3A_44 = tpu.memref_slice %arg5[%add3A_15] : memref<327680xf32, #tpu.memory_space<hbm>> -> memref<128xf32, #tpu.memory_space<hbm>>
      tpu.wait_dma2 semaphore(%run_scoped3A : memref<!tpu.dma_semaphore, #tpu.memory_space<semaphore_mem>>) src(%dma_wait3A_44 : memref<128xf32, #tpu.memory_space<hbm>>) dst(%arg13 : memref<128xf32, #tpu.memory_space<vmem>>)
      tpu.yield
    }) : () -> ()
    %add3A_16 = arith.constant 0 : i32
    %add3A_17 = arith.addi %mul3A_11, %add3A_16 : i32
    "tpu.region"() ({
      %run_scoped3A = tpu.sem_alloc : memref<!tpu.dma_semaphore, #tpu.memory_space<semaphore_mem>>
      %dma_start3A_42 = tpu.memref_slice %arg4[%add3A_17] : memref<327680xi32, #tpu.memory_space<hbm>> -> memref<128xi32, #tpu.memory_space<hbm>>
      %dma_start3A_43 = tpu.memref_slice %arg4[%add3A_17] : memref<327680xi32, #tpu.memory_space<hbm>> -> memref<128xi32, #tpu.memory_space<hbm>>
      tpu.enqueue_dma source(%dma_start3A_43 : memref<128xi32, #tpu.memory_space<hbm>>) target(%arg11 : memref<128xi32, #tpu.memory_space<vmem>>) target_semaphore(%run_scoped3A : memref<!tpu.dma_semaphore, #tpu.memory_space<semaphore_mem>>)
      %dma_wait3A = tpu.memref_slice %arg4[%add3A_17] : memref<327680xi32, #tpu.memory_space<hbm>> -> memref<128xi32, #tpu.memory_space<hbm>>
      %dma_wait3A_44 = tpu.memref_slice %arg4[%add3A_17] : memref<327680xi32, #tpu.memory_space<hbm>> -> memref<128xi32, #tpu.memory_space<hbm>>
      tpu.wait_dma2 semaphore(%run_scoped3A : memref<!tpu.dma_semaphore, #tpu.memory_space<semaphore_mem>>) src(%dma_wait3A_44 : memref<128xi32, #tpu.memory_space<hbm>>) dst(%arg11 : memref<128xi32, #tpu.memory_space<vmem>>)
      tpu.yield
    }) : () -> ()
    %dma_start3A = arith.constant 0 : i32
    %dma_start3A_18 = arith.constant 0 : i32
    %dma_start3A_19 = tpu.memref_slice %arg2[%dma_start3A, %dma_start3A_18] : memref<10240x128xf32, #tpu.memory_space<hbm>> -> memref<10240x128xf32, #tpu.memory_space<hbm>>
    tpu.enqueue_indirect_dma source(%dma_start3A_19 : memref<10240x128xf32, #tpu.memory_space<hbm>>) target(%arg15 : memref<128x128xf32, #tpu.memory_space<vmem>>) offsets(%arg9 : memref<128xi32, #tpu.memory_space<vmem>>) semaphore(%arg18 : memref<!tpu.dma_semaphore, #tpu.memory_space<semaphore_mem>>)
    %add3A_20 = arith.constant 128 : i32
    %add3A_21 = arith.addi %mul3A_11, %add3A_20 : i32
    "tpu.region"() ({
      %run_scoped3A = tpu.sem_alloc : memref<!tpu.dma_semaphore, #tpu.memory_space<semaphore_mem>>
      %dma_start3A_42 = tpu.memref_slice %arg3[%add3A_21] : memref<327680xi32, #tpu.memory_space<hbm>> -> memref<128xi32, #tpu.memory_space<hbm>>
      %dma_start3A_43 = tpu.memref_slice %arg3[%add3A_21] : memref<327680xi32, #tpu.memory_space<hbm>> -> memref<128xi32, #tpu.memory_space<hbm>>
      tpu.enqueue_dma source(%dma_start3A_43 : memref<128xi32, #tpu.memory_space<hbm>>) target(%arg10 : memref<128xi32, #tpu.memory_space<vmem>>) target_semaphore(%run_scoped3A : memref<!tpu.dma_semaphore, #tpu.memory_space<semaphore_mem>>)
      %dma_wait3A = tpu.memref_slice %arg3[%add3A_21] : memref<327680xi32, #tpu.memory_space<hbm>> -> memref<128xi32, #tpu.memory_space<hbm>>
      %dma_wait3A_44 = tpu.memref_slice %arg3[%add3A_21] : memref<327680xi32, #tpu.memory_space<hbm>> -> memref<128xi32, #tpu.memory_space<hbm>>
      tpu.wait_dma2 semaphore(%run_scoped3A : memref<!tpu.dma_semaphore, #tpu.memory_space<semaphore_mem>>) src(%dma_wait3A_44 : memref<128xi32, #tpu.memory_space<hbm>>) dst(%arg10 : memref<128xi32, #tpu.memory_space<vmem>>)
      tpu.yield
    }) : () -> ()
    %add3A_22 = arith.constant 128 : i32
    %add3A_23 = arith.addi %mul3A_11, %add3A_22 : i32
    "tpu.region"() ({
      %run_scoped3A = tpu.sem_alloc : memref<!tpu.dma_semaphore, #tpu.memory_space<semaphore_mem>>
      %dma_start3A_42 = tpu.memref_slice %arg5[%add3A_23] : memref<327680xf32, #tpu.memory_space<hbm>> -> memref<128xf32, #tpu.memory_space<hbm>>
      %dma_start3A_43 = tpu.memref_slice %arg5[%add3A_23] : memref<327680xf32, #tpu.memory_space<hbm>> -> memref<128xf32, #tpu.memory_space<hbm>>
      tpu.enqueue_dma source(%dma_start3A_43 : memref<128xf32, #tpu.memory_space<hbm>>) target(%arg14 : memref<128xf32, #tpu.memory_space<vmem>>) target_semaphore(%run_scoped3A : memref<!tpu.dma_semaphore, #tpu.memory_space<semaphore_mem>>)
      %dma_wait3A = tpu.memref_slice %arg5[%add3A_23] : memref<327680xf32, #tpu.memory_space<hbm>> -> memref<128xf32, #tpu.memory_space<hbm>>
      %dma_wait3A_44 = tpu.memref_slice %arg5[%add3A_23] : memref<327680xf32, #tpu.memory_space<hbm>> -> memref<128xf32, #tpu.memory_space<hbm>>
      tpu.wait_dma2 semaphore(%run_scoped3A : memref<!tpu.dma_semaphore, #tpu.memory_space<semaphore_mem>>) src(%dma_wait3A_44 : memref<128xf32, #tpu.memory_space<hbm>>) dst(%arg14 : memref<128xf32, #tpu.memory_space<vmem>>)
      tpu.yield
    }) : () -> ()
    %add3A_24 = arith.constant 128 : i32
    %add3A_25 = arith.addi %mul3A_11, %add3A_24 : i32
    "tpu.region"() ({
      %run_scoped3A = tpu.sem_alloc : memref<!tpu.dma_semaphore, #tpu.memory_space<semaphore_mem>>
      %dma_start3A_42 = tpu.memref_slice %arg4[%add3A_25] : memref<327680xi32, #tpu.memory_space<hbm>> -> memref<128xi32, #tpu.memory_space<hbm>>
      %dma_start3A_43 = tpu.memref_slice %arg4[%add3A_25] : memref<327680xi32, #tpu.memory_space<hbm>> -> memref<128xi32, #tpu.memory_space<hbm>>
      tpu.enqueue_dma source(%dma_start3A_43 : memref<128xi32, #tpu.memory_space<hbm>>) target(%arg12 : memref<128xi32, #tpu.memory_space<vmem>>) target_semaphore(%run_scoped3A : memref<!tpu.dma_semaphore, #tpu.memory_space<semaphore_mem>>)
      %dma_wait3A = tpu.memref_slice %arg4[%add3A_25] : memref<327680xi32, #tpu.memory_space<hbm>> -> memref<128xi32, #tpu.memory_space<hbm>>
      %dma_wait3A_44 = tpu.memref_slice %arg4[%add3A_25] : memref<327680xi32, #tpu.memory_space<hbm>> -> memref<128xi32, #tpu.memory_space<hbm>>
      tpu.wait_dma2 semaphore(%run_scoped3A : memref<!tpu.dma_semaphore, #tpu.memory_space<semaphore_mem>>) src(%dma_wait3A_44 : memref<128xi32, #tpu.memory_space<hbm>>) dst(%arg12 : memref<128xi32, #tpu.memory_space<vmem>>)
      tpu.yield
    }) : () -> ()
    %dma_start3A_26 = arith.constant 0 : i32
    %dma_start3A_27 = arith.constant 0 : i32
    %dma_start3A_28 = tpu.memref_slice %arg2[%dma_start3A_26, %dma_start3A_27] : memref<10240x128xf32, #tpu.memory_space<hbm>> -> memref<10240x128xf32, #tpu.memory_space<hbm>>
    tpu.enqueue_indirect_dma source(%dma_start3A_28 : memref<10240x128xf32, #tpu.memory_space<hbm>>) target(%arg16 : memref<128x128xf32, #tpu.memory_space<vmem>>) offsets(%arg10 : memref<128xi32, #tpu.memory_space<vmem>>) semaphore(%arg19 : memref<!tpu.dma_semaphore, #tpu.memory_space<semaphore_mem>>)
    %scan3A_29 = arith.constant 0 : i32
    %scan3A_30 = arith.constant 40 : i32
    %scan3A_31 = arith.addi %scan3A_29, %scan3A_30 : i32
    %scan3A_32 = arith.constant 1 : i32
    scf.for %scan3A_42 = %scan3A_29 to %scan3A_31 step %scan3A_32  : i32 {
      %mul3A_43 = arith.constant 2 : i32
      %mul3A_44 = arith.muli %mul3A_43, %scan3A_42 : i32
      %add3A_45 = arith.constant 1 : i32
      %add3A_46 = arith.addi %mul3A_44, %add3A_45 : i32
      %dma_wait3A = arith.constant 0 : i32
      %dma_wait3A_47 = arith.constant 0 : i32
      %dma_wait3A_48 = tpu.memref_slice %arg2[%dma_wait3A, %dma_wait3A_47] : memref<10240x128xf32, #tpu.memory_space<hbm>> -> memref<10240x128xf32, #tpu.memory_space<hbm>>
      tpu.wait_indirect_dma semaphore(%arg18 : memref<!tpu.dma_semaphore, #tpu.memory_space<semaphore_mem>>) src(%dma_wait3A_48 : memref<10240x128xf32, #tpu.memory_space<hbm>>) dst(%arg15 : memref<128x128xf32, #tpu.memory_space<vmem>>)
      %scan3A_49 = arith.constant 0 : i32
      %scan3A_50 = arith.constant 8 : i32
      %scan3A_51 = arith.addi %scan3A_49, %scan3A_50 : i32
      %scan3A_52 = arith.constant 1 : i32
      scf.for %scan3A_75 = %scan3A_49 to %scan3A_51 step %scan3A_52  : i32 {
        %mul3A_76 = arith.constant 16 : i32
        %mul3A_77 = arith.muli %scan3A_75, %mul3A_76 : i32
        %get3A = arith.index_cast %mul3A_77 : i32 to index
        %get3A_78 = tpu.vector_load %arg9[%get3A] {strides = array<i32>} : memref<128xi32, #tpu.memory_space<vmem>>, vector<16xi32>,
        %gather3A = tpu.vector_load_idx %arg17[%get3A_78] : memref<10240xf32, #tpu.memory_space<vmem>>[vector<16xi32>], vector<16xf32>,
        %get3A_79 = arith.index_cast %mul3A_77 : i32 to index
        %get3A_80 = tpu.vector_load %arg13[%get3A_79] {strides = array<i32>} : memref<128xf32, #tpu.memory_space<vmem>>, vector<16xf32>,
        %mul3A_81 = arith.mulf %gather3A, %get3A_80 : vector<16xf32>
        %mul3A_82 = arith.constant 16 : i32
        %mul3A_83 = arith.muli %scan3A_75, %mul3A_82 : i32
        %add3A_84 = arith.constant 0 : i32
        %add3A_85 = arith.addi %mul3A_83, %add3A_84 : i32
        %slice3A = vector.extract_strided_slice %mul3A_81 {offsets = [0], sizes = [1], strides = [1]} : vector<16xf32> to vector<1xf32>
        %squeeze3A = vector.extract %slice3A[0] : f32 from vector<1xf32>
        %get3A_86 = arith.index_cast %add3A_85 : i32 to index
        %get3A_87 = arith.constant 0 : index
        %get3A_88 = tpu.vector_load %arg15[%get3A_86, %get3A_87] {strides = array<i32>} : memref<128x128xf32, #tpu.memory_space<vmem>>, vector<16xf32>,
        %mul3A_89 = vector.broadcast %squeeze3A : f32 to vector<16xf32>
        %mul3A_90 = arith.mulf %get3A_88, %mul3A_89 : vector<16xf32>
        %swap3A = arith.index_cast %add3A_85 : i32 to index
        %swap3A_91 = arith.constant 0 : index
        %swap3A_92 = tpu.vector_load %arg15[%swap3A, %swap3A_91] {strides = array<i32>} : memref<128x128xf32, #tpu.memory_space<vmem>>, vector<16xf32>,
        tpu.vector_store %arg15[%swap3A, %swap3A_91], %mul3A_90 {strides = array<i32>} : memref<128x128xf32, #tpu.memory_space<vmem>>, vector<16xf32>,
        %get3A_93 = arith.index_cast %add3A_85 : i32 to index
        %get3A_94 = arith.constant 16 : index
        %get3A_95 = tpu.vector_load %arg15[%get3A_93, %get3A_94] {strides = array<i32>} : memref<128x128xf32, #tpu.memory_space<vmem>>, vector<16xf32>,
        %mul3A_96 = vector.broadcast %squeeze3A : f32 to vector<16xf32>
        %mul3A_97 = arith.mulf %get3A_95, %mul3A_96 : vector<16xf32>
        %swap3A_98 = arith.index_cast %add3A_85 : i32 to index
        %swap3A_99 = arith.constant 16 : index
        %swap3A_100 = tpu.vector_load %arg15[%swap3A_98, %swap3A_99] {strides = array<i32>} : memref<128x128xf32, #tpu.memory_space<vmem>>, vector<16xf32>,
        tpu.vector_store %arg15[%swap3A_98, %swap3A_99], %mul3A_97 {strides = array<i32>} : memref<128x128xf32, #tpu.memory_space<vmem>>, vector<16xf32>,
        %get3A_101 = arith.index_cast %add3A_85 : i32 to index
        %get3A_102 = arith.constant 32 : index
        %get3A_103 = tpu.vector_load %arg15[%get3A_101, %get3A_102] {strides = array<i32>} : memref<128x128xf32, #tpu.memory_space<vmem>>, vector<16xf32>,
        %mul3A_104 = vector.broadcast %squeeze3A : f32 to vector<16xf32>
        %mul3A_105 = arith.mulf %get3A_103, %mul3A_104 : vector<16xf32>
        %swap3A_106 = arith.index_cast %add3A_85 : i32 to index
        %swap3A_107 = arith.constant 32 : index
        %swap3A_108 = tpu.vector_load %arg15[%swap3A_106, %swap3A_107] {strides = array<i32>} : memref<128x128xf32, #tpu.memory_space<vmem>>, vector<16xf32>,
        tpu.vector_store %arg15[%swap3A_106, %swap3A_107], %mul3A_105 {strides = array<i32>} : memref<128x128xf32, #tpu.memory_space<vmem>>, vector<16xf32>,
        %get3A_109 = arith.index_cast %add3A_85 : i32 to index
        %get3A_110 = arith.constant 48 : index
        %get3A_111 = tpu.vector_load %arg15[%get3A_109, %get3A_110] {strides = array<i32>} : memref<128x128xf32, #tpu.memory_space<vmem>>, vector<16xf32>,
        %mul3A_112 = vector.broadcast %squeeze3A : f32 to vector<16xf32>
        %mul3A_113 = arith.mulf %get3A_111, %mul3A_112 : vector<16xf32>
        %swap3A_114 = arith.index_cast %add3A_85 : i32 to index
        %swap3A_115 = arith.constant 48 : index
        %swap3A_116 = tpu.vector_load %arg15[%swap3A_114, %swap3A_115] {strides = array<i32>} : memref<128x128xf32, #tpu.memory_space<vmem>>, vector<16xf32>,
        tpu.vector_store %arg15[%swap3A_114, %swap3A_115], %mul3A_113 {strides = array<i32>} : memref<128x128xf32, #tpu.memory_space<vmem>>, vector<16xf32>,
        %get3A_117 = arith.index_cast %add3A_85 : i32 to index
        %get3A_118 = arith.constant 64 : index
        %get3A_119 = tpu.vector_load %arg15[%get3A_117, %get3A_118] {strides = array<i32>} : memref<128x128xf32, #tpu.memory_space<vmem>>, vector<16xf32>,
        %mul3A_120 = vector.broadcast %squeeze3A : f32 to vector<16xf32>
        %mul3A_121 = arith.mulf %get3A_119, %mul3A_120 : vector<16xf32>
        %swap3A_122 = arith.index_cast %add3A_85 : i32 to index
        %swap3A_123 = arith.constant 64 : index
        %swap3A_124 = tpu.vector_load %arg15[%swap3A_122, %swap3A_123] {strides = array<i32>} : memref<128x128xf32, #tpu.memory_space<vmem>>, vector<16xf32>,
        tpu.vector_store %arg15[%swap3A_122, %swap3A_123], %mul3A_121 {strides = array<i32>} : memref<128x128xf32, #tpu.memory_space<vmem>>, vector<16xf32>,
        %get3A_125 = arith.index_cast %add3A_85 : i32 to index
        %get3A_126 = arith.constant 80 : index
        %get3A_127 = tpu.vector_load %arg15[%get3A_125, %get3A_126] {strides = array<i32>} : memref<128x128xf32, #tpu.memory_space<vmem>>, vector<16xf32>,
        %mul3A_128 = vector.broadcast %squeeze3A : f32 to vector<16xf32>
        %mul3A_129 = arith.mulf %get3A_127, %mul3A_128 : vector<16xf32>
        %swap3A_130 = arith.index_cast %add3A_85 : i32 to index
        %swap3A_131 = arith.constant 80 : index
        %swap3A_132 = tpu.vector_load %arg15[%swap3A_130, %swap3A_131] {strides = array<i32>} : memref<128x128xf32, #tpu.memory_space<vmem>>, vector<16xf32>,
        tpu.vector_store %arg15[%swap3A_130, %swap3A_131], %mul3A_129 {strides = array<i32>} : memref<128x128xf32, #tpu.memory_space<vmem>>, vector<16xf32>,
        %get3A_133 = arith.index_cast %add3A_85 : i32 to index
        %get3A_134 = arith.constant 96 : index
        %get3A_135 = tpu.vector_load %arg15[%get3A_133, %get3A_134] {strides = array<i32>} : memref<128x128xf32, #tpu.memory_space<vmem>>, vector<16xf32>,
        %mul3A_136 = vector.broadcast %squeeze3A : f32 to vector<16xf32>
        %mul3A_137 = arith.mulf %get3A_135, %mul3A_136 : vector<16xf32>
        %swap3A_138 = arith.index_cast %add3A_85 : i32 to index
        %swap3A_139 = arith.constant 96 : index
        %swap3A_140 = tpu.vector_load %arg15[%swap3A_138, %swap3A_139] {strides = array<i32>} : memref<128x128xf32, #tpu.memory_space<vmem>>, vector<16xf32>,
        tpu.vector_store %arg15[%swap3A_138, %swap3A_139], %mul3A_137 {strides = array<i32>} : memref<128x128xf32, #tpu.memory_space<vmem>>, vector<16xf32>,
        %get3A_141 = arith.index_cast %add3A_85 : i32 to index
        %get3A_142 = arith.constant 112 : index
        %get3A_143 = tpu.vector_load %arg15[%get3A_141, %get3A_142] {strides = array<i32>} : memref<128x128xf32, #tpu.memory_space<vmem>>, vector<16xf32>,
        %mul3A_144 = vector.broadcast %squeeze3A : f32 to vector<16xf32>
        %mul3A_145 = arith.mulf %get3A_143, %mul3A_144 : vector<16xf32>
        %swap3A_146 = arith.index_cast %add3A_85 : i32 to index
        %swap3A_147 = arith.constant 112 : index
        %swap3A_148 = tpu.vector_load %arg15[%swap3A_146, %swap3A_147] {strides = array<i32>} : memref<128x128xf32, #tpu.memory_space<vmem>>, vector<16xf32>,
        tpu.vector_store %arg15[%swap3A_146, %swap3A_147], %mul3A_145 {strides = array<i32>} : memref<128x128xf32, #tpu.memory_space<vmem>>, vector<16xf32>,
        %mul3A_149 = arith.constant 16 : i32
        %mul3A_150 = arith.muli %scan3A_75, %mul3A_149 : i32
        %add3A_151 = arith.constant 1 : i32
        %add3A_152 = arith.addi %mul3A_150, %add3A_151 : i32
        %slice3A_153 = vector.extract_strided_slice %mul3A_81 {offsets = [1], sizes = [1], strides = [1]} : vector<16xf32> to vector<1xf32>
        %squeeze3A_154 = vector.extract %slice3A_153[0] : f32 from vector<1xf32>
        %get3A_155 = arith.index_cast %add3A_152 : i32 to index
        %get3A_156 = arith.constant 0 : index
        %get3A_157 = tpu.vector_load %arg15[%get3A_155, %get3A_156] {strides = array<i32>} : memref<128x128xf32, #tpu.memory_space<vmem>>, vector<16xf32>,
        %mul3A_158 = vector.broadcast %squeeze3A_154 : f32 to vector<16xf32>
        %mul3A_159 = arith.mulf %get3A_157, %mul3A_158 : vector<16xf32>
        %swap3A_160 = arith.index_cast %add3A_152 : i32 to index
        %swap3A_161 = arith.constant 0 : index
        %swap3A_162 = tpu.vector_load %arg15[%swap3A_160, %swap3A_161] {strides = array<i32>} : memref<128x128xf32, #tpu.memory_space<vmem>>, vector<16xf32>,
        tpu.vector_store %arg15[%swap3A_160, %swap3A_161], %mul3A_159 {strides = array<i32>} : memref<128x128xf32, #tpu.memory_space<vmem>>, vector<16xf32>,
        %get3A_163 = arith.index_cast %add3A_152 : i32 to index
        %get3A_164 = arith.constant 16 : index
        %get3A_165 = tpu.vector_load %arg15[%get3A_163, %get3A_164] {strides = array<i32>} : memref<128x128xf32, #tpu.memory_space<vmem>>, vector<16xf32>,
        %mul3A_166 = vector.broadcast %squeeze3A_154 : f32 to vector<16xf32>
        %mul3A_167 = arith.mulf %get3A_165, %mul3A_166 : vector<16xf32>
        %swap3A_168 = arith.index_cast %add3A_152 : i32 to index
        %swap3A_169 = arith.constant 16 : index
        %swap3A_170 = tpu.vector_load %arg15[%swap3A_168, %swap3A_169] {strides = array<i32>} : memref<128x128xf32, #tpu.memory_space<vmem>>, vector<16xf32>,
        tpu.vector_store %arg15[%swap3A_168, %swap3A_169], %mul3A_167 {strides = array<i32>} : memref<128x128xf32, #tpu.memory_space<vmem>>, vector<16xf32>,
        %get3A_171 = arith.index_cast %add3A_152 : i32 to index
        %get3A_172 = arith.constant 32 : index
        %get3A_173 = tpu.vector_load %arg15[%get3A_171, %get3A_172] {strides = array<i32>} : memref<128x128xf32, #tpu.memory_space<vmem>>, vector<16xf32>,
        %mul3A_174 = vector.broadcast %squeeze3A_154 : f32 to vector<16xf32>
        %mul3A_175 = arith.mulf %get3A_173, %mul3A_174 : vector<16xf32>
        %swap3A_176 = arith.index_cast %add3A_152 : i32 to index
        %swap3A_177 = arith.constant 32 : index
        %swap3A_178 = tpu.vector_load %arg15[%swap3A_176, %swap3A_177] {strides = array<i32>} : memref<128x128xf32, #tpu.memory_space<vmem>>, vector<16xf32>,
        tpu.vector_store %arg15[%swap3A_176, %swap3A_177], %mul3A_175 {strides = array<i32>} : memref<128x128xf32, #tpu.memory_space<vmem>>, vector<16xf32>,
        %get3A_179 = arith.index_cast %add3A_152 : i32 to index
        %get3A_180 = arith.constant 48 : index
        %get3A_181 = tpu.vector_load %arg15[%get3A_179, %get3A_180] {strides = array<i32>} : memref<128x128xf32, #tpu.memory_space<vmem>>, vector<16xf32>,
        %mul3A_182 = vector.broadcast %squeeze3A_154 : f32 to vector<16xf32>
        %mul3A_183 = arith.mulf %get3A_181, %mul3A_182 : vector<16xf32>
        %swap3A_184 = arith.index_cast %add3A_152 : i32 to index
        %swap3A_185 = arith.constant 48 : index
        %swap3A_186 = tpu.vector_load %arg15[%swap3A_184, %swap3A_185] {strides = array<i32>} : memref<128x128xf32, #tpu.memory_space<vmem>>, vector<16xf32>,
        tpu.vector_store %arg15[%swap3A_184, %swap3A_185], %mul3A_183 {strides = array<i32>} : memref<128x128xf32, #tpu.memory_space<vmem>>, vector<16xf32>,
        %get3A_187 = arith.index_cast %add3A_152 : i32 to index
        %get3A_188 = arith.constant 64 : index
        %get3A_189 = tpu.vector_load %arg15[%get3A_187, %get3A_188] {strides = array<i32>} : memref<128x128xf32, #tpu.memory_space<vmem>>, vector<16xf32>,
        %mul3A_190 = vector.broadcast %squeeze3A_154 : f32 to vector<16xf32>
        %mul3A_191 = arith.mulf %get3A_189, %mul3A_190 : vector<16xf32>
        %swap3A_192 = arith.index_cast %add3A_152 : i32 to index
        %swap3A_193 = arith.constant 64 : index
        %swap3A_194 = tpu.vector_load %arg15[%swap3A_192, %swap3A_193] {strides = array<i32>} : memref<128x128xf32, #tpu.memory_space<vmem>>, vector<16xf32>,
        tpu.vector_store %arg15[%swap3A_192, %swap3A_193], %mul3A_191 {strides = array<i32>} : memref<128x128xf32, #tpu.memory_space<vmem>>, vector<16xf32>,
        %get3A_195 = arith.index_cast %add3A_152 : i32 to index
        %get3A_196 = arith.constant 80 : index
        %get3A_197 = tpu.vector_load %arg15[%get3A_195, %get3A_196] {strides = array<i32>} : memref<128x128xf32, #tpu.memory_space<vmem>>, vector<16xf32>,
        %mul3A_198 = vector.broadcast %squeeze3A_154 : f32 to vector<16xf32>
        %mul3A_199 = arith.mulf %get3A_197, %mul3A_198 : vector<16xf32>
        %swap3A_200 = arith.index_cast %add3A_152 : i32 to index
        %swap3A_201 = arith.constant 80 : index
        %swap3A_202 = tpu.vector_load %arg15[%swap3A_200, %swap3A_201] {strides = array<i32>} : memref<128x128xf32, #tpu.memory_space<vmem>>, vector<16xf32>,
        tpu.vector_store %arg15[%swap3A_200, %swap3A_201], %mul3A_199 {strides = array<i32>} : memref<128x128xf32, #tpu.memory_space<vmem>>, vector<16xf32>,
        %get3A_203 = arith.index_cast %add3A_152 : i32 to index
        %get3A_204 = arith.constant 96 : index
        %get3A_205 = tpu.vector_load %arg15[%get3A_203, %get3A_204] {strides = array<i32>} : memref<128x128xf32, #tpu.memory_space<vmem>>, vector<16xf32>,
        %mul3A_206 = vector.broadcast %squeeze3A_154 : f32 to vector<16xf32>
        %mul3A_207 = arith.mulf %get3A_205, %mul3A_206 : vector<16xf32>
        %swap3A_208 = arith.index_cast %add3A_152 : i32 to index
        %swap3A_209 = arith.constant 96 : index
        %swap3A_210 = tpu.vector_load %arg15[%swap3A_208, %swap3A_209] {strides = array<i32>} : memref<128x128xf32, #tpu.memory_space<vmem>>, vector<16xf32>,
        tpu.vector_store %arg15[%swap3A_208, %swap3A_209], %mul3A_207 {strides = array<i32>} : memref<128x128xf32, #tpu.memory_space<vmem>>, vector<16xf32>,
        %get3A_211 = arith.index_cast %add3A_152 : i32 to index
        %get3A_212 = arith.constant 112 : index
        %get3A_213 = tpu.vector_load %arg15[%get3A_211, %get3A_212] {strides = array<i32>} : memref<128x128xf32, #tpu.memory_space<vmem>>, vector<16xf32>,
        %mul3A_214 = vector.broadcast %squeeze3A_154 : f32 to vector<16xf32>
        %mul3A_215 = arith.mulf %get3A_213, %mul3A_214 : vector<16xf32>
        %swap3A_216 = arith.index_cast %add3A_152 : i32 to index
        %swap3A_217 = arith.constant 112 : index
        %swap3A_218 = tpu.vector_load %arg15[%swap3A_216, %swap3A_217] {strides = array<i32>} : memref<128x128xf32, #tpu.memory_space<vmem>>, vector<16xf32>,
        tpu.vector_store %arg15[%swap3A_216, %swap3A_217], %mul3A_215 {strides = array<i32>} : memref<128x128xf32, #tpu.memory_space<vmem>>, vector<16xf32>,
        %mul3A_219 = arith.constant 16 : i32
        %mul3A_220 = arith.muli %scan3A_75, %mul3A_219 : i32
        %add3A_221 = arith.constant 2 : i32
        %add3A_222 = arith.addi %mul3A_220, %add3A_221 : i32
        %slice3A_223 = vector.extract_strided_slice %mul3A_81 {offsets = [2], sizes = [1], strides = [1]} : vector<16xf32> to vector<1xf32>
        %squeeze3A_224 = vector.extract %slice3A_223[0] : f32 from vector<1xf32>
        %get3A_225 = arith.index_cast %add3A_222 : i32 to index
        %get3A_226 = arith.constant 0 : index
        %get3A_227 = tpu.vector_load %arg15[%get3A_225, %get3A_226] {strides = array<i32>} : memref<128x128xf32, #tpu.memory_space<vmem>>, vector<16xf32>,
        %mul3A_228 = vector.broadcast %squeeze3A_224 : f32 to vector<16xf32>
        %mul3A_229 = arith.mulf %get3A_227, %mul3A_228 : vector<16xf32>
        %swap3A_230 = arith.index_cast %add3A_222 : i32 to index
        %swap3A_231 = arith.constant 0 : index
        %swap3A_232 = tpu.vector_load %arg15[%swap3A_230, %swap3A_231] {strides = array<i32>} : memref<128x128xf32, #tpu.memory_space<vmem>>, vector<16xf32>,
        tpu.vector_store %arg15[%swap3A_230, %swap3A_231], %mul3A_229 {strides = array<i32>} : memref<128x128xf32, #tpu.memory_space<vmem>>, vector<16xf32>,
        %get3A_233 = arith.index_cast %add3A_222 : i32 to index
        %get3A_234 = arith.constant 16 : index
        %get3A_235 = tpu.vector_load %arg15[%get3A_233, %get3A_234] {strides = array<i32>} : memref<128x128xf32, #tpu.memory_space<vmem>>, vector<16xf32>,
        %mul3A_236 = vector.broadcast %squeeze3A_224 : f32 to vector<16xf32>
        %mul3A_237 = arith.mulf %get3A_235, %mul3A_236 : vector<16xf32>
        %swap3A_238 = arith.index_cast %add3A_222 : i32 to index
        %swap3A_239 = arith.constant 16 : index
        %swap3A_240 = tpu.vector_load %arg15[%swap3A_238, %swap3A_239] {strides = array<i32>} : memref<128x128xf32, #tpu.memory_space<vmem>>, vector<16xf32>,
        tpu.vector_store %arg15[%swap3A_238, %swap3A_239], %mul3A_237 {strides = array<i32>} : memref<128x128xf32, #tpu.memory_space<vmem>>, vector<16xf32>,
        %get3A_241 = arith.index_cast %add3A_222 : i32 to index
        %get3A_242 = arith.constant 32 : index
        %get3A_243 = tpu.vector_load %arg15[%get3A_241, %get3A_242] {strides = array<i32>} : memref<128x128xf32, #tpu.memory_space<vmem>>, vector<16xf32>,
        %mul3A_244 = vector.broadcast %squeeze3A_224 : f32 to vector<16xf32>
        %mul3A_245 = arith.mulf %get3A_243, %mul3A_244 : vector<16xf32>
        %swap3A_246 = arith.index_cast %add3A_222 : i32 to index
        %swap3A_247 = arith.constant 32 : index
        %swap3A_248 = tpu.vector_load %arg15[%swap3A_246, %swap3A_247] {strides = array<i32>} : memref<128x128xf32, #tpu.memory_space<vmem>>, vector<16xf32>,
        tpu.vector_store %arg15[%swap3A_246, %swap3A_247], %mul3A_245 {strides = array<i32>} : memref<128x128xf32, #tpu.memory_space<vmem>>, vector<16xf32>,
        %get3A_249 = arith.index_cast %add3A_222 : i32 to index
        %get3A_250 = arith.constant 48 : index
        %get3A_251 = tpu.vector_load %arg15[%get3A_249, %get3A_250] {strides = array<i32>} : memref<128x128xf32, #tpu.memory_space<vmem>>, vector<16xf32>,
        %mul3A_252 = vector.broadcast %squeeze3A_224 : f32 to vector<16xf32>
        %mul3A_253 = arith.mulf %get3A_251, %mul3A_252 : vector<16xf32>
        %swap3A_254 = arith.index_cast %add3A_222 : i32 to index
        %swap3A_255 = arith.constant 48 : index
        %swap3A_256 = tpu.vector_load %arg15[%swap3A_254, %swap3A_255] {strides = array<i32>} : memref<128x128xf32, #tpu.memory_space<vmem>>, vector<16xf32>,
        tpu.vector_store %arg15[%swap3A_254, %swap3A_255], %mul3A_253 {strides = array<i32>} : memref<128x128xf32, #tpu.memory_space<vmem>>, vector<16xf32>,
        %get3A_257 = arith.index_cast %add3A_222 : i32 to index
        %get3A_258 = arith.constant 64 : index
        %get3A_259 = tpu.vector_load %arg15[%get3A_257, %get3A_258] {strides = array<i32>} : memref<128x128xf32, #tpu.memory_space<vmem>>, vector<16xf32>,
        %mul3A_260 = vector.broadcast %squeeze3A_224 : f32 to vector<16xf32>
        %mul3A_261 = arith.mulf %get3A_259, %mul3A_260 : vector<16xf32>
        %swap3A_262 = arith.index_cast %add3A_222 : i32 to index
        %swap3A_263 = arith.constant 64 : index
        %swap3A_264 = tpu.vector_load %arg15[%swap3A_262, %swap3A_263] {strides = array<i32>} : memref<128x128xf32, #tpu.memory_space<vmem>>, vector<16xf32>,
        tpu.vector_store %arg15[%swap3A_262, %swap3A_263], %mul3A_261 {strides = array<i32>} : memref<128x128xf32, #tpu.memory_space<vmem>>, vector<16xf32>,
        %get3A_265 = arith.index_cast %add3A_222 : i32 to index
        %get3A_266 = arith.constant 80 : index
        %get3A_267 = tpu.vector_load %arg15[%get3A_265, %get3A_266] {strides = array<i32>} : memref<128x128xf32, #tpu.memory_space<vmem>>, vector<16xf32>,
        %mul3A_268 = vector.broadcast %squeeze3A_224 : f32 to vector<16xf32>
        %mul3A_269 = arith.mulf %get3A_267, %mul3A_268 : vector<16xf32>
        %swap3A_270 = arith.index_cast %add3A_222 : i32 to index
        %swap3A_271 = arith.constant 80 : index
        %swap3A_272 = tpu.vector_load %arg15[%swap3A_270, %swap3A_271] {strides = array<i32>} : memref<128x128xf32, #tpu.memory_space<vmem>>, vector<16xf32>,
        tpu.vector_store %arg15[%swap3A_270, %swap3A_271], %mul3A_269 {strides = array<i32>} : memref<128x128xf32, #tpu.memory_space<vmem>>, vector<16xf32>,
        %get3A_273 = arith.index_cast %add3A_222 : i32 to index
        %get3A_274 = arith.constant 96 : index
        %get3A_275 = tpu.vector_load %arg15[%get3A_273, %get3A_274] {strides = array<i32>} : memref<128x128xf32, #tpu.memory_space<vmem>>, vector<16xf32>,
        %mul3A_276 = vector.broadcast %squeeze3A_224 : f32 to vector<16xf32>
        %mul3A_277 = arith.mulf %get3A_275, %mul3A_276 : vector<16xf32>
        %swap3A_278 = arith.index_cast %add3A_222 : i32 to index
        %swap3A_279 = arith.constant 96 : index
        %swap3A_280 = tpu.vector_load %arg15[%swap3A_278, %swap3A_279] {strides = array<i32>} : memref<128x128xf32, #tpu.memory_space<vmem>>, vector<16xf32>,
        tpu.vector_store %arg15[%swap3A_278, %swap3A_279], %mul3A_277 {strides = array<i32>} : memref<128x128xf32, #tpu.memory_space<vmem>>, vector<16xf32>,
        %get3A_281 = arith.index_cast %add3A_222 : i32 to index
        %get3A_282 = arith.constant 112 : index
        %get3A_283 = tpu.vector_load %arg15[%get3A_281, %get3A_282] {strides = array<i32>} : memref<128x128xf32, #tpu.memory_space<vmem>>, vector<16xf32>,
        %mul3A_284 = vector.broadcast %squeeze3A_224 : f32 to vector<16xf32>
        %mul3A_285 = arith.mulf %get3A_283, %mul3A_284 : vector<16xf32>
        %swap3A_286 = arith.index_cast %add3A_222 : i32 to index
        %swap3A_287 = arith.constant 112 : index
        %swap3A_288 = tpu.vector_load %arg15[%swap3A_286, %swap3A_287] {strides = array<i32>} : memref<128x128xf32, #tpu.memory_space<vmem>>, vector<16xf32>,
        tpu.vector_store %arg15[%swap3A_286, %swap3A_287], %mul3A_285 {strides = array<i32>} : memref<128x128xf32, #tpu.memory_space<vmem>>, vector<16xf32>,
        %mul3A_289 = arith.constant 16 : i32
        %mul3A_290 = arith.muli %scan3A_75, %mul3A_289 : i32
        %add3A_291 = arith.constant 3 : i32
        %add3A_292 = arith.addi %mul3A_290, %add3A_291 : i32
        %slice3A_293 = vector.extract_strided_slice %mul3A_81 {offsets = [3], sizes = [1], strides = [1]} : vector<16xf32> to vector<1xf32>
        %squeeze3A_294 = vector.extract %slice3A_293[0] : f32 from vector<1xf32>
        %get3A_295 = arith.index_cast %add3A_292 : i32 to index
        %get3A_296 = arith.constant 0 : index
        %get3A_297 = tpu.vector_load %arg15[%get3A_295, %get3A_296] {strides = array<i32>} : memref<128x128xf32, #tpu.memory_space<vmem>>, vector<16xf32>,
        %mul3A_298 = vector.broadcast %squeeze3A_294 : f32 to vector<16xf32>
        %mul3A_299 = arith.mulf %get3A_297, %mul3A_298 : vector<16xf32>
        %swap3A_300 = arith.index_cast %add3A_292 : i32 to index
        %swap3A_301 = arith.constant 0 : index
        %swap3A_302 = tpu.vector_load %arg15[%swap3A_300, %swap3A_301] {strides = array<i32>} : memref<128x128xf32, #tpu.memory_space<vmem>>, vector<16xf32>,
        tpu.vector_store %arg15[%swap3A_300, %swap3A_301], %mul3A_299 {strides = array<i32>} : memref<128x128xf32, #tpu.memory_space<vmem>>, vector<16xf32>,
        %get3A_303 = arith.index_cast %add3A_292 : i32 to index
        %get3A_304 = arith.constant 16 : index
        %get3A_305 = tpu.vector_load %arg15[%get3A_303, %get3A_304] {strides = array<i32>} : memref<128x128xf32, #tpu.memory_space<vmem>>, vector<16xf32>,
        %mul3A_306 = vector.broadcast %squeeze3A_294 : f32 to vector<16xf32>
        %mul3A_307 = arith.mulf %get3A_305, %mul3A_306 : vector<16xf32>
        %swap3A_308 = arith.index_cast %add3A_292 : i32 to index
        %swap3A_309 = arith.constant 16 : index
        %swap3A_310 = tpu.vector_load %arg15[%swap3A_308, %swap3A_309] {strides = array<i32>} : memref<128x128xf32, #tpu.memory_space<vmem>>, vector<16xf32>,
        tpu.vector_store %arg15[%swap3A_308, %swap3A_309], %mul3A_307 {strides = array<i32>} : memref<128x128xf32, #tpu.memory_space<vmem>>, vector<16xf32>,
        %get3A_311 = arith.index_cast %add3A_292 : i32 to index
        %get3A_312 = arith.constant 32 : index
        %get3A_313 = tpu.vector_load %arg15[%get3A_311, %get3A_312] {strides = array<i32>} : memref<128x128xf32, #tpu.memory_space<vmem>>, vector<16xf32>,
        %mul3A_314 = vector.broadcast %squeeze3A_294 : f32 to vector<16xf32>
        %mul3A_315 = arith.mulf %get3A_313, %mul3A_314 : vector<16xf32>
        %swap3A_316 = arith.index_cast %add3A_292 : i32 to index
        %swap3A_317 = arith.constant 32 : index
        %swap3A_318 = tpu.vector_load %arg15[%swap3A_316, %swap3A_317] {strides = array<i32>} : memref<128x128xf32, #tpu.memory_space<vmem>>, vector<16xf32>,
        tpu.vector_store %arg15[%swap3A_316, %swap3A_317], %mul3A_315 {strides = array<i32>} : memref<128x128xf32, #tpu.memory_space<vmem>>, vector<16xf32>,
        %get3A_319 = arith.index_cast %add3A_292 : i32 to index
        %get3A_320 = arith.constant 48 : index
        %get3A_321 = tpu.vector_load %arg15[%get3A_319, %get3A_320] {strides = array<i32>} : memref<128x128xf32, #tpu.memory_space<vmem>>, vector<16xf32>,
        %mul3A_322 = vector.broadcast %squeeze3A_294 : f32 to vector<16xf32>
        %mul3A_323 = arith.mulf %get3A_321, %mul3A_322 : vector<16xf32>
        %swap3A_324 = arith.index_cast %add3A_292 : i32 to index
        %swap3A_325 = arith.constant 48 : index
        %swap3A_326 = tpu.vector_load %arg15[%swap3A_324, %swap3A_325] {strides = array<i32>} : memref<128x128xf32, #tpu.memory_space<vmem>>, vector<16xf32>,
        tpu.vector_store %arg15[%swap3A_324, %swap3A_325], %mul3A_323 {strides = array<i32>} : memref<128x128xf32, #tpu.memory_space<vmem>>, vector<16xf32>,
        %get3A_327 = arith.index_cast %add3A_292 : i32 to index
        %get3A_328 = arith.constant 64 : index
        %get3A_329 = tpu.vector_load %arg15[%get3A_327, %get3A_328] {strides = array<i32>} : memref<128x128xf32, #tpu.memory_space<vmem>>, vector<16xf32>,
        %mul3A_330 = vector.broadcast %squeeze3A_294 : f32 to vector<16xf32>
        %mul3A_331 = arith.mulf %get3A_329, %mul3A_330 : vector<16xf32>
        %swap3A_332 = arith.index_cast %add3A_292 : i32 to index
        %swap3A_333 = arith.constant 64 : index
        %swap3A_334 = tpu.vector_load %arg15[%swap3A_332, %swap3A_333] {strides = array<i32>} : memref<128x128xf32, #tpu.memory_space<vmem>>, vector<16xf32>,
        tpu.vector_store %arg15[%swap3A_332, %swap3A_333], %mul3A_331 {strides = array<i32>} : memref<128x128xf32, #tpu.memory_space<vmem>>, vector<16xf32>,
        %get3A_335 = arith.index_cast %add3A_292 : i32 to index
        %get3A_336 = arith.constant 80 : index
        %get3A_337 = tpu.vector_load %arg15[%get3A_335, %get3A_336] {strides = array<i32>} : memref<128x128xf32, #tpu.memory_space<vmem>>, vector<16xf32>,
        %mul3A_338 = vector.broadcast %squeeze3A_294 : f32 to vector<16xf32>
        %mul3A_339 = arith.mulf %get3A_337, %mul3A_338 : vector<16xf32>
        %swap3A_340 = arith.index_cast %add3A_292 : i32 to index
        %swap3A_341 = arith.constant 80 : index
        %swap3A_342 = tpu.vector_load %arg15[%swap3A_340, %swap3A_341] {strides = array<i32>} : memref<128x128xf32, #tpu.memory_space<vmem>>, vector<16xf32>,
        tpu.vector_store %arg15[%swap3A_340, %swap3A_341], %mul3A_339 {strides = array<i32>} : memref<128x128xf32, #tpu.memory_space<vmem>>, vector<16xf32>,
        %get3A_343 = arith.index_cast %add3A_292 : i32 to index
        %get3A_344 = arith.constant 96 : index
        %get3A_345 = tpu.vector_load %arg15[%get3A_343, %get3A_344] {strides = array<i32>} : memref<128x128xf32, #tpu.memory_space<vmem>>, vector<16xf32>,
        %mul3A_346 = vector.broadcast %squeeze3A_294 : f32 to vector<16xf32>
        %mul3A_347 = arith.mulf %get3A_345, %mul3A_346 : vector<16xf32>
        %swap3A_348 = arith.index_cast %add3A_292 : i32 to index
        %swap3A_349 = arith.constant 96 : index
        %swap3A_350 = tpu.vector_load %arg15[%swap3A_348, %swap3A_349] {strides = array<i32>} : memref<128x128xf32, #tpu.memory_space<vmem>>, vector<16xf32>,
        tpu.vector_store %arg15[%swap3A_348, %swap3A_349], %mul3A_347 {strides = array<i32>} : memref<128x128xf32, #tpu.memory_space<vmem>>, vector<16xf32>,
        %get3A_351 = arith.index_cast %add3A_292 : i32 to index
        %get3A_352 = arith.constant 112 : index
        %get3A_353 = tpu.vector_load %arg15[%get3A_351, %get3A_352] {strides = array<i32>} : memref<128x128xf32, #tpu.memory_space<vmem>>, vector<16xf32>,
        %mul3A_354 = vector.broadcast %squeeze3A_294 : f32 to vector<16xf32>
        %mul3A_355 = arith.mulf %get3A_353, %mul3A_354 : vector<16xf32>
        %swap3A_356 = arith.index_cast %add3A_292 : i32 to index
        %swap3A_357 = arith.constant 112 : index
        %swap3A_358 = tpu.vector_load %arg15[%swap3A_356, %swap3A_357] {strides = array<i32>} : memref<128x128xf32, #tpu.memory_space<vmem>>, vector<16xf32>,
        tpu.vector_store %arg15[%swap3A_356, %swap3A_357], %mul3A_355 {strides = array<i32>} : memref<128x128xf32, #tpu.memory_space<vmem>>, vector<16xf32>,
        %mul3A_359 = arith.constant 16 : i32
        %mul3A_360 = arith.muli %scan3A_75, %mul3A_359 : i32
        %add3A_361 = arith.constant 4 : i32
        %add3A_362 = arith.addi %mul3A_360, %add3A_361 : i32
        %slice3A_363 = vector.extract_strided_slice %mul3A_81 {offsets = [4], sizes = [1], strides = [1]} : vector<16xf32> to vector<1xf32>
        %squeeze3A_364 = vector.extract %slice3A_363[0] : f32 from vector<1xf32>
        %get3A_365 = arith.index_cast %add3A_362 : i32 to index
        %get3A_366 = arith.constant 0 : index
        %get3A_367 = tpu.vector_load %arg15[%get3A_365, %get3A_366] {strides = array<i32>} : memref<128x128xf32, #tpu.memory_space<vmem>>, vector<16xf32>,
        %mul3A_368 = vector.broadcast %squeeze3A_364 : f32 to vector<16xf32>
        %mul3A_369 = arith.mulf %get3A_367, %mul3A_368 : vector<16xf32>
        %swap3A_370 = arith.index_cast %add3A_362 : i32 to index
        %swap3A_371 = arith.constant 0 : index
        %swap3A_372 = tpu.vector_load %arg15[%swap3A_370, %swap3A_371] {strides = array<i32>} : memref<128x128xf32, #tpu.memory_space<vmem>>, vector<16xf32>,
        tpu.vector_store %arg15[%swap3A_370, %swap3A_371], %mul3A_369 {strides = array<i32>} : memref<128x128xf32, #tpu.memory_space<vmem>>, vector<16xf32>,
        %get3A_373 = arith.index_cast %add3A_362 : i32 to index
        %get3A_374 = arith.constant 16 : index
        %get3A_375 = tpu.vector_load %arg15[%get3A_373, %get3A_374] {strides = array<i32>} : memref<128x128xf32, #tpu.memory_space<vmem>>, vector<16xf32>,
        %mul3A_376 = vector.broadcast %squeeze3A_364 : f32 to vector<16xf32>
        %mul3A_377 = arith.mulf %get3A_375, %mul3A_376 : vector<16xf32>
        %swap3A_378 = arith.index_cast %add3A_362 : i32 to index
        %swap3A_379 = arith.constant 16 : index
        %swap3A_380 = tpu.vector_load %arg15[%swap3A_378, %swap3A_379] {strides = array<i32>} : memref<128x128xf32, #tpu.memory_space<vmem>>, vector<16xf32>,
        tpu.vector_store %arg15[%swap3A_378, %swap3A_379], %mul3A_377 {strides = array<i32>} : memref<128x128xf32, #tpu.memory_space<vmem>>, vector<16xf32>,
        %get3A_381 = arith.index_cast %add3A_362 : i32 to index
        %get3A_382 = arith.constant 32 : index
        %get3A_383 = tpu.vector_load %arg15[%get3A_381, %get3A_382] {strides = array<i32>} : memref<128x128xf32, #tpu.memory_space<vmem>>, vector<16xf32>,
        %mul3A_384 = vector.broadcast %squeeze3A_364 : f32 to vector<16xf32>
        %mul3A_385 = arith.mulf %get3A_383, %mul3A_384 : vector<16xf32>
        %swap3A_386 = arith.index_cast %add3A_362 : i32 to index
        %swap3A_387 = arith.constant 32 : index
        %swap3A_388 = tpu.vector_load %arg15[%swap3A_386, %swap3A_387] {strides = array<i32>} : memref<128x128xf32, #tpu.memory_space<vmem>>, vector<16xf32>,
        tpu.vector_store %arg15[%swap3A_386, %swap3A_387], %mul3A_385 {strides = array<i32>} : memref<128x128xf32, #tpu.memory_space<vmem>>, vector<16xf32>,
        %get3A_389 = arith.index_cast %add3A_362 : i32 to index
        %get3A_390 = arith.constant 48 : index
        %get3A_391 = tpu.vector_load %arg15[%get3A_389, %get3A_390] {strides = array<i32>} : memref<128x128xf32, #tpu.memory_space<vmem>>, vector<16xf32>,
        %mul3A_392 = vector.broadcast %squeeze3A_364 : f32 to vector<16xf32>
        %mul3A_393 = arith.mulf %get3A_391, %mul3A_392 : vector<16xf32>
        %swap3A_394 = arith.index_cast %add3A_362 : i32 to index
        %swap3A_395 = arith.constant 48 : index
        %swap3A_396 = tpu.vector_load %arg15[%swap3A_394, %swap3A_395] {strides = array<i32>} : memref<128x128xf32, #tpu.memory_space<vmem>>, vector<16xf32>,
        tpu.vector_store %arg15[%swap3A_394, %swap3A_395], %mul3A_393 {strides = array<i32>} : memref<128x128xf32, #tpu.memory_space<vmem>>, vector<16xf32>,
        %get3A_397 = arith.index_cast %add3A_362 : i32 to index
        %get3A_398 = arith.constant 64 : index
        %get3A_399 = tpu.vector_load %arg15[%get3A_397, %get3A_398] {strides = array<i32>} : memref<128x128xf32, #tpu.memory_space<vmem>>, vector<16xf32>,
        %mul3A_400 = vector.broadcast %squeeze3A_364 : f32 to vector<16xf32>
        %mul3A_401 = arith.mulf %get3A_399, %mul3A_400 : vector<16xf32>
        %swap3A_402 = arith.index_cast %add3A_362 : i32 to index
        %swap3A_403 = arith.constant 64 : index
        %swap3A_404 = tpu.vector_load %arg15[%swap3A_402, %swap3A_403] {strides = array<i32>} : memref<128x128xf32, #tpu.memory_space<vmem>>, vector<16xf32>,
        tpu.vector_store %arg15[%swap3A_402, %swap3A_403], %mul3A_401 {strides = array<i32>} : memref<128x128xf32, #tpu.memory_space<vmem>>, vector<16xf32>,
        %get3A_405 = arith.index_cast %add3A_362 : i32 to index
        %get3A_406 = arith.constant 80 : index
        %get3A_407 = tpu.vector_load %arg15[%get3A_405, %get3A_406] {strides = array<i32>} : memref<128x128xf32, #tpu.memory_space<vmem>>, vector<16xf32>,
        %mul3A_408 = vector.broadcast %squeeze3A_364 : f32 to vector<16xf32>
        %mul3A_409 = arith.mulf %get3A_407, %mul3A_408 : vector<16xf32>
        %swap3A_410 = arith.index_cast %add3A_362 : i32 to index
        %swap3A_411 = arith.constant 80 : index
        %swap3A_412 = tpu.vector_load %arg15[%swap3A_410, %swap3A_411] {strides = array<i32>} : memref<128x128xf32, #tpu.memory_space<vmem>>, vector<16xf32>,
        tpu.vector_store %arg15[%swap3A_410, %swap3A_411], %mul3A_409 {strides = array<i32>} : memref<128x128xf32, #tpu.memory_space<vmem>>, vector<16xf32>,
        %get3A_413 = arith.index_cast %add3A_362 : i32 to index
        %get3A_414 = arith.constant 96 : index
        %get3A_415 = tpu.vector_load %arg15[%get3A_413, %get3A_414] {strides = array<i32>} : memref<128x128xf32, #tpu.memory_space<vmem>>, vector<16xf32>,
        %mul3A_416 = vector.broadcast %squeeze3A_364 : f32 to vector<16xf32>
        %mul3A_417 = arith.mulf %get3A_415, %mul3A_416 : vector<16xf32>
        %swap3A_418 = arith.index_cast %add3A_362 : i32 to index
        %swap3A_419 = arith.constant 96 : index
        %swap3A_420 = tpu.vector_load %arg15[%swap3A_418, %swap3A_419] {strides = array<i32>} : memref<128x128xf32, #tpu.memory_space<vmem>>, vector<16xf32>,
        tpu.vector_store %arg15[%swap3A_418, %swap3A_419], %mul3A_417 {strides = array<i32>} : memref<128x128xf32, #tpu.memory_space<vmem>>, vector<16xf32>,
        %get3A_421 = arith.index_cast %add3A_362 : i32 to index
        %get3A_422 = arith.constant 112 : index
        %get3A_423 = tpu.vector_load %arg15[%get3A_421, %get3A_422] {strides = array<i32>} : memref<128x128xf32, #tpu.memory_space<vmem>>, vector<16xf32>,
        %mul3A_424 = vector.broadcast %squeeze3A_364 : f32 to vector<16xf32>
        %mul3A_425 = arith.mulf %get3A_423, %mul3A_424 : vector<16xf32>
        %swap3A_426 = arith.index_cast %add3A_362 : i32 to index
        %swap3A_427 = arith.constant 112 : index
        %swap3A_428 = tpu.vector_load %arg15[%swap3A_426, %swap3A_427] {strides = array<i32>} : memref<128x128xf32, #tpu.memory_space<vmem>>, vector<16xf32>,
        tpu.vector_store %arg15[%swap3A_426, %swap3A_427], %mul3A_425 {strides = array<i32>} : memref<128x128xf32, #tpu.memory_space<vmem>>, vector<16xf32>,
        %mul3A_429 = arith.constant 16 : i32
        %mul3A_430 = arith.muli %scan3A_75, %mul3A_429 : i32
        %add3A_431 = arith.constant 5 : i32
        %add3A_432 = arith.addi %mul3A_430, %add3A_431 : i32
        %slice3A_433 = vector.extract_strided_slice %mul3A_81 {offsets = [5], sizes = [1], strides = [1]} : vector<16xf32> to vector<1xf32>
        %squeeze3A_434 = vector.extract %slice3A_433[0] : f32 from vector<1xf32>
        %get3A_435 = arith.index_cast %add3A_432 : i32 to index
        %get3A_436 = arith.constant 0 : index
        %get3A_437 = tpu.vector_load %arg15[%get3A_435, %get3A_436] {strides = array<i32>} : memref<128x128xf32, #tpu.memory_space<vmem>>, vector<16xf32>,
        %mul3A_438 = vector.broadcast %squeeze3A_434 : f32 to vector<16xf32>
        %mul3A_439 = arith.mulf %get3A_437, %mul3A_438 : vector<16xf32>
        %swap3A_440 = arith.index_cast %add3A_432 : i32 to index
        %swap3A_441 = arith.constant 0 : index
        %swap3A_442 = tpu.vector_load %arg15[%swap3A_440, %swap3A_441] {strides = array<i32>} : memref<128x128xf32, #tpu.memory_space<vmem>>, vector<16xf32>,
        tpu.vector_store %arg15[%swap3A_440, %swap3A_441], %mul3A_439 {strides = array<i32>} : memref<128x128xf32, #tpu.memory_space<vmem>>, vector<16xf32>,
        %get3A_443 = arith.index_cast %add3A_432 : i32 to index
        %get3A_444 = arith.constant 16 : index
        %get3A_445 = tpu.vector_load %arg15[%get3A_443, %get3A_444] {strides = array<i32>} : memref<128x128xf32, #tpu.memory_space<vmem>>, vector<16xf32>,
        %mul3A_446 = vector.broadcast %squeeze3A_434 : f32 to vector<16xf32>
        %mul3A_447 = arith.mulf %get3A_445, %mul3A_446 : vector<16xf32>
        %swap3A_448 = arith.index_cast %add3A_432 : i32 to index
        %swap3A_449 = arith.constant 16 : index
        %swap3A_450 = tpu.vector_load %arg15[%swap3A_448, %swap3A_449] {strides = array<i32>} : memref<128x128xf32, #tpu.memory_space<vmem>>, vector<16xf32>,
        tpu.vector_store %arg15[%swap3A_448, %swap3A_449], %mul3A_447 {strides = array<i32>} : memref<128x128xf32, #tpu.memory_space<vmem>>, vector<16xf32>,
        %get3A_451 = arith.index_cast %add3A_432 : i32 to index
        %get3A_452 = arith.constant 32 : index
        %get3A_453 = tpu.vector_load %arg15[%get3A_451, %get3A_452] {strides = array<i32>} : memref<128x128xf32, #tpu.memory_space<vmem>>, vector<16xf32>,
        %mul3A_454 = vector.broadcast %squeeze3A_434 : f32 to vector<16xf32>
        %mul3A_455 = arith.mulf %get3A_453, %mul3A_454 : vector<16xf32>
        %swap3A_456 = arith.index_cast %add3A_432 : i32 to index
        %swap3A_457 = arith.constant 32 : index
        %swap3A_458 = tpu.vector_load %arg15[%swap3A_456, %swap3A_457] {strides = array<i32>} : memref<128x128xf32, #tpu.memory_space<vmem>>, vector<16xf32>,
        tpu.vector_store %arg15[%swap3A_456, %swap3A_457], %mul3A_455 {strides = array<i32>} : memref<128x128xf32, #tpu.memory_space<vmem>>, vector<16xf32>,
        %get3A_459 = arith.index_cast %add3A_432 : i32 to index
        %get3A_460 = arith.constant 48 : index
        %get3A_461 = tpu.vector_load %arg15[%get3A_459, %get3A_460] {strides = array<i32>} : memref<128x128xf32, #tpu.memory_space<vmem>>, vector<16xf32>,
        %mul3A_462 = vector.broadcast %squeeze3A_434 : f32 to vector<16xf32>
        %mul3A_463 = arith.mulf %get3A_461, %mul3A_462 : vector<16xf32>
        %swap3A_464 = arith.index_cast %add3A_432 : i32 to index
        %swap3A_465 = arith.constant 48 : index
        %swap3A_466 = tpu.vector_load %arg15[%swap3A_464, %swap3A_465] {strides = array<i32>} : memref<128x128xf32, #tpu.memory_space<vmem>>, vector<16xf32>,
        tpu.vector_store %arg15[%swap3A_464, %swap3A_465], %mul3A_463 {strides = array<i32>} : memref<128x128xf32, #tpu.memory_space<vmem>>, vector<16xf32>,
        %get3A_467 = arith.index_cast %add3A_432 : i32 to index
        %get3A_468 = arith.constant 64 : index
        %get3A_469 = tpu.vector_load %arg15[%get3A_467, %get3A_468] {strides = array<i32>} : memref<128x128xf32, #tpu.memory_space<vmem>>, vector<16xf32>,
        %mul3A_470 = vector.broadcast %squeeze3A_434 : f32 to vector<16xf32>
        %mul3A_471 = arith.mulf %get3A_469, %mul3A_470 : vector<16xf32>
        %swap3A_472 = arith.index_cast %add3A_432 : i32 to index
        %swap3A_473 = arith.constant 64 : index
        %swap3A_474 = tpu.vector_load %arg15[%swap3A_472, %swap3A_473] {strides = array<i32>} : memref<128x128xf32, #tpu.memory_space<vmem>>, vector<16xf32>,
        tpu.vector_store %arg15[%swap3A_472, %swap3A_473], %mul3A_471 {strides = array<i32>} : memref<128x128xf32, #tpu.memory_space<vmem>>, vector<16xf32>,
        %get3A_475 = arith.index_cast %add3A_432 : i32 to index
        %get3A_476 = arith.constant 80 : index
        %get3A_477 = tpu.vector_load %arg15[%get3A_475, %get3A_476] {strides = array<i32>} : memref<128x128xf32, #tpu.memory_space<vmem>>, vector<16xf32>,
        %mul3A_478 = vector.broadcast %squeeze3A_434 : f32 to vector<16xf32>
        %mul3A_479 = arith.mulf %get3A_477, %mul3A_478 : vector<16xf32>
        %swap3A_480 = arith.index_cast %add3A_432 : i32 to index
        %swap3A_481 = arith.constant 80 : index
        %swap3A_482 = tpu.vector_load %arg15[%swap3A_480, %swap3A_481] {strides = array<i32>} : memref<128x128xf32, #tpu.memory_space<vmem>>, vector<16xf32>,
        tpu.vector_store %arg15[%swap3A_480, %swap3A_481], %mul3A_479 {strides = array<i32>} : memref<128x128xf32, #tpu.memory_space<vmem>>, vector<16xf32>,
        %get3A_483 = arith.index_cast %add3A_432 : i32 to index
        %get3A_484 = arith.constant 96 : index
        %get3A_485 = tpu.vector_load %arg15[%get3A_483, %get3A_484] {strides = array<i32>} : memref<128x128xf32, #tpu.memory_space<vmem>>, vector<16xf32>,
        %mul3A_486 = vector.broadcast %squeeze3A_434 : f32 to vector<16xf32>
        %mul3A_487 = arith.mulf %get3A_485, %mul3A_486 : vector<16xf32>
        %swap3A_488 = arith.index_cast %add3A_432 : i32 to index
        %swap3A_489 = arith.constant 96 : index
        %swap3A_490 = tpu.vector_load %arg15[%swap3A_488, %swap3A_489] {strides = array<i32>} : memref<128x128xf32, #tpu.memory_space<vmem>>, vector<16xf32>,
        tpu.vector_store %arg15[%swap3A_488, %swap3A_489], %mul3A_487 {strides = array<i32>} : memref<128x128xf32, #tpu.memory_space<vmem>>, vector<16xf32>,
        %get3A_491 = arith.index_cast %add3A_432 : i32 to index
        %get3A_492 = arith.constant 112 : index
        %get3A_493 = tpu.vector_load %arg15[%get3A_491, %get3A_492] {strides = array<i32>} : memref<128x128xf32, #tpu.memory_space<vmem>>, vector<16xf32>,
        %mul3A_494 = vector.broadcast %squeeze3A_434 : f32 to vector<16xf32>
        %mul3A_495 = arith.mulf %get3A_493, %mul3A_494 : vector<16xf32>
        %swap3A_496 = arith.index_cast %add3A_432 : i32 to index
        %swap3A_497 = arith.constant 112 : index
        %swap3A_498 = tpu.vector_load %arg15[%swap3A_496, %swap3A_497] {strides = array<i32>} : memref<128x128xf32, #tpu.memory_space<vmem>>, vector<16xf32>,
        tpu.vector_store %arg15[%swap3A_496, %swap3A_497], %mul3A_495 {strides = array<i32>} : memref<128x128xf32, #tpu.memory_space<vmem>>, vector<16xf32>,
        %mul3A_499 = arith.constant 16 : i32
        %mul3A_500 = arith.muli %scan3A_75, %mul3A_499 : i32
        %add3A_501 = arith.constant 6 : i32
        %add3A_502 = arith.addi %mul3A_500, %add3A_501 : i32
        %slice3A_503 = vector.extract_strided_slice %mul3A_81 {offsets = [6], sizes = [1], strides = [1]} : vector<16xf32> to vector<1xf32>
        %squeeze3A_504 = vector.extract %slice3A_503[0] : f32 from vector<1xf32>
        %get3A_505 = arith.index_cast %add3A_502 : i32 to index
        %get3A_506 = arith.constant 0 : index
        %get3A_507 = tpu.vector_load %arg15[%get3A_505, %get3A_506] {strides = array<i32>} : memref<128x128xf32, #tpu.memory_space<vmem>>, vector<16xf32>,
        %mul3A_508 = vector.broadcast %squeeze3A_504 : f32 to vector<16xf32>
        %mul3A_509 = arith.mulf %get3A_507, %mul3A_508 : vector<16xf32>
        %swap3A_510 = arith.index_cast %add3A_502 : i32 to index
        %swap3A_511 = arith.constant 0 : index
        %swap3A_512 = tpu.vector_load %arg15[%swap3A_510, %swap3A_511] {strides = array<i32>} : memref<128x128xf32, #tpu.memory_space<vmem>>, vector<16xf32>,
        tpu.vector_store %arg15[%swap3A_510, %swap3A_511], %mul3A_509 {strides = array<i32>} : memref<128x128xf32, #tpu.memory_space<vmem>>, vector<16xf32>,
        %get3A_513 = arith.index_cast %add3A_502 : i32 to index
        %get3A_514 = arith.constant 16 : index
        %get3A_515 = tpu.vector_load %arg15[%get3A_513, %get3A_514] {strides = array<i32>} : memref<128x128xf32, #tpu.memory_space<vmem>>, vector<16xf32>,
        %mul3A_516 = vector.broadcast %squeeze3A_504 : f32 to vector<16xf32>
        %mul3A_517 = arith.mulf %get3A_515, %mul3A_516 : vector<16xf32>
        %swap3A_518 = arith.index_cast %add3A_502 : i32 to index
        %swap3A_519 = arith.constant 16 : index
        %swap3A_520 = tpu.vector_load %arg15[%swap3A_518, %swap3A_519] {strides = array<i32>} : memref<128x128xf32, #tpu.memory_space<vmem>>, vector<16xf32>,
        tpu.vector_store %arg15[%swap3A_518, %swap3A_519], %mul3A_517 {strides = array<i32>} : memref<128x128xf32, #tpu.memory_space<vmem>>, vector<16xf32>,
        %get3A_521 = arith.index_cast %add3A_502 : i32 to index
        %get3A_522 = arith.constant 32 : index
        %get3A_523 = tpu.vector_load %arg15[%get3A_521, %get3A_522] {strides = array<i32>} : memref<128x128xf32, #tpu.memory_space<vmem>>, vector<16xf32>,
        %mul3A_524 = vector.broadcast %squeeze3A_504 : f32 to vector<16xf32>
        %mul3A_525 = arith.mulf %get3A_523, %mul3A_524 : vector<16xf32>
        %swap3A_526 = arith.index_cast %add3A_502 : i32 to index
        %swap3A_527 = arith.constant 32 : index
        %swap3A_528 = tpu.vector_load %arg15[%swap3A_526, %swap3A_527] {strides = array<i32>} : memref<128x128xf32, #tpu.memory_space<vmem>>, vector<16xf32>,
        tpu.vector_store %arg15[%swap3A_526, %swap3A_527], %mul3A_525 {strides = array<i32>} : memref<128x128xf32, #tpu.memory_space<vmem>>, vector<16xf32>,
        %get3A_529 = arith.index_cast %add3A_502 : i32 to index
        %get3A_530 = arith.constant 48 : index
        %get3A_531 = tpu.vector_load %arg15[%get3A_529, %get3A_530] {strides = array<i32>} : memref<128x128xf32, #tpu.memory_space<vmem>>, vector<16xf32>,
        %mul3A_532 = vector.broadcast %squeeze3A_504 : f32 to vector<16xf32>
        %mul3A_533 = arith.mulf %get3A_531, %mul3A_532 : vector<16xf32>
        %swap3A_534 = arith.index_cast %add3A_502 : i32 to index
        %swap3A_535 = arith.constant 48 : index
        %swap3A_536 = tpu.vector_load %arg15[%swap3A_534, %swap3A_535] {strides = array<i32>} : memref<128x128xf32, #tpu.memory_space<vmem>>, vector<16xf32>,
        tpu.vector_store %arg15[%swap3A_534, %swap3A_535], %mul3A_533 {strides = array<i32>} : memref<128x128xf32, #tpu.memory_space<vmem>>, vector<16xf32>,
        %get3A_537 = arith.index_cast %add3A_502 : i32 to index
        %get3A_538 = arith.constant 64 : index
        %get3A_539 = tpu.vector_load %arg15[%get3A_537, %get3A_538] {strides = array<i32>} : memref<128x128xf32, #tpu.memory_space<vmem>>, vector<16xf32>,
        %mul3A_540 = vector.broadcast %squeeze3A_504 : f32 to vector<16xf32>
        %mul3A_541 = arith.mulf %get3A_539, %mul3A_540 : vector<16xf32>
        %swap3A_542 = arith.index_cast %add3A_502 : i32 to index
        %swap3A_543 = arith.constant 64 : index
        %swap3A_544 = tpu.vector_load %arg15[%swap3A_542, %swap3A_543] {strides = array<i32>} : memref<128x128xf32, #tpu.memory_space<vmem>>, vector<16xf32>,
        tpu.vector_store %arg15[%swap3A_542, %swap3A_543], %mul3A_541 {strides = array<i32>} : memref<128x128xf32, #tpu.memory_space<vmem>>, vector<16xf32>,
        %get3A_545 = arith.index_cast %add3A_502 : i32 to index
        %get3A_546 = arith.constant 80 : index
        %get3A_547 = tpu.vector_load %arg15[%get3A_545, %get3A_546] {strides = array<i32>} : memref<128x128xf32, #tpu.memory_space<vmem>>, vector<16xf32>,
        %mul3A_548 = vector.broadcast %squeeze3A_504 : f32 to vector<16xf32>
        %mul3A_549 = arith.mulf %get3A_547, %mul3A_548 : vector<16xf32>
        %swap3A_550 = arith.index_cast %add3A_502 : i32 to index
        %swap3A_551 = arith.constant 80 : index
        %swap3A_552 = tpu.vector_load %arg15[%swap3A_550, %swap3A_551] {strides = array<i32>} : memref<128x128xf32, #tpu.memory_space<vmem>>, vector<16xf32>,
        tpu.vector_store %arg15[%swap3A_550, %swap3A_551], %mul3A_549 {strides = array<i32>} : memref<128x128xf32, #tpu.memory_space<vmem>>, vector<16xf32>,
        %get3A_553 = arith.index_cast %add3A_502 : i32 to index
        %get3A_554 = arith.constant 96 : index
        %get3A_555 = tpu.vector_load %arg15[%get3A_553, %get3A_554] {strides = array<i32>} : memref<128x128xf32, #tpu.memory_space<vmem>>, vector<16xf32>,
        %mul3A_556 = vector.broadcast %squeeze3A_504 : f32 to vector<16xf32>
        %mul3A_557 = arith.mulf %get3A_555, %mul3A_556 : vector<16xf32>
        %swap3A_558 = arith.index_cast %add3A_502 : i32 to index
        %swap3A_559 = arith.constant 96 : index
        %swap3A_560 = tpu.vector_load %arg15[%swap3A_558, %swap3A_559] {strides = array<i32>} : memref<128x128xf32, #tpu.memory_space<vmem>>, vector<16xf32>,
        tpu.vector_store %arg15[%swap3A_558, %swap3A_559], %mul3A_557 {strides = array<i32>} : memref<128x128xf32, #tpu.memory_space<vmem>>, vector<16xf32>,
        %get3A_561 = arith.index_cast %add3A_502 : i32 to index
        %get3A_562 = arith.constant 112 : index
        %get3A_563 = tpu.vector_load %arg15[%get3A_561, %get3A_562] {strides = array<i32>} : memref<128x128xf32, #tpu.memory_space<vmem>>, vector<16xf32>,
        %mul3A_564 = vector.broadcast %squeeze3A_504 : f32 to vector<16xf32>
        %mul3A_565 = arith.mulf %get3A_563, %mul3A_564 : vector<16xf32>
        %swap3A_566 = arith.index_cast %add3A_502 : i32 to index
        %swap3A_567 = arith.constant 112 : index
        %swap3A_568 = tpu.vector_load %arg15[%swap3A_566, %swap3A_567] {strides = array<i32>} : memref<128x128xf32, #tpu.memory_space<vmem>>, vector<16xf32>,
        tpu.vector_store %arg15[%swap3A_566, %swap3A_567], %mul3A_565 {strides = array<i32>} : memref<128x128xf32, #tpu.memory_space<vmem>>, vector<16xf32>,
        %mul3A_569 = arith.constant 16 : i32
        %mul3A_570 = arith.muli %scan3A_75, %mul3A_569 : i32
        %add3A_571 = arith.constant 7 : i32
        %add3A_572 = arith.addi %mul3A_570, %add3A_571 : i32
        %slice3A_573 = vector.extract_strided_slice %mul3A_81 {offsets = [7], sizes = [1], strides = [1]} : vector<16xf32> to vector<1xf32>
        %squeeze3A_574 = vector.extract %slice3A_573[0] : f32 from vector<1xf32>
        %get3A_575 = arith.index_cast %add3A_572 : i32 to index
        %get3A_576 = arith.constant 0 : index
        %get3A_577 = tpu.vector_load %arg15[%get3A_575, %get3A_576] {strides = array<i32>} : memref<128x128xf32, #tpu.memory_space<vmem>>, vector<16xf32>,
        %mul3A_578 = vector.broadcast %squeeze3A_574 : f32 to vector<16xf32>
        %mul3A_579 = arith.mulf %get3A_577, %mul3A_578 : vector<16xf32>
        %swap3A_580 = arith.index_cast %add3A_572 : i32 to index
        %swap3A_581 = arith.constant 0 : index
        %swap3A_582 = tpu.vector_load %arg15[%swap3A_580, %swap3A_581] {strides = array<i32>} : memref<128x128xf32, #tpu.memory_space<vmem>>, vector<16xf32>,
        tpu.vector_store %arg15[%swap3A_580, %swap3A_581], %mul3A_579 {strides = array<i32>} : memref<128x128xf32, #tpu.memory_space<vmem>>, vector<16xf32>,
        %get3A_583 = arith.index_cast %add3A_572 : i32 to index
        %get3A_584 = arith.constant 16 : index
        %get3A_585 = tpu.vector_load %arg15[%get3A_583, %get3A_584] {strides = array<i32>} : memref<128x128xf32, #tpu.memory_space<vmem>>, vector<16xf32>,
        %mul3A_586 = vector.broadcast %squeeze3A_574 : f32 to vector<16xf32>
        %mul3A_587 = arith.mulf %get3A_585, %mul3A_586 : vector<16xf32>
        %swap3A_588 = arith.index_cast %add3A_572 : i32 to index
        %swap3A_589 = arith.constant 16 : index
        %swap3A_590 = tpu.vector_load %arg15[%swap3A_588, %swap3A_589] {strides = array<i32>} : memref<128x128xf32, #tpu.memory_space<vmem>>, vector<16xf32>,
        tpu.vector_store %arg15[%swap3A_588, %swap3A_589], %mul3A_587 {strides = array<i32>} : memref<128x128xf32, #tpu.memory_space<vmem>>, vector<16xf32>,
        %get3A_591 = arith.index_cast %add3A_572 : i32 to index
        %get3A_592 = arith.constant 32 : index
        %get3A_593 = tpu.vector_load %arg15[%get3A_591, %get3A_592] {strides = array<i32>} : memref<128x128xf32, #tpu.memory_space<vmem>>, vector<16xf32>,
        %mul3A_594 = vector.broadcast %squeeze3A_574 : f32 to vector<16xf32>
        %mul3A_595 = arith.mulf %get3A_593, %mul3A_594 : vector<16xf32>
        %swap3A_596 = arith.index_cast %add3A_572 : i32 to index
        %swap3A_597 = arith.constant 32 : index
        %swap3A_598 = tpu.vector_load %arg15[%swap3A_596, %swap3A_597] {strides = array<i32>} : memref<128x128xf32, #tpu.memory_space<vmem>>, vector<16xf32>,
        tpu.vector_store %arg15[%swap3A_596, %swap3A_597], %mul3A_595 {strides = array<i32>} : memref<128x128xf32, #tpu.memory_space<vmem>>, vector<16xf32>,
        %get3A_599 = arith.index_cast %add3A_572 : i32 to index
        %get3A_600 = arith.constant 48 : index
        %get3A_601 = tpu.vector_load %arg15[%get3A_599, %get3A_600] {strides = array<i32>} : memref<128x128xf32, #tpu.memory_space<vmem>>, vector<16xf32>,
        %mul3A_602 = vector.broadcast %squeeze3A_574 : f32 to vector<16xf32>
        %mul3A_603 = arith.mulf %get3A_601, %mul3A_602 : vector<16xf32>
        %swap3A_604 = arith.index_cast %add3A_572 : i32 to index
        %swap3A_605 = arith.constant 48 : index
        %swap3A_606 = tpu.vector_load %arg15[%swap3A_604, %swap3A_605] {strides = array<i32>} : memref<128x128xf32, #tpu.memory_space<vmem>>, vector<16xf32>,
        tpu.vector_store %arg15[%swap3A_604, %swap3A_605], %mul3A_603 {strides = array<i32>} : memref<128x128xf32, #tpu.memory_space<vmem>>, vector<16xf32>,
        %get3A_607 = arith.index_cast %add3A_572 : i32 to index
        %get3A_608 = arith.constant 64 : index
        %get3A_609 = tpu.vector_load %arg15[%get3A_607, %get3A_608] {strides = array<i32>} : memref<128x128xf32, #tpu.memory_space<vmem>>, vector<16xf32>,
        %mul3A_610 = vector.broadcast %squeeze3A_574 : f32 to vector<16xf32>
        %mul3A_611 = arith.mulf %get3A_609, %mul3A_610 : vector<16xf32>
        %swap3A_612 = arith.index_cast %add3A_572 : i32 to index
        %swap3A_613 = arith.constant 64 : index
        %swap3A_614 = tpu.vector_load %arg15[%swap3A_612, %swap3A_613] {strides = array<i32>} : memref<128x128xf32, #tpu.memory_space<vmem>>, vector<16xf32>,
        tpu.vector_store %arg15[%swap3A_612, %swap3A_613], %mul3A_611 {strides = array<i32>} : memref<128x128xf32, #tpu.memory_space<vmem>>, vector<16xf32>,
        %get3A_615 = arith.index_cast %add3A_572 : i32 to index
        %get3A_616 = arith.constant 80 : index
        %get3A_617 = tpu.vector_load %arg15[%get3A_615, %get3A_616] {strides = array<i32>} : memref<128x128xf32, #tpu.memory_space<vmem>>, vector<16xf32>,
        %mul3A_618 = vector.broadcast %squeeze3A_574 : f32 to vector<16xf32>
        %mul3A_619 = arith.mulf %get3A_617, %mul3A_618 : vector<16xf32>
        %swap3A_620 = arith.index_cast %add3A_572 : i32 to index
        %swap3A_621 = arith.constant 80 : index
        %swap3A_622 = tpu.vector_load %arg15[%swap3A_620, %swap3A_621] {strides = array<i32>} : memref<128x128xf32, #tpu.memory_space<vmem>>, vector<16xf32>,
        tpu.vector_store %arg15[%swap3A_620, %swap3A_621], %mul3A_619 {strides = array<i32>} : memref<128x128xf32, #tpu.memory_space<vmem>>, vector<16xf32>,
        %get3A_623 = arith.index_cast %add3A_572 : i32 to index
        %get3A_624 = arith.constant 96 : index
        %get3A_625 = tpu.vector_load %arg15[%get3A_623, %get3A_624] {strides = array<i32>} : memref<128x128xf32, #tpu.memory_space<vmem>>, vector<16xf32>,
        %mul3A_626 = vector.broadcast %squeeze3A_574 : f32 to vector<16xf32>
        %mul3A_627 = arith.mulf %get3A_625, %mul3A_626 : vector<16xf32>
        %swap3A_628 = arith.index_cast %add3A_572 : i32 to index
        %swap3A_629 = arith.constant 96 : index
        %swap3A_630 = tpu.vector_load %arg15[%swap3A_628, %swap3A_629] {strides = array<i32>} : memref<128x128xf32, #tpu.memory_space<vmem>>, vector<16xf32>,
        tpu.vector_store %arg15[%swap3A_628, %swap3A_629], %mul3A_627 {strides = array<i32>} : memref<128x128xf32, #tpu.memory_space<vmem>>, vector<16xf32>,
        %get3A_631 = arith.index_cast %add3A_572 : i32 to index
        %get3A_632 = arith.constant 112 : index
        %get3A_633 = tpu.vector_load %arg15[%get3A_631, %get3A_632] {strides = array<i32>} : memref<128x128xf32, #tpu.memory_space<vmem>>, vector<16xf32>,
        %mul3A_634 = vector.broadcast %squeeze3A_574 : f32 to vector<16xf32>
        %mul3A_635 = arith.mulf %get3A_633, %mul3A_634 : vector<16xf32>
        %swap3A_636 = arith.index_cast %add3A_572 : i32 to index
        %swap3A_637 = arith.constant 112 : index
        %swap3A_638 = tpu.vector_load %arg15[%swap3A_636, %swap3A_637] {strides = array<i32>} : memref<128x128xf32, #tpu.memory_space<vmem>>, vector<16xf32>,
        tpu.vector_store %arg15[%swap3A_636, %swap3A_637], %mul3A_635 {strides = array<i32>} : memref<128x128xf32, #tpu.memory_space<vmem>>, vector<16xf32>,
        %mul3A_639 = arith.constant 16 : i32
        %mul3A_640 = arith.muli %scan3A_75, %mul3A_639 : i32
        %add3A_641 = arith.constant 8 : i32
        %add3A_642 = arith.addi %mul3A_640, %add3A_641 : i32
        %slice3A_643 = vector.extract_strided_slice %mul3A_81 {offsets = [8], sizes = [1], strides = [1]} : vector<16xf32> to vector<1xf32>
        %squeeze3A_644 = vector.extract %slice3A_643[0] : f32 from vector<1xf32>
        %get3A_645 = arith.index_cast %add3A_642 : i32 to index
        %get3A_646 = arith.constant 0 : index
        %get3A_647 = tpu.vector_load %arg15[%get3A_645, %get3A_646] {strides = array<i32>} : memref<128x128xf32, #tpu.memory_space<vmem>>, vector<16xf32>,
        %mul3A_648 = vector.broadcast %squeeze3A_644 : f32 to vector<16xf32>
        %mul3A_649 = arith.mulf %get3A_647, %mul3A_648 : vector<16xf32>
        %swap3A_650 = arith.index_cast %add3A_642 : i32 to index
        %swap3A_651 = arith.constant 0 : index
        %swap3A_652 = tpu.vector_load %arg15[%swap3A_650, %swap3A_651] {strides = array<i32>} : memref<128x128xf32, #tpu.memory_space<vmem>>, vector<16xf32>,
        tpu.vector_store %arg15[%swap3A_650, %swap3A_651], %mul3A_649 {strides = array<i32>} : memref<128x128xf32, #tpu.memory_space<vmem>>, vector<16xf32>,
        %get3A_653 = arith.index_cast %add3A_642 : i32 to index
        %get3A_654 = arith.constant 16 : index
        %get3A_655 = tpu.vector_load %arg15[%get3A_653, %get3A_654] {strides = array<i32>} : memref<128x128xf32, #tpu.memory_space<vmem>>, vector<16xf32>,
        %mul3A_656 = vector.broadcast %squeeze3A_644 : f32 to vector<16xf32>
        %mul3A_657 = arith.mulf %get3A_655, %mul3A_656 : vector<16xf32>
        %swap3A_658 = arith.index_cast %add3A_642 : i32 to index
        %swap3A_659 = arith.constant 16 : index
        %swap3A_660 = tpu.vector_load %arg15[%swap3A_658, %swap3A_659] {strides = array<i32>} : memref<128x128xf32, #tpu.memory_space<vmem>>, vector<16xf32>,
        tpu.vector_store %arg15[%swap3A_658, %swap3A_659], %mul3A_657 {strides = array<i32>} : memref<128x128xf32, #tpu.memory_space<vmem>>, vector<16xf32>,
        %get3A_661 = arith.index_cast %add3A_642 : i32 to index
        %get3A_662 = arith.constant 32 : index
        %get3A_663 = tpu.vector_load %arg15[%get3A_661, %get3A_662] {strides = array<i32>} : memref<128x128xf32, #tpu.memory_space<vmem>>, vector<16xf32>,
        %mul3A_664 = vector.broadcast %squeeze3A_644 : f32 to vector<16xf32>
        %mul3A_665 = arith.mulf %get3A_663, %mul3A_664 : vector<16xf32>
        %swap3A_666 = arith.index_cast %add3A_642 : i32 to index
        %swap3A_667 = arith.constant 32 : index
        %swap3A_668 = tpu.vector_load %arg15[%swap3A_666, %swap3A_667] {strides = array<i32>} : memref<128x128xf32, #tpu.memory_space<vmem>>, vector<16xf32>,
        tpu.vector_store %arg15[%swap3A_666, %swap3A_667], %mul3A_665 {strides = array<i32>} : memref<128x128xf32, #tpu.memory_space<vmem>>, vector<16xf32>,
        %get3A_669 = arith.index_cast %add3A_642 : i32 to index
        %get3A_670 = arith.constant 48 : index
        %get3A_671 = tpu.vector_load %arg15[%get3A_669, %get3A_670] {strides = array<i32>} : memref<128x128xf32, #tpu.memory_space<vmem>>, vector<16xf32>,
        %mul3A_672 = vector.broadcast %squeeze3A_644 : f32 to vector<16xf32>
        %mul3A_673 = arith.mulf %get3A_671, %mul3A_672 : vector<16xf32>
        %swap3A_674 = arith.index_cast %add3A_642 : i32 to index
        %swap3A_675 = arith.constant 48 : index
        %swap3A_676 = tpu.vector_load %arg15[%swap3A_674, %swap3A_675] {strides = array<i32>} : memref<128x128xf32, #tpu.memory_space<vmem>>, vector<16xf32>,
        tpu.vector_store %arg15[%swap3A_674, %swap3A_675], %mul3A_673 {strides = array<i32>} : memref<128x128xf32, #tpu.memory_space<vmem>>, vector<16xf32>,
        %get3A_677 = arith.index_cast %add3A_642 : i32 to index
        %get3A_678 = arith.constant 64 : index
        %get3A_679 = tpu.vector_load %arg15[%get3A_677, %get3A_678] {strides = array<i32>} : memref<128x128xf32, #tpu.memory_space<vmem>>, vector<16xf32>,
        %mul3A_680 = vector.broadcast %squeeze3A_644 : f32 to vector<16xf32>
        %mul3A_681 = arith.mulf %get3A_679, %mul3A_680 : vector<16xf32>
        %swap3A_682 = arith.index_cast %add3A_642 : i32 to index
        %swap3A_683 = arith.constant 64 : index
        %swap3A_684 = tpu.vector_load %arg15[%swap3A_682, %swap3A_683] {strides = array<i32>} : memref<128x128xf32, #tpu.memory_space<vmem>>, vector<16xf32>,
        tpu.vector_store %arg15[%swap3A_682, %swap3A_683], %mul3A_681 {strides = array<i32>} : memref<128x128xf32, #tpu.memory_space<vmem>>, vector<16xf32>,
        %get3A_685 = arith.index_cast %add3A_642 : i32 to index
        %get3A_686 = arith.constant 80 : index
        %get3A_687 = tpu.vector_load %arg15[%get3A_685, %get3A_686] {strides = array<i32>} : memref<128x128xf32, #tpu.memory_space<vmem>>, vector<16xf32>,
        %mul3A_688 = vector.broadcast %squeeze3A_644 : f32 to vector<16xf32>
        %mul3A_689 = arith.mulf %get3A_687, %mul3A_688 : vector<16xf32>
        %swap3A_690 = arith.index_cast %add3A_642 : i32 to index
        %swap3A_691 = arith.constant 80 : index
        %swap3A_692 = tpu.vector_load %arg15[%swap3A_690, %swap3A_691] {strides = array<i32>} : memref<128x128xf32, #tpu.memory_space<vmem>>, vector<16xf32>,
        tpu.vector_store %arg15[%swap3A_690, %swap3A_691], %mul3A_689 {strides = array<i32>} : memref<128x128xf32, #tpu.memory_space<vmem>>, vector<16xf32>,
        %get3A_693 = arith.index_cast %add3A_642 : i32 to index
        %get3A_694 = arith.constant 96 : index
        %get3A_695 = tpu.vector_load %arg15[%get3A_693, %get3A_694] {strides = array<i32>} : memref<128x128xf32, #tpu.memory_space<vmem>>, vector<16xf32>,
        %mul3A_696 = vector.broadcast %squeeze3A_644 : f32 to vector<16xf32>
        %mul3A_697 = arith.mulf %get3A_695, %mul3A_696 : vector<16xf32>
        %swap3A_698 = arith.index_cast %add3A_642 : i32 to index
        %swap3A_699 = arith.constant 96 : index
        %swap3A_700 = tpu.vector_load %arg15[%swap3A_698, %swap3A_699] {strides = array<i32>} : memref<128x128xf32, #tpu.memory_space<vmem>>, vector<16xf32>,
        tpu.vector_store %arg15[%swap3A_698, %swap3A_699], %mul3A_697 {strides = array<i32>} : memref<128x128xf32, #tpu.memory_space<vmem>>, vector<16xf32>,
        %get3A_701 = arith.index_cast %add3A_642 : i32 to index
        %get3A_702 = arith.constant 112 : index
        %get3A_703 = tpu.vector_load %arg15[%get3A_701, %get3A_702] {strides = array<i32>} : memref<128x128xf32, #tpu.memory_space<vmem>>, vector<16xf32>,
        %mul3A_704 = vector.broadcast %squeeze3A_644 : f32 to vector<16xf32>
        %mul3A_705 = arith.mulf %get3A_703, %mul3A_704 : vector<16xf32>
        %swap3A_706 = arith.index_cast %add3A_642 : i32 to index
        %swap3A_707 = arith.constant 112 : index
        %swap3A_708 = tpu.vector_load %arg15[%swap3A_706, %swap3A_707] {strides = array<i32>} : memref<128x128xf32, #tpu.memory_space<vmem>>, vector<16xf32>,
        tpu.vector_store %arg15[%swap3A_706, %swap3A_707], %mul3A_705 {strides = array<i32>} : memref<128x128xf32, #tpu.memory_space<vmem>>, vector<16xf32>,
        %mul3A_709 = arith.constant 16 : i32
        %mul3A_710 = arith.muli %scan3A_75, %mul3A_709 : i32
        %add3A_711 = arith.constant 9 : i32
        %add3A_712 = arith.addi %mul3A_710, %add3A_711 : i32
        %slice3A_713 = vector.extract_strided_slice %mul3A_81 {offsets = [9], sizes = [1], strides = [1]} : vector<16xf32> to vector<1xf32>
        %squeeze3A_714 = vector.extract %slice3A_713[0] : f32 from vector<1xf32>
        %get3A_715 = arith.index_cast %add3A_712 : i32 to index
        %get3A_716 = arith.constant 0 : index
        %get3A_717 = tpu.vector_load %arg15[%get3A_715, %get3A_716] {strides = array<i32>} : memref<128x128xf32, #tpu.memory_space<vmem>>, vector<16xf32>,
        %mul3A_718 = vector.broadcast %squeeze3A_714 : f32 to vector<16xf32>
        %mul3A_719 = arith.mulf %get3A_717, %mul3A_718 : vector<16xf32>
        %swap3A_720 = arith.index_cast %add3A_712 : i32 to index
        %swap3A_721 = arith.constant 0 : index
        %swap3A_722 = tpu.vector_load %arg15[%swap3A_720, %swap3A_721] {strides = array<i32>} : memref<128x128xf32, #tpu.memory_space<vmem>>, vector<16xf32>,
        tpu.vector_store %arg15[%swap3A_720, %swap3A_721], %mul3A_719 {strides = array<i32>} : memref<128x128xf32, #tpu.memory_space<vmem>>, vector<16xf32>,
        %get3A_723 = arith.index_cast %add3A_712 : i32 to index
        %get3A_724 = arith.constant 16 : index
        %get3A_725 = tpu.vector_load %arg15[%get3A_723, %get3A_724] {strides = array<i32>} : memref<128x128xf32, #tpu.memory_space<vmem>>, vector<16xf32>,
        %mul3A_726 = vector.broadcast %squeeze3A_714 : f32 to vector<16xf32>
        %mul3A_727 = arith.mulf %get3A_725, %mul3A_726 : vector<16xf32>
        %swap3A_728 = arith.index_cast %add3A_712 : i32 to index
        %swap3A_729 = arith.constant 16 : index
        %swap3A_730 = tpu.vector_load %arg15[%swap3A_728, %swap3A_729] {strides = array<i32>} : memref<128x128xf32, #tpu.memory_space<vmem>>, vector<16xf32>,
        tpu.vector_store %arg15[%swap3A_728, %swap3A_729], %mul3A_727 {strides = array<i32>} : memref<128x128xf32, #tpu.memory_space<vmem>>, vector<16xf32>,
        %get3A_731 = arith.index_cast %add3A_712 : i32 to index
        %get3A_732 = arith.constant 32 : index
        %get3A_733 = tpu.vector_load %arg15[%get3A_731, %get3A_732] {strides = array<i32>} : memref<128x128xf32, #tpu.memory_space<vmem>>, vector<16xf32>,
        %mul3A_734 = vector.broadcast %squeeze3A_714 : f32 to vector<16xf32>
        %mul3A_735 = arith.mulf %get3A_733, %mul3A_734 : vector<16xf32>
        %swap3A_736 = arith.index_cast %add3A_712 : i32 to index
        %swap3A_737 = arith.constant 32 : index
        %swap3A_738 = tpu.vector_load %arg15[%swap3A_736, %swap3A_737] {strides = array<i32>} : memref<128x128xf32, #tpu.memory_space<vmem>>, vector<16xf32>,
        tpu.vector_store %arg15[%swap3A_736, %swap3A_737], %mul3A_735 {strides = array<i32>} : memref<128x128xf32, #tpu.memory_space<vmem>>, vector<16xf32>,
        %get3A_739 = arith.index_cast %add3A_712 : i32 to index
        %get3A_740 = arith.constant 48 : index
        %get3A_741 = tpu.vector_load %arg15[%get3A_739, %get3A_740] {strides = array<i32>} : memref<128x128xf32, #tpu.memory_space<vmem>>, vector<16xf32>,
        %mul3A_742 = vector.broadcast %squeeze3A_714 : f32 to vector<16xf32>
        %mul3A_743 = arith.mulf %get3A_741, %mul3A_742 : vector<16xf32>
        %swap3A_744 = arith.index_cast %add3A_712 : i32 to index
        %swap3A_745 = arith.constant 48 : index
        %swap3A_746 = tpu.vector_load %arg15[%swap3A_744, %swap3A_745] {strides = array<i32>} : memref<128x128xf32, #tpu.memory_space<vmem>>, vector<16xf32>,
        tpu.vector_store %arg15[%swap3A_744, %swap3A_745], %mul3A_743 {strides = array<i32>} : memref<128x128xf32, #tpu.memory_space<vmem>>, vector<16xf32>,
        %get3A_747 = arith.index_cast %add3A_712 : i32 to index
        %get3A_748 = arith.constant 64 : index
        %get3A_749 = tpu.vector_load %arg15[%get3A_747, %get3A_748] {strides = array<i32>} : memref<128x128xf32, #tpu.memory_space<vmem>>, vector<16xf32>,
        %mul3A_750 = vector.broadcast %squeeze3A_714 : f32 to vector<16xf32>
        %mul3A_751 = arith.mulf %get3A_749, %mul3A_750 : vector<16xf32>
        %swap3A_752 = arith.index_cast %add3A_712 : i32 to index
        %swap3A_753 = arith.constant 64 : index
        %swap3A_754 = tpu.vector_load %arg15[%swap3A_752, %swap3A_753] {strides = array<i32>} : memref<128x128xf32, #tpu.memory_space<vmem>>, vector<16xf32>,
        tpu.vector_store %arg15[%swap3A_752, %swap3A_753], %mul3A_751 {strides = array<i32>} : memref<128x128xf32, #tpu.memory_space<vmem>>, vector<16xf32>,
        %get3A_755 = arith.index_cast %add3A_712 : i32 to index
        %get3A_756 = arith.constant 80 : index
        %get3A_757 = tpu.vector_load %arg15[%get3A_755, %get3A_756] {strides = array<i32>} : memref<128x128xf32, #tpu.memory_space<vmem>>, vector<16xf32>,
        %mul3A_758 = vector.broadcast %squeeze3A_714 : f32 to vector<16xf32>
        %mul3A_759 = arith.mulf %get3A_757, %mul3A_758 : vector<16xf32>
        %swap3A_760 = arith.index_cast %add3A_712 : i32 to index
        %swap3A_761 = arith.constant 80 : index
        %swap3A_762 = tpu.vector_load %arg15[%swap3A_760, %swap3A_761] {strides = array<i32>} : memref<128x128xf32, #tpu.memory_space<vmem>>, vector<16xf32>,
        tpu.vector_store %arg15[%swap3A_760, %swap3A_761], %mul3A_759 {strides = array<i32>} : memref<128x128xf32, #tpu.memory_space<vmem>>, vector<16xf32>,
        %get3A_763 = arith.index_cast %add3A_712 : i32 to index
        %get3A_764 = arith.constant 96 : index
        %get3A_765 = tpu.vector_load %arg15[%get3A_763, %get3A_764] {strides = array<i32>} : memref<128x128xf32, #tpu.memory_space<vmem>>, vector<16xf32>,
        %mul3A_766 = vector.broadcast %squeeze3A_714 : f32 to vector<16xf32>
        %mul3A_767 = arith.mulf %get3A_765, %mul3A_766 : vector<16xf32>
        %swap3A_768 = arith.index_cast %add3A_712 : i32 to index
        %swap3A_769 = arith.constant 96 : index
        %swap3A_770 = tpu.vector_load %arg15[%swap3A_768, %swap3A_769] {strides = array<i32>} : memref<128x128xf32, #tpu.memory_space<vmem>>, vector<16xf32>,
        tpu.vector_store %arg15[%swap3A_768, %swap3A_769], %mul3A_767 {strides = array<i32>} : memref<128x128xf32, #tpu.memory_space<vmem>>, vector<16xf32>,
        %get3A_771 = arith.index_cast %add3A_712 : i32 to index
        %get3A_772 = arith.constant 112 : index
        %get3A_773 = tpu.vector_load %arg15[%get3A_771, %get3A_772] {strides = array<i32>} : memref<128x128xf32, #tpu.memory_space<vmem>>, vector<16xf32>,
        %mul3A_774 = vector.broadcast %squeeze3A_714 : f32 to vector<16xf32>
        %mul3A_775 = arith.mulf %get3A_773, %mul3A_774 : vector<16xf32>
        %swap3A_776 = arith.index_cast %add3A_712 : i32 to index
        %swap3A_777 = arith.constant 112 : index
        %swap3A_778 = tpu.vector_load %arg15[%swap3A_776, %swap3A_777] {strides = array<i32>} : memref<128x128xf32, #tpu.memory_space<vmem>>, vector<16xf32>,
        tpu.vector_store %arg15[%swap3A_776, %swap3A_777], %mul3A_775 {strides = array<i32>} : memref<128x128xf32, #tpu.memory_space<vmem>>, vector<16xf32>,
        %mul3A_779 = arith.constant 16 : i32
        %mul3A_780 = arith.muli %scan3A_75, %mul3A_779 : i32
        %add3A_781 = arith.constant 10 : i32
        %add3A_782 = arith.addi %mul3A_780, %add3A_781 : i32
        %slice3A_783 = vector.extract_strided_slice %mul3A_81 {offsets = [10], sizes = [1], strides = [1]} : vector<16xf32> to vector<1xf32>
        %squeeze3A_784 = vector.extract %slice3A_783[0] : f32 from vector<1xf32>
        %get3A_785 = arith.index_cast %add3A_782 : i32 to index
        %get3A_786 = arith.constant 0 : index
        %get3A_787 = tpu.vector_load %arg15[%get3A_785, %get3A_786] {strides = array<i32>} : memref<128x128xf32, #tpu.memory_space<vmem>>, vector<16xf32>,
        %mul3A_788 = vector.broadcast %squeeze3A_784 : f32 to vector<16xf32>
        %mul3A_789 = arith.mulf %get3A_787, %mul3A_788 : vector<16xf32>
        %swap3A_790 = arith.index_cast %add3A_782 : i32 to index
        %swap3A_791 = arith.constant 0 : index
        %swap3A_792 = tpu.vector_load %arg15[%swap3A_790, %swap3A_791] {strides = array<i32>} : memref<128x128xf32, #tpu.memory_space<vmem>>, vector<16xf32>,
        tpu.vector_store %arg15[%swap3A_790, %swap3A_791], %mul3A_789 {strides = array<i32>} : memref<128x128xf32, #tpu.memory_space<vmem>>, vector<16xf32>,
        %get3A_793 = arith.index_cast %add3A_782 : i32 to index
        %get3A_794 = arith.constant 16 : index
        %get3A_795 = tpu.vector_load %arg15[%get3A_793, %get3A_794] {strides = array<i32>} : memref<128x128xf32, #tpu.memory_space<vmem>>, vector<16xf32>,
        %mul3A_796 = vector.broadcast %squeeze3A_784 : f32 to vector<16xf32>
        %mul3A_797 = arith.mulf %get3A_795, %mul3A_796 : vector<16xf32>
        %swap3A_798 = arith.index_cast %add3A_782 : i32 to index
        %swap3A_799 = arith.constant 16 : index
        %swap3A_800 = tpu.vector_load %arg15[%swap3A_798, %swap3A_799] {strides = array<i32>} : memref<128x128xf32, #tpu.memory_space<vmem>>, vector<16xf32>,
        tpu.vector_store %arg15[%swap3A_798, %swap3A_799], %mul3A_797 {strides = array<i32>} : memref<128x128xf32, #tpu.memory_space<vmem>>, vector<16xf32>,
        %get3A_801 = arith.index_cast %add3A_782 : i32 to index
        %get3A_802 = arith.constant 32 : index
        %get3A_803 = tpu.vector_load %arg15[%get3A_801, %get3A_802] {strides = array<i32>} : memref<128x128xf32, #tpu.memory_space<vmem>>, vector<16xf32>,
        %mul3A_804 = vector.broadcast %squeeze3A_784 : f32 to vector<16xf32>
        %mul3A_805 = arith.mulf %get3A_803, %mul3A_804 : vector<16xf32>
        %swap3A_806 = arith.index_cast %add3A_782 : i32 to index
        %swap3A_807 = arith.constant 32 : index
        %swap3A_808 = tpu.vector_load %arg15[%swap3A_806, %swap3A_807] {strides = array<i32>} : memref<128x128xf32, #tpu.memory_space<vmem>>, vector<16xf32>,
        tpu.vector_store %arg15[%swap3A_806, %swap3A_807], %mul3A_805 {strides = array<i32>} : memref<128x128xf32, #tpu.memory_space<vmem>>, vector<16xf32>,
        %get3A_809 = arith.index_cast %add3A_782 : i32 to index
        %get3A_810 = arith.constant 48 : index
        %get3A_811 = tpu.vector_load %arg15[%get3A_809, %get3A_810] {strides = array<i32>} : memref<128x128xf32, #tpu.memory_space<vmem>>, vector<16xf32>,
        %mul3A_812 = vector.broadcast %squeeze3A_784 : f32 to vector<16xf32>
        %mul3A_813 = arith.mulf %get3A_811, %mul3A_812 : vector<16xf32>
        %swap3A_814 = arith.index_cast %add3A_782 : i32 to index
        %swap3A_815 = arith.constant 48 : index
        %swap3A_816 = tpu.vector_load %arg15[%swap3A_814, %swap3A_815] {strides = array<i32>} : memref<128x128xf32, #tpu.memory_space<vmem>>, vector<16xf32>,
        tpu.vector_store %arg15[%swap3A_814, %swap3A_815], %mul3A_813 {strides = array<i32>} : memref<128x128xf32, #tpu.memory_space<vmem>>, vector<16xf32>,
        %get3A_817 = arith.index_cast %add3A_782 : i32 to index
        %get3A_818 = arith.constant 64 : index
        %get3A_819 = tpu.vector_load %arg15[%get3A_817, %get3A_818] {strides = array<i32>} : memref<128x128xf32, #tpu.memory_space<vmem>>, vector<16xf32>,
        %mul3A_820 = vector.broadcast %squeeze3A_784 : f32 to vector<16xf32>
        %mul3A_821 = arith.mulf %get3A_819, %mul3A_820 : vector<16xf32>
        %swap3A_822 = arith.index_cast %add3A_782 : i32 to index
        %swap3A_823 = arith.constant 64 : index
        %swap3A_824 = tpu.vector_load %arg15[%swap3A_822, %swap3A_823] {strides = array<i32>} : memref<128x128xf32, #tpu.memory_space<vmem>>, vector<16xf32>,
        tpu.vector_store %arg15[%swap3A_822, %swap3A_823], %mul3A_821 {strides = array<i32>} : memref<128x128xf32, #tpu.memory_space<vmem>>, vector<16xf32>,
        %get3A_825 = arith.index_cast %add3A_782 : i32 to index
        %get3A_826 = arith.constant 80 : index
        %get3A_827 = tpu.vector_load %arg15[%get3A_825, %get3A_826] {strides = array<i32>} : memref<128x128xf32, #tpu.memory_space<vmem>>, vector<16xf32>,
        %mul3A_828 = vector.broadcast %squeeze3A_784 : f32 to vector<16xf32>
        %mul3A_829 = arith.mulf %get3A_827, %mul3A_828 : vector<16xf32>
        %swap3A_830 = arith.index_cast %add3A_782 : i32 to index
        %swap3A_831 = arith.constant 80 : index
        %swap3A_832 = tpu.vector_load %arg15[%swap3A_830, %swap3A_831] {strides = array<i32>} : memref<128x128xf32, #tpu.memory_space<vmem>>, vector<16xf32>,
        tpu.vector_store %arg15[%swap3A_830, %swap3A_831], %mul3A_829 {strides = array<i32>} : memref<128x128xf32, #tpu.memory_space<vmem>>, vector<16xf32>,
        %get3A_833 = arith.index_cast %add3A_782 : i32 to index
        %get3A_834 = arith.constant 96 : index
        %get3A_835 = tpu.vector_load %arg15[%get3A_833, %get3A_834] {strides = array<i32>} : memref<128x128xf32, #tpu.memory_space<vmem>>, vector<16xf32>,
        %mul3A_836 = vector.broadcast %squeeze3A_784 : f32 to vector<16xf32>
        %mul3A_837 = arith.mulf %get3A_835, %mul3A_836 : vector<16xf32>
        %swap3A_838 = arith.index_cast %add3A_782 : i32 to index
        %swap3A_839 = arith.constant 96 : index
        %swap3A_840 = tpu.vector_load %arg15[%swap3A_838, %swap3A_839] {strides = array<i32>} : memref<128x128xf32, #tpu.memory_space<vmem>>, vector<16xf32>,
        tpu.vector_store %arg15[%swap3A_838, %swap3A_839], %mul3A_837 {strides = array<i32>} : memref<128x128xf32, #tpu.memory_space<vmem>>, vector<16xf32>,
        %get3A_841 = arith.index_cast %add3A_782 : i32 to index
        %get3A_842 = arith.constant 112 : index
        %get3A_843 = tpu.vector_load %arg15[%get3A_841, %get3A_842] {strides = array<i32>} : memref<128x128xf32, #tpu.memory_space<vmem>>, vector<16xf32>,
        %mul3A_844 = vector.broadcast %squeeze3A_784 : f32 to vector<16xf32>
        %mul3A_845 = arith.mulf %get3A_843, %mul3A_844 : vector<16xf32>
        %swap3A_846 = arith.index_cast %add3A_782 : i32 to index
        %swap3A_847 = arith.constant 112 : index
        %swap3A_848 = tpu.vector_load %arg15[%swap3A_846, %swap3A_847] {strides = array<i32>} : memref<128x128xf32, #tpu.memory_space<vmem>>, vector<16xf32>,
        tpu.vector_store %arg15[%swap3A_846, %swap3A_847], %mul3A_845 {strides = array<i32>} : memref<128x128xf32, #tpu.memory_space<vmem>>, vector<16xf32>,
        %mul3A_849 = arith.constant 16 : i32
        %mul3A_850 = arith.muli %scan3A_75, %mul3A_849 : i32
        %add3A_851 = arith.constant 11 : i32
        %add3A_852 = arith.addi %mul3A_850, %add3A_851 : i32
        %slice3A_853 = vector.extract_strided_slice %mul3A_81 {offsets = [11], sizes = [1], strides = [1]} : vector<16xf32> to vector<1xf32>
        %squeeze3A_854 = vector.extract %slice3A_853[0] : f32 from vector<1xf32>
        %get3A_855 = arith.index_cast %add3A_852 : i32 to index
        %get3A_856 = arith.constant 0 : index
        %get3A_857 = tpu.vector_load %arg15[%get3A_855, %get3A_856] {strides = array<i32>} : memref<128x128xf32, #tpu.memory_space<vmem>>, vector<16xf32>,
        %mul3A_858 = vector.broadcast %squeeze3A_854 : f32 to vector<16xf32>
        %mul3A_859 = arith.mulf %get3A_857, %mul3A_858 : vector<16xf32>
        %swap3A_860 = arith.index_cast %add3A_852 : i32 to index
        %swap3A_861 = arith.constant 0 : index
        %swap3A_862 = tpu.vector_load %arg15[%swap3A_860, %swap3A_861] {strides = array<i32>} : memref<128x128xf32, #tpu.memory_space<vmem>>, vector<16xf32>,
        tpu.vector_store %arg15[%swap3A_860, %swap3A_861], %mul3A_859 {strides = array<i32>} : memref<128x128xf32, #tpu.memory_space<vmem>>, vector<16xf32>,
        %get3A_863 = arith.index_cast %add3A_852 : i32 to index
        %get3A_864 = arith.constant 16 : index
        %get3A_865 = tpu.vector_load %arg15[%get3A_863, %get3A_864] {strides = array<i32>} : memref<128x128xf32, #tpu.memory_space<vmem>>, vector<16xf32>,
        %mul3A_866 = vector.broadcast %squeeze3A_854 : f32 to vector<16xf32>
        %mul3A_867 = arith.mulf %get3A_865, %mul3A_866 : vector<16xf32>
        %swap3A_868 = arith.index_cast %add3A_852 : i32 to index
        %swap3A_869 = arith.constant 16 : index
        %swap3A_870 = tpu.vector_load %arg15[%swap3A_868, %swap3A_869] {strides = array<i32>} : memref<128x128xf32, #tpu.memory_space<vmem>>, vector<16xf32>,
        tpu.vector_store %arg15[%swap3A_868, %swap3A_869], %mul3A_867 {strides = array<i32>} : memref<128x128xf32, #tpu.memory_space<vmem>>, vector<16xf32>,
        %get3A_871 = arith.index_cast %add3A_852 : i32 to index
        %get3A_872 = arith.constant 32 : index
        %get3A_873 = tpu.vector_load %arg15[%get3A_871, %get3A_872] {strides = array<i32>} : memref<128x128xf32, #tpu.memory_space<vmem>>, vector<16xf32>,
        %mul3A_874 = vector.broadcast %squeeze3A_854 : f32 to vector<16xf32>
        %mul3A_875 = arith.mulf %get3A_873, %mul3A_874 : vector<16xf32>
        %swap3A_876 = arith.index_cast %add3A_852 : i32 to index
        %swap3A_877 = arith.constant 32 : index
        %swap3A_878 = tpu.vector_load %arg15[%swap3A_876, %swap3A_877] {strides = array<i32>} : memref<128x128xf32, #tpu.memory_space<vmem>>, vector<16xf32>,
        tpu.vector_store %arg15[%swap3A_876, %swap3A_877], %mul3A_875 {strides = array<i32>} : memref<128x128xf32, #tpu.memory_space<vmem>>, vector<16xf32>,
        %get3A_879 = arith.index_cast %add3A_852 : i32 to index
        %get3A_880 = arith.constant 48 : index
        %get3A_881 = tpu.vector_load %arg15[%get3A_879, %get3A_880] {strides = array<i32>} : memref<128x128xf32, #tpu.memory_space<vmem>>, vector<16xf32>,
        %mul3A_882 = vector.broadcast %squeeze3A_854 : f32 to vector<16xf32>
        %mul3A_883 = arith.mulf %get3A_881, %mul3A_882 : vector<16xf32>
        %swap3A_884 = arith.index_cast %add3A_852 : i32 to index
        %swap3A_885 = arith.constant 48 : index
        %swap3A_886 = tpu.vector_load %arg15[%swap3A_884, %swap3A_885] {strides = array<i32>} : memref<128x128xf32, #tpu.memory_space<vmem>>, vector<16xf32>,
        tpu.vector_store %arg15[%swap3A_884, %swap3A_885], %mul3A_883 {strides = array<i32>} : memref<128x128xf32, #tpu.memory_space<vmem>>, vector<16xf32>,
        %get3A_887 = arith.index_cast %add3A_852 : i32 to index
        %get3A_888 = arith.constant 64 : index
        %get3A_889 = tpu.vector_load %arg15[%get3A_887, %get3A_888] {strides = array<i32>} : memref<128x128xf32, #tpu.memory_space<vmem>>, vector<16xf32>,
        %mul3A_890 = vector.broadcast %squeeze3A_854 : f32 to vector<16xf32>
        %mul3A_891 = arith.mulf %get3A_889, %mul3A_890 : vector<16xf32>
        %swap3A_892 = arith.index_cast %add3A_852 : i32 to index
        %swap3A_893 = arith.constant 64 : index
        %swap3A_894 = tpu.vector_load %arg15[%swap3A_892, %swap3A_893] {strides = array<i32>} : memref<128x128xf32, #tpu.memory_space<vmem>>, vector<16xf32>,
        tpu.vector_store %arg15[%swap3A_892, %swap3A_893], %mul3A_891 {strides = array<i32>} : memref<128x128xf32, #tpu.memory_space<vmem>>, vector<16xf32>,
        %get3A_895 = arith.index_cast %add3A_852 : i32 to index
        %get3A_896 = arith.constant 80 : index
        %get3A_897 = tpu.vector_load %arg15[%get3A_895, %get3A_896] {strides = array<i32>} : memref<128x128xf32, #tpu.memory_space<vmem>>, vector<16xf32>,
        %mul3A_898 = vector.broadcast %squeeze3A_854 : f32 to vector<16xf32>
        %mul3A_899 = arith.mulf %get3A_897, %mul3A_898 : vector<16xf32>
        %swap3A_900 = arith.index_cast %add3A_852 : i32 to index
        %swap3A_901 = arith.constant 80 : index
        %swap3A_902 = tpu.vector_load %arg15[%swap3A_900, %swap3A_901] {strides = array<i32>} : memref<128x128xf32, #tpu.memory_space<vmem>>, vector<16xf32>,
        tpu.vector_store %arg15[%swap3A_900, %swap3A_901], %mul3A_899 {strides = array<i32>} : memref<128x128xf32, #tpu.memory_space<vmem>>, vector<16xf32>,
        %get3A_903 = arith.index_cast %add3A_852 : i32 to index
        %get3A_904 = arith.constant 96 : index
        %get3A_905 = tpu.vector_load %arg15[%get3A_903, %get3A_904] {strides = array<i32>} : memref<128x128xf32, #tpu.memory_space<vmem>>, vector<16xf32>,
        %mul3A_906 = vector.broadcast %squeeze3A_854 : f32 to vector<16xf32>
        %mul3A_907 = arith.mulf %get3A_905, %mul3A_906 : vector<16xf32>
        %swap3A_908 = arith.index_cast %add3A_852 : i32 to index
        %swap3A_909 = arith.constant 96 : index
        %swap3A_910 = tpu.vector_load %arg15[%swap3A_908, %swap3A_909] {strides = array<i32>} : memref<128x128xf32, #tpu.memory_space<vmem>>, vector<16xf32>,
        tpu.vector_store %arg15[%swap3A_908, %swap3A_909], %mul3A_907 {strides = array<i32>} : memref<128x128xf32, #tpu.memory_space<vmem>>, vector<16xf32>,
        %get3A_911 = arith.index_cast %add3A_852 : i32 to index
        %get3A_912 = arith.constant 112 : index
        %get3A_913 = tpu.vector_load %arg15[%get3A_911, %get3A_912] {strides = array<i32>} : memref<128x128xf32, #tpu.memory_space<vmem>>, vector<16xf32>,
        %mul3A_914 = vector.broadcast %squeeze3A_854 : f32 to vector<16xf32>
        %mul3A_915 = arith.mulf %get3A_913, %mul3A_914 : vector<16xf32>
        %swap3A_916 = arith.index_cast %add3A_852 : i32 to index
        %swap3A_917 = arith.constant 112 : index
        %swap3A_918 = tpu.vector_load %arg15[%swap3A_916, %swap3A_917] {strides = array<i32>} : memref<128x128xf32, #tpu.memory_space<vmem>>, vector<16xf32>,
        tpu.vector_store %arg15[%swap3A_916, %swap3A_917], %mul3A_915 {strides = array<i32>} : memref<128x128xf32, #tpu.memory_space<vmem>>, vector<16xf32>,
        %mul3A_919 = arith.constant 16 : i32
        %mul3A_920 = arith.muli %scan3A_75, %mul3A_919 : i32
        %add3A_921 = arith.constant 12 : i32
        %add3A_922 = arith.addi %mul3A_920, %add3A_921 : i32
        %slice3A_923 = vector.extract_strided_slice %mul3A_81 {offsets = [12], sizes = [1], strides = [1]} : vector<16xf32> to vector<1xf32>
        %squeeze3A_924 = vector.extract %slice3A_923[0] : f32 from vector<1xf32>
        %get3A_925 = arith.index_cast %add3A_922 : i32 to index
        %get3A_926 = arith.constant 0 : index
        %get3A_927 = tpu.vector_load %arg15[%get3A_925, %get3A_926] {strides = array<i32>} : memref<128x128xf32, #tpu.memory_space<vmem>>, vector<16xf32>,
        %mul3A_928 = vector.broadcast %squeeze3A_924 : f32 to vector<16xf32>
        %mul3A_929 = arith.mulf %get3A_927, %mul3A_928 : vector<16xf32>
        %swap3A_930 = arith.index_cast %add3A_922 : i32 to index
        %swap3A_931 = arith.constant 0 : index
        %swap3A_932 = tpu.vector_load %arg15[%swap3A_930, %swap3A_931] {strides = array<i32>} : memref<128x128xf32, #tpu.memory_space<vmem>>, vector<16xf32>,
        tpu.vector_store %arg15[%swap3A_930, %swap3A_931], %mul3A_929 {strides = array<i32>} : memref<128x128xf32, #tpu.memory_space<vmem>>, vector<16xf32>,
        %get3A_933 = arith.index_cast %add3A_922 : i32 to index
        %get3A_934 = arith.constant 16 : index
        %get3A_935 = tpu.vector_load %arg15[%get3A_933, %get3A_934] {strides = array<i32>} : memref<128x128xf32, #tpu.memory_space<vmem>>, vector<16xf32>,
        %mul3A_936 = vector.broadcast %squeeze3A_924 : f32 to vector<16xf32>
        %mul3A_937 = arith.mulf %get3A_935, %mul3A_936 : vector<16xf32>
        %swap3A_938 = arith.index_cast %add3A_922 : i32 to index
        %swap3A_939 = arith.constant 16 : index
        %swap3A_940 = tpu.vector_load %arg15[%swap3A_938, %swap3A_939] {strides = array<i32>} : memref<128x128xf32, #tpu.memory_space<vmem>>, vector<16xf32>,
        tpu.vector_store %arg15[%swap3A_938, %swap3A_939], %mul3A_937 {strides = array<i32>} : memref<128x128xf32, #tpu.memory_space<vmem>>, vector<16xf32>,
        %get3A_941 = arith.index_cast %add3A_922 : i32 to index
        %get3A_942 = arith.constant 32 : index
        %get3A_943 = tpu.vector_load %arg15[%get3A_941, %get3A_942] {strides = array<i32>} : memref<128x128xf32, #tpu.memory_space<vmem>>, vector<16xf32>,
        %mul3A_944 = vector.broadcast %squeeze3A_924 : f32 to vector<16xf32>
        %mul3A_945 = arith.mulf %get3A_943, %mul3A_944 : vector<16xf32>
        %swap3A_946 = arith.index_cast %add3A_922 : i32 to index
        %swap3A_947 = arith.constant 32 : index
        %swap3A_948 = tpu.vector_load %arg15[%swap3A_946, %swap3A_947] {strides = array<i32>} : memref<128x128xf32, #tpu.memory_space<vmem>>, vector<16xf32>,
        tpu.vector_store %arg15[%swap3A_946, %swap3A_947], %mul3A_945 {strides = array<i32>} : memref<128x128xf32, #tpu.memory_space<vmem>>, vector<16xf32>,
        %get3A_949 = arith.index_cast %add3A_922 : i32 to index
        %get3A_950 = arith.constant 48 : index
        %get3A_951 = tpu.vector_load %arg15[%get3A_949, %get3A_950] {strides = array<i32>} : memref<128x128xf32, #tpu.memory_space<vmem>>, vector<16xf32>,
        %mul3A_952 = vector.broadcast %squeeze3A_924 : f32 to vector<16xf32>
        %mul3A_953 = arith.mulf %get3A_951, %mul3A_952 : vector<16xf32>
        %swap3A_954 = arith.index_cast %add3A_922 : i32 to index
        %swap3A_955 = arith.constant 48 : index
        %swap3A_956 = tpu.vector_load %arg15[%swap3A_954, %swap3A_955] {strides = array<i32>} : memref<128x128xf32, #tpu.memory_space<vmem>>, vector<16xf32>,
        tpu.vector_store %arg15[%swap3A_954, %swap3A_955], %mul3A_953 {strides = array<i32>} : memref<128x128xf32, #tpu.memory_space<vmem>>, vector<16xf32>,
        %get3A_957 = arith.index_cast %add3A_922 : i32 to index
        %get3A_958 = arith.constant 64 : index
        %get3A_959 = tpu.vector_load %arg15[%get3A_957, %get3A_958] {strides = array<i32>} : memref<128x128xf32, #tpu.memory_space<vmem>>, vector<16xf32>,
        %mul3A_960 = vector.broadcast %squeeze3A_924 : f32 to vector<16xf32>
        %mul3A_961 = arith.mulf %get3A_959, %mul3A_960 : vector<16xf32>
        %swap3A_962 = arith.index_cast %add3A_922 : i32 to index
        %swap3A_963 = arith.constant 64 : index
        %swap3A_964 = tpu.vector_load %arg15[%swap3A_962, %swap3A_963] {strides = array<i32>} : memref<128x128xf32, #tpu.memory_space<vmem>>, vector<16xf32>,
        tpu.vector_store %arg15[%swap3A_962, %swap3A_963], %mul3A_961 {strides = array<i32>} : memref<128x128xf32, #tpu.memory_space<vmem>>, vector<16xf32>,
        %get3A_965 = arith.index_cast %add3A_922 : i32 to index
        %get3A_966 = arith.constant 80 : index
        %get3A_967 = tpu.vector_load %arg15[%get3A_965, %get3A_966] {strides = array<i32>} : memref<128x128xf32, #tpu.memory_space<vmem>>, vector<16xf32>,
        %mul3A_968 = vector.broadcast %squeeze3A_924 : f32 to vector<16xf32>
        %mul3A_969 = arith.mulf %get3A_967, %mul3A_968 : vector<16xf32>
        %swap3A_970 = arith.index_cast %add3A_922 : i32 to index
        %swap3A_971 = arith.constant 80 : index
        %swap3A_972 = tpu.vector_load %arg15[%swap3A_970, %swap3A_971] {strides = array<i32>} : memref<128x128xf32, #tpu.memory_space<vmem>>, vector<16xf32>,
        tpu.vector_store %arg15[%swap3A_970, %swap3A_971], %mul3A_969 {strides = array<i32>} : memref<128x128xf32, #tpu.memory_space<vmem>>, vector<16xf32>,
        %get3A_973 = arith.index_cast %add3A_922 : i32 to index
        %get3A_974 = arith.constant 96 : index
        %get3A_975 = tpu.vector_load %arg15[%get3A_973, %get3A_974] {strides = array<i32>} : memref<128x128xf32, #tpu.memory_space<vmem>>, vector<16xf32>,
        %mul3A_976 = vector.broadcast %squeeze3A_924 : f32 to vector<16xf32>
        %mul3A_977 = arith.mulf %get3A_975, %mul3A_976 : vector<16xf32>
        %swap3A_978 = arith.index_cast %add3A_922 : i32 to index
        %swap3A_979 = arith.constant 96 : index
        %swap3A_980 = tpu.vector_load %arg15[%swap3A_978, %swap3A_979] {strides = array<i32>} : memref<128x128xf32, #tpu.memory_space<vmem>>, vector<16xf32>,
        tpu.vector_store %arg15[%swap3A_978, %swap3A_979], %mul3A_977 {strides = array<i32>} : memref<128x128xf32, #tpu.memory_space<vmem>>, vector<16xf32>,
        %get3A_981 = arith.index_cast %add3A_922 : i32 to index
        %get3A_982 = arith.constant 112 : index
        %get3A_983 = tpu.vector_load %arg15[%get3A_981, %get3A_982] {strides = array<i32>} : memref<128x128xf32, #tpu.memory_space<vmem>>, vector<16xf32>,
        %mul3A_984 = vector.broadcast %squeeze3A_924 : f32 to vector<16xf32>
        %mul3A_985 = arith.mulf %get3A_983, %mul3A_984 : vector<16xf32>
        %swap3A_986 = arith.index_cast %add3A_922 : i32 to index
        %swap3A_987 = arith.constant 112 : index
        %swap3A_988 = tpu.vector_load %arg15[%swap3A_986, %swap3A_987] {strides = array<i32>} : memref<128x128xf32, #tpu.memory_space<vmem>>, vector<16xf32>,
        tpu.vector_store %arg15[%swap3A_986, %swap3A_987], %mul3A_985 {strides = array<i32>} : memref<128x128xf32, #tpu.memory_space<vmem>>, vector<16xf32>,
        %mul3A_989 = arith.constant 16 : i32
        %mul3A_990 = arith.muli %scan3A_75, %mul3A_989 : i32
        %add3A_991 = arith.constant 13 : i32
        %add3A_992 = arith.addi %mul3A_990, %add3A_991 : i32
        %slice3A_993 = vector.extract_strided_slice %mul3A_81 {offsets = [13], sizes = [1], strides = [1]} : vector<16xf32> to vector<1xf32>
        %squeeze3A_994 = vector.extract %slice3A_993[0] : f32 from vector<1xf32>
        %get3A_995 = arith.index_cast %add3A_992 : i32 to index
        %get3A_996 = arith.constant 0 : index
        %get3A_997 = tpu.vector_load %arg15[%get3A_995, %get3A_996] {strides = array<i32>} : memref<128x128xf32, #tpu.memory_space<vmem>>, vector<16xf32>,
        %mul3A_998 = vector.broadcast %squeeze3A_994 : f32 to vector<16xf32>
        %mul3A_999 = arith.mulf %get3A_997, %mul3A_998 : vector<16xf32>
        %swap3A_1000 = arith.index_cast %add3A_992 : i32 to index
        %swap3A_1001 = arith.constant 0 : index
        %swap3A_1002 = tpu.vector_load %arg15[%swap3A_1000, %swap3A_1001] {strides = array<i32>} : memref<128x128xf32, #tpu.memory_space<vmem>>, vector<16xf32>,
        tpu.vector_store %arg15[%swap3A_1000, %swap3A_1001], %mul3A_999 {strides = array<i32>} : memref<128x128xf32, #tpu.memory_space<vmem>>, vector<16xf32>,
        %get3A_1003 = arith.index_cast %add3A_992 : i32 to index
        %get3A_1004 = arith.constant 16 : index
        %get3A_1005 = tpu.vector_load %arg15[%get3A_1003, %get3A_1004] {strides = array<i32>} : memref<128x128xf32, #tpu.memory_space<vmem>>, vector<16xf32>,
        %mul3A_1006 = vector.broadcast %squeeze3A_994 : f32 to vector<16xf32>
        %mul3A_1007 = arith.mulf %get3A_1005, %mul3A_1006 : vector<16xf32>
        %swap3A_1008 = arith.index_cast %add3A_992 : i32 to index
        %swap3A_1009 = arith.constant 16 : index
        %swap3A_1010 = tpu.vector_load %arg15[%swap3A_1008, %swap3A_1009] {strides = array<i32>} : memref<128x128xf32, #tpu.memory_space<vmem>>, vector<16xf32>,
        tpu.vector_store %arg15[%swap3A_1008, %swap3A_1009], %mul3A_1007 {strides = array<i32>} : memref<128x128xf32, #tpu.memory_space<vmem>>, vector<16xf32>,
        %get3A_1011 = arith.index_cast %add3A_992 : i32 to index
        %get3A_1012 = arith.constant 32 : index
        %get3A_1013 = tpu.vector_load %arg15[%get3A_1011, %get3A_1012] {strides = array<i32>} : memref<128x128xf32, #tpu.memory_space<vmem>>, vector<16xf32>,
        %mul3A_1014 = vector.broadcast %squeeze3A_994 : f32 to vector<16xf32>
        %mul3A_1015 = arith.mulf %get3A_1013, %mul3A_1014 : vector<16xf32>
        %swap3A_1016 = arith.index_cast %add3A_992 : i32 to index
        %swap3A_1017 = arith.constant 32 : index
        %swap3A_1018 = tpu.vector_load %arg15[%swap3A_1016, %swap3A_1017] {strides = array<i32>} : memref<128x128xf32, #tpu.memory_space<vmem>>, vector<16xf32>,
        tpu.vector_store %arg15[%swap3A_1016, %swap3A_1017], %mul3A_1015 {strides = array<i32>} : memref<128x128xf32, #tpu.memory_space<vmem>>, vector<16xf32>,
        %get3A_1019 = arith.index_cast %add3A_992 : i32 to index
        %get3A_1020 = arith.constant 48 : index
        %get3A_1021 = tpu.vector_load %arg15[%get3A_1019, %get3A_1020] {strides = array<i32>} : memref<128x128xf32, #tpu.memory_space<vmem>>, vector<16xf32>,
        %mul3A_1022 = vector.broadcast %squeeze3A_994 : f32 to vector<16xf32>
        %mul3A_1023 = arith.mulf %get3A_1021, %mul3A_1022 : vector<16xf32>
        %swap3A_1024 = arith.index_cast %add3A_992 : i32 to index
        %swap3A_1025 = arith.constant 48 : index
        %swap3A_1026 = tpu.vector_load %arg15[%swap3A_1024, %swap3A_1025] {strides = array<i32>} : memref<128x128xf32, #tpu.memory_space<vmem>>, vector<16xf32>,
        tpu.vector_store %arg15[%swap3A_1024, %swap3A_1025], %mul3A_1023 {strides = array<i32>} : memref<128x128xf32, #tpu.memory_space<vmem>>, vector<16xf32>,
        %get3A_1027 = arith.index_cast %add3A_992 : i32 to index
        %get3A_1028 = arith.constant 64 : index
        %get3A_1029 = tpu.vector_load %arg15[%get3A_1027, %get3A_1028] {strides = array<i32>} : memref<128x128xf32, #tpu.memory_space<vmem>>, vector<16xf32>,
        %mul3A_1030 = vector.broadcast %squeeze3A_994 : f32 to vector<16xf32>
        %mul3A_1031 = arith.mulf %get3A_1029, %mul3A_1030 : vector<16xf32>
        %swap3A_1032 = arith.index_cast %add3A_992 : i32 to index
        %swap3A_1033 = arith.constant 64 : index
        %swap3A_1034 = tpu.vector_load %arg15[%swap3A_1032, %swap3A_1033] {strides = array<i32>} : memref<128x128xf32, #tpu.memory_space<vmem>>, vector<16xf32>,
        tpu.vector_store %arg15[%swap3A_1032, %swap3A_1033], %mul3A_1031 {strides = array<i32>} : memref<128x128xf32, #tpu.memory_space<vmem>>, vector<16xf32>,
        %get3A_1035 = arith.index_cast %add3A_992 : i32 to index
        %get3A_1036 = arith.constant 80 : index
        %get3A_1037 = tpu.vector_load %arg15[%get3A_1035, %get3A_1036] {strides = array<i32>} : memref<128x128xf32, #tpu.memory_space<vmem>>, vector<16xf32>,
        %mul3A_1038 = vector.broadcast %squeeze3A_994 : f32 to vector<16xf32>
        %mul3A_1039 = arith.mulf %get3A_1037, %mul3A_1038 : vector<16xf32>
        %swap3A_1040 = arith.index_cast %add3A_992 : i32 to index
        %swap3A_1041 = arith.constant 80 : index
        %swap3A_1042 = tpu.vector_load %arg15[%swap3A_1040, %swap3A_1041] {strides = array<i32>} : memref<128x128xf32, #tpu.memory_space<vmem>>, vector<16xf32>,
        tpu.vector_store %arg15[%swap3A_1040, %swap3A_1041], %mul3A_1039 {strides = array<i32>} : memref<128x128xf32, #tpu.memory_space<vmem>>, vector<16xf32>,
        %get3A_1043 = arith.index_cast %add3A_992 : i32 to index
        %get3A_1044 = arith.constant 96 : index
        %get3A_1045 = tpu.vector_load %arg15[%get3A_1043, %get3A_1044] {strides = array<i32>} : memref<128x128xf32, #tpu.memory_space<vmem>>, vector<16xf32>,
        %mul3A_1046 = vector.broadcast %squeeze3A_994 : f32 to vector<16xf32>
        %mul3A_1047 = arith.mulf %get3A_1045, %mul3A_1046 : vector<16xf32>
        %swap3A_1048 = arith.index_cast %add3A_992 : i32 to index
        %swap3A_1049 = arith.constant 96 : index
        %swap3A_1050 = tpu.vector_load %arg15[%swap3A_1048, %swap3A_1049] {strides = array<i32>} : memref<128x128xf32, #tpu.memory_space<vmem>>, vector<16xf32>,
        tpu.vector_store %arg15[%swap3A_1048, %swap3A_1049], %mul3A_1047 {strides = array<i32>} : memref<128x128xf32, #tpu.memory_space<vmem>>, vector<16xf32>,
        %get3A_1051 = arith.index_cast %add3A_992 : i32 to index
        %get3A_1052 = arith.constant 112 : index
        %get3A_1053 = tpu.vector_load %arg15[%get3A_1051, %get3A_1052] {strides = array<i32>} : memref<128x128xf32, #tpu.memory_space<vmem>>, vector<16xf32>,
        %mul3A_1054 = vector.broadcast %squeeze3A_994 : f32 to vector<16xf32>
        %mul3A_1055 = arith.mulf %get3A_1053, %mul3A_1054 : vector<16xf32>
        %swap3A_1056 = arith.index_cast %add3A_992 : i32 to index
        %swap3A_1057 = arith.constant 112 : index
        %swap3A_1058 = tpu.vector_load %arg15[%swap3A_1056, %swap3A_1057] {strides = array<i32>} : memref<128x128xf32, #tpu.memory_space<vmem>>, vector<16xf32>,
        tpu.vector_store %arg15[%swap3A_1056, %swap3A_1057], %mul3A_1055 {strides = array<i32>} : memref<128x128xf32, #tpu.memory_space<vmem>>, vector<16xf32>,
        %mul3A_1059 = arith.constant 16 : i32
        %mul3A_1060 = arith.muli %scan3A_75, %mul3A_1059 : i32
        %add3A_1061 = arith.constant 14 : i32
        %add3A_1062 = arith.addi %mul3A_1060, %add3A_1061 : i32
        %slice3A_1063 = vector.extract_strided_slice %mul3A_81 {offsets = [14], sizes = [1], strides = [1]} : vector<16xf32> to vector<1xf32>
        %squeeze3A_1064 = vector.extract %slice3A_1063[0] : f32 from vector<1xf32>
        %get3A_1065 = arith.index_cast %add3A_1062 : i32 to index
        %get3A_1066 = arith.constant 0 : index
        %get3A_1067 = tpu.vector_load %arg15[%get3A_1065, %get3A_1066] {strides = array<i32>} : memref<128x128xf32, #tpu.memory_space<vmem>>, vector<16xf32>,
        %mul3A_1068 = vector.broadcast %squeeze3A_1064 : f32 to vector<16xf32>
        %mul3A_1069 = arith.mulf %get3A_1067, %mul3A_1068 : vector<16xf32>
        %swap3A_1070 = arith.index_cast %add3A_1062 : i32 to index
        %swap3A_1071 = arith.constant 0 : index
        %swap3A_1072 = tpu.vector_load %arg15[%swap3A_1070, %swap3A_1071] {strides = array<i32>} : memref<128x128xf32, #tpu.memory_space<vmem>>, vector<16xf32>,
        tpu.vector_store %arg15[%swap3A_1070, %swap3A_1071], %mul3A_1069 {strides = array<i32>} : memref<128x128xf32, #tpu.memory_space<vmem>>, vector<16xf32>,
        %get3A_1073 = arith.index_cast %add3A_1062 : i32 to index
        %get3A_1074 = arith.constant 16 : index
        %get3A_1075 = tpu.vector_load %arg15[%get3A_1073, %get3A_1074] {strides = array<i32>} : memref<128x128xf32, #tpu.memory_space<vmem>>, vector<16xf32>,
        %mul3A_1076 = vector.broadcast %squeeze3A_1064 : f32 to vector<16xf32>
        %mul3A_1077 = arith.mulf %get3A_1075, %mul3A_1076 : vector<16xf32>
        %swap3A_1078 = arith.index_cast %add3A_1062 : i32 to index
        %swap3A_1079 = arith.constant 16 : index
        %swap3A_1080 = tpu.vector_load %arg15[%swap3A_1078, %swap3A_1079] {strides = array<i32>} : memref<128x128xf32, #tpu.memory_space<vmem>>, vector<16xf32>,
        tpu.vector_store %arg15[%swap3A_1078, %swap3A_1079], %mul3A_1077 {strides = array<i32>} : memref<128x128xf32, #tpu.memory_space<vmem>>, vector<16xf32>,
        %get3A_1081 = arith.index_cast %add3A_1062 : i32 to index
        %get3A_1082 = arith.constant 32 : index
        %get3A_1083 = tpu.vector_load %arg15[%get3A_1081, %get3A_1082] {strides = array<i32>} : memref<128x128xf32, #tpu.memory_space<vmem>>, vector<16xf32>,
        %mul3A_1084 = vector.broadcast %squeeze3A_1064 : f32 to vector<16xf32>
        %mul3A_1085 = arith.mulf %get3A_1083, %mul3A_1084 : vector<16xf32>
        %swap3A_1086 = arith.index_cast %add3A_1062 : i32 to index
        %swap3A_1087 = arith.constant 32 : index
        %swap3A_1088 = tpu.vector_load %arg15[%swap3A_1086, %swap3A_1087] {strides = array<i32>} : memref<128x128xf32, #tpu.memory_space<vmem>>, vector<16xf32>,
        tpu.vector_store %arg15[%swap3A_1086, %swap3A_1087], %mul3A_1085 {strides = array<i32>} : memref<128x128xf32, #tpu.memory_space<vmem>>, vector<16xf32>,
        %get3A_1089 = arith.index_cast %add3A_1062 : i32 to index
        %get3A_1090 = arith.constant 48 : index
        %get3A_1091 = tpu.vector_load %arg15[%get3A_1089, %get3A_1090] {strides = array<i32>} : memref<128x128xf32, #tpu.memory_space<vmem>>, vector<16xf32>,
        %mul3A_1092 = vector.broadcast %squeeze3A_1064 : f32 to vector<16xf32>
        %mul3A_1093 = arith.mulf %get3A_1091, %mul3A_1092 : vector<16xf32>
        %swap3A_1094 = arith.index_cast %add3A_1062 : i32 to index
        %swap3A_1095 = arith.constant 48 : index
        %swap3A_1096 = tpu.vector_load %arg15[%swap3A_1094, %swap3A_1095] {strides = array<i32>} : memref<128x128xf32, #tpu.memory_space<vmem>>, vector<16xf32>,
        tpu.vector_store %arg15[%swap3A_1094, %swap3A_1095], %mul3A_1093 {strides = array<i32>} : memref<128x128xf32, #tpu.memory_space<vmem>>, vector<16xf32>,
        %get3A_1097 = arith.index_cast %add3A_1062 : i32 to index
        %get3A_1098 = arith.constant 64 : index
        %get3A_1099 = tpu.vector_load %arg15[%get3A_1097, %get3A_1098] {strides = array<i32>} : memref<128x128xf32, #tpu.memory_space<vmem>>, vector<16xf32>,
        %mul3A_1100 = vector.broadcast %squeeze3A_1064 : f32 to vector<16xf32>
        %mul3A_1101 = arith.mulf %get3A_1099, %mul3A_1100 : vector<16xf32>
        %swap3A_1102 = arith.index_cast %add3A_1062 : i32 to index
        %swap3A_1103 = arith.constant 64 : index
        %swap3A_1104 = tpu.vector_load %arg15[%swap3A_1102, %swap3A_1103] {strides = array<i32>} : memref<128x128xf32, #tpu.memory_space<vmem>>, vector<16xf32>,
        tpu.vector_store %arg15[%swap3A_1102, %swap3A_1103], %mul3A_1101 {strides = array<i32>} : memref<128x128xf32, #tpu.memory_space<vmem>>, vector<16xf32>,
        %get3A_1105 = arith.index_cast %add3A_1062 : i32 to index
        %get3A_1106 = arith.constant 80 : index
        %get3A_1107 = tpu.vector_load %arg15[%get3A_1105, %get3A_1106] {strides = array<i32>} : memref<128x128xf32, #tpu.memory_space<vmem>>, vector<16xf32>,
        %mul3A_1108 = vector.broadcast %squeeze3A_1064 : f32 to vector<16xf32>
        %mul3A_1109 = arith.mulf %get3A_1107, %mul3A_1108 : vector<16xf32>
        %swap3A_1110 = arith.index_cast %add3A_1062 : i32 to index
        %swap3A_1111 = arith.constant 80 : index
        %swap3A_1112 = tpu.vector_load %arg15[%swap3A_1110, %swap3A_1111] {strides = array<i32>} : memref<128x128xf32, #tpu.memory_space<vmem>>, vector<16xf32>,
        tpu.vector_store %arg15[%swap3A_1110, %swap3A_1111], %mul3A_1109 {strides = array<i32>} : memref<128x128xf32, #tpu.memory_space<vmem>>, vector<16xf32>,
        %get3A_1113 = arith.index_cast %add3A_1062 : i32 to index
        %get3A_1114 = arith.constant 96 : index
        %get3A_1115 = tpu.vector_load %arg15[%get3A_1113, %get3A_1114] {strides = array<i32>} : memref<128x128xf32, #tpu.memory_space<vmem>>, vector<16xf32>,
        %mul3A_1116 = vector.broadcast %squeeze3A_1064 : f32 to vector<16xf32>
        %mul3A_1117 = arith.mulf %get3A_1115, %mul3A_1116 : vector<16xf32>
        %swap3A_1118 = arith.index_cast %add3A_1062 : i32 to index
        %swap3A_1119 = arith.constant 96 : index
        %swap3A_1120 = tpu.vector_load %arg15[%swap3A_1118, %swap3A_1119] {strides = array<i32>} : memref<128x128xf32, #tpu.memory_space<vmem>>, vector<16xf32>,
        tpu.vector_store %arg15[%swap3A_1118, %swap3A_1119], %mul3A_1117 {strides = array<i32>} : memref<128x128xf32, #tpu.memory_space<vmem>>, vector<16xf32>,
        %get3A_1121 = arith.index_cast %add3A_1062 : i32 to index
        %get3A_1122 = arith.constant 112 : index
        %get3A_1123 = tpu.vector_load %arg15[%get3A_1121, %get3A_1122] {strides = array<i32>} : memref<128x128xf32, #tpu.memory_space<vmem>>, vector<16xf32>,
        %mul3A_1124 = vector.broadcast %squeeze3A_1064 : f32 to vector<16xf32>
        %mul3A_1125 = arith.mulf %get3A_1123, %mul3A_1124 : vector<16xf32>
        %swap3A_1126 = arith.index_cast %add3A_1062 : i32 to index
        %swap3A_1127 = arith.constant 112 : index
        %swap3A_1128 = tpu.vector_load %arg15[%swap3A_1126, %swap3A_1127] {strides = array<i32>} : memref<128x128xf32, #tpu.memory_space<vmem>>, vector<16xf32>,
        tpu.vector_store %arg15[%swap3A_1126, %swap3A_1127], %mul3A_1125 {strides = array<i32>} : memref<128x128xf32, #tpu.memory_space<vmem>>, vector<16xf32>,
        %mul3A_1129 = arith.constant 16 : i32
        %mul3A_1130 = arith.muli %scan3A_75, %mul3A_1129 : i32
        %add3A_1131 = arith.constant 15 : i32
        %add3A_1132 = arith.addi %mul3A_1130, %add3A_1131 : i32
        %slice3A_1133 = vector.extract_strided_slice %mul3A_81 {offsets = [15], sizes = [1], strides = [1]} : vector<16xf32> to vector<1xf32>
        %squeeze3A_1134 = vector.extract %slice3A_1133[0] : f32 from vector<1xf32>
        %get3A_1135 = arith.index_cast %add3A_1132 : i32 to index
        %get3A_1136 = arith.constant 0 : index
        %get3A_1137 = tpu.vector_load %arg15[%get3A_1135, %get3A_1136] {strides = array<i32>} : memref<128x128xf32, #tpu.memory_space<vmem>>, vector<16xf32>,
        %mul3A_1138 = vector.broadcast %squeeze3A_1134 : f32 to vector<16xf32>
        %mul3A_1139 = arith.mulf %get3A_1137, %mul3A_1138 : vector<16xf32>
        %swap3A_1140 = arith.index_cast %add3A_1132 : i32 to index
        %swap3A_1141 = arith.constant 0 : index
        %swap3A_1142 = tpu.vector_load %arg15[%swap3A_1140, %swap3A_1141] {strides = array<i32>} : memref<128x128xf32, #tpu.memory_space<vmem>>, vector<16xf32>,
        tpu.vector_store %arg15[%swap3A_1140, %swap3A_1141], %mul3A_1139 {strides = array<i32>} : memref<128x128xf32, #tpu.memory_space<vmem>>, vector<16xf32>,
        %get3A_1143 = arith.index_cast %add3A_1132 : i32 to index
        %get3A_1144 = arith.constant 16 : index
        %get3A_1145 = tpu.vector_load %arg15[%get3A_1143, %get3A_1144] {strides = array<i32>} : memref<128x128xf32, #tpu.memory_space<vmem>>, vector<16xf32>,
        %mul3A_1146 = vector.broadcast %squeeze3A_1134 : f32 to vector<16xf32>
        %mul3A_1147 = arith.mulf %get3A_1145, %mul3A_1146 : vector<16xf32>
        %swap3A_1148 = arith.index_cast %add3A_1132 : i32 to index
        %swap3A_1149 = arith.constant 16 : index
        %swap3A_1150 = tpu.vector_load %arg15[%swap3A_1148, %swap3A_1149] {strides = array<i32>} : memref<128x128xf32, #tpu.memory_space<vmem>>, vector<16xf32>,
        tpu.vector_store %arg15[%swap3A_1148, %swap3A_1149], %mul3A_1147 {strides = array<i32>} : memref<128x128xf32, #tpu.memory_space<vmem>>, vector<16xf32>,
        %get3A_1151 = arith.index_cast %add3A_1132 : i32 to index
        %get3A_1152 = arith.constant 32 : index
        %get3A_1153 = tpu.vector_load %arg15[%get3A_1151, %get3A_1152] {strides = array<i32>} : memref<128x128xf32, #tpu.memory_space<vmem>>, vector<16xf32>,
        %mul3A_1154 = vector.broadcast %squeeze3A_1134 : f32 to vector<16xf32>
        %mul3A_1155 = arith.mulf %get3A_1153, %mul3A_1154 : vector<16xf32>
        %swap3A_1156 = arith.index_cast %add3A_1132 : i32 to index
        %swap3A_1157 = arith.constant 32 : index
        %swap3A_1158 = tpu.vector_load %arg15[%swap3A_1156, %swap3A_1157] {strides = array<i32>} : memref<128x128xf32, #tpu.memory_space<vmem>>, vector<16xf32>,
        tpu.vector_store %arg15[%swap3A_1156, %swap3A_1157], %mul3A_1155 {strides = array<i32>} : memref<128x128xf32, #tpu.memory_space<vmem>>, vector<16xf32>,
        %get3A_1159 = arith.index_cast %add3A_1132 : i32 to index
        %get3A_1160 = arith.constant 48 : index
        %get3A_1161 = tpu.vector_load %arg15[%get3A_1159, %get3A_1160] {strides = array<i32>} : memref<128x128xf32, #tpu.memory_space<vmem>>, vector<16xf32>,
        %mul3A_1162 = vector.broadcast %squeeze3A_1134 : f32 to vector<16xf32>
        %mul3A_1163 = arith.mulf %get3A_1161, %mul3A_1162 : vector<16xf32>
        %swap3A_1164 = arith.index_cast %add3A_1132 : i32 to index
        %swap3A_1165 = arith.constant 48 : index
        %swap3A_1166 = tpu.vector_load %arg15[%swap3A_1164, %swap3A_1165] {strides = array<i32>} : memref<128x128xf32, #tpu.memory_space<vmem>>, vector<16xf32>,
        tpu.vector_store %arg15[%swap3A_1164, %swap3A_1165], %mul3A_1163 {strides = array<i32>} : memref<128x128xf32, #tpu.memory_space<vmem>>, vector<16xf32>,
        %get3A_1167 = arith.index_cast %add3A_1132 : i32 to index
        %get3A_1168 = arith.constant 64 : index
        %get3A_1169 = tpu.vector_load %arg15[%get3A_1167, %get3A_1168] {strides = array<i32>} : memref<128x128xf32, #tpu.memory_space<vmem>>, vector<16xf32>,
        %mul3A_1170 = vector.broadcast %squeeze3A_1134 : f32 to vector<16xf32>
        %mul3A_1171 = arith.mulf %get3A_1169, %mul3A_1170 : vector<16xf32>
        %swap3A_1172 = arith.index_cast %add3A_1132 : i32 to index
        %swap3A_1173 = arith.constant 64 : index
        %swap3A_1174 = tpu.vector_load %arg15[%swap3A_1172, %swap3A_1173] {strides = array<i32>} : memref<128x128xf32, #tpu.memory_space<vmem>>, vector<16xf32>,
        tpu.vector_store %arg15[%swap3A_1172, %swap3A_1173], %mul3A_1171 {strides = array<i32>} : memref<128x128xf32, #tpu.memory_space<vmem>>, vector<16xf32>,
        %get3A_1175 = arith.index_cast %add3A_1132 : i32 to index
        %get3A_1176 = arith.constant 80 : index
        %get3A_1177 = tpu.vector_load %arg15[%get3A_1175, %get3A_1176] {strides = array<i32>} : memref<128x128xf32, #tpu.memory_space<vmem>>, vector<16xf32>,
        %mul3A_1178 = vector.broadcast %squeeze3A_1134 : f32 to vector<16xf32>
        %mul3A_1179 = arith.mulf %get3A_1177, %mul3A_1178 : vector<16xf32>
        %swap3A_1180 = arith.index_cast %add3A_1132 : i32 to index
        %swap3A_1181 = arith.constant 80 : index
        %swap3A_1182 = tpu.vector_load %arg15[%swap3A_1180, %swap3A_1181] {strides = array<i32>} : memref<128x128xf32, #tpu.memory_space<vmem>>, vector<16xf32>,
        tpu.vector_store %arg15[%swap3A_1180, %swap3A_1181], %mul3A_1179 {strides = array<i32>} : memref<128x128xf32, #tpu.memory_space<vmem>>, vector<16xf32>,
        %get3A_1183 = arith.index_cast %add3A_1132 : i32 to index
        %get3A_1184 = arith.constant 96 : index
        %get3A_1185 = tpu.vector_load %arg15[%get3A_1183, %get3A_1184] {strides = array<i32>} : memref<128x128xf32, #tpu.memory_space<vmem>>, vector<16xf32>,
        %mul3A_1186 = vector.broadcast %squeeze3A_1134 : f32 to vector<16xf32>
        %mul3A_1187 = arith.mulf %get3A_1185, %mul3A_1186 : vector<16xf32>
        %swap3A_1188 = arith.index_cast %add3A_1132 : i32 to index
        %swap3A_1189 = arith.constant 96 : index
        %swap3A_1190 = tpu.vector_load %arg15[%swap3A_1188, %swap3A_1189] {strides = array<i32>} : memref<128x128xf32, #tpu.memory_space<vmem>>, vector<16xf32>,
        tpu.vector_store %arg15[%swap3A_1188, %swap3A_1189], %mul3A_1187 {strides = array<i32>} : memref<128x128xf32, #tpu.memory_space<vmem>>, vector<16xf32>,
        %get3A_1191 = arith.index_cast %add3A_1132 : i32 to index
        %get3A_1192 = arith.constant 112 : index
        %get3A_1193 = tpu.vector_load %arg15[%get3A_1191, %get3A_1192] {strides = array<i32>} : memref<128x128xf32, #tpu.memory_space<vmem>>, vector<16xf32>,
        %mul3A_1194 = vector.broadcast %squeeze3A_1134 : f32 to vector<16xf32>
        %mul3A_1195 = arith.mulf %get3A_1193, %mul3A_1194 : vector<16xf32>
        %swap3A_1196 = arith.index_cast %add3A_1132 : i32 to index
        %swap3A_1197 = arith.constant 112 : index
        %swap3A_1198 = tpu.vector_load %arg15[%swap3A_1196, %swap3A_1197] {strides = array<i32>} : memref<128x128xf32, #tpu.memory_space<vmem>>, vector<16xf32>,
        tpu.vector_store %arg15[%swap3A_1196, %swap3A_1197], %mul3A_1195 {strides = array<i32>} : memref<128x128xf32, #tpu.memory_space<vmem>>, vector<16xf32>,
      }
      %scan3A_53 = arith.constant 8 : i32
      "tpu.region"() ({
        %run_scoped3A = tpu.sem_alloc : memref<!tpu.dma_semaphore, #tpu.memory_space<semaphore_mem>>
        %dma_start3A_75 = arith.constant 0 : i32
        %dma_start3A_76 = arith.constant 0 : i32
        %dma_start3A_77 = tpu.memref_slice %arg8[%dma_start3A_75, %dma_start3A_76] : memref<10240x128xf32, #tpu.memory_space<vmem_shared>> -> memref<10240x128xf32, #tpu.memory_space<vmem_shared>>
        tpu.enqueue_indirect_dma source(%arg15 : memref<128x128xf32, #tpu.memory_space<vmem>>) target(%dma_start3A_77 : memref<10240x128xf32, #tpu.memory_space<vmem_shared>>) offsets(%arg11 : memref<128xi32, #tpu.memory_space<vmem>>) semaphore(%run_scoped3A : memref<!tpu.dma_semaphore, #tpu.memory_space<semaphore_mem>>) {add = true}
        %dma_wait3A_78 = arith.constant 0 : i32
        %dma_wait3A_79 = arith.constant 0 : i32
        %dma_wait3A_80 = tpu.memref_slice %arg8[%dma_wait3A_78, %dma_wait3A_79] : memref<10240x128xf32, #tpu.memory_space<vmem_shared>> -> memref<10240x128xf32, #tpu.memory_space<vmem_shared>>
        tpu.wait_indirect_dma semaphore(%run_scoped3A : memref<!tpu.dma_semaphore, #tpu.memory_space<semaphore_mem>>) src(%arg15 : memref<128x128xf32, #tpu.memory_space<vmem>>) dst(%dma_wait3A_80 : memref<10240x128xf32, #tpu.memory_space<vmem_shared>>)
        tpu.yield
      }) : () -> ()
      %add3A_54 = arith.constant 2 : i32
      %add3A_55 = arith.addi %mul3A_44, %add3A_54 : i32
      %lt3A = arith.constant 80 : i32
      %lt3A_56 = arith.cmpi slt, %add3A_55, %lt3A : i32
      %convert_element_type3A_57 = arith.extui %lt3A_56 : i1 to i32
      %cond3A_58 = arith.constant 0 : i32
      %cond3A_59 = arith.cmpi ne, %convert_element_type3A_57, %cond3A_58 : i32
      scf.if %cond3A_59 {
        %add3A_75 = arith.constant 2 : i32
        %add3A_76 = arith.addi %mul3A_44, %add3A_75 : i32
        %mul3A_77 = arith.constant 128 : i32
        %mul3A_78 = arith.muli %add3A_76, %mul3A_77 : i32
        %add3A_79 = arith.addi %mul3A_11, %mul3A_78 : i32
        "tpu.region"() ({
          %run_scoped3A = tpu.sem_alloc : memref<!tpu.dma_semaphore, #tpu.memory_space<semaphore_mem>>
          %dma_start3A_89 = tpu.memref_slice %arg3[%add3A_79] : memref<327680xi32, #tpu.memory_space<hbm>> -> memref<128xi32, #tpu.memory_space<hbm>>
          %dma_start3A_90 = tpu.memref_slice %arg3[%add3A_79] : memref<327680xi32, #tpu.memory_space<hbm>> -> memref<128xi32, #tpu.memory_space<hbm>>
          tpu.enqueue_dma source(%dma_start3A_90 : memref<128xi32, #tpu.memory_space<hbm>>) target(%arg9 : memref<128xi32, #tpu.memory_space<vmem>>) target_semaphore(%run_scoped3A : memref<!tpu.dma_semaphore, #tpu.memory_space<semaphore_mem>>)
          %dma_wait3A_91 = tpu.memref_slice %arg3[%add3A_79] : memref<327680xi32, #tpu.memory_space<hbm>> -> memref<128xi32, #tpu.memory_space<hbm>>
          %dma_wait3A_92 = tpu.memref_slice %arg3[%add3A_79] : memref<327680xi32, #tpu.memory_space<hbm>> -> memref<128xi32, #tpu.memory_space<hbm>>
          tpu.wait_dma2 semaphore(%run_scoped3A : memref<!tpu.dma_semaphore, #tpu.memory_space<semaphore_mem>>) src(%dma_wait3A_92 : memref<128xi32, #tpu.memory_space<hbm>>) dst(%arg9 : memref<128xi32, #tpu.memory_space<vmem>>)
          tpu.yield
        }) : () -> ()
        %mul3A_80 = arith.constant 128 : i32
        %mul3A_81 = arith.muli %add3A_76, %mul3A_80 : i32
        %add3A_82 = arith.addi %mul3A_11, %mul3A_81 : i32
        "tpu.region"() ({
          %run_scoped3A = tpu.sem_alloc : memref<!tpu.dma_semaphore, #tpu.memory_space<semaphore_mem>>
          %dma_start3A_89 = tpu.memref_slice %arg5[%add3A_82] : memref<327680xf32, #tpu.memory_space<hbm>> -> memref<128xf32, #tpu.memory_space<hbm>>
          %dma_start3A_90 = tpu.memref_slice %arg5[%add3A_82] : memref<327680xf32, #tpu.memory_space<hbm>> -> memref<128xf32, #tpu.memory_space<hbm>>
          tpu.enqueue_dma source(%dma_start3A_90 : memref<128xf32, #tpu.memory_space<hbm>>) target(%arg13 : memref<128xf32, #tpu.memory_space<vmem>>) target_semaphore(%run_scoped3A : memref<!tpu.dma_semaphore, #tpu.memory_space<semaphore_mem>>)
          %dma_wait3A_91 = tpu.memref_slice %arg5[%add3A_82] : memref<327680xf32, #tpu.memory_space<hbm>> -> memref<128xf32, #tpu.memory_space<hbm>>
          %dma_wait3A_92 = tpu.memref_slice %arg5[%add3A_82] : memref<327680xf32, #tpu.memory_space<hbm>> -> memref<128xf32, #tpu.memory_space<hbm>>
          tpu.wait_dma2 semaphore(%run_scoped3A : memref<!tpu.dma_semaphore, #tpu.memory_space<semaphore_mem>>) src(%dma_wait3A_92 : memref<128xf32, #tpu.memory_space<hbm>>) dst(%arg13 : memref<128xf32, #tpu.memory_space<vmem>>)
          tpu.yield
        }) : () -> ()
        %mul3A_83 = arith.constant 128 : i32
        %mul3A_84 = arith.muli %add3A_76, %mul3A_83 : i32
        %add3A_85 = arith.addi %mul3A_11, %mul3A_84 : i32
        "tpu.region"() ({
          %run_scoped3A = tpu.sem_alloc : memref<!tpu.dma_semaphore, #tpu.memory_space<semaphore_mem>>
          %dma_start3A_89 = tpu.memref_slice %arg4[%add3A_85] : memref<327680xi32, #tpu.memory_space<hbm>> -> memref<128xi32, #tpu.memory_space<hbm>>
          %dma_start3A_90 = tpu.memref_slice %arg4[%add3A_85] : memref<327680xi32, #tpu.memory_space<hbm>> -> memref<128xi32, #tpu.memory_space<hbm>>
          tpu.enqueue_dma source(%dma_start3A_90 : memref<128xi32, #tpu.memory_space<hbm>>) target(%arg11 : memref<128xi32, #tpu.memory_space<vmem>>) target_semaphore(%run_scoped3A : memref<!tpu.dma_semaphore, #tpu.memory_space<semaphore_mem>>)
          %dma_wait3A_91 = tpu.memref_slice %arg4[%add3A_85] : memref<327680xi32, #tpu.memory_space<hbm>> -> memref<128xi32, #tpu.memory_space<hbm>>
          %dma_wait3A_92 = tpu.memref_slice %arg4[%add3A_85] : memref<327680xi32, #tpu.memory_space<hbm>> -> memref<128xi32, #tpu.memory_space<hbm>>
          tpu.wait_dma2 semaphore(%run_scoped3A : memref<!tpu.dma_semaphore, #tpu.memory_space<semaphore_mem>>) src(%dma_wait3A_92 : memref<128xi32, #tpu.memory_space<hbm>>) dst(%arg11 : memref<128xi32, #tpu.memory_space<vmem>>)
          tpu.yield
        }) : () -> ()
        %dma_start3A_86 = arith.constant 0 : i32
        %dma_start3A_87 = arith.constant 0 : i32
        %dma_start3A_88 = tpu.memref_slice %arg2[%dma_start3A_86, %dma_start3A_87] : memref<10240x128xf32, #tpu.memory_space<hbm>> -> memref<10240x128xf32, #tpu.memory_space<hbm>>
        tpu.enqueue_indirect_dma source(%dma_start3A_88 : memref<10240x128xf32, #tpu.memory_space<hbm>>) target(%arg15 : memref<128x128xf32, #tpu.memory_space<vmem>>) offsets(%arg9 : memref<128xi32, #tpu.memory_space<vmem>>) semaphore(%arg18 : memref<!tpu.dma_semaphore, #tpu.memory_space<semaphore_mem>>)
      } else {
      }
      %dma_wait3A_60 = arith.constant 0 : i32
      %dma_wait3A_61 = arith.constant 0 : i32
      %dma_wait3A_62 = tpu.memref_slice %arg2[%dma_wait3A_60, %dma_wait3A_61] : memref<10240x128xf32, #tpu.memory_space<hbm>> -> memref<10240x128xf32, #tpu.memory_space<hbm>>
      tpu.wait_indirect_dma semaphore(%arg19 : memref<!tpu.dma_semaphore, #tpu.memory_space<semaphore_mem>>) src(%dma_wait3A_62 : memref<10240x128xf32, #tpu.memory_space<hbm>>) dst(%arg16 : memref<128x128xf32, #tpu.memory_space<vmem>>)
      %scan3A_63 = arith.constant 0 : i32
      %scan3A_64 = arith.constant 8 : i32
      %scan3A_65 = arith.addi %scan3A_63, %scan3A_64 : i32
      %scan3A_66 = arith.constant 1 : i32
      scf.for %scan3A_75 = %scan3A_63 to %scan3A_65 step %scan3A_66  : i32 {
        %mul3A_76 = arith.constant 16 : i32
        %mul3A_77 = arith.muli %scan3A_75, %mul3A_76 : i32
        %get3A = arith.index_cast %mul3A_77 : i32 to index
        %get3A_78 = tpu.vector_load %arg10[%get3A] {strides = array<i32>} : memref<128xi32, #tpu.memory_space<vmem>>, vector<16xi32>,
        %gather3A = tpu.vector_load_idx %arg17[%get3A_78] : memref<10240xf32, #tpu.memory_space<vmem>>[vector<16xi32>], vector<16xf32>,
        %get3A_79 = arith.index_cast %mul3A_77 : i32 to index
        %get3A_80 = tpu.vector_load %arg14[%get3A_79] {strides = array<i32>} : memref<128xf32, #tpu.memory_space<vmem>>, vector<16xf32>,
        %mul3A_81 = arith.mulf %gather3A, %get3A_80 : vector<16xf32>
        %mul3A_82 = arith.constant 16 : i32
        %mul3A_83 = arith.muli %scan3A_75, %mul3A_82 : i32
        %add3A_84 = arith.constant 0 : i32
        %add3A_85 = arith.addi %mul3A_83, %add3A_84 : i32
        %slice3A = vector.extract_strided_slice %mul3A_81 {offsets = [0], sizes = [1], strides = [1]} : vector<16xf32> to vector<1xf32>
        %squeeze3A = vector.extract %slice3A[0] : f32 from vector<1xf32>
        %get3A_86 = arith.index_cast %add3A_85 : i32 to index
        %get3A_87 = arith.constant 0 : index
        %get3A_88 = tpu.vector_load %arg16[%get3A_86, %get3A_87] {strides = array<i32>} : memref<128x128xf32, #tpu.memory_space<vmem>>, vector<16xf32>,
        %mul3A_89 = vector.broadcast %squeeze3A : f32 to vector<16xf32>
        %mul3A_90 = arith.mulf %get3A_88, %mul3A_89 : vector<16xf32>
        %swap3A = arith.index_cast %add3A_85 : i32 to index
        %swap3A_91 = arith.constant 0 : index
        %swap3A_92 = tpu.vector_load %arg16[%swap3A, %swap3A_91] {strides = array<i32>} : memref<128x128xf32, #tpu.memory_space<vmem>>, vector<16xf32>,
        tpu.vector_store %arg16[%swap3A, %swap3A_91], %mul3A_90 {strides = array<i32>} : memref<128x128xf32, #tpu.memory_space<vmem>>, vector<16xf32>,
        %get3A_93 = arith.index_cast %add3A_85 : i32 to index
        %get3A_94 = arith.constant 16 : index
        %get3A_95 = tpu.vector_load %arg16[%get3A_93, %get3A_94] {strides = array<i32>} : memref<128x128xf32, #tpu.memory_space<vmem>>, vector<16xf32>,
        %mul3A_96 = vector.broadcast %squeeze3A : f32 to vector<16xf32>
        %mul3A_97 = arith.mulf %get3A_95, %mul3A_96 : vector<16xf32>
        %swap3A_98 = arith.index_cast %add3A_85 : i32 to index
        %swap3A_99 = arith.constant 16 : index
        %swap3A_100 = tpu.vector_load %arg16[%swap3A_98, %swap3A_99] {strides = array<i32>} : memref<128x128xf32, #tpu.memory_space<vmem>>, vector<16xf32>,
        tpu.vector_store %arg16[%swap3A_98, %swap3A_99], %mul3A_97 {strides = array<i32>} : memref<128x128xf32, #tpu.memory_space<vmem>>, vector<16xf32>,
        %get3A_101 = arith.index_cast %add3A_85 : i32 to index
        %get3A_102 = arith.constant 32 : index
        %get3A_103 = tpu.vector_load %arg16[%get3A_101, %get3A_102] {strides = array<i32>} : memref<128x128xf32, #tpu.memory_space<vmem>>, vector<16xf32>,
        %mul3A_104 = vector.broadcast %squeeze3A : f32 to vector<16xf32>
        %mul3A_105 = arith.mulf %get3A_103, %mul3A_104 : vector<16xf32>
        %swap3A_106 = arith.index_cast %add3A_85 : i32 to index
        %swap3A_107 = arith.constant 32 : index
        %swap3A_108 = tpu.vector_load %arg16[%swap3A_106, %swap3A_107] {strides = array<i32>} : memref<128x128xf32, #tpu.memory_space<vmem>>, vector<16xf32>,
        tpu.vector_store %arg16[%swap3A_106, %swap3A_107], %mul3A_105 {strides = array<i32>} : memref<128x128xf32, #tpu.memory_space<vmem>>, vector<16xf32>,
        %get3A_109 = arith.index_cast %add3A_85 : i32 to index
        %get3A_110 = arith.constant 48 : index
        %get3A_111 = tpu.vector_load %arg16[%get3A_109, %get3A_110] {strides = array<i32>} : memref<128x128xf32, #tpu.memory_space<vmem>>, vector<16xf32>,
        %mul3A_112 = vector.broadcast %squeeze3A : f32 to vector<16xf32>
        %mul3A_113 = arith.mulf %get3A_111, %mul3A_112 : vector<16xf32>
        %swap3A_114 = arith.index_cast %add3A_85 : i32 to index
        %swap3A_115 = arith.constant 48 : index
        %swap3A_116 = tpu.vector_load %arg16[%swap3A_114, %swap3A_115] {strides = array<i32>} : memref<128x128xf32, #tpu.memory_space<vmem>>, vector<16xf32>,
        tpu.vector_store %arg16[%swap3A_114, %swap3A_115], %mul3A_113 {strides = array<i32>} : memref<128x128xf32, #tpu.memory_space<vmem>>, vector<16xf32>,
        %get3A_117 = arith.index_cast %add3A_85 : i32 to index
        %get3A_118 = arith.constant 64 : index
        %get3A_119 = tpu.vector_load %arg16[%get3A_117, %get3A_118] {strides = array<i32>} : memref<128x128xf32, #tpu.memory_space<vmem>>, vector<16xf32>,
        %mul3A_120 = vector.broadcast %squeeze3A : f32 to vector<16xf32>
        %mul3A_121 = arith.mulf %get3A_119, %mul3A_120 : vector<16xf32>
        %swap3A_122 = arith.index_cast %add3A_85 : i32 to index
        %swap3A_123 = arith.constant 64 : index
        %swap3A_124 = tpu.vector_load %arg16[%swap3A_122, %swap3A_123] {strides = array<i32>} : memref<128x128xf32, #tpu.memory_space<vmem>>, vector<16xf32>,
        tpu.vector_store %arg16[%swap3A_122, %swap3A_123], %mul3A_121 {strides = array<i32>} : memref<128x128xf32, #tpu.memory_space<vmem>>, vector<16xf32>,
        %get3A_125 = arith.index_cast %add3A_85 : i32 to index
        %get3A_126 = arith.constant 80 : index
        %get3A_127 = tpu.vector_load %arg16[%get3A_125, %get3A_126] {strides = array<i32>} : memref<128x128xf32, #tpu.memory_space<vmem>>, vector<16xf32>,
        %mul3A_128 = vector.broadcast %squeeze3A : f32 to vector<16xf32>
        %mul3A_129 = arith.mulf %get3A_127, %mul3A_128 : vector<16xf32>
        %swap3A_130 = arith.index_cast %add3A_85 : i32 to index
        %swap3A_131 = arith.constant 80 : index
        %swap3A_132 = tpu.vector_load %arg16[%swap3A_130, %swap3A_131] {strides = array<i32>} : memref<128x128xf32, #tpu.memory_space<vmem>>, vector<16xf32>,
        tpu.vector_store %arg16[%swap3A_130, %swap3A_131], %mul3A_129 {strides = array<i32>} : memref<128x128xf32, #tpu.memory_space<vmem>>, vector<16xf32>,
        %get3A_133 = arith.index_cast %add3A_85 : i32 to index
        %get3A_134 = arith.constant 96 : index
        %get3A_135 = tpu.vector_load %arg16[%get3A_133, %get3A_134] {strides = array<i32>} : memref<128x128xf32, #tpu.memory_space<vmem>>, vector<16xf32>,
        %mul3A_136 = vector.broadcast %squeeze3A : f32 to vector<16xf32>
        %mul3A_137 = arith.mulf %get3A_135, %mul3A_136 : vector<16xf32>
        %swap3A_138 = arith.index_cast %add3A_85 : i32 to index
        %swap3A_139 = arith.constant 96 : index
        %swap3A_140 = tpu.vector_load %arg16[%swap3A_138, %swap3A_139] {strides = array<i32>} : memref<128x128xf32, #tpu.memory_space<vmem>>, vector<16xf32>,
        tpu.vector_store %arg16[%swap3A_138, %swap3A_139], %mul3A_137 {strides = array<i32>} : memref<128x128xf32, #tpu.memory_space<vmem>>, vector<16xf32>,
        %get3A_141 = arith.index_cast %add3A_85 : i32 to index
        %get3A_142 = arith.constant 112 : index
        %get3A_143 = tpu.vector_load %arg16[%get3A_141, %get3A_142] {strides = array<i32>} : memref<128x128xf32, #tpu.memory_space<vmem>>, vector<16xf32>,
        %mul3A_144 = vector.broadcast %squeeze3A : f32 to vector<16xf32>
        %mul3A_145 = arith.mulf %get3A_143, %mul3A_144 : vector<16xf32>
        %swap3A_146 = arith.index_cast %add3A_85 : i32 to index
        %swap3A_147 = arith.constant 112 : index
        %swap3A_148 = tpu.vector_load %arg16[%swap3A_146, %swap3A_147] {strides = array<i32>} : memref<128x128xf32, #tpu.memory_space<vmem>>, vector<16xf32>,
        tpu.vector_store %arg16[%swap3A_146, %swap3A_147], %mul3A_145 {strides = array<i32>} : memref<128x128xf32, #tpu.memory_space<vmem>>, vector<16xf32>,
        %mul3A_149 = arith.constant 16 : i32
        %mul3A_150 = arith.muli %scan3A_75, %mul3A_149 : i32
        %add3A_151 = arith.constant 1 : i32
        %add3A_152 = arith.addi %mul3A_150, %add3A_151 : i32
        %slice3A_153 = vector.extract_strided_slice %mul3A_81 {offsets = [1], sizes = [1], strides = [1]} : vector<16xf32> to vector<1xf32>
        %squeeze3A_154 = vector.extract %slice3A_153[0] : f32 from vector<1xf32>
        %get3A_155 = arith.index_cast %add3A_152 : i32 to index
        %get3A_156 = arith.constant 0 : index
        %get3A_157 = tpu.vector_load %arg16[%get3A_155, %get3A_156] {strides = array<i32>} : memref<128x128xf32, #tpu.memory_space<vmem>>, vector<16xf32>,
        %mul3A_158 = vector.broadcast %squeeze3A_154 : f32 to vector<16xf32>
        %mul3A_159 = arith.mulf %get3A_157, %mul3A_158 : vector<16xf32>
        %swap3A_160 = arith.index_cast %add3A_152 : i32 to index
        %swap3A_161 = arith.constant 0 : index
        %swap3A_162 = tpu.vector_load %arg16[%swap3A_160, %swap3A_161] {strides = array<i32>} : memref<128x128xf32, #tpu.memory_space<vmem>>, vector<16xf32>,
        tpu.vector_store %arg16[%swap3A_160, %swap3A_161], %mul3A_159 {strides = array<i32>} : memref<128x128xf32, #tpu.memory_space<vmem>>, vector<16xf32>,
        %get3A_163 = arith.index_cast %add3A_152 : i32 to index
        %get3A_164 = arith.constant 16 : index
        %get3A_165 = tpu.vector_load %arg16[%get3A_163, %get3A_164] {strides = array<i32>} : memref<128x128xf32, #tpu.memory_space<vmem>>, vector<16xf32>,
        %mul3A_166 = vector.broadcast %squeeze3A_154 : f32 to vector<16xf32>
        %mul3A_167 = arith.mulf %get3A_165, %mul3A_166 : vector<16xf32>
        %swap3A_168 = arith.index_cast %add3A_152 : i32 to index
        %swap3A_169 = arith.constant 16 : index
        %swap3A_170 = tpu.vector_load %arg16[%swap3A_168, %swap3A_169] {strides = array<i32>} : memref<128x128xf32, #tpu.memory_space<vmem>>, vector<16xf32>,
        tpu.vector_store %arg16[%swap3A_168, %swap3A_169], %mul3A_167 {strides = array<i32>} : memref<128x128xf32, #tpu.memory_space<vmem>>, vector<16xf32>,
        %get3A_171 = arith.index_cast %add3A_152 : i32 to index
        %get3A_172 = arith.constant 32 : index
        %get3A_173 = tpu.vector_load %arg16[%get3A_171, %get3A_172] {strides = array<i32>} : memref<128x128xf32, #tpu.memory_space<vmem>>, vector<16xf32>,
        %mul3A_174 = vector.broadcast %squeeze3A_154 : f32 to vector<16xf32>
        %mul3A_175 = arith.mulf %get3A_173, %mul3A_174 : vector<16xf32>
        %swap3A_176 = arith.index_cast %add3A_152 : i32 to index
        %swap3A_177 = arith.constant 32 : index
        %swap3A_178 = tpu.vector_load %arg16[%swap3A_176, %swap3A_177] {strides = array<i32>} : memref<128x128xf32, #tpu.memory_space<vmem>>, vector<16xf32>,
        tpu.vector_store %arg16[%swap3A_176, %swap3A_177], %mul3A_175 {strides = array<i32>} : memref<128x128xf32, #tpu.memory_space<vmem>>, vector<16xf32>,
        %get3A_179 = arith.index_cast %add3A_152 : i32 to index
        %get3A_180 = arith.constant 48 : index
        %get3A_181 = tpu.vector_load %arg16[%get3A_179, %get3A_180] {strides = array<i32>} : memref<128x128xf32, #tpu.memory_space<vmem>>, vector<16xf32>,
        %mul3A_182 = vector.broadcast %squeeze3A_154 : f32 to vector<16xf32>
        %mul3A_183 = arith.mulf %get3A_181, %mul3A_182 : vector<16xf32>
        %swap3A_184 = arith.index_cast %add3A_152 : i32 to index
        %swap3A_185 = arith.constant 48 : index
        %swap3A_186 = tpu.vector_load %arg16[%swap3A_184, %swap3A_185] {strides = array<i32>} : memref<128x128xf32, #tpu.memory_space<vmem>>, vector<16xf32>,
        tpu.vector_store %arg16[%swap3A_184, %swap3A_185], %mul3A_183 {strides = array<i32>} : memref<128x128xf32, #tpu.memory_space<vmem>>, vector<16xf32>,
        %get3A_187 = arith.index_cast %add3A_152 : i32 to index
        %get3A_188 = arith.constant 64 : index
        %get3A_189 = tpu.vector_load %arg16[%get3A_187, %get3A_188] {strides = array<i32>} : memref<128x128xf32, #tpu.memory_space<vmem>>, vector<16xf32>,
        %mul3A_190 = vector.broadcast %squeeze3A_154 : f32 to vector<16xf32>
        %mul3A_191 = arith.mulf %get3A_189, %mul3A_190 : vector<16xf32>
        %swap3A_192 = arith.index_cast %add3A_152 : i32 to index
        %swap3A_193 = arith.constant 64 : index
        %swap3A_194 = tpu.vector_load %arg16[%swap3A_192, %swap3A_193] {strides = array<i32>} : memref<128x128xf32, #tpu.memory_space<vmem>>, vector<16xf32>,
        tpu.vector_store %arg16[%swap3A_192, %swap3A_193], %mul3A_191 {strides = array<i32>} : memref<128x128xf32, #tpu.memory_space<vmem>>, vector<16xf32>,
        %get3A_195 = arith.index_cast %add3A_152 : i32 to index
        %get3A_196 = arith.constant 80 : index
        %get3A_197 = tpu.vector_load %arg16[%get3A_195, %get3A_196] {strides = array<i32>} : memref<128x128xf32, #tpu.memory_space<vmem>>, vector<16xf32>,
        %mul3A_198 = vector.broadcast %squeeze3A_154 : f32 to vector<16xf32>
        %mul3A_199 = arith.mulf %get3A_197, %mul3A_198 : vector<16xf32>
        %swap3A_200 = arith.index_cast %add3A_152 : i32 to index
        %swap3A_201 = arith.constant 80 : index
        %swap3A_202 = tpu.vector_load %arg16[%swap3A_200, %swap3A_201] {strides = array<i32>} : memref<128x128xf32, #tpu.memory_space<vmem>>, vector<16xf32>,
        tpu.vector_store %arg16[%swap3A_200, %swap3A_201], %mul3A_199 {strides = array<i32>} : memref<128x128xf32, #tpu.memory_space<vmem>>, vector<16xf32>,
        %get3A_203 = arith.index_cast %add3A_152 : i32 to index
        %get3A_204 = arith.constant 96 : index
        %get3A_205 = tpu.vector_load %arg16[%get3A_203, %get3A_204] {strides = array<i32>} : memref<128x128xf32, #tpu.memory_space<vmem>>, vector<16xf32>,
        %mul3A_206 = vector.broadcast %squeeze3A_154 : f32 to vector<16xf32>
        %mul3A_207 = arith.mulf %get3A_205, %mul3A_206 : vector<16xf32>
        %swap3A_208 = arith.index_cast %add3A_152 : i32 to index
        %swap3A_209 = arith.constant 96 : index
        %swap3A_210 = tpu.vector_load %arg16[%swap3A_208, %swap3A_209] {strides = array<i32>} : memref<128x128xf32, #tpu.memory_space<vmem>>, vector<16xf32>,
        tpu.vector_store %arg16[%swap3A_208, %swap3A_209], %mul3A_207 {strides = array<i32>} : memref<128x128xf32, #tpu.memory_space<vmem>>, vector<16xf32>,
        %get3A_211 = arith.index_cast %add3A_152 : i32 to index
        %get3A_212 = arith.constant 112 : index
        %get3A_213 = tpu.vector_load %arg16[%get3A_211, %get3A_212] {strides = array<i32>} : memref<128x128xf32, #tpu.memory_space<vmem>>, vector<16xf32>,
        %mul3A_214 = vector.broadcast %squeeze3A_154 : f32 to vector<16xf32>
        %mul3A_215 = arith.mulf %get3A_213, %mul3A_214 : vector<16xf32>
        %swap3A_216 = arith.index_cast %add3A_152 : i32 to index
        %swap3A_217 = arith.constant 112 : index
        %swap3A_218 = tpu.vector_load %arg16[%swap3A_216, %swap3A_217] {strides = array<i32>} : memref<128x128xf32, #tpu.memory_space<vmem>>, vector<16xf32>,
        tpu.vector_store %arg16[%swap3A_216, %swap3A_217], %mul3A_215 {strides = array<i32>} : memref<128x128xf32, #tpu.memory_space<vmem>>, vector<16xf32>,
        %mul3A_219 = arith.constant 16 : i32
        %mul3A_220 = arith.muli %scan3A_75, %mul3A_219 : i32
        %add3A_221 = arith.constant 2 : i32
        %add3A_222 = arith.addi %mul3A_220, %add3A_221 : i32
        %slice3A_223 = vector.extract_strided_slice %mul3A_81 {offsets = [2], sizes = [1], strides = [1]} : vector<16xf32> to vector<1xf32>
        %squeeze3A_224 = vector.extract %slice3A_223[0] : f32 from vector<1xf32>
        %get3A_225 = arith.index_cast %add3A_222 : i32 to index
        %get3A_226 = arith.constant 0 : index
        %get3A_227 = tpu.vector_load %arg16[%get3A_225, %get3A_226] {strides = array<i32>} : memref<128x128xf32, #tpu.memory_space<vmem>>, vector<16xf32>,
        %mul3A_228 = vector.broadcast %squeeze3A_224 : f32 to vector<16xf32>
        %mul3A_229 = arith.mulf %get3A_227, %mul3A_228 : vector<16xf32>
        %swap3A_230 = arith.index_cast %add3A_222 : i32 to index
        %swap3A_231 = arith.constant 0 : index
        %swap3A_232 = tpu.vector_load %arg16[%swap3A_230, %swap3A_231] {strides = array<i32>} : memref<128x128xf32, #tpu.memory_space<vmem>>, vector<16xf32>,
        tpu.vector_store %arg16[%swap3A_230, %swap3A_231], %mul3A_229 {strides = array<i32>} : memref<128x128xf32, #tpu.memory_space<vmem>>, vector<16xf32>,
        %get3A_233 = arith.index_cast %add3A_222 : i32 to index
        %get3A_234 = arith.constant 16 : index
        %get3A_235 = tpu.vector_load %arg16[%get3A_233, %get3A_234] {strides = array<i32>} : memref<128x128xf32, #tpu.memory_space<vmem>>, vector<16xf32>,
        %mul3A_236 = vector.broadcast %squeeze3A_224 : f32 to vector<16xf32>
        %mul3A_237 = arith.mulf %get3A_235, %mul3A_236 : vector<16xf32>
        %swap3A_238 = arith.index_cast %add3A_222 : i32 to index
        %swap3A_239 = arith.constant 16 : index
        %swap3A_240 = tpu.vector_load %arg16[%swap3A_238, %swap3A_239] {strides = array<i32>} : memref<128x128xf32, #tpu.memory_space<vmem>>, vector<16xf32>,
        tpu.vector_store %arg16[%swap3A_238, %swap3A_239], %mul3A_237 {strides = array<i32>} : memref<128x128xf32, #tpu.memory_space<vmem>>, vector<16xf32>,
        %get3A_241 = arith.index_cast %add3A_222 : i32 to index
        %get3A_242 = arith.constant 32 : index
        %get3A_243 = tpu.vector_load %arg16[%get3A_241, %get3A_242] {strides = array<i32>} : memref<128x128xf32, #tpu.memory_space<vmem>>, vector<16xf32>,
        %mul3A_244 = vector.broadcast %squeeze3A_224 : f32 to vector<16xf32>
        %mul3A_245 = arith.mulf %get3A_243, %mul3A_244 : vector<16xf32>
        %swap3A_246 = arith.index_cast %add3A_222 : i32 to index
        %swap3A_247 = arith.constant 32 : index
        %swap3A_248 = tpu.vector_load %arg16[%swap3A_246, %swap3A_247] {strides = array<i32>} : memref<128x128xf32, #tpu.memory_space<vmem>>, vector<16xf32>,
        tpu.vector_store %arg16[%swap3A_246, %swap3A_247], %mul3A_245 {strides = array<i32>} : memref<128x128xf32, #tpu.memory_space<vmem>>, vector<16xf32>,
        %get3A_249 = arith.index_cast %add3A_222 : i32 to index
        %get3A_250 = arith.constant 48 : index
        %get3A_251 = tpu.vector_load %arg16[%get3A_249, %get3A_250] {strides = array<i32>} : memref<128x128xf32, #tpu.memory_space<vmem>>, vector<16xf32>,
        %mul3A_252 = vector.broadcast %squeeze3A_224 : f32 to vector<16xf32>
        %mul3A_253 = arith.mulf %get3A_251, %mul3A_252 : vector<16xf32>
        %swap3A_254 = arith.index_cast %add3A_222 : i32 to index
        %swap3A_255 = arith.constant 48 : index
        %swap3A_256 = tpu.vector_load %arg16[%swap3A_254, %swap3A_255] {strides = array<i32>} : memref<128x128xf32, #tpu.memory_space<vmem>>, vector<16xf32>,
        tpu.vector_store %arg16[%swap3A_254, %swap3A_255], %mul3A_253 {strides = array<i32>} : memref<128x128xf32, #tpu.memory_space<vmem>>, vector<16xf32>,
        %get3A_257 = arith.index_cast %add3A_222 : i32 to index
        %get3A_258 = arith.constant 64 : index
        %get3A_259 = tpu.vector_load %arg16[%get3A_257, %get3A_258] {strides = array<i32>} : memref<128x128xf32, #tpu.memory_space<vmem>>, vector<16xf32>,
        %mul3A_260 = vector.broadcast %squeeze3A_224 : f32 to vector<16xf32>
        %mul3A_261 = arith.mulf %get3A_259, %mul3A_260 : vector<16xf32>
        %swap3A_262 = arith.index_cast %add3A_222 : i32 to index
        %swap3A_263 = arith.constant 64 : index
        %swap3A_264 = tpu.vector_load %arg16[%swap3A_262, %swap3A_263] {strides = array<i32>} : memref<128x128xf32, #tpu.memory_space<vmem>>, vector<16xf32>,
        tpu.vector_store %arg16[%swap3A_262, %swap3A_263], %mul3A_261 {strides = array<i32>} : memref<128x128xf32, #tpu.memory_space<vmem>>, vector<16xf32>,
        %get3A_265 = arith.index_cast %add3A_222 : i32 to index
        %get3A_266 = arith.constant 80 : index
        %get3A_267 = tpu.vector_load %arg16[%get3A_265, %get3A_266] {strides = array<i32>} : memref<128x128xf32, #tpu.memory_space<vmem>>, vector<16xf32>,
        %mul3A_268 = vector.broadcast %squeeze3A_224 : f32 to vector<16xf32>
        %mul3A_269 = arith.mulf %get3A_267, %mul3A_268 : vector<16xf32>
        %swap3A_270 = arith.index_cast %add3A_222 : i32 to index
        %swap3A_271 = arith.constant 80 : index
        %swap3A_272 = tpu.vector_load %arg16[%swap3A_270, %swap3A_271] {strides = array<i32>} : memref<128x128xf32, #tpu.memory_space<vmem>>, vector<16xf32>,
        tpu.vector_store %arg16[%swap3A_270, %swap3A_271], %mul3A_269 {strides = array<i32>} : memref<128x128xf32, #tpu.memory_space<vmem>>, vector<16xf32>,
        %get3A_273 = arith.index_cast %add3A_222 : i32 to index
        %get3A_274 = arith.constant 96 : index
        %get3A_275 = tpu.vector_load %arg16[%get3A_273, %get3A_274] {strides = array<i32>} : memref<128x128xf32, #tpu.memory_space<vmem>>, vector<16xf32>,
        %mul3A_276 = vector.broadcast %squeeze3A_224 : f32 to vector<16xf32>
        %mul3A_277 = arith.mulf %get3A_275, %mul3A_276 : vector<16xf32>
        %swap3A_278 = arith.index_cast %add3A_222 : i32 to index
        %swap3A_279 = arith.constant 96 : index
        %swap3A_280 = tpu.vector_load %arg16[%swap3A_278, %swap3A_279] {strides = array<i32>} : memref<128x128xf32, #tpu.memory_space<vmem>>, vector<16xf32>,
        tpu.vector_store %arg16[%swap3A_278, %swap3A_279], %mul3A_277 {strides = array<i32>} : memref<128x128xf32, #tpu.memory_space<vmem>>, vector<16xf32>,
        %get3A_281 = arith.index_cast %add3A_222 : i32 to index
        %get3A_282 = arith.constant 112 : index
        %get3A_283 = tpu.vector_load %arg16[%get3A_281, %get3A_282] {strides = array<i32>} : memref<128x128xf32, #tpu.memory_space<vmem>>, vector<16xf32>,
        %mul3A_284 = vector.broadcast %squeeze3A_224 : f32 to vector<16xf32>
        %mul3A_285 = arith.mulf %get3A_283, %mul3A_284 : vector<16xf32>
        %swap3A_286 = arith.index_cast %add3A_222 : i32 to index
        %swap3A_287 = arith.constant 112 : index
        %swap3A_288 = tpu.vector_load %arg16[%swap3A_286, %swap3A_287] {strides = array<i32>} : memref<128x128xf32, #tpu.memory_space<vmem>>, vector<16xf32>,
        tpu.vector_store %arg16[%swap3A_286, %swap3A_287], %mul3A_285 {strides = array<i32>} : memref<128x128xf32, #tpu.memory_space<vmem>>, vector<16xf32>,
        %mul3A_289 = arith.constant 16 : i32
        %mul3A_290 = arith.muli %scan3A_75, %mul3A_289 : i32
        %add3A_291 = arith.constant 3 : i32
        %add3A_292 = arith.addi %mul3A_290, %add3A_291 : i32
        %slice3A_293 = vector.extract_strided_slice %mul3A_81 {offsets = [3], sizes = [1], strides = [1]} : vector<16xf32> to vector<1xf32>
        %squeeze3A_294 = vector.extract %slice3A_293[0] : f32 from vector<1xf32>
        %get3A_295 = arith.index_cast %add3A_292 : i32 to index
        %get3A_296 = arith.constant 0 : index
        %get3A_297 = tpu.vector_load %arg16[%get3A_295, %get3A_296] {strides = array<i32>} : memref<128x128xf32, #tpu.memory_space<vmem>>, vector<16xf32>,
        %mul3A_298 = vector.broadcast %squeeze3A_294 : f32 to vector<16xf32>
        %mul3A_299 = arith.mulf %get3A_297, %mul3A_298 : vector<16xf32>
        %swap3A_300 = arith.index_cast %add3A_292 : i32 to index
        %swap3A_301 = arith.constant 0 : index
        %swap3A_302 = tpu.vector_load %arg16[%swap3A_300, %swap3A_301] {strides = array<i32>} : memref<128x128xf32, #tpu.memory_space<vmem>>, vector<16xf32>,
        tpu.vector_store %arg16[%swap3A_300, %swap3A_301], %mul3A_299 {strides = array<i32>} : memref<128x128xf32, #tpu.memory_space<vmem>>, vector<16xf32>,
        %get3A_303 = arith.index_cast %add3A_292 : i32 to index
        %get3A_304 = arith.constant 16 : index
        %get3A_305 = tpu.vector_load %arg16[%get3A_303, %get3A_304] {strides = array<i32>} : memref<128x128xf32, #tpu.memory_space<vmem>>, vector<16xf32>,
        %mul3A_306 = vector.broadcast %squeeze3A_294 : f32 to vector<16xf32>
        %mul3A_307 = arith.mulf %get3A_305, %mul3A_306 : vector<16xf32>
        %swap3A_308 = arith.index_cast %add3A_292 : i32 to index
        %swap3A_309 = arith.constant 16 : index
        %swap3A_310 = tpu.vector_load %arg16[%swap3A_308, %swap3A_309] {strides = array<i32>} : memref<128x128xf32, #tpu.memory_space<vmem>>, vector<16xf32>,
        tpu.vector_store %arg16[%swap3A_308, %swap3A_309], %mul3A_307 {strides = array<i32>} : memref<128x128xf32, #tpu.memory_space<vmem>>, vector<16xf32>,
        %get3A_311 = arith.index_cast %add3A_292 : i32 to index
        %get3A_312 = arith.constant 32 : index
        %get3A_313 = tpu.vector_load %arg16[%get3A_311, %get3A_312] {strides = array<i32>} : memref<128x128xf32, #tpu.memory_space<vmem>>, vector<16xf32>,
        %mul3A_314 = vector.broadcast %squeeze3A_294 : f32 to vector<16xf32>
        %mul3A_315 = arith.mulf %get3A_313, %mul3A_314 : vector<16xf32>
        %swap3A_316 = arith.index_cast %add3A_292 : i32 to index
        %swap3A_317 = arith.constant 32 : index
        %swap3A_318 = tpu.vector_load %arg16[%swap3A_316, %swap3A_317] {strides = array<i32>} : memref<128x128xf32, #tpu.memory_space<vmem>>, vector<16xf32>,
        tpu.vector_store %arg16[%swap3A_316, %swap3A_317], %mul3A_315 {strides = array<i32>} : memref<128x128xf32, #tpu.memory_space<vmem>>, vector<16xf32>,
        %get3A_319 = arith.index_cast %add3A_292 : i32 to index
        %get3A_320 = arith.constant 48 : index
        %get3A_321 = tpu.vector_load %arg16[%get3A_319, %get3A_320] {strides = array<i32>} : memref<128x128xf32, #tpu.memory_space<vmem>>, vector<16xf32>,
        %mul3A_322 = vector.broadcast %squeeze3A_294 : f32 to vector<16xf32>
        %mul3A_323 = arith.mulf %get3A_321, %mul3A_322 : vector<16xf32>
        %swap3A_324 = arith.index_cast %add3A_292 : i32 to index
        %swap3A_325 = arith.constant 48 : index
        %swap3A_326 = tpu.vector_load %arg16[%swap3A_324, %swap3A_325] {strides = array<i32>} : memref<128x128xf32, #tpu.memory_space<vmem>>, vector<16xf32>,
        tpu.vector_store %arg16[%swap3A_324, %swap3A_325], %mul3A_323 {strides = array<i32>} : memref<128x128xf32, #tpu.memory_space<vmem>>, vector<16xf32>,
        %get3A_327 = arith.index_cast %add3A_292 : i32 to index
        %get3A_328 = arith.constant 64 : index
        %get3A_329 = tpu.vector_load %arg16[%get3A_327, %get3A_328] {strides = array<i32>} : memref<128x128xf32, #tpu.memory_space<vmem>>, vector<16xf32>,
        %mul3A_330 = vector.broadcast %squeeze3A_294 : f32 to vector<16xf32>
        %mul3A_331 = arith.mulf %get3A_329, %mul3A_330 : vector<16xf32>
        %swap3A_332 = arith.index_cast %add3A_292 : i32 to index
        %swap3A_333 = arith.constant 64 : index
        %swap3A_334 = tpu.vector_load %arg16[%swap3A_332, %swap3A_333] {strides = array<i32>} : memref<128x128xf32, #tpu.memory_space<vmem>>, vector<16xf32>,
        tpu.vector_store %arg16[%swap3A_332, %swap3A_333], %mul3A_331 {strides = array<i32>} : memref<128x128xf32, #tpu.memory_space<vmem>>, vector<16xf32>,
        %get3A_335 = arith.index_cast %add3A_292 : i32 to index
        %get3A_336 = arith.constant 80 : index
        %get3A_337 = tpu.vector_load %arg16[%get3A_335, %get3A_336] {strides = array<i32>} : memref<128x128xf32, #tpu.memory_space<vmem>>, vector<16xf32>,
        %mul3A_338 = vector.broadcast %squeeze3A_294 : f32 to vector<16xf32>
        %mul3A_339 = arith.mulf %get3A_337, %mul3A_338 : vector<16xf32>
        %swap3A_340 = arith.index_cast %add3A_292 : i32 to index
        %swap3A_341 = arith.constant 80 : index
        %swap3A_342 = tpu.vector_load %arg16[%swap3A_340, %swap3A_341] {strides = array<i32>} : memref<128x128xf32, #tpu.memory_space<vmem>>, vector<16xf32>,
        tpu.vector_store %arg16[%swap3A_340, %swap3A_341], %mul3A_339 {strides = array<i32>} : memref<128x128xf32, #tpu.memory_space<vmem>>, vector<16xf32>,
        %get3A_343 = arith.index_cast %add3A_292 : i32 to index
        %get3A_344 = arith.constant 96 : index
        %get3A_345 = tpu.vector_load %arg16[%get3A_343, %get3A_344] {strides = array<i32>} : memref<128x128xf32, #tpu.memory_space<vmem>>, vector<16xf32>,
        %mul3A_346 = vector.broadcast %squeeze3A_294 : f32 to vector<16xf32>
        %mul3A_347 = arith.mulf %get3A_345, %mul3A_346 : vector<16xf32>
        %swap3A_348 = arith.index_cast %add3A_292 : i32 to index
        %swap3A_349 = arith.constant 96 : index
        %swap3A_350 = tpu.vector_load %arg16[%swap3A_348, %swap3A_349] {strides = array<i32>} : memref<128x128xf32, #tpu.memory_space<vmem>>, vector<16xf32>,
        tpu.vector_store %arg16[%swap3A_348, %swap3A_349], %mul3A_347 {strides = array<i32>} : memref<128x128xf32, #tpu.memory_space<vmem>>, vector<16xf32>,
        %get3A_351 = arith.index_cast %add3A_292 : i32 to index
        %get3A_352 = arith.constant 112 : index
        %get3A_353 = tpu.vector_load %arg16[%get3A_351, %get3A_352] {strides = array<i32>} : memref<128x128xf32, #tpu.memory_space<vmem>>, vector<16xf32>,
        %mul3A_354 = vector.broadcast %squeeze3A_294 : f32 to vector<16xf32>
        %mul3A_355 = arith.mulf %get3A_353, %mul3A_354 : vector<16xf32>
        %swap3A_356 = arith.index_cast %add3A_292 : i32 to index
        %swap3A_357 = arith.constant 112 : index
        %swap3A_358 = tpu.vector_load %arg16[%swap3A_356, %swap3A_357] {strides = array<i32>} : memref<128x128xf32, #tpu.memory_space<vmem>>, vector<16xf32>,
        tpu.vector_store %arg16[%swap3A_356, %swap3A_357], %mul3A_355 {strides = array<i32>} : memref<128x128xf32, #tpu.memory_space<vmem>>, vector<16xf32>,
        %mul3A_359 = arith.constant 16 : i32
        %mul3A_360 = arith.muli %scan3A_75, %mul3A_359 : i32
        %add3A_361 = arith.constant 4 : i32
        %add3A_362 = arith.addi %mul3A_360, %add3A_361 : i32
        %slice3A_363 = vector.extract_strided_slice %mul3A_81 {offsets = [4], sizes = [1], strides = [1]} : vector<16xf32> to vector<1xf32>
        %squeeze3A_364 = vector.extract %slice3A_363[0] : f32 from vector<1xf32>
        %get3A_365 = arith.index_cast %add3A_362 : i32 to index
        %get3A_366 = arith.constant 0 : index
        %get3A_367 = tpu.vector_load %arg16[%get3A_365, %get3A_366] {strides = array<i32>} : memref<128x128xf32, #tpu.memory_space<vmem>>, vector<16xf32>,
        %mul3A_368 = vector.broadcast %squeeze3A_364 : f32 to vector<16xf32>
        %mul3A_369 = arith.mulf %get3A_367, %mul3A_368 : vector<16xf32>
        %swap3A_370 = arith.index_cast %add3A_362 : i32 to index
        %swap3A_371 = arith.constant 0 : index
        %swap3A_372 = tpu.vector_load %arg16[%swap3A_370, %swap3A_371] {strides = array<i32>} : memref<128x128xf32, #tpu.memory_space<vmem>>, vector<16xf32>,
        tpu.vector_store %arg16[%swap3A_370, %swap3A_371], %mul3A_369 {strides = array<i32>} : memref<128x128xf32, #tpu.memory_space<vmem>>, vector<16xf32>,
        %get3A_373 = arith.index_cast %add3A_362 : i32 to index
        %get3A_374 = arith.constant 16 : index
        %get3A_375 = tpu.vector_load %arg16[%get3A_373, %get3A_374] {strides = array<i32>} : memref<128x128xf32, #tpu.memory_space<vmem>>, vector<16xf32>,
        %mul3A_376 = vector.broadcast %squeeze3A_364 : f32 to vector<16xf32>
        %mul3A_377 = arith.mulf %get3A_375, %mul3A_376 : vector<16xf32>
        %swap3A_378 = arith.index_cast %add3A_362 : i32 to index
        %swap3A_379 = arith.constant 16 : index
        %swap3A_380 = tpu.vector_load %arg16[%swap3A_378, %swap3A_379] {strides = array<i32>} : memref<128x128xf32, #tpu.memory_space<vmem>>, vector<16xf32>,
        tpu.vector_store %arg16[%swap3A_378, %swap3A_379], %mul3A_377 {strides = array<i32>} : memref<128x128xf32, #tpu.memory_space<vmem>>, vector<16xf32>,
        %get3A_381 = arith.index_cast %add3A_362 : i32 to index
        %get3A_382 = arith.constant 32 : index
        %get3A_383 = tpu.vector_load %arg16[%get3A_381, %get3A_382] {strides = array<i32>} : memref<128x128xf32, #tpu.memory_space<vmem>>, vector<16xf32>,
        %mul3A_384 = vector.broadcast %squeeze3A_364 : f32 to vector<16xf32>
        %mul3A_385 = arith.mulf %get3A_383, %mul3A_384 : vector<16xf32>
        %swap3A_386 = arith.index_cast %add3A_362 : i32 to index
        %swap3A_387 = arith.constant 32 : index
        %swap3A_388 = tpu.vector_load %arg16[%swap3A_386, %swap3A_387] {strides = array<i32>} : memref<128x128xf32, #tpu.memory_space<vmem>>, vector<16xf32>,
        tpu.vector_store %arg16[%swap3A_386, %swap3A_387], %mul3A_385 {strides = array<i32>} : memref<128x128xf32, #tpu.memory_space<vmem>>, vector<16xf32>,
        %get3A_389 = arith.index_cast %add3A_362 : i32 to index
        %get3A_390 = arith.constant 48 : index
        %get3A_391 = tpu.vector_load %arg16[%get3A_389, %get3A_390] {strides = array<i32>} : memref<128x128xf32, #tpu.memory_space<vmem>>, vector<16xf32>,
        %mul3A_392 = vector.broadcast %squeeze3A_364 : f32 to vector<16xf32>
        %mul3A_393 = arith.mulf %get3A_391, %mul3A_392 : vector<16xf32>
        %swap3A_394 = arith.index_cast %add3A_362 : i32 to index
        %swap3A_395 = arith.constant 48 : index
        %swap3A_396 = tpu.vector_load %arg16[%swap3A_394, %swap3A_395] {strides = array<i32>} : memref<128x128xf32, #tpu.memory_space<vmem>>, vector<16xf32>,
        tpu.vector_store %arg16[%swap3A_394, %swap3A_395], %mul3A_393 {strides = array<i32>} : memref<128x128xf32, #tpu.memory_space<vmem>>, vector<16xf32>,
        %get3A_397 = arith.index_cast %add3A_362 : i32 to index
        %get3A_398 = arith.constant 64 : index
        %get3A_399 = tpu.vector_load %arg16[%get3A_397, %get3A_398] {strides = array<i32>} : memref<128x128xf32, #tpu.memory_space<vmem>>, vector<16xf32>,
        %mul3A_400 = vector.broadcast %squeeze3A_364 : f32 to vector<16xf32>
        %mul3A_401 = arith.mulf %get3A_399, %mul3A_400 : vector<16xf32>
        %swap3A_402 = arith.index_cast %add3A_362 : i32 to index
        %swap3A_403 = arith.constant 64 : index
        %swap3A_404 = tpu.vector_load %arg16[%swap3A_402, %swap3A_403] {strides = array<i32>} : memref<128x128xf32, #tpu.memory_space<vmem>>, vector<16xf32>,
        tpu.vector_store %arg16[%swap3A_402, %swap3A_403], %mul3A_401 {strides = array<i32>} : memref<128x128xf32, #tpu.memory_space<vmem>>, vector<16xf32>,
        %get3A_405 = arith.index_cast %add3A_362 : i32 to index
        %get3A_406 = arith.constant 80 : index
        %get3A_407 = tpu.vector_load %arg16[%get3A_405, %get3A_406] {strides = array<i32>} : memref<128x128xf32, #tpu.memory_space<vmem>>, vector<16xf32>,
        %mul3A_408 = vector.broadcast %squeeze3A_364 : f32 to vector<16xf32>
        %mul3A_409 = arith.mulf %get3A_407, %mul3A_408 : vector<16xf32>
        %swap3A_410 = arith.index_cast %add3A_362 : i32 to index
        %swap3A_411 = arith.constant 80 : index
        %swap3A_412 = tpu.vector_load %arg16[%swap3A_410, %swap3A_411] {strides = array<i32>} : memref<128x128xf32, #tpu.memory_space<vmem>>, vector<16xf32>,
        tpu.vector_store %arg16[%swap3A_410, %swap3A_411], %mul3A_409 {strides = array<i32>} : memref<128x128xf32, #tpu.memory_space<vmem>>, vector<16xf32>,
        %get3A_413 = arith.index_cast %add3A_362 : i32 to index
        %get3A_414 = arith.constant 96 : index
        %get3A_415 = tpu.vector_load %arg16[%get3A_413, %get3A_414] {strides = array<i32>} : memref<128x128xf32, #tpu.memory_space<vmem>>, vector<16xf32>,
        %mul3A_416 = vector.broadcast %squeeze3A_364 : f32 to vector<16xf32>
        %mul3A_417 = arith.mulf %get3A_415, %mul3A_416 : vector<16xf32>
        %swap3A_418 = arith.index_cast %add3A_362 : i32 to index
        %swap3A_419 = arith.constant 96 : index
        %swap3A_420 = tpu.vector_load %arg16[%swap3A_418, %swap3A_419] {strides = array<i32>} : memref<128x128xf32, #tpu.memory_space<vmem>>, vector<16xf32>,
        tpu.vector_store %arg16[%swap3A_418, %swap3A_419], %mul3A_417 {strides = array<i32>} : memref<128x128xf32, #tpu.memory_space<vmem>>, vector<16xf32>,
        %get3A_421 = arith.index_cast %add3A_362 : i32 to index
        %get3A_422 = arith.constant 112 : index
        %get3A_423 = tpu.vector_load %arg16[%get3A_421, %get3A_422] {strides = array<i32>} : memref<128x128xf32, #tpu.memory_space<vmem>>, vector<16xf32>,
        %mul3A_424 = vector.broadcast %squeeze3A_364 : f32 to vector<16xf32>
        %mul3A_425 = arith.mulf %get3A_423, %mul3A_424 : vector<16xf32>
        %swap3A_426 = arith.index_cast %add3A_362 : i32 to index
        %swap3A_427 = arith.constant 112 : index
        %swap3A_428 = tpu.vector_load %arg16[%swap3A_426, %swap3A_427] {strides = array<i32>} : memref<128x128xf32, #tpu.memory_space<vmem>>, vector<16xf32>,
        tpu.vector_store %arg16[%swap3A_426, %swap3A_427], %mul3A_425 {strides = array<i32>} : memref<128x128xf32, #tpu.memory_space<vmem>>, vector<16xf32>,
        %mul3A_429 = arith.constant 16 : i32
        %mul3A_430 = arith.muli %scan3A_75, %mul3A_429 : i32
        %add3A_431 = arith.constant 5 : i32
        %add3A_432 = arith.addi %mul3A_430, %add3A_431 : i32
        %slice3A_433 = vector.extract_strided_slice %mul3A_81 {offsets = [5], sizes = [1], strides = [1]} : vector<16xf32> to vector<1xf32>
        %squeeze3A_434 = vector.extract %slice3A_433[0] : f32 from vector<1xf32>
        %get3A_435 = arith.index_cast %add3A_432 : i32 to index
        %get3A_436 = arith.constant 0 : index
        %get3A_437 = tpu.vector_load %arg16[%get3A_435, %get3A_436] {strides = array<i32>} : memref<128x128xf32, #tpu.memory_space<vmem>>, vector<16xf32>,
        %mul3A_438 = vector.broadcast %squeeze3A_434 : f32 to vector<16xf32>
        %mul3A_439 = arith.mulf %get3A_437, %mul3A_438 : vector<16xf32>
        %swap3A_440 = arith.index_cast %add3A_432 : i32 to index
        %swap3A_441 = arith.constant 0 : index
        %swap3A_442 = tpu.vector_load %arg16[%swap3A_440, %swap3A_441] {strides = array<i32>} : memref<128x128xf32, #tpu.memory_space<vmem>>, vector<16xf32>,
        tpu.vector_store %arg16[%swap3A_440, %swap3A_441], %mul3A_439 {strides = array<i32>} : memref<128x128xf32, #tpu.memory_space<vmem>>, vector<16xf32>,
        %get3A_443 = arith.index_cast %add3A_432 : i32 to index
        %get3A_444 = arith.constant 16 : index
        %get3A_445 = tpu.vector_load %arg16[%get3A_443, %get3A_444] {strides = array<i32>} : memref<128x128xf32, #tpu.memory_space<vmem>>, vector<16xf32>,
        %mul3A_446 = vector.broadcast %squeeze3A_434 : f32 to vector<16xf32>
        %mul3A_447 = arith.mulf %get3A_445, %mul3A_446 : vector<16xf32>
        %swap3A_448 = arith.index_cast %add3A_432 : i32 to index
        %swap3A_449 = arith.constant 16 : index
        %swap3A_450 = tpu.vector_load %arg16[%swap3A_448, %swap3A_449] {strides = array<i32>} : memref<128x128xf32, #tpu.memory_space<vmem>>, vector<16xf32>,
        tpu.vector_store %arg16[%swap3A_448, %swap3A_449], %mul3A_447 {strides = array<i32>} : memref<128x128xf32, #tpu.memory_space<vmem>>, vector<16xf32>,
        %get3A_451 = arith.index_cast %add3A_432 : i32 to index
        %get3A_452 = arith.constant 32 : index
        %get3A_453 = tpu.vector_load %arg16[%get3A_451, %get3A_452] {strides = array<i32>} : memref<128x128xf32, #tpu.memory_space<vmem>>, vector<16xf32>,
        %mul3A_454 = vector.broadcast %squeeze3A_434 : f32 to vector<16xf32>
        %mul3A_455 = arith.mulf %get3A_453, %mul3A_454 : vector<16xf32>
        %swap3A_456 = arith.index_cast %add3A_432 : i32 to index
        %swap3A_457 = arith.constant 32 : index
        %swap3A_458 = tpu.vector_load %arg16[%swap3A_456, %swap3A_457] {strides = array<i32>} : memref<128x128xf32, #tpu.memory_space<vmem>>, vector<16xf32>,
        tpu.vector_store %arg16[%swap3A_456, %swap3A_457], %mul3A_455 {strides = array<i32>} : memref<128x128xf32, #tpu.memory_space<vmem>>, vector<16xf32>,
        %get3A_459 = arith.index_cast %add3A_432 : i32 to index
        %get3A_460 = arith.constant 48 : index
        %get3A_461 = tpu.vector_load %arg16[%get3A_459, %get3A_460] {strides = array<i32>} : memref<128x128xf32, #tpu.memory_space<vmem>>, vector<16xf32>,
        %mul3A_462 = vector.broadcast %squeeze3A_434 : f32 to vector<16xf32>
        %mul3A_463 = arith.mulf %get3A_461, %mul3A_462 : vector<16xf32>
        %swap3A_464 = arith.index_cast %add3A_432 : i32 to index
        %swap3A_465 = arith.constant 48 : index
        %swap3A_466 = tpu.vector_load %arg16[%swap3A_464, %swap3A_465] {strides = array<i32>} : memref<128x128xf32, #tpu.memory_space<vmem>>, vector<16xf32>,
        tpu.vector_store %arg16[%swap3A_464, %swap3A_465], %mul3A_463 {strides = array<i32>} : memref<128x128xf32, #tpu.memory_space<vmem>>, vector<16xf32>,
        %get3A_467 = arith.index_cast %add3A_432 : i32 to index
        %get3A_468 = arith.constant 64 : index
        %get3A_469 = tpu.vector_load %arg16[%get3A_467, %get3A_468] {strides = array<i32>} : memref<128x128xf32, #tpu.memory_space<vmem>>, vector<16xf32>,
        %mul3A_470 = vector.broadcast %squeeze3A_434 : f32 to vector<16xf32>
        %mul3A_471 = arith.mulf %get3A_469, %mul3A_470 : vector<16xf32>
        %swap3A_472 = arith.index_cast %add3A_432 : i32 to index
        %swap3A_473 = arith.constant 64 : index
        %swap3A_474 = tpu.vector_load %arg16[%swap3A_472, %swap3A_473] {strides = array<i32>} : memref<128x128xf32, #tpu.memory_space<vmem>>, vector<16xf32>,
        tpu.vector_store %arg16[%swap3A_472, %swap3A_473], %mul3A_471 {strides = array<i32>} : memref<128x128xf32, #tpu.memory_space<vmem>>, vector<16xf32>,
        %get3A_475 = arith.index_cast %add3A_432 : i32 to index
        %get3A_476 = arith.constant 80 : index
        %get3A_477 = tpu.vector_load %arg16[%get3A_475, %get3A_476] {strides = array<i32>} : memref<128x128xf32, #tpu.memory_space<vmem>>, vector<16xf32>,
        %mul3A_478 = vector.broadcast %squeeze3A_434 : f32 to vector<16xf32>
        %mul3A_479 = arith.mulf %get3A_477, %mul3A_478 : vector<16xf32>
        %swap3A_480 = arith.index_cast %add3A_432 : i32 to index
        %swap3A_481 = arith.constant 80 : index
        %swap3A_482 = tpu.vector_load %arg16[%swap3A_480, %swap3A_481] {strides = array<i32>} : memref<128x128xf32, #tpu.memory_space<vmem>>, vector<16xf32>,
        tpu.vector_store %arg16[%swap3A_480, %swap3A_481], %mul3A_479 {strides = array<i32>} : memref<128x128xf32, #tpu.memory_space<vmem>>, vector<16xf32>,
        %get3A_483 = arith.index_cast %add3A_432 : i32 to index
        %get3A_484 = arith.constant 96 : index
        %get3A_485 = tpu.vector_load %arg16[%get3A_483, %get3A_484] {strides = array<i32>} : memref<128x128xf32, #tpu.memory_space<vmem>>, vector<16xf32>,
        %mul3A_486 = vector.broadcast %squeeze3A_434 : f32 to vector<16xf32>
        %mul3A_487 = arith.mulf %get3A_485, %mul3A_486 : vector<16xf32>
        %swap3A_488 = arith.index_cast %add3A_432 : i32 to index
        %swap3A_489 = arith.constant 96 : index
        %swap3A_490 = tpu.vector_load %arg16[%swap3A_488, %swap3A_489] {strides = array<i32>} : memref<128x128xf32, #tpu.memory_space<vmem>>, vector<16xf32>,
        tpu.vector_store %arg16[%swap3A_488, %swap3A_489], %mul3A_487 {strides = array<i32>} : memref<128x128xf32, #tpu.memory_space<vmem>>, vector<16xf32>,
        %get3A_491 = arith.index_cast %add3A_432 : i32 to index
        %get3A_492 = arith.constant 112 : index
        %get3A_493 = tpu.vector_load %arg16[%get3A_491, %get3A_492] {strides = array<i32>} : memref<128x128xf32, #tpu.memory_space<vmem>>, vector<16xf32>,
        %mul3A_494 = vector.broadcast %squeeze3A_434 : f32 to vector<16xf32>
        %mul3A_495 = arith.mulf %get3A_493, %mul3A_494 : vector<16xf32>
        %swap3A_496 = arith.index_cast %add3A_432 : i32 to index
        %swap3A_497 = arith.constant 112 : index
        %swap3A_498 = tpu.vector_load %arg16[%swap3A_496, %swap3A_497] {strides = array<i32>} : memref<128x128xf32, #tpu.memory_space<vmem>>, vector<16xf32>,
        tpu.vector_store %arg16[%swap3A_496, %swap3A_497], %mul3A_495 {strides = array<i32>} : memref<128x128xf32, #tpu.memory_space<vmem>>, vector<16xf32>,
        %mul3A_499 = arith.constant 16 : i32
        %mul3A_500 = arith.muli %scan3A_75, %mul3A_499 : i32
        %add3A_501 = arith.constant 6 : i32
        %add3A_502 = arith.addi %mul3A_500, %add3A_501 : i32
        %slice3A_503 = vector.extract_strided_slice %mul3A_81 {offsets = [6], sizes = [1], strides = [1]} : vector<16xf32> to vector<1xf32>
        %squeeze3A_504 = vector.extract %slice3A_503[0] : f32 from vector<1xf32>
        %get3A_505 = arith.index_cast %add3A_502 : i32 to index
        %get3A_506 = arith.constant 0 : index
        %get3A_507 = tpu.vector_load %arg16[%get3A_505, %get3A_506] {strides = array<i32>} : memref<128x128xf32, #tpu.memory_space<vmem>>, vector<16xf32>,
        %mul3A_508 = vector.broadcast %squeeze3A_504 : f32 to vector<16xf32>
        %mul3A_509 = arith.mulf %get3A_507, %mul3A_508 : vector<16xf32>
        %swap3A_510 = arith.index_cast %add3A_502 : i32 to index
        %swap3A_511 = arith.constant 0 : index
        %swap3A_512 = tpu.vector_load %arg16[%swap3A_510, %swap3A_511] {strides = array<i32>} : memref<128x128xf32, #tpu.memory_space<vmem>>, vector<16xf32>,
        tpu.vector_store %arg16[%swap3A_510, %swap3A_511], %mul3A_509 {strides = array<i32>} : memref<128x128xf32, #tpu.memory_space<vmem>>, vector<16xf32>,
        %get3A_513 = arith.index_cast %add3A_502 : i32 to index
        %get3A_514 = arith.constant 16 : index
        %get3A_515 = tpu.vector_load %arg16[%get3A_513, %get3A_514] {strides = array<i32>} : memref<128x128xf32, #tpu.memory_space<vmem>>, vector<16xf32>,
        %mul3A_516 = vector.broadcast %squeeze3A_504 : f32 to vector<16xf32>
        %mul3A_517 = arith.mulf %get3A_515, %mul3A_516 : vector<16xf32>
        %swap3A_518 = arith.index_cast %add3A_502 : i32 to index
        %swap3A_519 = arith.constant 16 : index
        %swap3A_520 = tpu.vector_load %arg16[%swap3A_518, %swap3A_519] {strides = array<i32>} : memref<128x128xf32, #tpu.memory_space<vmem>>, vector<16xf32>,
        tpu.vector_store %arg16[%swap3A_518, %swap3A_519], %mul3A_517 {strides = array<i32>} : memref<128x128xf32, #tpu.memory_space<vmem>>, vector<16xf32>,
        %get3A_521 = arith.index_cast %add3A_502 : i32 to index
        %get3A_522 = arith.constant 32 : index
        %get3A_523 = tpu.vector_load %arg16[%get3A_521, %get3A_522] {strides = array<i32>} : memref<128x128xf32, #tpu.memory_space<vmem>>, vector<16xf32>,
        %mul3A_524 = vector.broadcast %squeeze3A_504 : f32 to vector<16xf32>
        %mul3A_525 = arith.mulf %get3A_523, %mul3A_524 : vector<16xf32>
        %swap3A_526 = arith.index_cast %add3A_502 : i32 to index
        %swap3A_527 = arith.constant 32 : index
        %swap3A_528 = tpu.vector_load %arg16[%swap3A_526, %swap3A_527] {strides = array<i32>} : memref<128x128xf32, #tpu.memory_space<vmem>>, vector<16xf32>,
        tpu.vector_store %arg16[%swap3A_526, %swap3A_527], %mul3A_525 {strides = array<i32>} : memref<128x128xf32, #tpu.memory_space<vmem>>, vector<16xf32>,
        %get3A_529 = arith.index_cast %add3A_502 : i32 to index
        %get3A_530 = arith.constant 48 : index
        %get3A_531 = tpu.vector_load %arg16[%get3A_529, %get3A_530] {strides = array<i32>} : memref<128x128xf32, #tpu.memory_space<vmem>>, vector<16xf32>,
        %mul3A_532 = vector.broadcast %squeeze3A_504 : f32 to vector<16xf32>
        %mul3A_533 = arith.mulf %get3A_531, %mul3A_532 : vector<16xf32>
        %swap3A_534 = arith.index_cast %add3A_502 : i32 to index
        %swap3A_535 = arith.constant 48 : index
        %swap3A_536 = tpu.vector_load %arg16[%swap3A_534, %swap3A_535] {strides = array<i32>} : memref<128x128xf32, #tpu.memory_space<vmem>>, vector<16xf32>,
        tpu.vector_store %arg16[%swap3A_534, %swap3A_535], %mul3A_533 {strides = array<i32>} : memref<128x128xf32, #tpu.memory_space<vmem>>, vector<16xf32>,
        %get3A_537 = arith.index_cast %add3A_502 : i32 to index
        %get3A_538 = arith.constant 64 : index
        %get3A_539 = tpu.vector_load %arg16[%get3A_537, %get3A_538] {strides = array<i32>} : memref<128x128xf32, #tpu.memory_space<vmem>>, vector<16xf32>,
        %mul3A_540 = vector.broadcast %squeeze3A_504 : f32 to vector<16xf32>
        %mul3A_541 = arith.mulf %get3A_539, %mul3A_540 : vector<16xf32>
        %swap3A_542 = arith.index_cast %add3A_502 : i32 to index
        %swap3A_543 = arith.constant 64 : index
        %swap3A_544 = tpu.vector_load %arg16[%swap3A_542, %swap3A_543] {strides = array<i32>} : memref<128x128xf32, #tpu.memory_space<vmem>>, vector<16xf32>,
        tpu.vector_store %arg16[%swap3A_542, %swap3A_543], %mul3A_541 {strides = array<i32>} : memref<128x128xf32, #tpu.memory_space<vmem>>, vector<16xf32>,
        %get3A_545 = arith.index_cast %add3A_502 : i32 to index
        %get3A_546 = arith.constant 80 : index
        %get3A_547 = tpu.vector_load %arg16[%get3A_545, %get3A_546] {strides = array<i32>} : memref<128x128xf32, #tpu.memory_space<vmem>>, vector<16xf32>,
        %mul3A_548 = vector.broadcast %squeeze3A_504 : f32 to vector<16xf32>
        %mul3A_549 = arith.mulf %get3A_547, %mul3A_548 : vector<16xf32>
        %swap3A_550 = arith.index_cast %add3A_502 : i32 to index
        %swap3A_551 = arith.constant 80 : index
        %swap3A_552 = tpu.vector_load %arg16[%swap3A_550, %swap3A_551] {strides = array<i32>} : memref<128x128xf32, #tpu.memory_space<vmem>>, vector<16xf32>,
        tpu.vector_store %arg16[%swap3A_550, %swap3A_551], %mul3A_549 {strides = array<i32>} : memref<128x128xf32, #tpu.memory_space<vmem>>, vector<16xf32>,
        %get3A_553 = arith.index_cast %add3A_502 : i32 to index
        %get3A_554 = arith.constant 96 : index
        %get3A_555 = tpu.vector_load %arg16[%get3A_553, %get3A_554] {strides = array<i32>} : memref<128x128xf32, #tpu.memory_space<vmem>>, vector<16xf32>,
        %mul3A_556 = vector.broadcast %squeeze3A_504 : f32 to vector<16xf32>
        %mul3A_557 = arith.mulf %get3A_555, %mul3A_556 : vector<16xf32>
        %swap3A_558 = arith.index_cast %add3A_502 : i32 to index
        %swap3A_559 = arith.constant 96 : index
        %swap3A_560 = tpu.vector_load %arg16[%swap3A_558, %swap3A_559] {strides = array<i32>} : memref<128x128xf32, #tpu.memory_space<vmem>>, vector<16xf32>,
        tpu.vector_store %arg16[%swap3A_558, %swap3A_559], %mul3A_557 {strides = array<i32>} : memref<128x128xf32, #tpu.memory_space<vmem>>, vector<16xf32>,
        %get3A_561 = arith.index_cast %add3A_502 : i32 to index
        %get3A_562 = arith.constant 112 : index
        %get3A_563 = tpu.vector_load %arg16[%get3A_561, %get3A_562] {strides = array<i32>} : memref<128x128xf32, #tpu.memory_space<vmem>>, vector<16xf32>,
        %mul3A_564 = vector.broadcast %squeeze3A_504 : f32 to vector<16xf32>
        %mul3A_565 = arith.mulf %get3A_563, %mul3A_564 : vector<16xf32>
        %swap3A_566 = arith.index_cast %add3A_502 : i32 to index
        %swap3A_567 = arith.constant 112 : index
        %swap3A_568 = tpu.vector_load %arg16[%swap3A_566, %swap3A_567] {strides = array<i32>} : memref<128x128xf32, #tpu.memory_space<vmem>>, vector<16xf32>,
        tpu.vector_store %arg16[%swap3A_566, %swap3A_567], %mul3A_565 {strides = array<i32>} : memref<128x128xf32, #tpu.memory_space<vmem>>, vector<16xf32>,
        %mul3A_569 = arith.constant 16 : i32
        %mul3A_570 = arith.muli %scan3A_75, %mul3A_569 : i32
        %add3A_571 = arith.constant 7 : i32
        %add3A_572 = arith.addi %mul3A_570, %add3A_571 : i32
        %slice3A_573 = vector.extract_strided_slice %mul3A_81 {offsets = [7], sizes = [1], strides = [1]} : vector<16xf32> to vector<1xf32>
        %squeeze3A_574 = vector.extract %slice3A_573[0] : f32 from vector<1xf32>
        %get3A_575 = arith.index_cast %add3A_572 : i32 to index
        %get3A_576 = arith.constant 0 : index
        %get3A_577 = tpu.vector_load %arg16[%get3A_575, %get3A_576] {strides = array<i32>} : memref<128x128xf32, #tpu.memory_space<vmem>>, vector<16xf32>,
        %mul3A_578 = vector.broadcast %squeeze3A_574 : f32 to vector<16xf32>
        %mul3A_579 = arith.mulf %get3A_577, %mul3A_578 : vector<16xf32>
        %swap3A_580 = arith.index_cast %add3A_572 : i32 to index
        %swap3A_581 = arith.constant 0 : index
        %swap3A_582 = tpu.vector_load %arg16[%swap3A_580, %swap3A_581] {strides = array<i32>} : memref<128x128xf32, #tpu.memory_space<vmem>>, vector<16xf32>,
        tpu.vector_store %arg16[%swap3A_580, %swap3A_581], %mul3A_579 {strides = array<i32>} : memref<128x128xf32, #tpu.memory_space<vmem>>, vector<16xf32>,
        %get3A_583 = arith.index_cast %add3A_572 : i32 to index
        %get3A_584 = arith.constant 16 : index
        %get3A_585 = tpu.vector_load %arg16[%get3A_583, %get3A_584] {strides = array<i32>} : memref<128x128xf32, #tpu.memory_space<vmem>>, vector<16xf32>,
        %mul3A_586 = vector.broadcast %squeeze3A_574 : f32 to vector<16xf32>
        %mul3A_587 = arith.mulf %get3A_585, %mul3A_586 : vector<16xf32>
        %swap3A_588 = arith.index_cast %add3A_572 : i32 to index
        %swap3A_589 = arith.constant 16 : index
        %swap3A_590 = tpu.vector_load %arg16[%swap3A_588, %swap3A_589] {strides = array<i32>} : memref<128x128xf32, #tpu.memory_space<vmem>>, vector<16xf32>,
        tpu.vector_store %arg16[%swap3A_588, %swap3A_589], %mul3A_587 {strides = array<i32>} : memref<128x128xf32, #tpu.memory_space<vmem>>, vector<16xf32>,
        %get3A_591 = arith.index_cast %add3A_572 : i32 to index
        %get3A_592 = arith.constant 32 : index
        %get3A_593 = tpu.vector_load %arg16[%get3A_591, %get3A_592] {strides = array<i32>} : memref<128x128xf32, #tpu.memory_space<vmem>>, vector<16xf32>,
        %mul3A_594 = vector.broadcast %squeeze3A_574 : f32 to vector<16xf32>
        %mul3A_595 = arith.mulf %get3A_593, %mul3A_594 : vector<16xf32>
        %swap3A_596 = arith.index_cast %add3A_572 : i32 to index
        %swap3A_597 = arith.constant 32 : index
        %swap3A_598 = tpu.vector_load %arg16[%swap3A_596, %swap3A_597] {strides = array<i32>} : memref<128x128xf32, #tpu.memory_space<vmem>>, vector<16xf32>,
        tpu.vector_store %arg16[%swap3A_596, %swap3A_597], %mul3A_595 {strides = array<i32>} : memref<128x128xf32, #tpu.memory_space<vmem>>, vector<16xf32>,
        %get3A_599 = arith.index_cast %add3A_572 : i32 to index
        %get3A_600 = arith.constant 48 : index
        %get3A_601 = tpu.vector_load %arg16[%get3A_599, %get3A_600] {strides = array<i32>} : memref<128x128xf32, #tpu.memory_space<vmem>>, vector<16xf32>,
        %mul3A_602 = vector.broadcast %squeeze3A_574 : f32 to vector<16xf32>
        %mul3A_603 = arith.mulf %get3A_601, %mul3A_602 : vector<16xf32>
        %swap3A_604 = arith.index_cast %add3A_572 : i32 to index
        %swap3A_605 = arith.constant 48 : index
        %swap3A_606 = tpu.vector_load %arg16[%swap3A_604, %swap3A_605] {strides = array<i32>} : memref<128x128xf32, #tpu.memory_space<vmem>>, vector<16xf32>,
        tpu.vector_store %arg16[%swap3A_604, %swap3A_605], %mul3A_603 {strides = array<i32>} : memref<128x128xf32, #tpu.memory_space<vmem>>, vector<16xf32>,
        %get3A_607 = arith.index_cast %add3A_572 : i32 to index
        %get3A_608 = arith.constant 64 : index
        %get3A_609 = tpu.vector_load %arg16[%get3A_607, %get3A_608] {strides = array<i32>} : memref<128x128xf32, #tpu.memory_space<vmem>>, vector<16xf32>,
        %mul3A_610 = vector.broadcast %squeeze3A_574 : f32 to vector<16xf32>
        %mul3A_611 = arith.mulf %get3A_609, %mul3A_610 : vector<16xf32>
        %swap3A_612 = arith.index_cast %add3A_572 : i32 to index
        %swap3A_613 = arith.constant 64 : index
        %swap3A_614 = tpu.vector_load %arg16[%swap3A_612, %swap3A_613] {strides = array<i32>} : memref<128x128xf32, #tpu.memory_space<vmem>>, vector<16xf32>,
        tpu.vector_store %arg16[%swap3A_612, %swap3A_613], %mul3A_611 {strides = array<i32>} : memref<128x128xf32, #tpu.memory_space<vmem>>, vector<16xf32>,
        %get3A_615 = arith.index_cast %add3A_572 : i32 to index
        %get3A_616 = arith.constant 80 : index
        %get3A_617 = tpu.vector_load %arg16[%get3A_615, %get3A_616] {strides = array<i32>} : memref<128x128xf32, #tpu.memory_space<vmem>>, vector<16xf32>,
        %mul3A_618 = vector.broadcast %squeeze3A_574 : f32 to vector<16xf32>
        %mul3A_619 = arith.mulf %get3A_617, %mul3A_618 : vector<16xf32>
        %swap3A_620 = arith.index_cast %add3A_572 : i32 to index
        %swap3A_621 = arith.constant 80 : index
        %swap3A_622 = tpu.vector_load %arg16[%swap3A_620, %swap3A_621] {strides = array<i32>} : memref<128x128xf32, #tpu.memory_space<vmem>>, vector<16xf32>,
        tpu.vector_store %arg16[%swap3A_620, %swap3A_621], %mul3A_619 {strides = array<i32>} : memref<128x128xf32, #tpu.memory_space<vmem>>, vector<16xf32>,
        %get3A_623 = arith.index_cast %add3A_572 : i32 to index
        %get3A_624 = arith.constant 96 : index
        %get3A_625 = tpu.vector_load %arg16[%get3A_623, %get3A_624] {strides = array<i32>} : memref<128x128xf32, #tpu.memory_space<vmem>>, vector<16xf32>,
        %mul3A_626 = vector.broadcast %squeeze3A_574 : f32 to vector<16xf32>
        %mul3A_627 = arith.mulf %get3A_625, %mul3A_626 : vector<16xf32>
        %swap3A_628 = arith.index_cast %add3A_572 : i32 to index
        %swap3A_629 = arith.constant 96 : index
        %swap3A_630 = tpu.vector_load %arg16[%swap3A_628, %swap3A_629] {strides = array<i32>} : memref<128x128xf32, #tpu.memory_space<vmem>>, vector<16xf32>,
        tpu.vector_store %arg16[%swap3A_628, %swap3A_629], %mul3A_627 {strides = array<i32>} : memref<128x128xf32, #tpu.memory_space<vmem>>, vector<16xf32>,
        %get3A_631 = arith.index_cast %add3A_572 : i32 to index
        %get3A_632 = arith.constant 112 : index
        %get3A_633 = tpu.vector_load %arg16[%get3A_631, %get3A_632] {strides = array<i32>} : memref<128x128xf32, #tpu.memory_space<vmem>>, vector<16xf32>,
        %mul3A_634 = vector.broadcast %squeeze3A_574 : f32 to vector<16xf32>
        %mul3A_635 = arith.mulf %get3A_633, %mul3A_634 : vector<16xf32>
        %swap3A_636 = arith.index_cast %add3A_572 : i32 to index
        %swap3A_637 = arith.constant 112 : index
        %swap3A_638 = tpu.vector_load %arg16[%swap3A_636, %swap3A_637] {strides = array<i32>} : memref<128x128xf32, #tpu.memory_space<vmem>>, vector<16xf32>,
        tpu.vector_store %arg16[%swap3A_636, %swap3A_637], %mul3A_635 {strides = array<i32>} : memref<128x128xf32, #tpu.memory_space<vmem>>, vector<16xf32>,
        %mul3A_639 = arith.constant 16 : i32
        %mul3A_640 = arith.muli %scan3A_75, %mul3A_639 : i32
        %add3A_641 = arith.constant 8 : i32
        %add3A_642 = arith.addi %mul3A_640, %add3A_641 : i32
        %slice3A_643 = vector.extract_strided_slice %mul3A_81 {offsets = [8], sizes = [1], strides = [1]} : vector<16xf32> to vector<1xf32>
        %squeeze3A_644 = vector.extract %slice3A_643[0] : f32 from vector<1xf32>
        %get3A_645 = arith.index_cast %add3A_642 : i32 to index
        %get3A_646 = arith.constant 0 : index
        %get3A_647 = tpu.vector_load %arg16[%get3A_645, %get3A_646] {strides = array<i32>} : memref<128x128xf32, #tpu.memory_space<vmem>>, vector<16xf32>,
        %mul3A_648 = vector.broadcast %squeeze3A_644 : f32 to vector<16xf32>
        %mul3A_649 = arith.mulf %get3A_647, %mul3A_648 : vector<16xf32>
        %swap3A_650 = arith.index_cast %add3A_642 : i32 to index
        %swap3A_651 = arith.constant 0 : index
        %swap3A_652 = tpu.vector_load %arg16[%swap3A_650, %swap3A_651] {strides = array<i32>} : memref<128x128xf32, #tpu.memory_space<vmem>>, vector<16xf32>,
        tpu.vector_store %arg16[%swap3A_650, %swap3A_651], %mul3A_649 {strides = array<i32>} : memref<128x128xf32, #tpu.memory_space<vmem>>, vector<16xf32>,
        %get3A_653 = arith.index_cast %add3A_642 : i32 to index
        %get3A_654 = arith.constant 16 : index
        %get3A_655 = tpu.vector_load %arg16[%get3A_653, %get3A_654] {strides = array<i32>} : memref<128x128xf32, #tpu.memory_space<vmem>>, vector<16xf32>,
        %mul3A_656 = vector.broadcast %squeeze3A_644 : f32 to vector<16xf32>
        %mul3A_657 = arith.mulf %get3A_655, %mul3A_656 : vector<16xf32>
        %swap3A_658 = arith.index_cast %add3A_642 : i32 to index
        %swap3A_659 = arith.constant 16 : index
        %swap3A_660 = tpu.vector_load %arg16[%swap3A_658, %swap3A_659] {strides = array<i32>} : memref<128x128xf32, #tpu.memory_space<vmem>>, vector<16xf32>,
        tpu.vector_store %arg16[%swap3A_658, %swap3A_659], %mul3A_657 {strides = array<i32>} : memref<128x128xf32, #tpu.memory_space<vmem>>, vector<16xf32>,
        %get3A_661 = arith.index_cast %add3A_642 : i32 to index
        %get3A_662 = arith.constant 32 : index
        %get3A_663 = tpu.vector_load %arg16[%get3A_661, %get3A_662] {strides = array<i32>} : memref<128x128xf32, #tpu.memory_space<vmem>>, vector<16xf32>,
        %mul3A_664 = vector.broadcast %squeeze3A_644 : f32 to vector<16xf32>
        %mul3A_665 = arith.mulf %get3A_663, %mul3A_664 : vector<16xf32>
        %swap3A_666 = arith.index_cast %add3A_642 : i32 to index
        %swap3A_667 = arith.constant 32 : index
        %swap3A_668 = tpu.vector_load %arg16[%swap3A_666, %swap3A_667] {strides = array<i32>} : memref<128x128xf32, #tpu.memory_space<vmem>>, vector<16xf32>,
        tpu.vector_store %arg16[%swap3A_666, %swap3A_667], %mul3A_665 {strides = array<i32>} : memref<128x128xf32, #tpu.memory_space<vmem>>, vector<16xf32>,
        %get3A_669 = arith.index_cast %add3A_642 : i32 to index
        %get3A_670 = arith.constant 48 : index
        %get3A_671 = tpu.vector_load %arg16[%get3A_669, %get3A_670] {strides = array<i32>} : memref<128x128xf32, #tpu.memory_space<vmem>>, vector<16xf32>,
        %mul3A_672 = vector.broadcast %squeeze3A_644 : f32 to vector<16xf32>
        %mul3A_673 = arith.mulf %get3A_671, %mul3A_672 : vector<16xf32>
        %swap3A_674 = arith.index_cast %add3A_642 : i32 to index
        %swap3A_675 = arith.constant 48 : index
        %swap3A_676 = tpu.vector_load %arg16[%swap3A_674, %swap3A_675] {strides = array<i32>} : memref<128x128xf32, #tpu.memory_space<vmem>>, vector<16xf32>,
        tpu.vector_store %arg16[%swap3A_674, %swap3A_675], %mul3A_673 {strides = array<i32>} : memref<128x128xf32, #tpu.memory_space<vmem>>, vector<16xf32>,
        %get3A_677 = arith.index_cast %add3A_642 : i32 to index
        %get3A_678 = arith.constant 64 : index
        %get3A_679 = tpu.vector_load %arg16[%get3A_677, %get3A_678] {strides = array<i32>} : memref<128x128xf32, #tpu.memory_space<vmem>>, vector<16xf32>,
        %mul3A_680 = vector.broadcast %squeeze3A_644 : f32 to vector<16xf32>
        %mul3A_681 = arith.mulf %get3A_679, %mul3A_680 : vector<16xf32>
        %swap3A_682 = arith.index_cast %add3A_642 : i32 to index
        %swap3A_683 = arith.constant 64 : index
        %swap3A_684 = tpu.vector_load %arg16[%swap3A_682, %swap3A_683] {strides = array<i32>} : memref<128x128xf32, #tpu.memory_space<vmem>>, vector<16xf32>,
        tpu.vector_store %arg16[%swap3A_682, %swap3A_683], %mul3A_681 {strides = array<i32>} : memref<128x128xf32, #tpu.memory_space<vmem>>, vector<16xf32>,
        %get3A_685 = arith.index_cast %add3A_642 : i32 to index
        %get3A_686 = arith.constant 80 : index
        %get3A_687 = tpu.vector_load %arg16[%get3A_685, %get3A_686] {strides = array<i32>} : memref<128x128xf32, #tpu.memory_space<vmem>>, vector<16xf32>,
        %mul3A_688 = vector.broadcast %squeeze3A_644 : f32 to vector<16xf32>
        %mul3A_689 = arith.mulf %get3A_687, %mul3A_688 : vector<16xf32>
        %swap3A_690 = arith.index_cast %add3A_642 : i32 to index
        %swap3A_691 = arith.constant 80 : index
        %swap3A_692 = tpu.vector_load %arg16[%swap3A_690, %swap3A_691] {strides = array<i32>} : memref<128x128xf32, #tpu.memory_space<vmem>>, vector<16xf32>,
        tpu.vector_store %arg16[%swap3A_690, %swap3A_691], %mul3A_689 {strides = array<i32>} : memref<128x128xf32, #tpu.memory_space<vmem>>, vector<16xf32>,
        %get3A_693 = arith.index_cast %add3A_642 : i32 to index
        %get3A_694 = arith.constant 96 : index
        %get3A_695 = tpu.vector_load %arg16[%get3A_693, %get3A_694] {strides = array<i32>} : memref<128x128xf32, #tpu.memory_space<vmem>>, vector<16xf32>,
        %mul3A_696 = vector.broadcast %squeeze3A_644 : f32 to vector<16xf32>
        %mul3A_697 = arith.mulf %get3A_695, %mul3A_696 : vector<16xf32>
        %swap3A_698 = arith.index_cast %add3A_642 : i32 to index
        %swap3A_699 = arith.constant 96 : index
        %swap3A_700 = tpu.vector_load %arg16[%swap3A_698, %swap3A_699] {strides = array<i32>} : memref<128x128xf32, #tpu.memory_space<vmem>>, vector<16xf32>,
        tpu.vector_store %arg16[%swap3A_698, %swap3A_699], %mul3A_697 {strides = array<i32>} : memref<128x128xf32, #tpu.memory_space<vmem>>, vector<16xf32>,
        %get3A_701 = arith.index_cast %add3A_642 : i32 to index
        %get3A_702 = arith.constant 112 : index
        %get3A_703 = tpu.vector_load %arg16[%get3A_701, %get3A_702] {strides = array<i32>} : memref<128x128xf32, #tpu.memory_space<vmem>>, vector<16xf32>,
        %mul3A_704 = vector.broadcast %squeeze3A_644 : f32 to vector<16xf32>
        %mul3A_705 = arith.mulf %get3A_703, %mul3A_704 : vector<16xf32>
        %swap3A_706 = arith.index_cast %add3A_642 : i32 to index
        %swap3A_707 = arith.constant 112 : index
        %swap3A_708 = tpu.vector_load %arg16[%swap3A_706, %swap3A_707] {strides = array<i32>} : memref<128x128xf32, #tpu.memory_space<vmem>>, vector<16xf32>,
        tpu.vector_store %arg16[%swap3A_706, %swap3A_707], %mul3A_705 {strides = array<i32>} : memref<128x128xf32, #tpu.memory_space<vmem>>, vector<16xf32>,
        %mul3A_709 = arith.constant 16 : i32
        %mul3A_710 = arith.muli %scan3A_75, %mul3A_709 : i32
        %add3A_711 = arith.constant 9 : i32
        %add3A_712 = arith.addi %mul3A_710, %add3A_711 : i32
        %slice3A_713 = vector.extract_strided_slice %mul3A_81 {offsets = [9], sizes = [1], strides = [1]} : vector<16xf32> to vector<1xf32>
        %squeeze3A_714 = vector.extract %slice3A_713[0] : f32 from vector<1xf32>
        %get3A_715 = arith.index_cast %add3A_712 : i32 to index
        %get3A_716 = arith.constant 0 : index
        %get3A_717 = tpu.vector_load %arg16[%get3A_715, %get3A_716] {strides = array<i32>} : memref<128x128xf32, #tpu.memory_space<vmem>>, vector<16xf32>,
        %mul3A_718 = vector.broadcast %squeeze3A_714 : f32 to vector<16xf32>
        %mul3A_719 = arith.mulf %get3A_717, %mul3A_718 : vector<16xf32>
        %swap3A_720 = arith.index_cast %add3A_712 : i32 to index
        %swap3A_721 = arith.constant 0 : index
        %swap3A_722 = tpu.vector_load %arg16[%swap3A_720, %swap3A_721] {strides = array<i32>} : memref<128x128xf32, #tpu.memory_space<vmem>>, vector<16xf32>,
        tpu.vector_store %arg16[%swap3A_720, %swap3A_721], %mul3A_719 {strides = array<i32>} : memref<128x128xf32, #tpu.memory_space<vmem>>, vector<16xf32>,
        %get3A_723 = arith.index_cast %add3A_712 : i32 to index
        %get3A_724 = arith.constant 16 : index
        %get3A_725 = tpu.vector_load %arg16[%get3A_723, %get3A_724] {strides = array<i32>} : memref<128x128xf32, #tpu.memory_space<vmem>>, vector<16xf32>,
        %mul3A_726 = vector.broadcast %squeeze3A_714 : f32 to vector<16xf32>
        %mul3A_727 = arith.mulf %get3A_725, %mul3A_726 : vector<16xf32>
        %swap3A_728 = arith.index_cast %add3A_712 : i32 to index
        %swap3A_729 = arith.constant 16 : index
        %swap3A_730 = tpu.vector_load %arg16[%swap3A_728, %swap3A_729] {strides = array<i32>} : memref<128x128xf32, #tpu.memory_space<vmem>>, vector<16xf32>,
        tpu.vector_store %arg16[%swap3A_728, %swap3A_729], %mul3A_727 {strides = array<i32>} : memref<128x128xf32, #tpu.memory_space<vmem>>, vector<16xf32>,
        %get3A_731 = arith.index_cast %add3A_712 : i32 to index
        %get3A_732 = arith.constant 32 : index
        %get3A_733 = tpu.vector_load %arg16[%get3A_731, %get3A_732] {strides = array<i32>} : memref<128x128xf32, #tpu.memory_space<vmem>>, vector<16xf32>,
        %mul3A_734 = vector.broadcast %squeeze3A_714 : f32 to vector<16xf32>
        %mul3A_735 = arith.mulf %get3A_733, %mul3A_734 : vector<16xf32>
        %swap3A_736 = arith.index_cast %add3A_712 : i32 to index
        %swap3A_737 = arith.constant 32 : index
        %swap3A_738 = tpu.vector_load %arg16[%swap3A_736, %swap3A_737] {strides = array<i32>} : memref<128x128xf32, #tpu.memory_space<vmem>>, vector<16xf32>,
        tpu.vector_store %arg16[%swap3A_736, %swap3A_737], %mul3A_735 {strides = array<i32>} : memref<128x128xf32, #tpu.memory_space<vmem>>, vector<16xf32>,
        %get3A_739 = arith.index_cast %add3A_712 : i32 to index
        %get3A_740 = arith.constant 48 : index
        %get3A_741 = tpu.vector_load %arg16[%get3A_739, %get3A_740] {strides = array<i32>} : memref<128x128xf32, #tpu.memory_space<vmem>>, vector<16xf32>,
        %mul3A_742 = vector.broadcast %squeeze3A_714 : f32 to vector<16xf32>
        %mul3A_743 = arith.mulf %get3A_741, %mul3A_742 : vector<16xf32>
        %swap3A_744 = arith.index_cast %add3A_712 : i32 to index
        %swap3A_745 = arith.constant 48 : index
        %swap3A_746 = tpu.vector_load %arg16[%swap3A_744, %swap3A_745] {strides = array<i32>} : memref<128x128xf32, #tpu.memory_space<vmem>>, vector<16xf32>,
        tpu.vector_store %arg16[%swap3A_744, %swap3A_745], %mul3A_743 {strides = array<i32>} : memref<128x128xf32, #tpu.memory_space<vmem>>, vector<16xf32>,
        %get3A_747 = arith.index_cast %add3A_712 : i32 to index
        %get3A_748 = arith.constant 64 : index
        %get3A_749 = tpu.vector_load %arg16[%get3A_747, %get3A_748] {strides = array<i32>} : memref<128x128xf32, #tpu.memory_space<vmem>>, vector<16xf32>,
        %mul3A_750 = vector.broadcast %squeeze3A_714 : f32 to vector<16xf32>
        %mul3A_751 = arith.mulf %get3A_749, %mul3A_750 : vector<16xf32>
        %swap3A_752 = arith.index_cast %add3A_712 : i32 to index
        %swap3A_753 = arith.constant 64 : index
        %swap3A_754 = tpu.vector_load %arg16[%swap3A_752, %swap3A_753] {strides = array<i32>} : memref<128x128xf32, #tpu.memory_space<vmem>>, vector<16xf32>,
        tpu.vector_store %arg16[%swap3A_752, %swap3A_753], %mul3A_751 {strides = array<i32>} : memref<128x128xf32, #tpu.memory_space<vmem>>, vector<16xf32>,
        %get3A_755 = arith.index_cast %add3A_712 : i32 to index
        %get3A_756 = arith.constant 80 : index
        %get3A_757 = tpu.vector_load %arg16[%get3A_755, %get3A_756] {strides = array<i32>} : memref<128x128xf32, #tpu.memory_space<vmem>>, vector<16xf32>,
        %mul3A_758 = vector.broadcast %squeeze3A_714 : f32 to vector<16xf32>
        %mul3A_759 = arith.mulf %get3A_757, %mul3A_758 : vector<16xf32>
        %swap3A_760 = arith.index_cast %add3A_712 : i32 to index
        %swap3A_761 = arith.constant 80 : index
        %swap3A_762 = tpu.vector_load %arg16[%swap3A_760, %swap3A_761] {strides = array<i32>} : memref<128x128xf32, #tpu.memory_space<vmem>>, vector<16xf32>,
        tpu.vector_store %arg16[%swap3A_760, %swap3A_761], %mul3A_759 {strides = array<i32>} : memref<128x128xf32, #tpu.memory_space<vmem>>, vector<16xf32>,
        %get3A_763 = arith.index_cast %add3A_712 : i32 to index
        %get3A_764 = arith.constant 96 : index
        %get3A_765 = tpu.vector_load %arg16[%get3A_763, %get3A_764] {strides = array<i32>} : memref<128x128xf32, #tpu.memory_space<vmem>>, vector<16xf32>,
        %mul3A_766 = vector.broadcast %squeeze3A_714 : f32 to vector<16xf32>
        %mul3A_767 = arith.mulf %get3A_765, %mul3A_766 : vector<16xf32>
        %swap3A_768 = arith.index_cast %add3A_712 : i32 to index
        %swap3A_769 = arith.constant 96 : index
        %swap3A_770 = tpu.vector_load %arg16[%swap3A_768, %swap3A_769] {strides = array<i32>} : memref<128x128xf32, #tpu.memory_space<vmem>>, vector<16xf32>,
        tpu.vector_store %arg16[%swap3A_768, %swap3A_769], %mul3A_767 {strides = array<i32>} : memref<128x128xf32, #tpu.memory_space<vmem>>, vector<16xf32>,
        %get3A_771 = arith.index_cast %add3A_712 : i32 to index
        %get3A_772 = arith.constant 112 : index
        %get3A_773 = tpu.vector_load %arg16[%get3A_771, %get3A_772] {strides = array<i32>} : memref<128x128xf32, #tpu.memory_space<vmem>>, vector<16xf32>,
        %mul3A_774 = vector.broadcast %squeeze3A_714 : f32 to vector<16xf32>
        %mul3A_775 = arith.mulf %get3A_773, %mul3A_774 : vector<16xf32>
        %swap3A_776 = arith.index_cast %add3A_712 : i32 to index
        %swap3A_777 = arith.constant 112 : index
        %swap3A_778 = tpu.vector_load %arg16[%swap3A_776, %swap3A_777] {strides = array<i32>} : memref<128x128xf32, #tpu.memory_space<vmem>>, vector<16xf32>,
        tpu.vector_store %arg16[%swap3A_776, %swap3A_777], %mul3A_775 {strides = array<i32>} : memref<128x128xf32, #tpu.memory_space<vmem>>, vector<16xf32>,
        %mul3A_779 = arith.constant 16 : i32
        %mul3A_780 = arith.muli %scan3A_75, %mul3A_779 : i32
        %add3A_781 = arith.constant 10 : i32
        %add3A_782 = arith.addi %mul3A_780, %add3A_781 : i32
        %slice3A_783 = vector.extract_strided_slice %mul3A_81 {offsets = [10], sizes = [1], strides = [1]} : vector<16xf32> to vector<1xf32>
        %squeeze3A_784 = vector.extract %slice3A_783[0] : f32 from vector<1xf32>
        %get3A_785 = arith.index_cast %add3A_782 : i32 to index
        %get3A_786 = arith.constant 0 : index
        %get3A_787 = tpu.vector_load %arg16[%get3A_785, %get3A_786] {strides = array<i32>} : memref<128x128xf32, #tpu.memory_space<vmem>>, vector<16xf32>,
        %mul3A_788 = vector.broadcast %squeeze3A_784 : f32 to vector<16xf32>
        %mul3A_789 = arith.mulf %get3A_787, %mul3A_788 : vector<16xf32>
        %swap3A_790 = arith.index_cast %add3A_782 : i32 to index
        %swap3A_791 = arith.constant 0 : index
        %swap3A_792 = tpu.vector_load %arg16[%swap3A_790, %swap3A_791] {strides = array<i32>} : memref<128x128xf32, #tpu.memory_space<vmem>>, vector<16xf32>,
        tpu.vector_store %arg16[%swap3A_790, %swap3A_791], %mul3A_789 {strides = array<i32>} : memref<128x128xf32, #tpu.memory_space<vmem>>, vector<16xf32>,
        %get3A_793 = arith.index_cast %add3A_782 : i32 to index
        %get3A_794 = arith.constant 16 : index
        %get3A_795 = tpu.vector_load %arg16[%get3A_793, %get3A_794] {strides = array<i32>} : memref<128x128xf32, #tpu.memory_space<vmem>>, vector<16xf32>,
        %mul3A_796 = vector.broadcast %squeeze3A_784 : f32 to vector<16xf32>
        %mul3A_797 = arith.mulf %get3A_795, %mul3A_796 : vector<16xf32>
        %swap3A_798 = arith.index_cast %add3A_782 : i32 to index
        %swap3A_799 = arith.constant 16 : index
        %swap3A_800 = tpu.vector_load %arg16[%swap3A_798, %swap3A_799] {strides = array<i32>} : memref<128x128xf32, #tpu.memory_space<vmem>>, vector<16xf32>,
        tpu.vector_store %arg16[%swap3A_798, %swap3A_799], %mul3A_797 {strides = array<i32>} : memref<128x128xf32, #tpu.memory_space<vmem>>, vector<16xf32>,
        %get3A_801 = arith.index_cast %add3A_782 : i32 to index
        %get3A_802 = arith.constant 32 : index
        %get3A_803 = tpu.vector_load %arg16[%get3A_801, %get3A_802] {strides = array<i32>} : memref<128x128xf32, #tpu.memory_space<vmem>>, vector<16xf32>,
        %mul3A_804 = vector.broadcast %squeeze3A_784 : f32 to vector<16xf32>
        %mul3A_805 = arith.mulf %get3A_803, %mul3A_804 : vector<16xf32>
        %swap3A_806 = arith.index_cast %add3A_782 : i32 to index
        %swap3A_807 = arith.constant 32 : index
        %swap3A_808 = tpu.vector_load %arg16[%swap3A_806, %swap3A_807] {strides = array<i32>} : memref<128x128xf32, #tpu.memory_space<vmem>>, vector<16xf32>,
        tpu.vector_store %arg16[%swap3A_806, %swap3A_807], %mul3A_805 {strides = array<i32>} : memref<128x128xf32, #tpu.memory_space<vmem>>, vector<16xf32>,
        %get3A_809 = arith.index_cast %add3A_782 : i32 to index
        %get3A_810 = arith.constant 48 : index
        %get3A_811 = tpu.vector_load %arg16[%get3A_809, %get3A_810] {strides = array<i32>} : memref<128x128xf32, #tpu.memory_space<vmem>>, vector<16xf32>,
        %mul3A_812 = vector.broadcast %squeeze3A_784 : f32 to vector<16xf32>
        %mul3A_813 = arith.mulf %get3A_811, %mul3A_812 : vector<16xf32>
        %swap3A_814 = arith.index_cast %add3A_782 : i32 to index
        %swap3A_815 = arith.constant 48 : index
        %swap3A_816 = tpu.vector_load %arg16[%swap3A_814, %swap3A_815] {strides = array<i32>} : memref<128x128xf32, #tpu.memory_space<vmem>>, vector<16xf32>,
        tpu.vector_store %arg16[%swap3A_814, %swap3A_815], %mul3A_813 {strides = array<i32>} : memref<128x128xf32, #tpu.memory_space<vmem>>, vector<16xf32>,
        %get3A_817 = arith.index_cast %add3A_782 : i32 to index
        %get3A_818 = arith.constant 64 : index
        %get3A_819 = tpu.vector_load %arg16[%get3A_817, %get3A_818] {strides = array<i32>} : memref<128x128xf32, #tpu.memory_space<vmem>>, vector<16xf32>,
        %mul3A_820 = vector.broadcast %squeeze3A_784 : f32 to vector<16xf32>
        %mul3A_821 = arith.mulf %get3A_819, %mul3A_820 : vector<16xf32>
        %swap3A_822 = arith.index_cast %add3A_782 : i32 to index
        %swap3A_823 = arith.constant 64 : index
        %swap3A_824 = tpu.vector_load %arg16[%swap3A_822, %swap3A_823] {strides = array<i32>} : memref<128x128xf32, #tpu.memory_space<vmem>>, vector<16xf32>,
        tpu.vector_store %arg16[%swap3A_822, %swap3A_823], %mul3A_821 {strides = array<i32>} : memref<128x128xf32, #tpu.memory_space<vmem>>, vector<16xf32>,
        %get3A_825 = arith.index_cast %add3A_782 : i32 to index
        %get3A_826 = arith.constant 80 : index
        %get3A_827 = tpu.vector_load %arg16[%get3A_825, %get3A_826] {strides = array<i32>} : memref<128x128xf32, #tpu.memory_space<vmem>>, vector<16xf32>,
        %mul3A_828 = vector.broadcast %squeeze3A_784 : f32 to vector<16xf32>
        %mul3A_829 = arith.mulf %get3A_827, %mul3A_828 : vector<16xf32>
        %swap3A_830 = arith.index_cast %add3A_782 : i32 to index
        %swap3A_831 = arith.constant 80 : index
        %swap3A_832 = tpu.vector_load %arg16[%swap3A_830, %swap3A_831] {strides = array<i32>} : memref<128x128xf32, #tpu.memory_space<vmem>>, vector<16xf32>,
        tpu.vector_store %arg16[%swap3A_830, %swap3A_831], %mul3A_829 {strides = array<i32>} : memref<128x128xf32, #tpu.memory_space<vmem>>, vector<16xf32>,
        %get3A_833 = arith.index_cast %add3A_782 : i32 to index
        %get3A_834 = arith.constant 96 : index
        %get3A_835 = tpu.vector_load %arg16[%get3A_833, %get3A_834] {strides = array<i32>} : memref<128x128xf32, #tpu.memory_space<vmem>>, vector<16xf32>,
        %mul3A_836 = vector.broadcast %squeeze3A_784 : f32 to vector<16xf32>
        %mul3A_837 = arith.mulf %get3A_835, %mul3A_836 : vector<16xf32>
        %swap3A_838 = arith.index_cast %add3A_782 : i32 to index
        %swap3A_839 = arith.constant 96 : index
        %swap3A_840 = tpu.vector_load %arg16[%swap3A_838, %swap3A_839] {strides = array<i32>} : memref<128x128xf32, #tpu.memory_space<vmem>>, vector<16xf32>,
        tpu.vector_store %arg16[%swap3A_838, %swap3A_839], %mul3A_837 {strides = array<i32>} : memref<128x128xf32, #tpu.memory_space<vmem>>, vector<16xf32>,
        %get3A_841 = arith.index_cast %add3A_782 : i32 to index
        %get3A_842 = arith.constant 112 : index
        %get3A_843 = tpu.vector_load %arg16[%get3A_841, %get3A_842] {strides = array<i32>} : memref<128x128xf32, #tpu.memory_space<vmem>>, vector<16xf32>,
        %mul3A_844 = vector.broadcast %squeeze3A_784 : f32 to vector<16xf32>
        %mul3A_845 = arith.mulf %get3A_843, %mul3A_844 : vector<16xf32>
        %swap3A_846 = arith.index_cast %add3A_782 : i32 to index
        %swap3A_847 = arith.constant 112 : index
        %swap3A_848 = tpu.vector_load %arg16[%swap3A_846, %swap3A_847] {strides = array<i32>} : memref<128x128xf32, #tpu.memory_space<vmem>>, vector<16xf32>,
        tpu.vector_store %arg16[%swap3A_846, %swap3A_847], %mul3A_845 {strides = array<i32>} : memref<128x128xf32, #tpu.memory_space<vmem>>, vector<16xf32>,
        %mul3A_849 = arith.constant 16 : i32
        %mul3A_850 = arith.muli %scan3A_75, %mul3A_849 : i32
        %add3A_851 = arith.constant 11 : i32
        %add3A_852 = arith.addi %mul3A_850, %add3A_851 : i32
        %slice3A_853 = vector.extract_strided_slice %mul3A_81 {offsets = [11], sizes = [1], strides = [1]} : vector<16xf32> to vector<1xf32>
        %squeeze3A_854 = vector.extract %slice3A_853[0] : f32 from vector<1xf32>
        %get3A_855 = arith.index_cast %add3A_852 : i32 to index
        %get3A_856 = arith.constant 0 : index
        %get3A_857 = tpu.vector_load %arg16[%get3A_855, %get3A_856] {strides = array<i32>} : memref<128x128xf32, #tpu.memory_space<vmem>>, vector<16xf32>,
        %mul3A_858 = vector.broadcast %squeeze3A_854 : f32 to vector<16xf32>
        %mul3A_859 = arith.mulf %get3A_857, %mul3A_858 : vector<16xf32>
        %swap3A_860 = arith.index_cast %add3A_852 : i32 to index
        %swap3A_861 = arith.constant 0 : index
        %swap3A_862 = tpu.vector_load %arg16[%swap3A_860, %swap3A_861] {strides = array<i32>} : memref<128x128xf32, #tpu.memory_space<vmem>>, vector<16xf32>,
        tpu.vector_store %arg16[%swap3A_860, %swap3A_861], %mul3A_859 {strides = array<i32>} : memref<128x128xf32, #tpu.memory_space<vmem>>, vector<16xf32>,
        %get3A_863 = arith.index_cast %add3A_852 : i32 to index
        %get3A_864 = arith.constant 16 : index
        %get3A_865 = tpu.vector_load %arg16[%get3A_863, %get3A_864] {strides = array<i32>} : memref<128x128xf32, #tpu.memory_space<vmem>>, vector<16xf32>,
        %mul3A_866 = vector.broadcast %squeeze3A_854 : f32 to vector<16xf32>
        %mul3A_867 = arith.mulf %get3A_865, %mul3A_866 : vector<16xf32>
        %swap3A_868 = arith.index_cast %add3A_852 : i32 to index
        %swap3A_869 = arith.constant 16 : index
        %swap3A_870 = tpu.vector_load %arg16[%swap3A_868, %swap3A_869] {strides = array<i32>} : memref<128x128xf32, #tpu.memory_space<vmem>>, vector<16xf32>,
        tpu.vector_store %arg16[%swap3A_868, %swap3A_869], %mul3A_867 {strides = array<i32>} : memref<128x128xf32, #tpu.memory_space<vmem>>, vector<16xf32>,
        %get3A_871 = arith.index_cast %add3A_852 : i32 to index
        %get3A_872 = arith.constant 32 : index
        %get3A_873 = tpu.vector_load %arg16[%get3A_871, %get3A_872] {strides = array<i32>} : memref<128x128xf32, #tpu.memory_space<vmem>>, vector<16xf32>,
        %mul3A_874 = vector.broadcast %squeeze3A_854 : f32 to vector<16xf32>
        %mul3A_875 = arith.mulf %get3A_873, %mul3A_874 : vector<16xf32>
        %swap3A_876 = arith.index_cast %add3A_852 : i32 to index
        %swap3A_877 = arith.constant 32 : index
        %swap3A_878 = tpu.vector_load %arg16[%swap3A_876, %swap3A_877] {strides = array<i32>} : memref<128x128xf32, #tpu.memory_space<vmem>>, vector<16xf32>,
        tpu.vector_store %arg16[%swap3A_876, %swap3A_877], %mul3A_875 {strides = array<i32>} : memref<128x128xf32, #tpu.memory_space<vmem>>, vector<16xf32>,
        %get3A_879 = arith.index_cast %add3A_852 : i32 to index
        %get3A_880 = arith.constant 48 : index
        %get3A_881 = tpu.vector_load %arg16[%get3A_879, %get3A_880] {strides = array<i32>} : memref<128x128xf32, #tpu.memory_space<vmem>>, vector<16xf32>,
        %mul3A_882 = vector.broadcast %squeeze3A_854 : f32 to vector<16xf32>
        %mul3A_883 = arith.mulf %get3A_881, %mul3A_882 : vector<16xf32>
        %swap3A_884 = arith.index_cast %add3A_852 : i32 to index
        %swap3A_885 = arith.constant 48 : index
        %swap3A_886 = tpu.vector_load %arg16[%swap3A_884, %swap3A_885] {strides = array<i32>} : memref<128x128xf32, #tpu.memory_space<vmem>>, vector<16xf32>,
        tpu.vector_store %arg16[%swap3A_884, %swap3A_885], %mul3A_883 {strides = array<i32>} : memref<128x128xf32, #tpu.memory_space<vmem>>, vector<16xf32>,
        %get3A_887 = arith.index_cast %add3A_852 : i32 to index
        %get3A_888 = arith.constant 64 : index
        %get3A_889 = tpu.vector_load %arg16[%get3A_887, %get3A_888] {strides = array<i32>} : memref<128x128xf32, #tpu.memory_space<vmem>>, vector<16xf32>,
        %mul3A_890 = vector.broadcast %squeeze3A_854 : f32 to vector<16xf32>
        %mul3A_891 = arith.mulf %get3A_889, %mul3A_890 : vector<16xf32>
        %swap3A_892 = arith.index_cast %add3A_852 : i32 to index
        %swap3A_893 = arith.constant 64 : index
        %swap3A_894 = tpu.vector_load %arg16[%swap3A_892, %swap3A_893] {strides = array<i32>} : memref<128x128xf32, #tpu.memory_space<vmem>>, vector<16xf32>,
        tpu.vector_store %arg16[%swap3A_892, %swap3A_893], %mul3A_891 {strides = array<i32>} : memref<128x128xf32, #tpu.memory_space<vmem>>, vector<16xf32>,
        %get3A_895 = arith.index_cast %add3A_852 : i32 to index
        %get3A_896 = arith.constant 80 : index
        %get3A_897 = tpu.vector_load %arg16[%get3A_895, %get3A_896] {strides = array<i32>} : memref<128x128xf32, #tpu.memory_space<vmem>>, vector<16xf32>,
        %mul3A_898 = vector.broadcast %squeeze3A_854 : f32 to vector<16xf32>
        %mul3A_899 = arith.mulf %get3A_897, %mul3A_898 : vector<16xf32>
        %swap3A_900 = arith.index_cast %add3A_852 : i32 to index
        %swap3A_901 = arith.constant 80 : index
        %swap3A_902 = tpu.vector_load %arg16[%swap3A_900, %swap3A_901] {strides = array<i32>} : memref<128x128xf32, #tpu.memory_space<vmem>>, vector<16xf32>,
        tpu.vector_store %arg16[%swap3A_900, %swap3A_901], %mul3A_899 {strides = array<i32>} : memref<128x128xf32, #tpu.memory_space<vmem>>, vector<16xf32>,
        %get3A_903 = arith.index_cast %add3A_852 : i32 to index
        %get3A_904 = arith.constant 96 : index
        %get3A_905 = tpu.vector_load %arg16[%get3A_903, %get3A_904] {strides = array<i32>} : memref<128x128xf32, #tpu.memory_space<vmem>>, vector<16xf32>,
        %mul3A_906 = vector.broadcast %squeeze3A_854 : f32 to vector<16xf32>
        %mul3A_907 = arith.mulf %get3A_905, %mul3A_906 : vector<16xf32>
        %swap3A_908 = arith.index_cast %add3A_852 : i32 to index
        %swap3A_909 = arith.constant 96 : index
        %swap3A_910 = tpu.vector_load %arg16[%swap3A_908, %swap3A_909] {strides = array<i32>} : memref<128x128xf32, #tpu.memory_space<vmem>>, vector<16xf32>,
        tpu.vector_store %arg16[%swap3A_908, %swap3A_909], %mul3A_907 {strides = array<i32>} : memref<128x128xf32, #tpu.memory_space<vmem>>, vector<16xf32>,
        %get3A_911 = arith.index_cast %add3A_852 : i32 to index
        %get3A_912 = arith.constant 112 : index
        %get3A_913 = tpu.vector_load %arg16[%get3A_911, %get3A_912] {strides = array<i32>} : memref<128x128xf32, #tpu.memory_space<vmem>>, vector<16xf32>,
        %mul3A_914 = vector.broadcast %squeeze3A_854 : f32 to vector<16xf32>
        %mul3A_915 = arith.mulf %get3A_913, %mul3A_914 : vector<16xf32>
        %swap3A_916 = arith.index_cast %add3A_852 : i32 to index
        %swap3A_917 = arith.constant 112 : index
        %swap3A_918 = tpu.vector_load %arg16[%swap3A_916, %swap3A_917] {strides = array<i32>} : memref<128x128xf32, #tpu.memory_space<vmem>>, vector<16xf32>,
        tpu.vector_store %arg16[%swap3A_916, %swap3A_917], %mul3A_915 {strides = array<i32>} : memref<128x128xf32, #tpu.memory_space<vmem>>, vector<16xf32>,
        %mul3A_919 = arith.constant 16 : i32
        %mul3A_920 = arith.muli %scan3A_75, %mul3A_919 : i32
        %add3A_921 = arith.constant 12 : i32
        %add3A_922 = arith.addi %mul3A_920, %add3A_921 : i32
        %slice3A_923 = vector.extract_strided_slice %mul3A_81 {offsets = [12], sizes = [1], strides = [1]} : vector<16xf32> to vector<1xf32>
        %squeeze3A_924 = vector.extract %slice3A_923[0] : f32 from vector<1xf32>
        %get3A_925 = arith.index_cast %add3A_922 : i32 to index
        %get3A_926 = arith.constant 0 : index
        %get3A_927 = tpu.vector_load %arg16[%get3A_925, %get3A_926] {strides = array<i32>} : memref<128x128xf32, #tpu.memory_space<vmem>>, vector<16xf32>,
        %mul3A_928 = vector.broadcast %squeeze3A_924 : f32 to vector<16xf32>
        %mul3A_929 = arith.mulf %get3A_927, %mul3A_928 : vector<16xf32>
        %swap3A_930 = arith.index_cast %add3A_922 : i32 to index
        %swap3A_931 = arith.constant 0 : index
        %swap3A_932 = tpu.vector_load %arg16[%swap3A_930, %swap3A_931] {strides = array<i32>} : memref<128x128xf32, #tpu.memory_space<vmem>>, vector<16xf32>,
        tpu.vector_store %arg16[%swap3A_930, %swap3A_931], %mul3A_929 {strides = array<i32>} : memref<128x128xf32, #tpu.memory_space<vmem>>, vector<16xf32>,
        %get3A_933 = arith.index_cast %add3A_922 : i32 to index
        %get3A_934 = arith.constant 16 : index
        %get3A_935 = tpu.vector_load %arg16[%get3A_933, %get3A_934] {strides = array<i32>} : memref<128x128xf32, #tpu.memory_space<vmem>>, vector<16xf32>,
        %mul3A_936 = vector.broadcast %squeeze3A_924 : f32 to vector<16xf32>
        %mul3A_937 = arith.mulf %get3A_935, %mul3A_936 : vector<16xf32>
        %swap3A_938 = arith.index_cast %add3A_922 : i32 to index
        %swap3A_939 = arith.constant 16 : index
        %swap3A_940 = tpu.vector_load %arg16[%swap3A_938, %swap3A_939] {strides = array<i32>} : memref<128x128xf32, #tpu.memory_space<vmem>>, vector<16xf32>,
        tpu.vector_store %arg16[%swap3A_938, %swap3A_939], %mul3A_937 {strides = array<i32>} : memref<128x128xf32, #tpu.memory_space<vmem>>, vector<16xf32>,
        %get3A_941 = arith.index_cast %add3A_922 : i32 to index
        %get3A_942 = arith.constant 32 : index
        %get3A_943 = tpu.vector_load %arg16[%get3A_941, %get3A_942] {strides = array<i32>} : memref<128x128xf32, #tpu.memory_space<vmem>>, vector<16xf32>,
        %mul3A_944 = vector.broadcast %squeeze3A_924 : f32 to vector<16xf32>
        %mul3A_945 = arith.mulf %get3A_943, %mul3A_944 : vector<16xf32>
        %swap3A_946 = arith.index_cast %add3A_922 : i32 to index
        %swap3A_947 = arith.constant 32 : index
        %swap3A_948 = tpu.vector_load %arg16[%swap3A_946, %swap3A_947] {strides = array<i32>} : memref<128x128xf32, #tpu.memory_space<vmem>>, vector<16xf32>,
        tpu.vector_store %arg16[%swap3A_946, %swap3A_947], %mul3A_945 {strides = array<i32>} : memref<128x128xf32, #tpu.memory_space<vmem>>, vector<16xf32>,
        %get3A_949 = arith.index_cast %add3A_922 : i32 to index
        %get3A_950 = arith.constant 48 : index
        %get3A_951 = tpu.vector_load %arg16[%get3A_949, %get3A_950] {strides = array<i32>} : memref<128x128xf32, #tpu.memory_space<vmem>>, vector<16xf32>,
        %mul3A_952 = vector.broadcast %squeeze3A_924 : f32 to vector<16xf32>
        %mul3A_953 = arith.mulf %get3A_951, %mul3A_952 : vector<16xf32>
        %swap3A_954 = arith.index_cast %add3A_922 : i32 to index
        %swap3A_955 = arith.constant 48 : index
        %swap3A_956 = tpu.vector_load %arg16[%swap3A_954, %swap3A_955] {strides = array<i32>} : memref<128x128xf32, #tpu.memory_space<vmem>>, vector<16xf32>,
        tpu.vector_store %arg16[%swap3A_954, %swap3A_955], %mul3A_953 {strides = array<i32>} : memref<128x128xf32, #tpu.memory_space<vmem>>, vector<16xf32>,
        %get3A_957 = arith.index_cast %add3A_922 : i32 to index
        %get3A_958 = arith.constant 64 : index
        %get3A_959 = tpu.vector_load %arg16[%get3A_957, %get3A_958] {strides = array<i32>} : memref<128x128xf32, #tpu.memory_space<vmem>>, vector<16xf32>,
        %mul3A_960 = vector.broadcast %squeeze3A_924 : f32 to vector<16xf32>
        %mul3A_961 = arith.mulf %get3A_959, %mul3A_960 : vector<16xf32>
        %swap3A_962 = arith.index_cast %add3A_922 : i32 to index
        %swap3A_963 = arith.constant 64 : index
        %swap3A_964 = tpu.vector_load %arg16[%swap3A_962, %swap3A_963] {strides = array<i32>} : memref<128x128xf32, #tpu.memory_space<vmem>>, vector<16xf32>,
        tpu.vector_store %arg16[%swap3A_962, %swap3A_963], %mul3A_961 {strides = array<i32>} : memref<128x128xf32, #tpu.memory_space<vmem>>, vector<16xf32>,
        %get3A_965 = arith.index_cast %add3A_922 : i32 to index
        %get3A_966 = arith.constant 80 : index
        %get3A_967 = tpu.vector_load %arg16[%get3A_965, %get3A_966] {strides = array<i32>} : memref<128x128xf32, #tpu.memory_space<vmem>>, vector<16xf32>,
        %mul3A_968 = vector.broadcast %squeeze3A_924 : f32 to vector<16xf32>
        %mul3A_969 = arith.mulf %get3A_967, %mul3A_968 : vector<16xf32>
        %swap3A_970 = arith.index_cast %add3A_922 : i32 to index
        %swap3A_971 = arith.constant 80 : index
        %swap3A_972 = tpu.vector_load %arg16[%swap3A_970, %swap3A_971] {strides = array<i32>} : memref<128x128xf32, #tpu.memory_space<vmem>>, vector<16xf32>,
        tpu.vector_store %arg16[%swap3A_970, %swap3A_971], %mul3A_969 {strides = array<i32>} : memref<128x128xf32, #tpu.memory_space<vmem>>, vector<16xf32>,
        %get3A_973 = arith.index_cast %add3A_922 : i32 to index
        %get3A_974 = arith.constant 96 : index
        %get3A_975 = tpu.vector_load %arg16[%get3A_973, %get3A_974] {strides = array<i32>} : memref<128x128xf32, #tpu.memory_space<vmem>>, vector<16xf32>,
        %mul3A_976 = vector.broadcast %squeeze3A_924 : f32 to vector<16xf32>
        %mul3A_977 = arith.mulf %get3A_975, %mul3A_976 : vector<16xf32>
        %swap3A_978 = arith.index_cast %add3A_922 : i32 to index
        %swap3A_979 = arith.constant 96 : index
        %swap3A_980 = tpu.vector_load %arg16[%swap3A_978, %swap3A_979] {strides = array<i32>} : memref<128x128xf32, #tpu.memory_space<vmem>>, vector<16xf32>,
        tpu.vector_store %arg16[%swap3A_978, %swap3A_979], %mul3A_977 {strides = array<i32>} : memref<128x128xf32, #tpu.memory_space<vmem>>, vector<16xf32>,
        %get3A_981 = arith.index_cast %add3A_922 : i32 to index
        %get3A_982 = arith.constant 112 : index
        %get3A_983 = tpu.vector_load %arg16[%get3A_981, %get3A_982] {strides = array<i32>} : memref<128x128xf32, #tpu.memory_space<vmem>>, vector<16xf32>,
        %mul3A_984 = vector.broadcast %squeeze3A_924 : f32 to vector<16xf32>
        %mul3A_985 = arith.mulf %get3A_983, %mul3A_984 : vector<16xf32>
        %swap3A_986 = arith.index_cast %add3A_922 : i32 to index
        %swap3A_987 = arith.constant 112 : index
        %swap3A_988 = tpu.vector_load %arg16[%swap3A_986, %swap3A_987] {strides = array<i32>} : memref<128x128xf32, #tpu.memory_space<vmem>>, vector<16xf32>,
        tpu.vector_store %arg16[%swap3A_986, %swap3A_987], %mul3A_985 {strides = array<i32>} : memref<128x128xf32, #tpu.memory_space<vmem>>, vector<16xf32>,
        %mul3A_989 = arith.constant 16 : i32
        %mul3A_990 = arith.muli %scan3A_75, %mul3A_989 : i32
        %add3A_991 = arith.constant 13 : i32
        %add3A_992 = arith.addi %mul3A_990, %add3A_991 : i32
        %slice3A_993 = vector.extract_strided_slice %mul3A_81 {offsets = [13], sizes = [1], strides = [1]} : vector<16xf32> to vector<1xf32>
        %squeeze3A_994 = vector.extract %slice3A_993[0] : f32 from vector<1xf32>
        %get3A_995 = arith.index_cast %add3A_992 : i32 to index
        %get3A_996 = arith.constant 0 : index
        %get3A_997 = tpu.vector_load %arg16[%get3A_995, %get3A_996] {strides = array<i32>} : memref<128x128xf32, #tpu.memory_space<vmem>>, vector<16xf32>,
        %mul3A_998 = vector.broadcast %squeeze3A_994 : f32 to vector<16xf32>
        %mul3A_999 = arith.mulf %get3A_997, %mul3A_998 : vector<16xf32>
        %swap3A_1000 = arith.index_cast %add3A_992 : i32 to index
        %swap3A_1001 = arith.constant 0 : index
        %swap3A_1002 = tpu.vector_load %arg16[%swap3A_1000, %swap3A_1001] {strides = array<i32>} : memref<128x128xf32, #tpu.memory_space<vmem>>, vector<16xf32>,
        tpu.vector_store %arg16[%swap3A_1000, %swap3A_1001], %mul3A_999 {strides = array<i32>} : memref<128x128xf32, #tpu.memory_space<vmem>>, vector<16xf32>,
        %get3A_1003 = arith.index_cast %add3A_992 : i32 to index
        %get3A_1004 = arith.constant 16 : index
        %get3A_1005 = tpu.vector_load %arg16[%get3A_1003, %get3A_1004] {strides = array<i32>} : memref<128x128xf32, #tpu.memory_space<vmem>>, vector<16xf32>,
        %mul3A_1006 = vector.broadcast %squeeze3A_994 : f32 to vector<16xf32>
        %mul3A_1007 = arith.mulf %get3A_1005, %mul3A_1006 : vector<16xf32>
        %swap3A_1008 = arith.index_cast %add3A_992 : i32 to index
        %swap3A_1009 = arith.constant 16 : index
        %swap3A_1010 = tpu.vector_load %arg16[%swap3A_1008, %swap3A_1009] {strides = array<i32>} : memref<128x128xf32, #tpu.memory_space<vmem>>, vector<16xf32>,
        tpu.vector_store %arg16[%swap3A_1008, %swap3A_1009], %mul3A_1007 {strides = array<i32>} : memref<128x128xf32, #tpu.memory_space<vmem>>, vector<16xf32>,
        %get3A_1011 = arith.index_cast %add3A_992 : i32 to index
        %get3A_1012 = arith.constant 32 : index
        %get3A_1013 = tpu.vector_load %arg16[%get3A_1011, %get3A_1012] {strides = array<i32>} : memref<128x128xf32, #tpu.memory_space<vmem>>, vector<16xf32>,
        %mul3A_1014 = vector.broadcast %squeeze3A_994 : f32 to vector<16xf32>
        %mul3A_1015 = arith.mulf %get3A_1013, %mul3A_1014 : vector<16xf32>
        %swap3A_1016 = arith.index_cast %add3A_992 : i32 to index
        %swap3A_1017 = arith.constant 32 : index
        %swap3A_1018 = tpu.vector_load %arg16[%swap3A_1016, %swap3A_1017] {strides = array<i32>} : memref<128x128xf32, #tpu.memory_space<vmem>>, vector<16xf32>,
        tpu.vector_store %arg16[%swap3A_1016, %swap3A_1017], %mul3A_1015 {strides = array<i32>} : memref<128x128xf32, #tpu.memory_space<vmem>>, vector<16xf32>,
        %get3A_1019 = arith.index_cast %add3A_992 : i32 to index
        %get3A_1020 = arith.constant 48 : index
        %get3A_1021 = tpu.vector_load %arg16[%get3A_1019, %get3A_1020] {strides = array<i32>} : memref<128x128xf32, #tpu.memory_space<vmem>>, vector<16xf32>,
        %mul3A_1022 = vector.broadcast %squeeze3A_994 : f32 to vector<16xf32>
        %mul3A_1023 = arith.mulf %get3A_1021, %mul3A_1022 : vector<16xf32>
        %swap3A_1024 = arith.index_cast %add3A_992 : i32 to index
        %swap3A_1025 = arith.constant 48 : index
        %swap3A_1026 = tpu.vector_load %arg16[%swap3A_1024, %swap3A_1025] {strides = array<i32>} : memref<128x128xf32, #tpu.memory_space<vmem>>, vector<16xf32>,
        tpu.vector_store %arg16[%swap3A_1024, %swap3A_1025], %mul3A_1023 {strides = array<i32>} : memref<128x128xf32, #tpu.memory_space<vmem>>, vector<16xf32>,
        %get3A_1027 = arith.index_cast %add3A_992 : i32 to index
        %get3A_1028 = arith.constant 64 : index
        %get3A_1029 = tpu.vector_load %arg16[%get3A_1027, %get3A_1028] {strides = array<i32>} : memref<128x128xf32, #tpu.memory_space<vmem>>, vector<16xf32>,
        %mul3A_1030 = vector.broadcast %squeeze3A_994 : f32 to vector<16xf32>
        %mul3A_1031 = arith.mulf %get3A_1029, %mul3A_1030 : vector<16xf32>
        %swap3A_1032 = arith.index_cast %add3A_992 : i32 to index
        %swap3A_1033 = arith.constant 64 : index
        %swap3A_1034 = tpu.vector_load %arg16[%swap3A_1032, %swap3A_1033] {strides = array<i32>} : memref<128x128xf32, #tpu.memory_space<vmem>>, vector<16xf32>,
        tpu.vector_store %arg16[%swap3A_1032, %swap3A_1033], %mul3A_1031 {strides = array<i32>} : memref<128x128xf32, #tpu.memory_space<vmem>>, vector<16xf32>,
        %get3A_1035 = arith.index_cast %add3A_992 : i32 to index
        %get3A_1036 = arith.constant 80 : index
        %get3A_1037 = tpu.vector_load %arg16[%get3A_1035, %get3A_1036] {strides = array<i32>} : memref<128x128xf32, #tpu.memory_space<vmem>>, vector<16xf32>,
        %mul3A_1038 = vector.broadcast %squeeze3A_994 : f32 to vector<16xf32>
        %mul3A_1039 = arith.mulf %get3A_1037, %mul3A_1038 : vector<16xf32>
        %swap3A_1040 = arith.index_cast %add3A_992 : i32 to index
        %swap3A_1041 = arith.constant 80 : index
        %swap3A_1042 = tpu.vector_load %arg16[%swap3A_1040, %swap3A_1041] {strides = array<i32>} : memref<128x128xf32, #tpu.memory_space<vmem>>, vector<16xf32>,
        tpu.vector_store %arg16[%swap3A_1040, %swap3A_1041], %mul3A_1039 {strides = array<i32>} : memref<128x128xf32, #tpu.memory_space<vmem>>, vector<16xf32>,
        %get3A_1043 = arith.index_cast %add3A_992 : i32 to index
        %get3A_1044 = arith.constant 96 : index
        %get3A_1045 = tpu.vector_load %arg16[%get3A_1043, %get3A_1044] {strides = array<i32>} : memref<128x128xf32, #tpu.memory_space<vmem>>, vector<16xf32>,
        %mul3A_1046 = vector.broadcast %squeeze3A_994 : f32 to vector<16xf32>
        %mul3A_1047 = arith.mulf %get3A_1045, %mul3A_1046 : vector<16xf32>
        %swap3A_1048 = arith.index_cast %add3A_992 : i32 to index
        %swap3A_1049 = arith.constant 96 : index
        %swap3A_1050 = tpu.vector_load %arg16[%swap3A_1048, %swap3A_1049] {strides = array<i32>} : memref<128x128xf32, #tpu.memory_space<vmem>>, vector<16xf32>,
        tpu.vector_store %arg16[%swap3A_1048, %swap3A_1049], %mul3A_1047 {strides = array<i32>} : memref<128x128xf32, #tpu.memory_space<vmem>>, vector<16xf32>,
        %get3A_1051 = arith.index_cast %add3A_992 : i32 to index
        %get3A_1052 = arith.constant 112 : index
        %get3A_1053 = tpu.vector_load %arg16[%get3A_1051, %get3A_1052] {strides = array<i32>} : memref<128x128xf32, #tpu.memory_space<vmem>>, vector<16xf32>,
        %mul3A_1054 = vector.broadcast %squeeze3A_994 : f32 to vector<16xf32>
        %mul3A_1055 = arith.mulf %get3A_1053, %mul3A_1054 : vector<16xf32>
        %swap3A_1056 = arith.index_cast %add3A_992 : i32 to index
        %swap3A_1057 = arith.constant 112 : index
        %swap3A_1058 = tpu.vector_load %arg16[%swap3A_1056, %swap3A_1057] {strides = array<i32>} : memref<128x128xf32, #tpu.memory_space<vmem>>, vector<16xf32>,
        tpu.vector_store %arg16[%swap3A_1056, %swap3A_1057], %mul3A_1055 {strides = array<i32>} : memref<128x128xf32, #tpu.memory_space<vmem>>, vector<16xf32>,
        %mul3A_1059 = arith.constant 16 : i32
        %mul3A_1060 = arith.muli %scan3A_75, %mul3A_1059 : i32
        %add3A_1061 = arith.constant 14 : i32
        %add3A_1062 = arith.addi %mul3A_1060, %add3A_1061 : i32
        %slice3A_1063 = vector.extract_strided_slice %mul3A_81 {offsets = [14], sizes = [1], strides = [1]} : vector<16xf32> to vector<1xf32>
        %squeeze3A_1064 = vector.extract %slice3A_1063[0] : f32 from vector<1xf32>
        %get3A_1065 = arith.index_cast %add3A_1062 : i32 to index
        %get3A_1066 = arith.constant 0 : index
        %get3A_1067 = tpu.vector_load %arg16[%get3A_1065, %get3A_1066] {strides = array<i32>} : memref<128x128xf32, #tpu.memory_space<vmem>>, vector<16xf32>,
        %mul3A_1068 = vector.broadcast %squeeze3A_1064 : f32 to vector<16xf32>
        %mul3A_1069 = arith.mulf %get3A_1067, %mul3A_1068 : vector<16xf32>
        %swap3A_1070 = arith.index_cast %add3A_1062 : i32 to index
        %swap3A_1071 = arith.constant 0 : index
        %swap3A_1072 = tpu.vector_load %arg16[%swap3A_1070, %swap3A_1071] {strides = array<i32>} : memref<128x128xf32, #tpu.memory_space<vmem>>, vector<16xf32>,
        tpu.vector_store %arg16[%swap3A_1070, %swap3A_1071], %mul3A_1069 {strides = array<i32>} : memref<128x128xf32, #tpu.memory_space<vmem>>, vector<16xf32>,
        %get3A_1073 = arith.index_cast %add3A_1062 : i32 to index
        %get3A_1074 = arith.constant 16 : index
        %get3A_1075 = tpu.vector_load %arg16[%get3A_1073, %get3A_1074] {strides = array<i32>} : memref<128x128xf32, #tpu.memory_space<vmem>>, vector<16xf32>,
        %mul3A_1076 = vector.broadcast %squeeze3A_1064 : f32 to vector<16xf32>
        %mul3A_1077 = arith.mulf %get3A_1075, %mul3A_1076 : vector<16xf32>
        %swap3A_1078 = arith.index_cast %add3A_1062 : i32 to index
        %swap3A_1079 = arith.constant 16 : index
        %swap3A_1080 = tpu.vector_load %arg16[%swap3A_1078, %swap3A_1079] {strides = array<i32>} : memref<128x128xf32, #tpu.memory_space<vmem>>, vector<16xf32>,
        tpu.vector_store %arg16[%swap3A_1078, %swap3A_1079], %mul3A_1077 {strides = array<i32>} : memref<128x128xf32, #tpu.memory_space<vmem>>, vector<16xf32>,
        %get3A_1081 = arith.index_cast %add3A_1062 : i32 to index
        %get3A_1082 = arith.constant 32 : index
        %get3A_1083 = tpu.vector_load %arg16[%get3A_1081, %get3A_1082] {strides = array<i32>} : memref<128x128xf32, #tpu.memory_space<vmem>>, vector<16xf32>,
        %mul3A_1084 = vector.broadcast %squeeze3A_1064 : f32 to vector<16xf32>
        %mul3A_1085 = arith.mulf %get3A_1083, %mul3A_1084 : vector<16xf32>
        %swap3A_1086 = arith.index_cast %add3A_1062 : i32 to index
        %swap3A_1087 = arith.constant 32 : index
        %swap3A_1088 = tpu.vector_load %arg16[%swap3A_1086, %swap3A_1087] {strides = array<i32>} : memref<128x128xf32, #tpu.memory_space<vmem>>, vector<16xf32>,
        tpu.vector_store %arg16[%swap3A_1086, %swap3A_1087], %mul3A_1085 {strides = array<i32>} : memref<128x128xf32, #tpu.memory_space<vmem>>, vector<16xf32>,
        %get3A_1089 = arith.index_cast %add3A_1062 : i32 to index
        %get3A_1090 = arith.constant 48 : index
        %get3A_1091 = tpu.vector_load %arg16[%get3A_1089, %get3A_1090] {strides = array<i32>} : memref<128x128xf32, #tpu.memory_space<vmem>>, vector<16xf32>,
        %mul3A_1092 = vector.broadcast %squeeze3A_1064 : f32 to vector<16xf32>
        %mul3A_1093 = arith.mulf %get3A_1091, %mul3A_1092 : vector<16xf32>
        %swap3A_1094 = arith.index_cast %add3A_1062 : i32 to index
        %swap3A_1095 = arith.constant 48 : index
        %swap3A_1096 = tpu.vector_load %arg16[%swap3A_1094, %swap3A_1095] {strides = array<i32>} : memref<128x128xf32, #tpu.memory_space<vmem>>, vector<16xf32>,
        tpu.vector_store %arg16[%swap3A_1094, %swap3A_1095], %mul3A_1093 {strides = array<i32>} : memref<128x128xf32, #tpu.memory_space<vmem>>, vector<16xf32>,
        %get3A_1097 = arith.index_cast %add3A_1062 : i32 to index
        %get3A_1098 = arith.constant 64 : index
        %get3A_1099 = tpu.vector_load %arg16[%get3A_1097, %get3A_1098] {strides = array<i32>} : memref<128x128xf32, #tpu.memory_space<vmem>>, vector<16xf32>,
        %mul3A_1100 = vector.broadcast %squeeze3A_1064 : f32 to vector<16xf32>
        %mul3A_1101 = arith.mulf %get3A_1099, %mul3A_1100 : vector<16xf32>
        %swap3A_1102 = arith.index_cast %add3A_1062 : i32 to index
        %swap3A_1103 = arith.constant 64 : index
        %swap3A_1104 = tpu.vector_load %arg16[%swap3A_1102, %swap3A_1103] {strides = array<i32>} : memref<128x128xf32, #tpu.memory_space<vmem>>, vector<16xf32>,
        tpu.vector_store %arg16[%swap3A_1102, %swap3A_1103], %mul3A_1101 {strides = array<i32>} : memref<128x128xf32, #tpu.memory_space<vmem>>, vector<16xf32>,
        %get3A_1105 = arith.index_cast %add3A_1062 : i32 to index
        %get3A_1106 = arith.constant 80 : index
        %get3A_1107 = tpu.vector_load %arg16[%get3A_1105, %get3A_1106] {strides = array<i32>} : memref<128x128xf32, #tpu.memory_space<vmem>>, vector<16xf32>,
        %mul3A_1108 = vector.broadcast %squeeze3A_1064 : f32 to vector<16xf32>
        %mul3A_1109 = arith.mulf %get3A_1107, %mul3A_1108 : vector<16xf32>
        %swap3A_1110 = arith.index_cast %add3A_1062 : i32 to index
        %swap3A_1111 = arith.constant 80 : index
        %swap3A_1112 = tpu.vector_load %arg16[%swap3A_1110, %swap3A_1111] {strides = array<i32>} : memref<128x128xf32, #tpu.memory_space<vmem>>, vector<16xf32>,
        tpu.vector_store %arg16[%swap3A_1110, %swap3A_1111], %mul3A_1109 {strides = array<i32>} : memref<128x128xf32, #tpu.memory_space<vmem>>, vector<16xf32>,
        %get3A_1113 = arith.index_cast %add3A_1062 : i32 to index
        %get3A_1114 = arith.constant 96 : index
        %get3A_1115 = tpu.vector_load %arg16[%get3A_1113, %get3A_1114] {strides = array<i32>} : memref<128x128xf32, #tpu.memory_space<vmem>>, vector<16xf32>,
        %mul3A_1116 = vector.broadcast %squeeze3A_1064 : f32 to vector<16xf32>
        %mul3A_1117 = arith.mulf %get3A_1115, %mul3A_1116 : vector<16xf32>
        %swap3A_1118 = arith.index_cast %add3A_1062 : i32 to index
        %swap3A_1119 = arith.constant 96 : index
        %swap3A_1120 = tpu.vector_load %arg16[%swap3A_1118, %swap3A_1119] {strides = array<i32>} : memref<128x128xf32, #tpu.memory_space<vmem>>, vector<16xf32>,
        tpu.vector_store %arg16[%swap3A_1118, %swap3A_1119], %mul3A_1117 {strides = array<i32>} : memref<128x128xf32, #tpu.memory_space<vmem>>, vector<16xf32>,
        %get3A_1121 = arith.index_cast %add3A_1062 : i32 to index
        %get3A_1122 = arith.constant 112 : index
        %get3A_1123 = tpu.vector_load %arg16[%get3A_1121, %get3A_1122] {strides = array<i32>} : memref<128x128xf32, #tpu.memory_space<vmem>>, vector<16xf32>,
        %mul3A_1124 = vector.broadcast %squeeze3A_1064 : f32 to vector<16xf32>
        %mul3A_1125 = arith.mulf %get3A_1123, %mul3A_1124 : vector<16xf32>
        %swap3A_1126 = arith.index_cast %add3A_1062 : i32 to index
        %swap3A_1127 = arith.constant 112 : index
        %swap3A_1128 = tpu.vector_load %arg16[%swap3A_1126, %swap3A_1127] {strides = array<i32>} : memref<128x128xf32, #tpu.memory_space<vmem>>, vector<16xf32>,
        tpu.vector_store %arg16[%swap3A_1126, %swap3A_1127], %mul3A_1125 {strides = array<i32>} : memref<128x128xf32, #tpu.memory_space<vmem>>, vector<16xf32>,
        %mul3A_1129 = arith.constant 16 : i32
        %mul3A_1130 = arith.muli %scan3A_75, %mul3A_1129 : i32
        %add3A_1131 = arith.constant 15 : i32
        %add3A_1132 = arith.addi %mul3A_1130, %add3A_1131 : i32
        %slice3A_1133 = vector.extract_strided_slice %mul3A_81 {offsets = [15], sizes = [1], strides = [1]} : vector<16xf32> to vector<1xf32>
        %squeeze3A_1134 = vector.extract %slice3A_1133[0] : f32 from vector<1xf32>
        %get3A_1135 = arith.index_cast %add3A_1132 : i32 to index
        %get3A_1136 = arith.constant 0 : index
        %get3A_1137 = tpu.vector_load %arg16[%get3A_1135, %get3A_1136] {strides = array<i32>} : memref<128x128xf32, #tpu.memory_space<vmem>>, vector<16xf32>,
        %mul3A_1138 = vector.broadcast %squeeze3A_1134 : f32 to vector<16xf32>
        %mul3A_1139 = arith.mulf %get3A_1137, %mul3A_1138 : vector<16xf32>
        %swap3A_1140 = arith.index_cast %add3A_1132 : i32 to index
        %swap3A_1141 = arith.constant 0 : index
        %swap3A_1142 = tpu.vector_load %arg16[%swap3A_1140, %swap3A_1141] {strides = array<i32>} : memref<128x128xf32, #tpu.memory_space<vmem>>, vector<16xf32>,
        tpu.vector_store %arg16[%swap3A_1140, %swap3A_1141], %mul3A_1139 {strides = array<i32>} : memref<128x128xf32, #tpu.memory_space<vmem>>, vector<16xf32>,
        %get3A_1143 = arith.index_cast %add3A_1132 : i32 to index
        %get3A_1144 = arith.constant 16 : index
        %get3A_1145 = tpu.vector_load %arg16[%get3A_1143, %get3A_1144] {strides = array<i32>} : memref<128x128xf32, #tpu.memory_space<vmem>>, vector<16xf32>,
        %mul3A_1146 = vector.broadcast %squeeze3A_1134 : f32 to vector<16xf32>
        %mul3A_1147 = arith.mulf %get3A_1145, %mul3A_1146 : vector<16xf32>
        %swap3A_1148 = arith.index_cast %add3A_1132 : i32 to index
        %swap3A_1149 = arith.constant 16 : index
        %swap3A_1150 = tpu.vector_load %arg16[%swap3A_1148, %swap3A_1149] {strides = array<i32>} : memref<128x128xf32, #tpu.memory_space<vmem>>, vector<16xf32>,
        tpu.vector_store %arg16[%swap3A_1148, %swap3A_1149], %mul3A_1147 {strides = array<i32>} : memref<128x128xf32, #tpu.memory_space<vmem>>, vector<16xf32>,
        %get3A_1151 = arith.index_cast %add3A_1132 : i32 to index
        %get3A_1152 = arith.constant 32 : index
        %get3A_1153 = tpu.vector_load %arg16[%get3A_1151, %get3A_1152] {strides = array<i32>} : memref<128x128xf32, #tpu.memory_space<vmem>>, vector<16xf32>,
        %mul3A_1154 = vector.broadcast %squeeze3A_1134 : f32 to vector<16xf32>
        %mul3A_1155 = arith.mulf %get3A_1153, %mul3A_1154 : vector<16xf32>
        %swap3A_1156 = arith.index_cast %add3A_1132 : i32 to index
        %swap3A_1157 = arith.constant 32 : index
        %swap3A_1158 = tpu.vector_load %arg16[%swap3A_1156, %swap3A_1157] {strides = array<i32>} : memref<128x128xf32, #tpu.memory_space<vmem>>, vector<16xf32>,
        tpu.vector_store %arg16[%swap3A_1156, %swap3A_1157], %mul3A_1155 {strides = array<i32>} : memref<128x128xf32, #tpu.memory_space<vmem>>, vector<16xf32>,
        %get3A_1159 = arith.index_cast %add3A_1132 : i32 to index
        %get3A_1160 = arith.constant 48 : index
        %get3A_1161 = tpu.vector_load %arg16[%get3A_1159, %get3A_1160] {strides = array<i32>} : memref<128x128xf32, #tpu.memory_space<vmem>>, vector<16xf32>,
        %mul3A_1162 = vector.broadcast %squeeze3A_1134 : f32 to vector<16xf32>
        %mul3A_1163 = arith.mulf %get3A_1161, %mul3A_1162 : vector<16xf32>
        %swap3A_1164 = arith.index_cast %add3A_1132 : i32 to index
        %swap3A_1165 = arith.constant 48 : index
        %swap3A_1166 = tpu.vector_load %arg16[%swap3A_1164, %swap3A_1165] {strides = array<i32>} : memref<128x128xf32, #tpu.memory_space<vmem>>, vector<16xf32>,
        tpu.vector_store %arg16[%swap3A_1164, %swap3A_1165], %mul3A_1163 {strides = array<i32>} : memref<128x128xf32, #tpu.memory_space<vmem>>, vector<16xf32>,
        %get3A_1167 = arith.index_cast %add3A_1132 : i32 to index
        %get3A_1168 = arith.constant 64 : index
        %get3A_1169 = tpu.vector_load %arg16[%get3A_1167, %get3A_1168] {strides = array<i32>} : memref<128x128xf32, #tpu.memory_space<vmem>>, vector<16xf32>,
        %mul3A_1170 = vector.broadcast %squeeze3A_1134 : f32 to vector<16xf32>
        %mul3A_1171 = arith.mulf %get3A_1169, %mul3A_1170 : vector<16xf32>
        %swap3A_1172 = arith.index_cast %add3A_1132 : i32 to index
        %swap3A_1173 = arith.constant 64 : index
        %swap3A_1174 = tpu.vector_load %arg16[%swap3A_1172, %swap3A_1173] {strides = array<i32>} : memref<128x128xf32, #tpu.memory_space<vmem>>, vector<16xf32>,
        tpu.vector_store %arg16[%swap3A_1172, %swap3A_1173], %mul3A_1171 {strides = array<i32>} : memref<128x128xf32, #tpu.memory_space<vmem>>, vector<16xf32>,
        %get3A_1175 = arith.index_cast %add3A_1132 : i32 to index
        %get3A_1176 = arith.constant 80 : index
        %get3A_1177 = tpu.vector_load %arg16[%get3A_1175, %get3A_1176] {strides = array<i32>} : memref<128x128xf32, #tpu.memory_space<vmem>>, vector<16xf32>,
        %mul3A_1178 = vector.broadcast %squeeze3A_1134 : f32 to vector<16xf32>
        %mul3A_1179 = arith.mulf %get3A_1177, %mul3A_1178 : vector<16xf32>
        %swap3A_1180 = arith.index_cast %add3A_1132 : i32 to index
        %swap3A_1181 = arith.constant 80 : index
        %swap3A_1182 = tpu.vector_load %arg16[%swap3A_1180, %swap3A_1181] {strides = array<i32>} : memref<128x128xf32, #tpu.memory_space<vmem>>, vector<16xf32>,
        tpu.vector_store %arg16[%swap3A_1180, %swap3A_1181], %mul3A_1179 {strides = array<i32>} : memref<128x128xf32, #tpu.memory_space<vmem>>, vector<16xf32>,
        %get3A_1183 = arith.index_cast %add3A_1132 : i32 to index
        %get3A_1184 = arith.constant 96 : index
        %get3A_1185 = tpu.vector_load %arg16[%get3A_1183, %get3A_1184] {strides = array<i32>} : memref<128x128xf32, #tpu.memory_space<vmem>>, vector<16xf32>,
        %mul3A_1186 = vector.broadcast %squeeze3A_1134 : f32 to vector<16xf32>
        %mul3A_1187 = arith.mulf %get3A_1185, %mul3A_1186 : vector<16xf32>
        %swap3A_1188 = arith.index_cast %add3A_1132 : i32 to index
        %swap3A_1189 = arith.constant 96 : index
        %swap3A_1190 = tpu.vector_load %arg16[%swap3A_1188, %swap3A_1189] {strides = array<i32>} : memref<128x128xf32, #tpu.memory_space<vmem>>, vector<16xf32>,
        tpu.vector_store %arg16[%swap3A_1188, %swap3A_1189], %mul3A_1187 {strides = array<i32>} : memref<128x128xf32, #tpu.memory_space<vmem>>, vector<16xf32>,
        %get3A_1191 = arith.index_cast %add3A_1132 : i32 to index
        %get3A_1192 = arith.constant 112 : index
        %get3A_1193 = tpu.vector_load %arg16[%get3A_1191, %get3A_1192] {strides = array<i32>} : memref<128x128xf32, #tpu.memory_space<vmem>>, vector<16xf32>,
        %mul3A_1194 = vector.broadcast %squeeze3A_1134 : f32 to vector<16xf32>
        %mul3A_1195 = arith.mulf %get3A_1193, %mul3A_1194 : vector<16xf32>
        %swap3A_1196 = arith.index_cast %add3A_1132 : i32 to index
        %swap3A_1197 = arith.constant 112 : index
        %swap3A_1198 = tpu.vector_load %arg16[%swap3A_1196, %swap3A_1197] {strides = array<i32>} : memref<128x128xf32, #tpu.memory_space<vmem>>, vector<16xf32>,
        tpu.vector_store %arg16[%swap3A_1196, %swap3A_1197], %mul3A_1195 {strides = array<i32>} : memref<128x128xf32, #tpu.memory_space<vmem>>, vector<16xf32>,
      }
      %scan3A_67 = arith.constant 8 : i32
      "tpu.region"() ({
        %run_scoped3A = tpu.sem_alloc : memref<!tpu.dma_semaphore, #tpu.memory_space<semaphore_mem>>
        %dma_start3A_75 = arith.constant 0 : i32
        %dma_start3A_76 = arith.constant 0 : i32
        %dma_start3A_77 = tpu.memref_slice %arg8[%dma_start3A_75, %dma_start3A_76] : memref<10240x128xf32, #tpu.memory_space<vmem_shared>> -> memref<10240x128xf32, #tpu.memory_space<vmem_shared>>
        tpu.enqueue_indirect_dma source(%arg16 : memref<128x128xf32, #tpu.memory_space<vmem>>) target(%dma_start3A_77 : memref<10240x128xf32, #tpu.memory_space<vmem_shared>>) offsets(%arg12 : memref<128xi32, #tpu.memory_space<vmem>>) semaphore(%run_scoped3A : memref<!tpu.dma_semaphore, #tpu.memory_space<semaphore_mem>>) {add = true}
        %dma_wait3A_78 = arith.constant 0 : i32
        %dma_wait3A_79 = arith.constant 0 : i32
        %dma_wait3A_80 = tpu.memref_slice %arg8[%dma_wait3A_78, %dma_wait3A_79] : memref<10240x128xf32, #tpu.memory_space<vmem_shared>> -> memref<10240x128xf32, #tpu.memory_space<vmem_shared>>
        tpu.wait_indirect_dma semaphore(%run_scoped3A : memref<!tpu.dma_semaphore, #tpu.memory_space<semaphore_mem>>) src(%arg16 : memref<128x128xf32, #tpu.memory_space<vmem>>) dst(%dma_wait3A_80 : memref<10240x128xf32, #tpu.memory_space<vmem_shared>>)
        tpu.yield
      }) : () -> ()
      %add3A_68 = arith.constant 2 : i32
      %add3A_69 = arith.addi %add3A_46, %add3A_68 : i32
      %lt3A_70 = arith.constant 80 : i32
      %lt3A_71 = arith.cmpi slt, %add3A_69, %lt3A_70 : i32
      %convert_element_type3A_72 = arith.extui %lt3A_71 : i1 to i32
      %cond3A_73 = arith.constant 0 : i32
      %cond3A_74 = arith.cmpi ne, %convert_element_type3A_72, %cond3A_73 : i32
      scf.if %cond3A_74 {
        %add3A_75 = arith.constant 2 : i32
        %add3A_76 = arith.addi %add3A_46, %add3A_75 : i32
        %mul3A_77 = arith.constant 128 : i32
        %mul3A_78 = arith.muli %add3A_76, %mul3A_77 : i32
        %add3A_79 = arith.addi %mul3A_11, %mul3A_78 : i32
        "tpu.region"() ({
          %run_scoped3A = tpu.sem_alloc : memref<!tpu.dma_semaphore, #tpu.memory_space<semaphore_mem>>
          %dma_start3A_89 = tpu.memref_slice %arg3[%add3A_79] : memref<327680xi32, #tpu.memory_space<hbm>> -> memref<128xi32, #tpu.memory_space<hbm>>
          %dma_start3A_90 = tpu.memref_slice %arg3[%add3A_79] : memref<327680xi32, #tpu.memory_space<hbm>> -> memref<128xi32, #tpu.memory_space<hbm>>
          tpu.enqueue_dma source(%dma_start3A_90 : memref<128xi32, #tpu.memory_space<hbm>>) target(%arg10 : memref<128xi32, #tpu.memory_space<vmem>>) target_semaphore(%run_scoped3A : memref<!tpu.dma_semaphore, #tpu.memory_space<semaphore_mem>>)
          %dma_wait3A_91 = tpu.memref_slice %arg3[%add3A_79] : memref<327680xi32, #tpu.memory_space<hbm>> -> memref<128xi32, #tpu.memory_space<hbm>>
          %dma_wait3A_92 = tpu.memref_slice %arg3[%add3A_79] : memref<327680xi32, #tpu.memory_space<hbm>> -> memref<128xi32, #tpu.memory_space<hbm>>
          tpu.wait_dma2 semaphore(%run_scoped3A : memref<!tpu.dma_semaphore, #tpu.memory_space<semaphore_mem>>) src(%dma_wait3A_92 : memref<128xi32, #tpu.memory_space<hbm>>) dst(%arg10 : memref<128xi32, #tpu.memory_space<vmem>>)
          tpu.yield
        }) : () -> ()
        %mul3A_80 = arith.constant 128 : i32
        %mul3A_81 = arith.muli %add3A_76, %mul3A_80 : i32
        %add3A_82 = arith.addi %mul3A_11, %mul3A_81 : i32
        "tpu.region"() ({
          %run_scoped3A = tpu.sem_alloc : memref<!tpu.dma_semaphore, #tpu.memory_space<semaphore_mem>>
          %dma_start3A_89 = tpu.memref_slice %arg5[%add3A_82] : memref<327680xf32, #tpu.memory_space<hbm>> -> memref<128xf32, #tpu.memory_space<hbm>>
          %dma_start3A_90 = tpu.memref_slice %arg5[%add3A_82] : memref<327680xf32, #tpu.memory_space<hbm>> -> memref<128xf32, #tpu.memory_space<hbm>>
          tpu.enqueue_dma source(%dma_start3A_90 : memref<128xf32, #tpu.memory_space<hbm>>) target(%arg14 : memref<128xf32, #tpu.memory_space<vmem>>) target_semaphore(%run_scoped3A : memref<!tpu.dma_semaphore, #tpu.memory_space<semaphore_mem>>)
          %dma_wait3A_91 = tpu.memref_slice %arg5[%add3A_82] : memref<327680xf32, #tpu.memory_space<hbm>> -> memref<128xf32, #tpu.memory_space<hbm>>
          %dma_wait3A_92 = tpu.memref_slice %arg5[%add3A_82] : memref<327680xf32, #tpu.memory_space<hbm>> -> memref<128xf32, #tpu.memory_space<hbm>>
          tpu.wait_dma2 semaphore(%run_scoped3A : memref<!tpu.dma_semaphore, #tpu.memory_space<semaphore_mem>>) src(%dma_wait3A_92 : memref<128xf32, #tpu.memory_space<hbm>>) dst(%arg14 : memref<128xf32, #tpu.memory_space<vmem>>)
          tpu.yield
        }) : () -> ()
        %mul3A_83 = arith.constant 128 : i32
        %mul3A_84 = arith.muli %add3A_76, %mul3A_83 : i32
        %add3A_85 = arith.addi %mul3A_11, %mul3A_84 : i32
        "tpu.region"() ({
          %run_scoped3A = tpu.sem_alloc : memref<!tpu.dma_semaphore, #tpu.memory_space<semaphore_mem>>
          %dma_start3A_89 = tpu.memref_slice %arg4[%add3A_85] : memref<327680xi32, #tpu.memory_space<hbm>> -> memref<128xi32, #tpu.memory_space<hbm>>
          %dma_start3A_90 = tpu.memref_slice %arg4[%add3A_85] : memref<327680xi32, #tpu.memory_space<hbm>> -> memref<128xi32, #tpu.memory_space<hbm>>
          tpu.enqueue_dma source(%dma_start3A_90 : memref<128xi32, #tpu.memory_space<hbm>>) target(%arg12 : memref<128xi32, #tpu.memory_space<vmem>>) target_semaphore(%run_scoped3A : memref<!tpu.dma_semaphore, #tpu.memory_space<semaphore_mem>>)
          %dma_wait3A_91 = tpu.memref_slice %arg4[%add3A_85] : memref<327680xi32, #tpu.memory_space<hbm>> -> memref<128xi32, #tpu.memory_space<hbm>>
          %dma_wait3A_92 = tpu.memref_slice %arg4[%add3A_85] : memref<327680xi32, #tpu.memory_space<hbm>> -> memref<128xi32, #tpu.memory_space<hbm>>
          tpu.wait_dma2 semaphore(%run_scoped3A : memref<!tpu.dma_semaphore, #tpu.memory_space<semaphore_mem>>) src(%dma_wait3A_92 : memref<128xi32, #tpu.memory_space<hbm>>) dst(%arg12 : memref<128xi32, #tpu.memory_space<vmem>>)
          tpu.yield
        }) : () -> ()
        %dma_start3A_86 = arith.constant 0 : i32
        %dma_start3A_87 = arith.constant 0 : i32
        %dma_start3A_88 = tpu.memref_slice %arg2[%dma_start3A_86, %dma_start3A_87] : memref<10240x128xf32, #tpu.memory_space<hbm>> -> memref<10240x128xf32, #tpu.memory_space<hbm>>
        tpu.enqueue_indirect_dma source(%dma_start3A_88 : memref<10240x128xf32, #tpu.memory_space<hbm>>) target(%arg16 : memref<128x128xf32, #tpu.memory_space<vmem>>) offsets(%arg10 : memref<128xi32, #tpu.memory_space<vmem>>) semaphore(%arg19 : memref<!tpu.dma_semaphore, #tpu.memory_space<semaphore_mem>>)
      } else {
      }
    }
    %scan3A_33 = arith.constant 40 : i32
    %barrier3A_34 = arith.constant 0 : index
    tpu.barrier barrier_id(%barrier3A_34)
    %eq3A = arith.constant 0 : i32
    %eq3A_35 = arith.cmpi eq, %arg0, %eq3A : i32
    %convert_element_type3A = arith.extui %eq3A_35 : i1 to i32
    %cond3A = arith.constant 0 : i32
    %cond3A_36 = arith.cmpi ne, %convert_element_type3A, %cond3A : i32
    scf.if %cond3A_36 {
      %mul3A_42 = arith.constant 640 : i32
      %mul3A_43 = arith.muli %arg1, %mul3A_42 : i32
      %mul3A_44 = arith.constant 640 : i32
      %mul3A_45 = arith.muli %arg1, %mul3A_44 : i32
      %run_scoped3A = arith.constant 0 : i32
      "tpu.region"() ({
        %run_scoped3A_46 = tpu.sem_alloc : memref<!tpu.dma_semaphore, #tpu.memory_space<semaphore_mem>>
        %dma_start3A_47 = arith.constant 0 : i32
        %dma_start3A_48 = tpu.memref_slice %arg7[%run_scoped3A, %mul3A_45, %dma_start3A_47] : memref<2x10240x128xf32, #tpu.memory_space<hbm>> -> memref<1x640x128xf32, #tpu.memory_space<hbm>>
        %dma_start3A_49 = tpu.memref_squeeze %dma_start3A_48 : memref<1x640x128xf32, #tpu.memory_space<hbm>> -> memref<640x128xf32, #tpu.memory_space<hbm>>
        %dma_start3A_50 = arith.constant 0 : i32
        %dma_start3A_51 = tpu.memref_slice %arg8[%mul3A_43, %dma_start3A_50] : memref<10240x128xf32, #tpu.memory_space<vmem_shared>> -> memref<640x128xf32, #tpu.memory_space<vmem_shared>>
        tpu.enqueue_dma source(%dma_start3A_51 : memref<640x128xf32, #tpu.memory_space<vmem_shared>>) target(%dma_start3A_49 : memref<640x128xf32, #tpu.memory_space<hbm>>) target_semaphore(%run_scoped3A_46 : memref<!tpu.dma_semaphore, #tpu.memory_space<semaphore_mem>>)
        %dma_wait3A = arith.constant 0 : i32
        %dma_wait3A_52 = tpu.memref_slice %arg7[%run_scoped3A, %mul3A_45, %dma_wait3A] : memref<2x10240x128xf32, #tpu.memory_space<hbm>> -> memref<1x640x128xf32, #tpu.memory_space<hbm>>
        %dma_wait3A_53 = tpu.memref_squeeze %dma_wait3A_52 : memref<1x640x128xf32, #tpu.memory_space<hbm>> -> memref<640x128xf32, #tpu.memory_space<hbm>>
        %dma_wait3A_54 = arith.constant 0 : i32
        %dma_wait3A_55 = tpu.memref_slice %arg8[%mul3A_43, %dma_wait3A_54] : memref<10240x128xf32, #tpu.memory_space<vmem_shared>> -> memref<640x128xf32, #tpu.memory_space<vmem_shared>>
        tpu.wait_dma2 semaphore(%run_scoped3A_46 : memref<!tpu.dma_semaphore, #tpu.memory_space<semaphore_mem>>) src(%dma_wait3A_55 : memref<640x128xf32, #tpu.memory_space<vmem_shared>>) dst(%dma_wait3A_53 : memref<640x128xf32, #tpu.memory_space<hbm>>)
        tpu.yield
      }) : () -> ()
    } else {
    }
    %eq3A_37 = arith.constant 1 : i32
    %eq3A_38 = arith.cmpi eq, %arg0, %eq3A_37 : i32
    %convert_element_type3A_39 = arith.extui %eq3A_38 : i1 to i32
    %cond3A_40 = arith.constant 0 : i32
    %cond3A_41 = arith.cmpi ne, %convert_element_type3A_39, %cond3A_40 : i32
    scf.if %cond3A_41 {
      %mul3A_42 = arith.constant 640 : i32
      %mul3A_43 = arith.muli %arg1, %mul3A_42 : i32
      %mul3A_44 = arith.constant 640 : i32
      %mul3A_45 = arith.muli %arg1, %mul3A_44 : i32
      %run_scoped3A = arith.constant 1 : i32
      "tpu.region"() ({
        %run_scoped3A_46 = tpu.sem_alloc : memref<!tpu.dma_semaphore, #tpu.memory_space<semaphore_mem>>
        %dma_start3A_47 = arith.constant 0 : i32
        %dma_start3A_48 = tpu.memref_slice %arg7[%run_scoped3A, %mul3A_45, %dma_start3A_47] : memref<2x10240x128xf32, #tpu.memory_space<hbm>> -> memref<1x640x128xf32, #tpu.memory_space<hbm>>
        %dma_start3A_49 = tpu.memref_squeeze %dma_start3A_48 : memref<1x640x128xf32, #tpu.memory_space<hbm>> -> memref<640x128xf32, #tpu.memory_space<hbm>>
        %dma_start3A_50 = arith.constant 0 : i32
        %dma_start3A_51 = tpu.memref_slice %arg8[%mul3A_43, %dma_start3A_50] : memref<10240x128xf32, #tpu.memory_space<vmem_shared>> -> memref<640x128xf32, #tpu.memory_space<vmem_shared>>
        tpu.enqueue_dma source(%dma_start3A_51 : memref<640x128xf32, #tpu.memory_space<vmem_shared>>) target(%dma_start3A_49 : memref<640x128xf32, #tpu.memory_space<hbm>>) target_semaphore(%run_scoped3A_46 : memref<!tpu.dma_semaphore, #tpu.memory_space<semaphore_mem>>)
        %dma_wait3A = arith.constant 0 : i32
        %dma_wait3A_52 = tpu.memref_slice %arg7[%run_scoped3A, %mul3A_45, %dma_wait3A] : memref<2x10240x128xf32, #tpu.memory_space<hbm>> -> memref<1x640x128xf32, #tpu.memory_space<hbm>>
        %dma_wait3A_53 = tpu.memref_squeeze %dma_wait3A_52 : memref<1x640x128xf32, #tpu.memory_space<hbm>> -> memref<640x128xf32, #tpu.memory_space<hbm>>
        %dma_wait3A_54 = arith.constant 0 : i32
        %dma_wait3A_55 = tpu.memref_slice %arg8[%mul3A_43, %dma_wait3A_54] : memref<10240x128xf32, #tpu.memory_space<vmem_shared>> -> memref<640x128xf32, #tpu.memory_space<vmem_shared>>
        tpu.wait_dma2 semaphore(%run_scoped3A_46 : memref<!tpu.dma_semaphore, #tpu.memory_space<semaphore_mem>>) src(%dma_wait3A_55 : memref<640x128xf32, #tpu.memory_space<vmem_shared>>) dst(%dma_wait3A_53 : memref<640x128xf32, #tpu.memory_space<hbm>>)
        tpu.yield
      }) : () -> ()
    } else {
    }
    return
  }
}

#map = affine_map<(d0, d1) -> (0, 0, 0)>
#map1 = affine_map<(d0, d1) -> (0)>
module attributes {stable_mosaic.version = 14 : i64} {
  func.func @sc_degw(%arg0: i32, %arg1: i32, %arg2: memref<16x160x128xi32, #tpu.memory_space<hbm>>, %arg3: memref<327680xf32, #tpu.memory_space<hbm>>, %arg4: memref<10240xf32, #tpu.memory_space<hbm>>, %arg5: memref<10240xf32, #tpu.memory_space<hbm>>, %arg6: memref<10240xf32, #tpu.memory_space<vmem_shared>>, %arg7: memref<160x128xi32, #tpu.memory_space<vmem>>, %arg8: memref<20480xf32, #tpu.memory_space<vmem>>, %arg9: memref<10240xf32, #tpu.memory_space<vmem>>, %arg10: memref<!tpu.dma_semaphore, #tpu.memory_space<semaphore_mem>>) attributes {dimension_semantics = [#tpu.dimension_semantics<core_parallel>, #tpu.dimension_semantics<subcore_parallel>], iteration_bounds = array<i64: 2, 16>, scalar_prefetch = 0 : i64, scratch_operands = 5 : i64, tpu.core_type = #tpu.core_type<sc_vector_subcore>, window_params = [{transform_indices = #map}, {transform_indices = #map1}, {transform_indices = #map1}, {transform_indices = #map1}]} {
    %mul3A = arith.constant 640 : i32
    %mul3A_0 = arith.muli %arg1, %mul3A : i32
    %mul3A_1 = arith.constant 640 : i32
    %mul3A_2 = arith.muli %arg1, %mul3A_1 : i32
    "tpu.region"() ({
      %run_scoped3A = tpu.sem_alloc : memref<!tpu.dma_semaphore, #tpu.memory_space<semaphore_mem>>
      %dma_start3A = tpu.memref_slice %arg6[%mul3A_2] : memref<10240xf32, #tpu.memory_space<vmem_shared>> -> memref<640xf32, #tpu.memory_space<vmem_shared>>
      %dma_start3A_17 = tpu.memref_slice %arg4[%mul3A_0] : memref<10240xf32, #tpu.memory_space<hbm>> -> memref<640xf32, #tpu.memory_space<hbm>>
      tpu.enqueue_dma source(%dma_start3A_17 : memref<640xf32, #tpu.memory_space<hbm>>) target(%dma_start3A : memref<640xf32, #tpu.memory_space<vmem_shared>>) target_semaphore(%run_scoped3A : memref<!tpu.dma_semaphore, #tpu.memory_space<semaphore_mem>>)
      %dma_wait3A = tpu.memref_slice %arg6[%mul3A_2] : memref<10240xf32, #tpu.memory_space<vmem_shared>> -> memref<640xf32, #tpu.memory_space<vmem_shared>>
      %dma_wait3A_18 = tpu.memref_slice %arg4[%mul3A_0] : memref<10240xf32, #tpu.memory_space<hbm>> -> memref<640xf32, #tpu.memory_space<hbm>>
      tpu.wait_dma2 semaphore(%run_scoped3A : memref<!tpu.dma_semaphore, #tpu.memory_space<semaphore_mem>>) src(%dma_wait3A_18 : memref<640xf32, #tpu.memory_space<hbm>>) dst(%dma_wait3A : memref<640xf32, #tpu.memory_space<vmem_shared>>)
      tpu.yield
    }) : () -> ()
    %barrier3A = arith.constant 0 : index
    tpu.barrier barrier_id(%barrier3A)
    "tpu.region"() ({
      %run_scoped3A = tpu.sem_alloc : memref<!tpu.dma_semaphore, #tpu.memory_space<semaphore_mem>>
      %dma_start3A = arith.constant 0 : i32
      %dma_start3A_17 = arith.constant 0 : i32
      %dma_start3A_18 = tpu.memref_slice %arg2[%arg1, %dma_start3A, %dma_start3A_17] : memref<16x160x128xi32, #tpu.memory_space<hbm>> -> memref<1x160x128xi32, #tpu.memory_space<hbm>>
      %dma_start3A_19 = tpu.memref_squeeze %dma_start3A_18 : memref<1x160x128xi32, #tpu.memory_space<hbm>> -> memref<160x128xi32, #tpu.memory_space<hbm>>
      %dma_start3A_20 = arith.constant 0 : i32
      %dma_start3A_21 = arith.constant 0 : i32
      %dma_start3A_22 = tpu.memref_slice %arg2[%arg1, %dma_start3A_20, %dma_start3A_21] : memref<16x160x128xi32, #tpu.memory_space<hbm>> -> memref<1x160x128xi32, #tpu.memory_space<hbm>>
      %dma_start3A_23 = tpu.memref_squeeze %dma_start3A_22 : memref<1x160x128xi32, #tpu.memory_space<hbm>> -> memref<160x128xi32, #tpu.memory_space<hbm>>
      tpu.enqueue_dma source(%dma_start3A_23 : memref<160x128xi32, #tpu.memory_space<hbm>>) target(%arg7 : memref<160x128xi32, #tpu.memory_space<vmem>>) target_semaphore(%run_scoped3A : memref<!tpu.dma_semaphore, #tpu.memory_space<semaphore_mem>>)
      %dma_wait3A = arith.constant 0 : i32
      %dma_wait3A_24 = arith.constant 0 : i32
      %dma_wait3A_25 = tpu.memref_slice %arg2[%arg1, %dma_wait3A, %dma_wait3A_24] : memref<16x160x128xi32, #tpu.memory_space<hbm>> -> memref<1x160x128xi32, #tpu.memory_space<hbm>>
      %dma_wait3A_26 = tpu.memref_squeeze %dma_wait3A_25 : memref<1x160x128xi32, #tpu.memory_space<hbm>> -> memref<160x128xi32, #tpu.memory_space<hbm>>
      %dma_wait3A_27 = arith.constant 0 : i32
      %dma_wait3A_28 = arith.constant 0 : i32
      %dma_wait3A_29 = tpu.memref_slice %arg2[%arg1, %dma_wait3A_27, %dma_wait3A_28] : memref<16x160x128xi32, #tpu.memory_space<hbm>> -> memref<1x160x128xi32, #tpu.memory_space<hbm>>
      %dma_wait3A_30 = tpu.memref_squeeze %dma_wait3A_29 : memref<1x160x128xi32, #tpu.memory_space<hbm>> -> memref<160x128xi32, #tpu.memory_space<hbm>>
      tpu.wait_dma2 semaphore(%run_scoped3A : memref<!tpu.dma_semaphore, #tpu.memory_space<semaphore_mem>>) src(%dma_wait3A_30 : memref<160x128xi32, #tpu.memory_space<hbm>>) dst(%arg7 : memref<160x128xi32, #tpu.memory_space<vmem>>)
      tpu.yield
    }) : () -> ()
    %mul3A_3 = arith.constant 20480 : i32
    %mul3A_4 = arith.muli %arg1, %mul3A_3 : i32
    "tpu.region"() ({
      %run_scoped3A = tpu.sem_alloc : memref<!tpu.dma_semaphore, #tpu.memory_space<semaphore_mem>>
      %dma_start3A = tpu.memref_slice %arg3[%mul3A_4] : memref<327680xf32, #tpu.memory_space<hbm>> -> memref<20480xf32, #tpu.memory_space<hbm>>
      %dma_start3A_17 = tpu.memref_slice %arg3[%mul3A_4] : memref<327680xf32, #tpu.memory_space<hbm>> -> memref<20480xf32, #tpu.memory_space<hbm>>
      tpu.enqueue_dma source(%dma_start3A_17 : memref<20480xf32, #tpu.memory_space<hbm>>) target(%arg8 : memref<20480xf32, #tpu.memory_space<vmem>>) target_semaphore(%run_scoped3A : memref<!tpu.dma_semaphore, #tpu.memory_space<semaphore_mem>>)
      %dma_wait3A = tpu.memref_slice %arg3[%mul3A_4] : memref<327680xf32, #tpu.memory_space<hbm>> -> memref<20480xf32, #tpu.memory_space<hbm>>
      %dma_wait3A_18 = tpu.memref_slice %arg3[%mul3A_4] : memref<327680xf32, #tpu.memory_space<hbm>> -> memref<20480xf32, #tpu.memory_space<hbm>>
      tpu.wait_dma2 semaphore(%run_scoped3A : memref<!tpu.dma_semaphore, #tpu.memory_space<semaphore_mem>>) src(%dma_wait3A_18 : memref<20480xf32, #tpu.memory_space<hbm>>) dst(%arg8 : memref<20480xf32, #tpu.memory_space<vmem>>)
      tpu.yield
    }) : () -> ()
    %scan3A = arith.constant 0 : i32
    %scan3A_5 = arith.constant 20 : i32
    %scan3A_6 = arith.addi %scan3A, %scan3A_5 : i32
    %scan3A_7 = arith.constant 1 : i32
    scf.for %scan3A_17 = %scan3A to %scan3A_6 step %scan3A_7  : i32 {
      %mul3A_18 = arith.constant 8 : i32
      %mul3A_19 = arith.muli %scan3A_17, %mul3A_18 : i32
      %add3A = arith.constant 0 : i32
      %add3A_20 = arith.addi %mul3A_19, %add3A : i32
      %mul3A_21 = arith.constant 128 : i32
      %mul3A_22 = arith.muli %add3A_20, %mul3A_21 : i32
      %dma_start3A = tpu.memref_slice %arg8[%mul3A_22] : memref<20480xf32, #tpu.memory_space<vmem>> -> memref<128xf32, #tpu.memory_space<vmem>>
      %dma_start3A_23 = arith.constant 0 : i32
      %dma_start3A_24 = tpu.memref_slice %arg7[%add3A_20, %dma_start3A_23] : memref<160x128xi32, #tpu.memory_space<vmem>> -> memref<1x128xi32, #tpu.memory_space<vmem>>
      %dma_start3A_25 = tpu.memref_squeeze %dma_start3A_24 : memref<1x128xi32, #tpu.memory_space<vmem>> -> memref<128xi32, #tpu.memory_space<vmem>>
      %dma_start3A_26 = arith.constant 0 : i32
      %dma_start3A_27 = tpu.memref_slice %arg6[%dma_start3A_26] : memref<10240xf32, #tpu.memory_space<vmem_shared>> -> memref<10240xf32, #tpu.memory_space<vmem_shared>>
      tpu.enqueue_indirect_dma source(%dma_start3A : memref<128xf32, #tpu.memory_space<vmem>>) target(%dma_start3A_27 : memref<10240xf32, #tpu.memory_space<vmem_shared>>) offsets(%dma_start3A_25 : memref<128xi32, #tpu.memory_space<vmem>>) semaphore(%arg10 : memref<!tpu.dma_semaphore, #tpu.memory_space<semaphore_mem>>) {add = true}
      %mul3A_28 = arith.constant 8 : i32
      %mul3A_29 = arith.muli %scan3A_17, %mul3A_28 : i32
      %add3A_30 = arith.constant 1 : i32
      %add3A_31 = arith.addi %mul3A_29, %add3A_30 : i32
      %mul3A_32 = arith.constant 128 : i32
      %mul3A_33 = arith.muli %add3A_31, %mul3A_32 : i32
      %dma_start3A_34 = tpu.memref_slice %arg8[%mul3A_33] : memref<20480xf32, #tpu.memory_space<vmem>> -> memref<128xf32, #tpu.memory_space<vmem>>
      %dma_start3A_35 = arith.constant 0 : i32
      %dma_start3A_36 = tpu.memref_slice %arg7[%add3A_31, %dma_start3A_35] : memref<160x128xi32, #tpu.memory_space<vmem>> -> memref<1x128xi32, #tpu.memory_space<vmem>>
      %dma_start3A_37 = tpu.memref_squeeze %dma_start3A_36 : memref<1x128xi32, #tpu.memory_space<vmem>> -> memref<128xi32, #tpu.memory_space<vmem>>
      %dma_start3A_38 = arith.constant 0 : i32
      %dma_start3A_39 = tpu.memref_slice %arg6[%dma_start3A_38] : memref<10240xf32, #tpu.memory_space<vmem_shared>> -> memref<10240xf32, #tpu.memory_space<vmem_shared>>
      tpu.enqueue_indirect_dma source(%dma_start3A_34 : memref<128xf32, #tpu.memory_space<vmem>>) target(%dma_start3A_39 : memref<10240xf32, #tpu.memory_space<vmem_shared>>) offsets(%dma_start3A_37 : memref<128xi32, #tpu.memory_space<vmem>>) semaphore(%arg10 : memref<!tpu.dma_semaphore, #tpu.memory_space<semaphore_mem>>) {add = true}
      %mul3A_40 = arith.constant 8 : i32
      %mul3A_41 = arith.muli %scan3A_17, %mul3A_40 : i32
      %add3A_42 = arith.constant 2 : i32
      %add3A_43 = arith.addi %mul3A_41, %add3A_42 : i32
      %mul3A_44 = arith.constant 128 : i32
      %mul3A_45 = arith.muli %add3A_43, %mul3A_44 : i32
      %dma_start3A_46 = tpu.memref_slice %arg8[%mul3A_45] : memref<20480xf32, #tpu.memory_space<vmem>> -> memref<128xf32, #tpu.memory_space<vmem>>
      %dma_start3A_47 = arith.constant 0 : i32
      %dma_start3A_48 = tpu.memref_slice %arg7[%add3A_43, %dma_start3A_47] : memref<160x128xi32, #tpu.memory_space<vmem>> -> memref<1x128xi32, #tpu.memory_space<vmem>>
      %dma_start3A_49 = tpu.memref_squeeze %dma_start3A_48 : memref<1x128xi32, #tpu.memory_space<vmem>> -> memref<128xi32, #tpu.memory_space<vmem>>
      %dma_start3A_50 = arith.constant 0 : i32
      %dma_start3A_51 = tpu.memref_slice %arg6[%dma_start3A_50] : memref<10240xf32, #tpu.memory_space<vmem_shared>> -> memref<10240xf32, #tpu.memory_space<vmem_shared>>
      tpu.enqueue_indirect_dma source(%dma_start3A_46 : memref<128xf32, #tpu.memory_space<vmem>>) target(%dma_start3A_51 : memref<10240xf32, #tpu.memory_space<vmem_shared>>) offsets(%dma_start3A_49 : memref<128xi32, #tpu.memory_space<vmem>>) semaphore(%arg10 : memref<!tpu.dma_semaphore, #tpu.memory_space<semaphore_mem>>) {add = true}
      %mul3A_52 = arith.constant 8 : i32
      %mul3A_53 = arith.muli %scan3A_17, %mul3A_52 : i32
      %add3A_54 = arith.constant 3 : i32
      %add3A_55 = arith.addi %mul3A_53, %add3A_54 : i32
      %mul3A_56 = arith.constant 128 : i32
      %mul3A_57 = arith.muli %add3A_55, %mul3A_56 : i32
      %dma_start3A_58 = tpu.memref_slice %arg8[%mul3A_57] : memref<20480xf32, #tpu.memory_space<vmem>> -> memref<128xf32, #tpu.memory_space<vmem>>
      %dma_start3A_59 = arith.constant 0 : i32
      %dma_start3A_60 = tpu.memref_slice %arg7[%add3A_55, %dma_start3A_59] : memref<160x128xi32, #tpu.memory_space<vmem>> -> memref<1x128xi32, #tpu.memory_space<vmem>>
      %dma_start3A_61 = tpu.memref_squeeze %dma_start3A_60 : memref<1x128xi32, #tpu.memory_space<vmem>> -> memref<128xi32, #tpu.memory_space<vmem>>
      %dma_start3A_62 = arith.constant 0 : i32
      %dma_start3A_63 = tpu.memref_slice %arg6[%dma_start3A_62] : memref<10240xf32, #tpu.memory_space<vmem_shared>> -> memref<10240xf32, #tpu.memory_space<vmem_shared>>
      tpu.enqueue_indirect_dma source(%dma_start3A_58 : memref<128xf32, #tpu.memory_space<vmem>>) target(%dma_start3A_63 : memref<10240xf32, #tpu.memory_space<vmem_shared>>) offsets(%dma_start3A_61 : memref<128xi32, #tpu.memory_space<vmem>>) semaphore(%arg10 : memref<!tpu.dma_semaphore, #tpu.memory_space<semaphore_mem>>) {add = true}
      %mul3A_64 = arith.constant 8 : i32
      %mul3A_65 = arith.muli %scan3A_17, %mul3A_64 : i32
      %add3A_66 = arith.constant 4 : i32
      %add3A_67 = arith.addi %mul3A_65, %add3A_66 : i32
      %mul3A_68 = arith.constant 128 : i32
      %mul3A_69 = arith.muli %add3A_67, %mul3A_68 : i32
      %dma_start3A_70 = tpu.memref_slice %arg8[%mul3A_69] : memref<20480xf32, #tpu.memory_space<vmem>> -> memref<128xf32, #tpu.memory_space<vmem>>
      %dma_start3A_71 = arith.constant 0 : i32
      %dma_start3A_72 = tpu.memref_slice %arg7[%add3A_67, %dma_start3A_71] : memref<160x128xi32, #tpu.memory_space<vmem>> -> memref<1x128xi32, #tpu.memory_space<vmem>>
      %dma_start3A_73 = tpu.memref_squeeze %dma_start3A_72 : memref<1x128xi32, #tpu.memory_space<vmem>> -> memref<128xi32, #tpu.memory_space<vmem>>
      %dma_start3A_74 = arith.constant 0 : i32
      %dma_start3A_75 = tpu.memref_slice %arg6[%dma_start3A_74] : memref<10240xf32, #tpu.memory_space<vmem_shared>> -> memref<10240xf32, #tpu.memory_space<vmem_shared>>
      tpu.enqueue_indirect_dma source(%dma_start3A_70 : memref<128xf32, #tpu.memory_space<vmem>>) target(%dma_start3A_75 : memref<10240xf32, #tpu.memory_space<vmem_shared>>) offsets(%dma_start3A_73 : memref<128xi32, #tpu.memory_space<vmem>>) semaphore(%arg10 : memref<!tpu.dma_semaphore, #tpu.memory_space<semaphore_mem>>) {add = true}
      %mul3A_76 = arith.constant 8 : i32
      %mul3A_77 = arith.muli %scan3A_17, %mul3A_76 : i32
      %add3A_78 = arith.constant 5 : i32
      %add3A_79 = arith.addi %mul3A_77, %add3A_78 : i32
      %mul3A_80 = arith.constant 128 : i32
      %mul3A_81 = arith.muli %add3A_79, %mul3A_80 : i32
      %dma_start3A_82 = tpu.memref_slice %arg8[%mul3A_81] : memref<20480xf32, #tpu.memory_space<vmem>> -> memref<128xf32, #tpu.memory_space<vmem>>
      %dma_start3A_83 = arith.constant 0 : i32
      %dma_start3A_84 = tpu.memref_slice %arg7[%add3A_79, %dma_start3A_83] : memref<160x128xi32, #tpu.memory_space<vmem>> -> memref<1x128xi32, #tpu.memory_space<vmem>>
      %dma_start3A_85 = tpu.memref_squeeze %dma_start3A_84 : memref<1x128xi32, #tpu.memory_space<vmem>> -> memref<128xi32, #tpu.memory_space<vmem>>
      %dma_start3A_86 = arith.constant 0 : i32
      %dma_start3A_87 = tpu.memref_slice %arg6[%dma_start3A_86] : memref<10240xf32, #tpu.memory_space<vmem_shared>> -> memref<10240xf32, #tpu.memory_space<vmem_shared>>
      tpu.enqueue_indirect_dma source(%dma_start3A_82 : memref<128xf32, #tpu.memory_space<vmem>>) target(%dma_start3A_87 : memref<10240xf32, #tpu.memory_space<vmem_shared>>) offsets(%dma_start3A_85 : memref<128xi32, #tpu.memory_space<vmem>>) semaphore(%arg10 : memref<!tpu.dma_semaphore, #tpu.memory_space<semaphore_mem>>) {add = true}
      %mul3A_88 = arith.constant 8 : i32
      %mul3A_89 = arith.muli %scan3A_17, %mul3A_88 : i32
      %add3A_90 = arith.constant 6 : i32
      %add3A_91 = arith.addi %mul3A_89, %add3A_90 : i32
      %mul3A_92 = arith.constant 128 : i32
      %mul3A_93 = arith.muli %add3A_91, %mul3A_92 : i32
      %dma_start3A_94 = tpu.memref_slice %arg8[%mul3A_93] : memref<20480xf32, #tpu.memory_space<vmem>> -> memref<128xf32, #tpu.memory_space<vmem>>
      %dma_start3A_95 = arith.constant 0 : i32
      %dma_start3A_96 = tpu.memref_slice %arg7[%add3A_91, %dma_start3A_95] : memref<160x128xi32, #tpu.memory_space<vmem>> -> memref<1x128xi32, #tpu.memory_space<vmem>>
      %dma_start3A_97 = tpu.memref_squeeze %dma_start3A_96 : memref<1x128xi32, #tpu.memory_space<vmem>> -> memref<128xi32, #tpu.memory_space<vmem>>
      %dma_start3A_98 = arith.constant 0 : i32
      %dma_start3A_99 = tpu.memref_slice %arg6[%dma_start3A_98] : memref<10240xf32, #tpu.memory_space<vmem_shared>> -> memref<10240xf32, #tpu.memory_space<vmem_shared>>
      tpu.enqueue_indirect_dma source(%dma_start3A_94 : memref<128xf32, #tpu.memory_space<vmem>>) target(%dma_start3A_99 : memref<10240xf32, #tpu.memory_space<vmem_shared>>) offsets(%dma_start3A_97 : memref<128xi32, #tpu.memory_space<vmem>>) semaphore(%arg10 : memref<!tpu.dma_semaphore, #tpu.memory_space<semaphore_mem>>) {add = true}
      %mul3A_100 = arith.constant 8 : i32
      %mul3A_101 = arith.muli %scan3A_17, %mul3A_100 : i32
      %add3A_102 = arith.constant 7 : i32
      %add3A_103 = arith.addi %mul3A_101, %add3A_102 : i32
      %mul3A_104 = arith.constant 128 : i32
      %mul3A_105 = arith.muli %add3A_103, %mul3A_104 : i32
      %dma_start3A_106 = tpu.memref_slice %arg8[%mul3A_105] : memref<20480xf32, #tpu.memory_space<vmem>> -> memref<128xf32, #tpu.memory_space<vmem>>
      %dma_start3A_107 = arith.constant 0 : i32
      %dma_start3A_108 = tpu.memref_slice %arg7[%add3A_103, %dma_start3A_107] : memref<160x128xi32, #tpu.memory_space<vmem>> -> memref<1x128xi32, #tpu.memory_space<vmem>>
      %dma_start3A_109 = tpu.memref_squeeze %dma_start3A_108 : memref<1x128xi32, #tpu.memory_space<vmem>> -> memref<128xi32, #tpu.memory_space<vmem>>
      %dma_start3A_110 = arith.constant 0 : i32
      %dma_start3A_111 = tpu.memref_slice %arg6[%dma_start3A_110] : memref<10240xf32, #tpu.memory_space<vmem_shared>> -> memref<10240xf32, #tpu.memory_space<vmem_shared>>
      tpu.enqueue_indirect_dma source(%dma_start3A_106 : memref<128xf32, #tpu.memory_space<vmem>>) target(%dma_start3A_111 : memref<10240xf32, #tpu.memory_space<vmem_shared>>) offsets(%dma_start3A_109 : memref<128xi32, #tpu.memory_space<vmem>>) semaphore(%arg10 : memref<!tpu.dma_semaphore, #tpu.memory_space<semaphore_mem>>) {add = true}
      %mul3A_112 = arith.constant 8 : i32
      %mul3A_113 = arith.muli %scan3A_17, %mul3A_112 : i32
      %add3A_114 = arith.constant 0 : i32
      %add3A_115 = arith.addi %mul3A_113, %add3A_114 : i32
      %mul3A_116 = arith.constant 128 : i32
      %mul3A_117 = arith.muli %add3A_115, %mul3A_116 : i32
      %dma_wait3A = tpu.memref_slice %arg8[%mul3A_117] : memref<20480xf32, #tpu.memory_space<vmem>> -> memref<128xf32, #tpu.memory_space<vmem>>
      %dma_wait3A_118 = arith.constant 0 : i32
      %dma_wait3A_119 = tpu.memref_slice %arg7[%add3A_115, %dma_wait3A_118] : memref<160x128xi32, #tpu.memory_space<vmem>> -> memref<1x128xi32, #tpu.memory_space<vmem>>
      %dma_wait3A_120 = tpu.memref_squeeze %dma_wait3A_119 : memref<1x128xi32, #tpu.memory_space<vmem>> -> memref<128xi32, #tpu.memory_space<vmem>>
      %dma_wait3A_121 = arith.constant 0 : i32
      %dma_wait3A_122 = tpu.memref_slice %arg6[%dma_wait3A_121] : memref<10240xf32, #tpu.memory_space<vmem_shared>> -> memref<10240xf32, #tpu.memory_space<vmem_shared>>
      tpu.wait_indirect_dma semaphore(%arg10 : memref<!tpu.dma_semaphore, #tpu.memory_space<semaphore_mem>>) src(%dma_wait3A : memref<128xf32, #tpu.memory_space<vmem>>) dst(%dma_wait3A_122 : memref<10240xf32, #tpu.memory_space<vmem_shared>>)
      %mul3A_123 = arith.constant 8 : i32
      %mul3A_124 = arith.muli %scan3A_17, %mul3A_123 : i32
      %add3A_125 = arith.constant 1 : i32
      %add3A_126 = arith.addi %mul3A_124, %add3A_125 : i32
      %mul3A_127 = arith.constant 128 : i32
      %mul3A_128 = arith.muli %add3A_126, %mul3A_127 : i32
      %dma_wait3A_129 = tpu.memref_slice %arg8[%mul3A_128] : memref<20480xf32, #tpu.memory_space<vmem>> -> memref<128xf32, #tpu.memory_space<vmem>>
      %dma_wait3A_130 = arith.constant 0 : i32
      %dma_wait3A_131 = tpu.memref_slice %arg7[%add3A_126, %dma_wait3A_130] : memref<160x128xi32, #tpu.memory_space<vmem>> -> memref<1x128xi32, #tpu.memory_space<vmem>>
      %dma_wait3A_132 = tpu.memref_squeeze %dma_wait3A_131 : memref<1x128xi32, #tpu.memory_space<vmem>> -> memref<128xi32, #tpu.memory_space<vmem>>
      %dma_wait3A_133 = arith.constant 0 : i32
      %dma_wait3A_134 = tpu.memref_slice %arg6[%dma_wait3A_133] : memref<10240xf32, #tpu.memory_space<vmem_shared>> -> memref<10240xf32, #tpu.memory_space<vmem_shared>>
      tpu.wait_indirect_dma semaphore(%arg10 : memref<!tpu.dma_semaphore, #tpu.memory_space<semaphore_mem>>) src(%dma_wait3A_129 : memref<128xf32, #tpu.memory_space<vmem>>) dst(%dma_wait3A_134 : memref<10240xf32, #tpu.memory_space<vmem_shared>>)
      %mul3A_135 = arith.constant 8 : i32
      %mul3A_136 = arith.muli %scan3A_17, %mul3A_135 : i32
      %add3A_137 = arith.constant 2 : i32
      %add3A_138 = arith.addi %mul3A_136, %add3A_137 : i32
      %mul3A_139 = arith.constant 128 : i32
      %mul3A_140 = arith.muli %add3A_138, %mul3A_139 : i32
      %dma_wait3A_141 = tpu.memref_slice %arg8[%mul3A_140] : memref<20480xf32, #tpu.memory_space<vmem>> -> memref<128xf32, #tpu.memory_space<vmem>>
      %dma_wait3A_142 = arith.constant 0 : i32
      %dma_wait3A_143 = tpu.memref_slice %arg7[%add3A_138, %dma_wait3A_142] : memref<160x128xi32, #tpu.memory_space<vmem>> -> memref<1x128xi32, #tpu.memory_space<vmem>>
      %dma_wait3A_144 = tpu.memref_squeeze %dma_wait3A_143 : memref<1x128xi32, #tpu.memory_space<vmem>> -> memref<128xi32, #tpu.memory_space<vmem>>
      %dma_wait3A_145 = arith.constant 0 : i32
      %dma_wait3A_146 = tpu.memref_slice %arg6[%dma_wait3A_145] : memref<10240xf32, #tpu.memory_space<vmem_shared>> -> memref<10240xf32, #tpu.memory_space<vmem_shared>>
      tpu.wait_indirect_dma semaphore(%arg10 : memref<!tpu.dma_semaphore, #tpu.memory_space<semaphore_mem>>) src(%dma_wait3A_141 : memref<128xf32, #tpu.memory_space<vmem>>) dst(%dma_wait3A_146 : memref<10240xf32, #tpu.memory_space<vmem_shared>>)
      %mul3A_147 = arith.constant 8 : i32
      %mul3A_148 = arith.muli %scan3A_17, %mul3A_147 : i32
      %add3A_149 = arith.constant 3 : i32
      %add3A_150 = arith.addi %mul3A_148, %add3A_149 : i32
      %mul3A_151 = arith.constant 128 : i32
      %mul3A_152 = arith.muli %add3A_150, %mul3A_151 : i32
      %dma_wait3A_153 = tpu.memref_slice %arg8[%mul3A_152] : memref<20480xf32, #tpu.memory_space<vmem>> -> memref<128xf32, #tpu.memory_space<vmem>>
      %dma_wait3A_154 = arith.constant 0 : i32
      %dma_wait3A_155 = tpu.memref_slice %arg7[%add3A_150, %dma_wait3A_154] : memref<160x128xi32, #tpu.memory_space<vmem>> -> memref<1x128xi32, #tpu.memory_space<vmem>>
      %dma_wait3A_156 = tpu.memref_squeeze %dma_wait3A_155 : memref<1x128xi32, #tpu.memory_space<vmem>> -> memref<128xi32, #tpu.memory_space<vmem>>
      %dma_wait3A_157 = arith.constant 0 : i32
      %dma_wait3A_158 = tpu.memref_slice %arg6[%dma_wait3A_157] : memref<10240xf32, #tpu.memory_space<vmem_shared>> -> memref<10240xf32, #tpu.memory_space<vmem_shared>>
      tpu.wait_indirect_dma semaphore(%arg10 : memref<!tpu.dma_semaphore, #tpu.memory_space<semaphore_mem>>) src(%dma_wait3A_153 : memref<128xf32, #tpu.memory_space<vmem>>) dst(%dma_wait3A_158 : memref<10240xf32, #tpu.memory_space<vmem_shared>>)
      %mul3A_159 = arith.constant 8 : i32
      %mul3A_160 = arith.muli %scan3A_17, %mul3A_159 : i32
      %add3A_161 = arith.constant 4 : i32
      %add3A_162 = arith.addi %mul3A_160, %add3A_161 : i32
      %mul3A_163 = arith.constant 128 : i32
      %mul3A_164 = arith.muli %add3A_162, %mul3A_163 : i32
      %dma_wait3A_165 = tpu.memref_slice %arg8[%mul3A_164] : memref<20480xf32, #tpu.memory_space<vmem>> -> memref<128xf32, #tpu.memory_space<vmem>>
      %dma_wait3A_166 = arith.constant 0 : i32
      %dma_wait3A_167 = tpu.memref_slice %arg7[%add3A_162, %dma_wait3A_166] : memref<160x128xi32, #tpu.memory_space<vmem>> -> memref<1x128xi32, #tpu.memory_space<vmem>>
      %dma_wait3A_168 = tpu.memref_squeeze %dma_wait3A_167 : memref<1x128xi32, #tpu.memory_space<vmem>> -> memref<128xi32, #tpu.memory_space<vmem>>
      %dma_wait3A_169 = arith.constant 0 : i32
      %dma_wait3A_170 = tpu.memref_slice %arg6[%dma_wait3A_169] : memref<10240xf32, #tpu.memory_space<vmem_shared>> -> memref<10240xf32, #tpu.memory_space<vmem_shared>>
      tpu.wait_indirect_dma semaphore(%arg10 : memref<!tpu.dma_semaphore, #tpu.memory_space<semaphore_mem>>) src(%dma_wait3A_165 : memref<128xf32, #tpu.memory_space<vmem>>) dst(%dma_wait3A_170 : memref<10240xf32, #tpu.memory_space<vmem_shared>>)
      %mul3A_171 = arith.constant 8 : i32
      %mul3A_172 = arith.muli %scan3A_17, %mul3A_171 : i32
      %add3A_173 = arith.constant 5 : i32
      %add3A_174 = arith.addi %mul3A_172, %add3A_173 : i32
      %mul3A_175 = arith.constant 128 : i32
      %mul3A_176 = arith.muli %add3A_174, %mul3A_175 : i32
      %dma_wait3A_177 = tpu.memref_slice %arg8[%mul3A_176] : memref<20480xf32, #tpu.memory_space<vmem>> -> memref<128xf32, #tpu.memory_space<vmem>>
      %dma_wait3A_178 = arith.constant 0 : i32
      %dma_wait3A_179 = tpu.memref_slice %arg7[%add3A_174, %dma_wait3A_178] : memref<160x128xi32, #tpu.memory_space<vmem>> -> memref<1x128xi32, #tpu.memory_space<vmem>>
      %dma_wait3A_180 = tpu.memref_squeeze %dma_wait3A_179 : memref<1x128xi32, #tpu.memory_space<vmem>> -> memref<128xi32, #tpu.memory_space<vmem>>
      %dma_wait3A_181 = arith.constant 0 : i32
      %dma_wait3A_182 = tpu.memref_slice %arg6[%dma_wait3A_181] : memref<10240xf32, #tpu.memory_space<vmem_shared>> -> memref<10240xf32, #tpu.memory_space<vmem_shared>>
      tpu.wait_indirect_dma semaphore(%arg10 : memref<!tpu.dma_semaphore, #tpu.memory_space<semaphore_mem>>) src(%dma_wait3A_177 : memref<128xf32, #tpu.memory_space<vmem>>) dst(%dma_wait3A_182 : memref<10240xf32, #tpu.memory_space<vmem_shared>>)
      %mul3A_183 = arith.constant 8 : i32
      %mul3A_184 = arith.muli %scan3A_17, %mul3A_183 : i32
      %add3A_185 = arith.constant 6 : i32
      %add3A_186 = arith.addi %mul3A_184, %add3A_185 : i32
      %mul3A_187 = arith.constant 128 : i32
      %mul3A_188 = arith.muli %add3A_186, %mul3A_187 : i32
      %dma_wait3A_189 = tpu.memref_slice %arg8[%mul3A_188] : memref<20480xf32, #tpu.memory_space<vmem>> -> memref<128xf32, #tpu.memory_space<vmem>>
      %dma_wait3A_190 = arith.constant 0 : i32
      %dma_wait3A_191 = tpu.memref_slice %arg7[%add3A_186, %dma_wait3A_190] : memref<160x128xi32, #tpu.memory_space<vmem>> -> memref<1x128xi32, #tpu.memory_space<vmem>>
      %dma_wait3A_192 = tpu.memref_squeeze %dma_wait3A_191 : memref<1x128xi32, #tpu.memory_space<vmem>> -> memref<128xi32, #tpu.memory_space<vmem>>
      %dma_wait3A_193 = arith.constant 0 : i32
      %dma_wait3A_194 = tpu.memref_slice %arg6[%dma_wait3A_193] : memref<10240xf32, #tpu.memory_space<vmem_shared>> -> memref<10240xf32, #tpu.memory_space<vmem_shared>>
      tpu.wait_indirect_dma semaphore(%arg10 : memref<!tpu.dma_semaphore, #tpu.memory_space<semaphore_mem>>) src(%dma_wait3A_189 : memref<128xf32, #tpu.memory_space<vmem>>) dst(%dma_wait3A_194 : memref<10240xf32, #tpu.memory_space<vmem_shared>>)
      %mul3A_195 = arith.constant 8 : i32
      %mul3A_196 = arith.muli %scan3A_17, %mul3A_195 : i32
      %add3A_197 = arith.constant 7 : i32
      %add3A_198 = arith.addi %mul3A_196, %add3A_197 : i32
      %mul3A_199 = arith.constant 128 : i32
      %mul3A_200 = arith.muli %add3A_198, %mul3A_199 : i32
      %dma_wait3A_201 = tpu.memref_slice %arg8[%mul3A_200] : memref<20480xf32, #tpu.memory_space<vmem>> -> memref<128xf32, #tpu.memory_space<vmem>>
      %dma_wait3A_202 = arith.constant 0 : i32
      %dma_wait3A_203 = tpu.memref_slice %arg7[%add3A_198, %dma_wait3A_202] : memref<160x128xi32, #tpu.memory_space<vmem>> -> memref<1x128xi32, #tpu.memory_space<vmem>>
      %dma_wait3A_204 = tpu.memref_squeeze %dma_wait3A_203 : memref<1x128xi32, #tpu.memory_space<vmem>> -> memref<128xi32, #tpu.memory_space<vmem>>
      %dma_wait3A_205 = arith.constant 0 : i32
      %dma_wait3A_206 = tpu.memref_slice %arg6[%dma_wait3A_205] : memref<10240xf32, #tpu.memory_space<vmem_shared>> -> memref<10240xf32, #tpu.memory_space<vmem_shared>>
      tpu.wait_indirect_dma semaphore(%arg10 : memref<!tpu.dma_semaphore, #tpu.memory_space<semaphore_mem>>) src(%dma_wait3A_201 : memref<128xf32, #tpu.memory_space<vmem>>) dst(%dma_wait3A_206 : memref<10240xf32, #tpu.memory_space<vmem_shared>>)
    }
    %scan3A_8 = arith.constant 20 : i32
    %barrier3A_9 = arith.constant 0 : index
    tpu.barrier barrier_id(%barrier3A_9)
    "tpu.region"() ({
      %run_scoped3A = tpu.sem_alloc : memref<!tpu.dma_semaphore, #tpu.memory_space<semaphore_mem>>
      tpu.enqueue_dma source(%arg6 : memref<10240xf32, #tpu.memory_space<vmem_shared>>) target(%arg9 : memref<10240xf32, #tpu.memory_space<vmem>>) target_semaphore(%run_scoped3A : memref<!tpu.dma_semaphore, #tpu.memory_space<semaphore_mem>>)
      tpu.wait_dma2 semaphore(%run_scoped3A : memref<!tpu.dma_semaphore, #tpu.memory_space<semaphore_mem>>) src(%arg6 : memref<10240xf32, #tpu.memory_space<vmem_shared>>) dst(%arg9 : memref<10240xf32, #tpu.memory_space<vmem>>)
      tpu.yield
    }) : () -> ()
    %scan3A_10 = arith.constant 0 : i32
    %scan3A_11 = arith.constant 640 : i32
    %scan3A_12 = arith.addi %scan3A_10, %scan3A_11 : i32
    %scan3A_13 = arith.constant 1 : i32
    scf.for %scan3A_17 = %scan3A_10 to %scan3A_12 step %scan3A_13  : i32 {
      %mul3A_18 = arith.constant 16 : i32
      %mul3A_19 = arith.muli %scan3A_17, %mul3A_18 : i32
      %get3A = arith.index_cast %mul3A_19 : i32 to index
      %get3A_20 = tpu.vector_load %arg9[%get3A] {strides = array<i32>} : memref<10240xf32, #tpu.memory_space<vmem>>, vector<16xf32>,
      %add3A = arith.constant 1.000000e+00 : f32
      %add3A_21 = vector.broadcast %add3A : f32 to vector<16xf32>
      %add3A_22 = arith.addf %get3A_20, %add3A_21 : vector<16xf32>
      %bitcast_convert_type3A = tpu.bitcast %add3A_22 : vector<16xf32> -> vector<16xi32>
      %shift_right_arithmetic3A = arith.constant 1 : i32
      %shift_right_arithmetic3A_23 = vector.broadcast %shift_right_arithmetic3A : i32 to vector<16xi32>
      %shift_right_arithmetic3A_24 = arith.shrsi %bitcast_convert_type3A, %shift_right_arithmetic3A_23 : vector<16xi32>
      %sub3A = arith.constant 1597463007 : i32
      %sub3A_25 = vector.broadcast %sub3A : i32 to vector<16xi32>
      %sub3A_26 = arith.subi %sub3A_25, %shift_right_arithmetic3A_24 : vector<16xi32>
      %bitcast_convert_type3A_27 = tpu.bitcast %sub3A_26 : vector<16xi32> -> vector<16xf32>
      %mul3A_28 = arith.constant 5.000000e-01 : f32
      %mul3A_29 = vector.broadcast %mul3A_28 : f32 to vector<16xf32>
      %mul3A_30 = arith.mulf %mul3A_29, %add3A_22 : vector<16xf32>
      %mul3A_31 = arith.mulf %mul3A_30, %bitcast_convert_type3A_27 : vector<16xf32>
      %mul3A_32 = arith.mulf %mul3A_31, %bitcast_convert_type3A_27 : vector<16xf32>
      %sub3A_33 = arith.constant 1.500000e+00 : f32
      %sub3A_34 = vector.broadcast %sub3A_33 : f32 to vector<16xf32>
      %sub3A_35 = arith.subf %sub3A_34, %mul3A_32 : vector<16xf32>
      %mul3A_36 = arith.mulf %bitcast_convert_type3A_27, %sub3A_35 : vector<16xf32>
      %mul3A_37 = arith.constant 5.000000e-01 : f32
      %mul3A_38 = vector.broadcast %mul3A_37 : f32 to vector<16xf32>
      %mul3A_39 = arith.mulf %mul3A_38, %add3A_22 : vector<16xf32>
      %mul3A_40 = arith.mulf %mul3A_39, %mul3A_36 : vector<16xf32>
      %mul3A_41 = arith.mulf %mul3A_40, %mul3A_36 : vector<16xf32>
      %sub3A_42 = arith.constant 1.500000e+00 : f32
      %sub3A_43 = vector.broadcast %sub3A_42 : f32 to vector<16xf32>
      %sub3A_44 = arith.subf %sub3A_43, %mul3A_41 : vector<16xf32>
      %mul3A_45 = arith.mulf %mul3A_36, %sub3A_44 : vector<16xf32>
      %mul3A_46 = arith.constant 5.000000e-01 : f32
      %mul3A_47 = vector.broadcast %mul3A_46 : f32 to vector<16xf32>
      %mul3A_48 = arith.mulf %mul3A_47, %add3A_22 : vector<16xf32>
      %mul3A_49 = arith.mulf %mul3A_48, %mul3A_45 : vector<16xf32>
      %mul3A_50 = arith.mulf %mul3A_49, %mul3A_45 : vector<16xf32>
      %sub3A_51 = arith.constant 1.500000e+00 : f32
      %sub3A_52 = vector.broadcast %sub3A_51 : f32 to vector<16xf32>
      %sub3A_53 = arith.subf %sub3A_52, %mul3A_50 : vector<16xf32>
      %mul3A_54 = arith.mulf %mul3A_45, %sub3A_53 : vector<16xf32>
      %swap3A = arith.index_cast %mul3A_19 : i32 to index
      %swap3A_55 = tpu.vector_load %arg9[%swap3A] {strides = array<i32>} : memref<10240xf32, #tpu.memory_space<vmem>>, vector<16xf32>,
      tpu.vector_store %arg9[%swap3A], %mul3A_54 {strides = array<i32>} : memref<10240xf32, #tpu.memory_space<vmem>>, vector<16xf32>,
    }
    %scan3A_14 = arith.constant 640 : i32
    %eq3A = arith.constant 0 : i32
    %eq3A_15 = arith.cmpi eq, %arg0, %eq3A : i32
    %convert_element_type3A = arith.extui %eq3A_15 : i1 to i32
    %cond3A = arith.constant 0 : i32
    %cond3A_16 = arith.cmpi ne, %convert_element_type3A, %cond3A : i32
    scf.if %cond3A_16 {
      %mul3A_17 = arith.constant 640 : i32
      %mul3A_18 = arith.muli %arg1, %mul3A_17 : i32
      %mul3A_19 = arith.constant 640 : i32
      %mul3A_20 = arith.muli %arg1, %mul3A_19 : i32
      "tpu.region"() ({
        %run_scoped3A = tpu.sem_alloc : memref<!tpu.dma_semaphore, #tpu.memory_space<semaphore_mem>>
        %dma_start3A = tpu.memref_slice %arg9[%mul3A_18] : memref<10240xf32, #tpu.memory_space<vmem>> -> memref<640xf32, #tpu.memory_space<vmem>>
        %dma_start3A_21 = tpu.memref_slice %arg5[%mul3A_20] : memref<10240xf32, #tpu.memory_space<hbm>> -> memref<640xf32, #tpu.memory_space<hbm>>
        %dma_start3A_22 = tpu.memref_slice %arg5[%mul3A_20] : memref<10240xf32, #tpu.memory_space<hbm>> -> memref<640xf32, #tpu.memory_space<hbm>>
        %dma_start3A_23 = tpu.memref_slice %arg9[%mul3A_18] : memref<10240xf32, #tpu.memory_space<vmem>> -> memref<640xf32, #tpu.memory_space<vmem>>
        tpu.enqueue_dma source(%dma_start3A_23 : memref<640xf32, #tpu.memory_space<vmem>>) target(%dma_start3A_22 : memref<640xf32, #tpu.memory_space<hbm>>) target_semaphore(%run_scoped3A : memref<!tpu.dma_semaphore, #tpu.memory_space<semaphore_mem>>)
        %dma_wait3A = tpu.memref_slice %arg9[%mul3A_18] : memref<10240xf32, #tpu.memory_space<vmem>> -> memref<640xf32, #tpu.memory_space<vmem>>
        %dma_wait3A_24 = tpu.memref_slice %arg5[%mul3A_20] : memref<10240xf32, #tpu.memory_space<hbm>> -> memref<640xf32, #tpu.memory_space<hbm>>
        %dma_wait3A_25 = tpu.memref_slice %arg5[%mul3A_20] : memref<10240xf32, #tpu.memory_space<hbm>> -> memref<640xf32, #tpu.memory_space<hbm>>
        %dma_wait3A_26 = tpu.memref_slice %arg9[%mul3A_18] : memref<10240xf32, #tpu.memory_space<vmem>> -> memref<640xf32, #tpu.memory_space<vmem>>
        tpu.wait_dma2 semaphore(%run_scoped3A : memref<!tpu.dma_semaphore, #tpu.memory_space<semaphore_mem>>) src(%dma_wait3A_26 : memref<640xf32, #tpu.memory_space<vmem>>) dst(%dma_wait3A_25 : memref<640xf32, #tpu.memory_space<hbm>>)
        tpu.yield
      }) : () -> ()
    } else {
    }
    return
  }
}

#map = affine_map<(d0, d1) -> (0)>
#map1 = affine_map<(d0, d1) -> (0, 0, 0)>
module attributes {stable_mosaic.version = 14 : i64} {
  func.func @sc_layer2(%arg0: i32, %arg1: i32, %arg2: memref<10240xf32, #tpu.memory_space<hbm>>, %arg3: memref<327680xf32, #tpu.memory_space<hbm>>, %arg4: memref<327680xi32, #tpu.memory_space<hbm>>, %arg5: memref<16x160x128xi32, #tpu.memory_space<hbm>>, %arg6: memref<10240xf32, #tpu.memory_space<hbm>>, %arg7: memref<10240xf32, #tpu.memory_space<hbm>>, %arg8: memref<16xf32, #tpu.memory_space<hbm>>, %arg9: memref<10240xf32, #tpu.memory_space<hbm>>, %arg10: memref<10240xf32, #tpu.memory_space<vmem_shared>>, %arg11: memref<10240xf32, #tpu.memory_space<vmem>>, %arg12: memref<10240xf32, #tpu.memory_space<vmem>>, %arg13: memref<20480xi32, #tpu.memory_space<vmem>>, %arg14: memref<20480xf32, #tpu.memory_space<vmem>>, %arg15: memref<160x128xi32, #tpu.memory_space<vmem>>, %arg16: memref<128xf32, #tpu.memory_space<vmem>>, %arg17: memref<16xf32, #tpu.memory_space<vmem>>) attributes {dimension_semantics = [#tpu.dimension_semantics<core_parallel>, #tpu.dimension_semantics<subcore_parallel>], iteration_bounds = array<i64: 2, 16>, scalar_prefetch = 0 : i64, scratch_operands = 8 : i64, tpu.core_type = #tpu.core_type<sc_vector_subcore>, window_params = [{transform_indices = #map}, {transform_indices = #map}, {transform_indices = #map}, {transform_indices = #map1}, {transform_indices = #map}, {transform_indices = #map}, {transform_indices = #map}, {transform_indices = #map}]} {
    %eq3A = arith.constant 0 : i32
    %eq3A_0 = arith.cmpi eq, %arg0, %eq3A : i32
    %convert_element_type3A = arith.extui %eq3A_0 : i1 to i32
    %cond3A = arith.constant 0 : i32
    %cond3A_1 = arith.cmpi ne, %convert_element_type3A, %cond3A : i32
    scf.if %cond3A_1 {
      %mul3A = arith.constant 640 : i32
      %mul3A_2 = arith.muli %arg1, %mul3A : i32
      %mul3A_3 = arith.constant 640 : i32
      %mul3A_4 = arith.muli %arg1, %mul3A_3 : i32
      "tpu.region"() ({
        %run_scoped3A = tpu.sem_alloc : memref<!tpu.dma_semaphore, #tpu.memory_space<semaphore_mem>>
        %dma_start3A = tpu.memref_slice %arg10[%mul3A_4] : memref<10240xf32, #tpu.memory_space<vmem_shared>> -> memref<640xf32, #tpu.memory_space<vmem_shared>>
        %dma_start3A_23 = tpu.memref_slice %arg7[%mul3A_2] : memref<10240xf32, #tpu.memory_space<hbm>> -> memref<640xf32, #tpu.memory_space<hbm>>
        tpu.enqueue_dma source(%dma_start3A_23 : memref<640xf32, #tpu.memory_space<hbm>>) target(%dma_start3A : memref<640xf32, #tpu.memory_space<vmem_shared>>) target_semaphore(%run_scoped3A : memref<!tpu.dma_semaphore, #tpu.memory_space<semaphore_mem>>)
        %dma_wait3A = tpu.memref_slice %arg10[%mul3A_4] : memref<10240xf32, #tpu.memory_space<vmem_shared>> -> memref<640xf32, #tpu.memory_space<vmem_shared>>
        %dma_wait3A_24 = tpu.memref_slice %arg7[%mul3A_2] : memref<10240xf32, #tpu.memory_space<hbm>> -> memref<640xf32, #tpu.memory_space<hbm>>
        tpu.wait_dma2 semaphore(%run_scoped3A : memref<!tpu.dma_semaphore, #tpu.memory_space<semaphore_mem>>) src(%dma_wait3A_24 : memref<640xf32, #tpu.memory_space<hbm>>) dst(%dma_wait3A : memref<640xf32, #tpu.memory_space<vmem_shared>>)
        tpu.yield
      }) : () -> ()
      %barrier3A = arith.constant 0 : index
      tpu.barrier barrier_id(%barrier3A)
      "tpu.region"() ({
        %run_scoped3A = tpu.sem_alloc : memref<!tpu.dma_semaphore, #tpu.memory_space<semaphore_mem>>
        tpu.enqueue_dma source(%arg2 : memref<10240xf32, #tpu.memory_space<hbm>>) target(%arg11 : memref<10240xf32, #tpu.memory_space<vmem>>) target_semaphore(%run_scoped3A : memref<!tpu.dma_semaphore, #tpu.memory_space<semaphore_mem>>)
        tpu.wait_dma2 semaphore(%run_scoped3A : memref<!tpu.dma_semaphore, #tpu.memory_space<semaphore_mem>>) src(%arg2 : memref<10240xf32, #tpu.memory_space<hbm>>) dst(%arg11 : memref<10240xf32, #tpu.memory_space<vmem>>)
        tpu.yield
      }) : () -> ()
      "tpu.region"() ({
        %run_scoped3A = tpu.sem_alloc : memref<!tpu.dma_semaphore, #tpu.memory_space<semaphore_mem>>
        tpu.enqueue_dma source(%arg6 : memref<10240xf32, #tpu.memory_space<hbm>>) target(%arg12 : memref<10240xf32, #tpu.memory_space<vmem>>) target_semaphore(%run_scoped3A : memref<!tpu.dma_semaphore, #tpu.memory_space<semaphore_mem>>)
        tpu.wait_dma2 semaphore(%run_scoped3A : memref<!tpu.dma_semaphore, #tpu.memory_space<semaphore_mem>>) src(%arg6 : memref<10240xf32, #tpu.memory_space<hbm>>) dst(%arg12 : memref<10240xf32, #tpu.memory_space<vmem>>)
        tpu.yield
      }) : () -> ()
      %mul3A_5 = arith.constant 20480 : i32
      %mul3A_6 = arith.muli %arg1, %mul3A_5 : i32
      "tpu.region"() ({
        %run_scoped3A = tpu.sem_alloc : memref<!tpu.dma_semaphore, #tpu.memory_space<semaphore_mem>>
        %dma_start3A = tpu.memref_slice %arg4[%mul3A_6] : memref<327680xi32, #tpu.memory_space<hbm>> -> memref<20480xi32, #tpu.memory_space<hbm>>
        %dma_start3A_23 = tpu.memref_slice %arg4[%mul3A_6] : memref<327680xi32, #tpu.memory_space<hbm>> -> memref<20480xi32, #tpu.memory_space<hbm>>
        tpu.enqueue_dma source(%dma_start3A_23 : memref<20480xi32, #tpu.memory_space<hbm>>) target(%arg13 : memref<20480xi32, #tpu.memory_space<vmem>>) target_semaphore(%run_scoped3A : memref<!tpu.dma_semaphore, #tpu.memory_space<semaphore_mem>>)
        %dma_wait3A = tpu.memref_slice %arg4[%mul3A_6] : memref<327680xi32, #tpu.memory_space<hbm>> -> memref<20480xi32, #tpu.memory_space<hbm>>
        %dma_wait3A_24 = tpu.memref_slice %arg4[%mul3A_6] : memref<327680xi32, #tpu.memory_space<hbm>> -> memref<20480xi32, #tpu.memory_space<hbm>>
        tpu.wait_dma2 semaphore(%run_scoped3A : memref<!tpu.dma_semaphore, #tpu.memory_space<semaphore_mem>>) src(%dma_wait3A_24 : memref<20480xi32, #tpu.memory_space<hbm>>) dst(%arg13 : memref<20480xi32, #tpu.memory_space<vmem>>)
        tpu.yield
      }) : () -> ()
      %mul3A_7 = arith.constant 20480 : i32
      %mul3A_8 = arith.muli %arg1, %mul3A_7 : i32
      "tpu.region"() ({
        %run_scoped3A = tpu.sem_alloc : memref<!tpu.dma_semaphore, #tpu.memory_space<semaphore_mem>>
        %dma_start3A = tpu.memref_slice %arg3[%mul3A_8] : memref<327680xf32, #tpu.memory_space<hbm>> -> memref<20480xf32, #tpu.memory_space<hbm>>
        %dma_start3A_23 = tpu.memref_slice %arg3[%mul3A_8] : memref<327680xf32, #tpu.memory_space<hbm>> -> memref<20480xf32, #tpu.memory_space<hbm>>
        tpu.enqueue_dma source(%dma_start3A_23 : memref<20480xf32, #tpu.memory_space<hbm>>) target(%arg14 : memref<20480xf32, #tpu.memory_space<vmem>>) target_semaphore(%run_scoped3A : memref<!tpu.dma_semaphore, #tpu.memory_space<semaphore_mem>>)
        %dma_wait3A = tpu.memref_slice %arg3[%mul3A_8] : memref<327680xf32, #tpu.memory_space<hbm>> -> memref<20480xf32, #tpu.memory_space<hbm>>
        %dma_wait3A_24 = tpu.memref_slice %arg3[%mul3A_8] : memref<327680xf32, #tpu.memory_space<hbm>> -> memref<20480xf32, #tpu.memory_space<hbm>>
        tpu.wait_dma2 semaphore(%run_scoped3A : memref<!tpu.dma_semaphore, #tpu.memory_space<semaphore_mem>>) src(%dma_wait3A_24 : memref<20480xf32, #tpu.memory_space<hbm>>) dst(%arg14 : memref<20480xf32, #tpu.memory_space<vmem>>)
        tpu.yield
      }) : () -> ()
      "tpu.region"() ({
        %run_scoped3A = tpu.sem_alloc : memref<!tpu.dma_semaphore, #tpu.memory_space<semaphore_mem>>
        %dma_start3A = arith.constant 0 : i32
        %dma_start3A_23 = arith.constant 0 : i32
        %dma_start3A_24 = tpu.memref_slice %arg5[%arg1, %dma_start3A, %dma_start3A_23] : memref<16x160x128xi32, #tpu.memory_space<hbm>> -> memref<1x160x128xi32, #tpu.memory_space<hbm>>
        %dma_start3A_25 = tpu.memref_squeeze %dma_start3A_24 : memref<1x160x128xi32, #tpu.memory_space<hbm>> -> memref<160x128xi32, #tpu.memory_space<hbm>>
        %dma_start3A_26 = arith.constant 0 : i32
        %dma_start3A_27 = arith.constant 0 : i32
        %dma_start3A_28 = tpu.memref_slice %arg5[%arg1, %dma_start3A_26, %dma_start3A_27] : memref<16x160x128xi32, #tpu.memory_space<hbm>> -> memref<1x160x128xi32, #tpu.memory_space<hbm>>
        %dma_start3A_29 = tpu.memref_squeeze %dma_start3A_28 : memref<1x160x128xi32, #tpu.memory_space<hbm>> -> memref<160x128xi32, #tpu.memory_space<hbm>>
        tpu.enqueue_dma source(%dma_start3A_29 : memref<160x128xi32, #tpu.memory_space<hbm>>) target(%arg15 : memref<160x128xi32, #tpu.memory_space<vmem>>) target_semaphore(%run_scoped3A : memref<!tpu.dma_semaphore, #tpu.memory_space<semaphore_mem>>)
        %dma_wait3A = arith.constant 0 : i32
        %dma_wait3A_30 = arith.constant 0 : i32
        %dma_wait3A_31 = tpu.memref_slice %arg5[%arg1, %dma_wait3A, %dma_wait3A_30] : memref<16x160x128xi32, #tpu.memory_space<hbm>> -> memref<1x160x128xi32, #tpu.memory_space<hbm>>
        %dma_wait3A_32 = tpu.memref_squeeze %dma_wait3A_31 : memref<1x160x128xi32, #tpu.memory_space<hbm>> -> memref<160x128xi32, #tpu.memory_space<hbm>>
        %dma_wait3A_33 = arith.constant 0 : i32
        %dma_wait3A_34 = arith.constant 0 : i32
        %dma_wait3A_35 = tpu.memref_slice %arg5[%arg1, %dma_wait3A_33, %dma_wait3A_34] : memref<16x160x128xi32, #tpu.memory_space<hbm>> -> memref<1x160x128xi32, #tpu.memory_space<hbm>>
        %dma_wait3A_36 = tpu.memref_squeeze %dma_wait3A_35 : memref<1x160x128xi32, #tpu.memory_space<hbm>> -> memref<160x128xi32, #tpu.memory_space<hbm>>
        tpu.wait_dma2 semaphore(%run_scoped3A : memref<!tpu.dma_semaphore, #tpu.memory_space<semaphore_mem>>) src(%dma_wait3A_36 : memref<160x128xi32, #tpu.memory_space<hbm>>) dst(%arg15 : memref<160x128xi32, #tpu.memory_space<vmem>>)
        tpu.yield
      }) : () -> ()
      "tpu.region"() ({
        %run_scoped3A = tpu.sem_alloc : memref<!tpu.dma_semaphore, #tpu.memory_space<semaphore_mem>>
        tpu.enqueue_dma source(%arg8 : memref<16xf32, #tpu.memory_space<hbm>>) target(%arg17 : memref<16xf32, #tpu.memory_space<vmem>>) target_semaphore(%run_scoped3A : memref<!tpu.dma_semaphore, #tpu.memory_space<semaphore_mem>>)
        tpu.wait_dma2 semaphore(%run_scoped3A : memref<!tpu.dma_semaphore, #tpu.memory_space<semaphore_mem>>) src(%arg8 : memref<16xf32, #tpu.memory_space<hbm>>) dst(%arg17 : memref<16xf32, #tpu.memory_space<vmem>>)
        tpu.yield
      }) : () -> ()
      %scan3A = arith.constant 0 : i32
      %scan3A_9 = arith.constant 160 : i32
      %scan3A_10 = arith.addi %scan3A, %scan3A_9 : i32
      %scan3A_11 = arith.constant 1 : i32
      scf.for %scan3A_23 = %scan3A to %scan3A_10 step %scan3A_11  : i32 {
        %scan3A_24 = arith.constant 0 : i32
        %scan3A_25 = arith.constant 8 : i32
        %scan3A_26 = arith.addi %scan3A_24, %scan3A_25 : i32
        %scan3A_27 = arith.constant 1 : i32
        scf.for %scan3A_29 = %scan3A_24 to %scan3A_26 step %scan3A_27  : i32 {
          %mul3A_30 = arith.constant 128 : i32
          %mul3A_31 = arith.muli %scan3A_23, %mul3A_30 : i32
          %mul3A_32 = arith.constant 16 : i32
          %mul3A_33 = arith.muli %scan3A_29, %mul3A_32 : i32
          %add3A = arith.addi %mul3A_31, %mul3A_33 : i32
          %get3A = arith.index_cast %add3A : i32 to index
          %get3A_34 = tpu.vector_load %arg13[%get3A] {strides = array<i32>} : memref<20480xi32, #tpu.memory_space<vmem>>, vector<16xi32>,
          %gather3A = tpu.vector_load_idx %arg11[%get3A_34] : memref<10240xf32, #tpu.memory_space<vmem>>[vector<16xi32>], vector<16xf32>,
          %gather3A_35 = tpu.vector_load_idx %arg12[%get3A_34] : memref<10240xf32, #tpu.memory_space<vmem>>[vector<16xi32>], vector<16xf32>,
          %mul3A_36 = arith.mulf %gather3A, %gather3A_35 : vector<16xf32>
          %get3A_37 = arith.index_cast %add3A : i32 to index
          %get3A_38 = tpu.vector_load %arg14[%get3A_37] {strides = array<i32>} : memref<20480xf32, #tpu.memory_space<vmem>>, vector<16xf32>,
          %mul3A_39 = arith.mulf %mul3A_36, %get3A_38 : vector<16xf32>
          %mul3A_40 = arith.constant 16 : i32
          %mul3A_41 = arith.muli %scan3A_29, %mul3A_40 : i32
          %swap3A = arith.index_cast %mul3A_41 : i32 to index
          %swap3A_42 = tpu.vector_load %arg16[%swap3A] {strides = array<i32>} : memref<128xf32, #tpu.memory_space<vmem>>, vector<16xf32>,
          tpu.vector_store %arg16[%swap3A], %mul3A_39 {strides = array<i32>} : memref<128xf32, #tpu.memory_space<vmem>>, vector<16xf32>,
        }
        %scan3A_28 = arith.constant 8 : i32
        "tpu.region"() ({
          %run_scoped3A = tpu.sem_alloc : memref<!tpu.dma_semaphore, #tpu.memory_space<semaphore_mem>>
          %dma_start3A = arith.constant 0 : i32
          %dma_start3A_29 = tpu.memref_slice %arg15[%scan3A_23, %dma_start3A] : memref<160x128xi32, #tpu.memory_space<vmem>> -> memref<1x128xi32, #tpu.memory_space<vmem>>
          %dma_start3A_30 = tpu.memref_squeeze %dma_start3A_29 : memref<1x128xi32, #tpu.memory_space<vmem>> -> memref<128xi32, #tpu.memory_space<vmem>>
          %dma_start3A_31 = arith.constant 0 : i32
          %dma_start3A_32 = tpu.memref_slice %arg10[%dma_start3A_31] : memref<10240xf32, #tpu.memory_space<vmem_shared>> -> memref<10240xf32, #tpu.memory_space<vmem_shared>>
          tpu.enqueue_indirect_dma source(%arg16 : memref<128xf32, #tpu.memory_space<vmem>>) target(%dma_start3A_32 : memref<10240xf32, #tpu.memory_space<vmem_shared>>) offsets(%dma_start3A_30 : memref<128xi32, #tpu.memory_space<vmem>>) semaphore(%run_scoped3A : memref<!tpu.dma_semaphore, #tpu.memory_space<semaphore_mem>>) {add = true}
          %dma_wait3A = arith.constant 0 : i32
          %dma_wait3A_33 = tpu.memref_slice %arg15[%scan3A_23, %dma_wait3A] : memref<160x128xi32, #tpu.memory_space<vmem>> -> memref<1x128xi32, #tpu.memory_space<vmem>>
          %dma_wait3A_34 = tpu.memref_squeeze %dma_wait3A_33 : memref<1x128xi32, #tpu.memory_space<vmem>> -> memref<128xi32, #tpu.memory_space<vmem>>
          %dma_wait3A_35 = arith.constant 0 : i32
          %dma_wait3A_36 = tpu.memref_slice %arg10[%dma_wait3A_35] : memref<10240xf32, #tpu.memory_space<vmem_shared>> -> memref<10240xf32, #tpu.memory_space<vmem_shared>>
          tpu.wait_indirect_dma semaphore(%run_scoped3A : memref<!tpu.dma_semaphore, #tpu.memory_space<semaphore_mem>>) src(%arg16 : memref<128xf32, #tpu.memory_space<vmem>>) dst(%dma_wait3A_36 : memref<10240xf32, #tpu.memory_space<vmem_shared>>)
          tpu.yield
        }) : () -> ()
      }
      %scan3A_12 = arith.constant 160 : i32
      %barrier3A_13 = arith.constant 0 : index
      tpu.barrier barrier_id(%barrier3A_13)
      %mul3A_14 = arith.constant 640 : i32
      %mul3A_15 = arith.muli %arg1, %mul3A_14 : i32
      "tpu.region"() ({
        %run_scoped3A = tpu.sem_alloc : memref<!tpu.dma_semaphore, #tpu.memory_space<semaphore_mem>>
        %dma_start3A = arith.constant 0 : i32
        %dma_start3A_23 = tpu.memref_slice %arg14[%dma_start3A] : memref<20480xf32, #tpu.memory_space<vmem>> -> memref<640xf32, #tpu.memory_space<vmem>>
        %dma_start3A_24 = tpu.memref_slice %arg10[%mul3A_15] : memref<10240xf32, #tpu.memory_space<vmem_shared>> -> memref<640xf32, #tpu.memory_space<vmem_shared>>
        %dma_start3A_25 = arith.constant 0 : i32
        %dma_start3A_26 = tpu.memref_slice %arg14[%dma_start3A_25] : memref<20480xf32, #tpu.memory_space<vmem>> -> memref<640xf32, #tpu.memory_space<vmem>>
        %dma_start3A_27 = tpu.memref_slice %arg10[%mul3A_15] : memref<10240xf32, #tpu.memory_space<vmem_shared>> -> memref<640xf32, #tpu.memory_space<vmem_shared>>
        tpu.enqueue_dma source(%dma_start3A_27 : memref<640xf32, #tpu.memory_space<vmem_shared>>) target(%dma_start3A_26 : memref<640xf32, #tpu.memory_space<vmem>>) target_semaphore(%run_scoped3A : memref<!tpu.dma_semaphore, #tpu.memory_space<semaphore_mem>>)
        %dma_wait3A = arith.constant 0 : i32
        %dma_wait3A_28 = tpu.memref_slice %arg14[%dma_wait3A] : memref<20480xf32, #tpu.memory_space<vmem>> -> memref<640xf32, #tpu.memory_space<vmem>>
        %dma_wait3A_29 = tpu.memref_slice %arg10[%mul3A_15] : memref<10240xf32, #tpu.memory_space<vmem_shared>> -> memref<640xf32, #tpu.memory_space<vmem_shared>>
        %dma_wait3A_30 = arith.constant 0 : i32
        %dma_wait3A_31 = tpu.memref_slice %arg14[%dma_wait3A_30] : memref<20480xf32, #tpu.memory_space<vmem>> -> memref<640xf32, #tpu.memory_space<vmem>>
        %dma_wait3A_32 = tpu.memref_slice %arg10[%mul3A_15] : memref<10240xf32, #tpu.memory_space<vmem_shared>> -> memref<640xf32, #tpu.memory_space<vmem_shared>>
        tpu.wait_dma2 semaphore(%run_scoped3A : memref<!tpu.dma_semaphore, #tpu.memory_space<semaphore_mem>>) src(%dma_wait3A_32 : memref<640xf32, #tpu.memory_space<vmem_shared>>) dst(%dma_wait3A_31 : memref<640xf32, #tpu.memory_space<vmem>>)
        tpu.yield
      }) : () -> ()
      %scan3A_16 = arith.constant 0 : i32
      %scan3A_17 = arith.constant 40 : i32
      %scan3A_18 = arith.addi %scan3A_16, %scan3A_17 : i32
      %scan3A_19 = arith.constant 1 : i32
      scf.for %scan3A_23 = %scan3A_16 to %scan3A_18 step %scan3A_19  : i32 {
        %mul3A_24 = arith.constant 16 : i32
        %mul3A_25 = arith.muli %scan3A_23, %mul3A_24 : i32
        %get3A = arith.index_cast %mul3A_25 : i32 to index
        %get3A_26 = tpu.vector_load %arg14[%get3A] {strides = array<i32>} : memref<20480xf32, #tpu.memory_space<vmem>>, vector<16xf32>,
        %mul3A_27 = arith.constant 640 : i32
        %mul3A_28 = arith.muli %arg1, %mul3A_27 : i32
        %mul3A_29 = arith.constant 16 : i32
        %mul3A_30 = arith.muli %scan3A_23, %mul3A_29 : i32
        %add3A = arith.addi %mul3A_28, %mul3A_30 : i32
        %get3A_31 = arith.index_cast %add3A : i32 to index
        %get3A_32 = tpu.vector_load %arg12[%get3A_31] {strides = array<i32>} : memref<10240xf32, #tpu.memory_space<vmem>>, vector<16xf32>,
        %mul3A_33 = arith.constant 640 : i32
        %mul3A_34 = arith.muli %arg1, %mul3A_33 : i32
        %mul3A_35 = arith.constant 16 : i32
        %mul3A_36 = arith.muli %scan3A_23, %mul3A_35 : i32
        %add3A_37 = arith.addi %mul3A_34, %mul3A_36 : i32
        %get3A_38 = arith.index_cast %add3A_37 : i32 to index
        %get3A_39 = tpu.vector_load %arg11[%get3A_38] {strides = array<i32>} : memref<10240xf32, #tpu.memory_space<vmem>>, vector<16xf32>,
        %mul3A_40 = arith.mulf %get3A_32, %get3A_26 : vector<16xf32>
        %mul3A_41 = arith.mulf %get3A_32, %get3A_32 : vector<16xf32>
        %mul3A_42 = arith.mulf %mul3A_41, %get3A_39 : vector<16xf32>
        %add3A_43 = arith.addf %mul3A_40, %mul3A_42 : vector<16xf32>
        %get3A_44 = arith.constant 0 : index
        %get3A_45 = tpu.vector_load %arg17[%get3A_44] {strides = array<i32>} : memref<16xf32, #tpu.memory_space<vmem>>, vector<16xf32>,
        %add3A_46 = arith.addf %add3A_43, %get3A_45 : vector<16xf32>
        %swap3A = arith.index_cast %mul3A_25 : i32 to index
        %swap3A_47 = tpu.vector_load %arg14[%swap3A] {strides = array<i32>} : memref<20480xf32, #tpu.memory_space<vmem>>, vector<16xf32>,
        tpu.vector_store %arg14[%swap3A], %add3A_46 {strides = array<i32>} : memref<20480xf32, #tpu.memory_space<vmem>>, vector<16xf32>,
      }
      %scan3A_20 = arith.constant 40 : i32
      %mul3A_21 = arith.constant 640 : i32
      %mul3A_22 = arith.muli %arg1, %mul3A_21 : i32
      "tpu.region"() ({
        %run_scoped3A = tpu.sem_alloc : memref<!tpu.dma_semaphore, #tpu.memory_space<semaphore_mem>>
        %dma_start3A = arith.constant 0 : i32
        %dma_start3A_23 = tpu.memref_slice %arg14[%dma_start3A] : memref<20480xf32, #tpu.memory_space<vmem>> -> memref<640xf32, #tpu.memory_space<vmem>>
        %dma_start3A_24 = tpu.memref_slice %arg9[%mul3A_22] : memref<10240xf32, #tpu.memory_space<hbm>> -> memref<640xf32, #tpu.memory_space<hbm>>
        %dma_start3A_25 = tpu.memref_slice %arg9[%mul3A_22] : memref<10240xf32, #tpu.memory_space<hbm>> -> memref<640xf32, #tpu.memory_space<hbm>>
        %dma_start3A_26 = arith.constant 0 : i32
        %dma_start3A_27 = tpu.memref_slice %arg14[%dma_start3A_26] : memref<20480xf32, #tpu.memory_space<vmem>> -> memref<640xf32, #tpu.memory_space<vmem>>
        tpu.enqueue_dma source(%dma_start3A_27 : memref<640xf32, #tpu.memory_space<vmem>>) target(%dma_start3A_25 : memref<640xf32, #tpu.memory_space<hbm>>) target_semaphore(%run_scoped3A : memref<!tpu.dma_semaphore, #tpu.memory_space<semaphore_mem>>)
        %dma_wait3A = arith.constant 0 : i32
        %dma_wait3A_28 = tpu.memref_slice %arg14[%dma_wait3A] : memref<20480xf32, #tpu.memory_space<vmem>> -> memref<640xf32, #tpu.memory_space<vmem>>
        %dma_wait3A_29 = tpu.memref_slice %arg9[%mul3A_22] : memref<10240xf32, #tpu.memory_space<hbm>> -> memref<640xf32, #tpu.memory_space<hbm>>
        %dma_wait3A_30 = tpu.memref_slice %arg9[%mul3A_22] : memref<10240xf32, #tpu.memory_space<hbm>> -> memref<640xf32, #tpu.memory_space<hbm>>
        %dma_wait3A_31 = arith.constant 0 : i32
        %dma_wait3A_32 = tpu.memref_slice %arg14[%dma_wait3A_31] : memref<20480xf32, #tpu.memory_space<vmem>> -> memref<640xf32, #tpu.memory_space<vmem>>
        tpu.wait_dma2 semaphore(%run_scoped3A : memref<!tpu.dma_semaphore, #tpu.memory_space<semaphore_mem>>) src(%dma_wait3A_32 : memref<640xf32, #tpu.memory_space<vmem>>) dst(%dma_wait3A_30 : memref<640xf32, #tpu.memory_space<hbm>>)
        tpu.yield
      }) : () -> ()
    } else {
    }
    return
  }
}

module attributes {stable_mosaic.version = 14 : i64} {
  func.func @_mm_body(%arg0: i32, %arg1: memref<1024x128xf32, #tpu.memory_space<vmem>>, %arg2: memref<128x128xf32, #tpu.memory_space<vmem>>, %arg3: memref<1024x128xf32, #tpu.memory_space<vmem>>) attributes {dimension_semantics = [#tpu.dimension_semantics<arbitrary>], iteration_bounds = array<i64: 10>, scalar_prefetch = 0 : i64, scratch_operands = 0 : i64, tpu.core_type = #tpu.core_type<tc>, window_params = [{transform_indices = @transform_0, window_bounds = array<i64: 1024, 128>}, {pipeline_mode = #tpu.pipeline_mode<synchronous>, transform_indices = @transform_1, window_bounds = array<i64: 128, 128>}, {transform_indices = @transform_2, window_bounds = array<i64: 1024, 128>}]} {
    %get3A = arith.constant 0 : index
    %get3A_0 = arith.constant 0 : index
    %get3A_1 = vector.load %arg1[%get3A, %get3A_0] : memref<1024x128xf32, #tpu.memory_space<vmem>>, vector<1024x128xf32>
    %get3A_2 = arith.constant 0 : index
    %get3A_3 = arith.constant 0 : index
    %get3A_4 = vector.load %arg2[%get3A_2, %get3A_3] : memref<128x128xf32, #tpu.memory_space<vmem>>, vector<128x128xf32>
    %dot_general3A = arith.constant dense<0.000000e+00> : vector<1024x128xf32>
    %dot_general3A_5 = tpu.matmul %get3A_1, %get3A_4, %dot_general3A {dimension_numbers = #tpu.dot_dimension_numbers<[1], [0], [0], [1], [0, 0, 1, 1], [], []>, transpose_lhs_hint = false} : vector<1024x128xf32>, vector<128x128xf32>, vector<1024x128xf32> -> vector<1024x128xf32>
    %swap3A = arith.constant 0 : index
    %swap3A_6 = arith.constant 0 : index
    %swap3A_7 = vector.load %arg3[%swap3A, %swap3A_6] : memref<1024x128xf32, #tpu.memory_space<vmem>>, vector<1024x128xf32>
    tpu.vector_store %arg3[%swap3A, %swap3A_6], %dot_general3A_5 {strides = array<i32>} : memref<1024x128xf32, #tpu.memory_space<vmem>>, vector<1024x128xf32>,
    return
  }
  func.func @transform_0(%arg0: i32) -> (i32, i32) {
    %c0_i32 = arith.constant 0 : i32
    %c0_i32_0 = arith.constant 0 : i32
    return %arg0, %c0_i32 : i32, i32
  }
  func.func @transform_1(%arg0: i32) -> (i32, i32) {
    %c0_i32 = arith.constant 0 : i32
    %c0_i32_0 = arith.constant 0 : i32
    %c0_i32_1 = arith.constant 0 : i32
    return %c0_i32, %c0_i32_0 : i32, i32
  }
  func.func @transform_2(%arg0: i32) -> (i32, i32) {
    %c0_i32 = arith.constant 0 : i32
    %c0_i32_0 = arith.constant 0 : i32
    return %arg0, %c0_i32 : i32, i32
  }
}

module attributes {stable_mosaic.version = 14 : i64} {
  func.func @_layer2_body(%arg0: i32, %arg1: memref<1x1024x128xf32, #tpu.memory_space<vmem>>, %arg2: memref<1x1024x128xf32, #tpu.memory_space<vmem>>, %arg3: memref<1024x128xf32, #tpu.memory_space<vmem>>, %arg4: memref<1024x128xf32, #tpu.memory_space<vmem>>, %arg5: memref<1x128xf32, #tpu.memory_space<vmem>>, %arg6: memref<128x128xf32, #tpu.memory_space<vmem>>, %arg7: memref<1024x128xf32, #tpu.memory_space<vmem>>) attributes {dimension_semantics = [#tpu.dimension_semantics<arbitrary>], iteration_bounds = array<i64: 10>, scalar_prefetch = 0 : i64, scratch_operands = 0 : i64, tpu.core_type = #tpu.core_type<tc>, window_params = [{transform_indices = @transform_0, window_bounds = array<i64: 1, 1024, 128>}, {transform_indices = @transform_1, window_bounds = array<i64: 1, 1024, 128>}, {transform_indices = @transform_2, window_bounds = array<i64: 1024, 128>}, {transform_indices = @transform_3, window_bounds = array<i64: 1024, 128>}, {pipeline_mode = #tpu.pipeline_mode<synchronous>, transform_indices = @transform_4, window_bounds = array<i64: 1, 128>}, {pipeline_mode = #tpu.pipeline_mode<synchronous>, transform_indices = @transform_5, window_bounds = array<i64: 128, 128>}, {transform_indices = @transform_6, window_bounds = array<i64: 1024, 128>}]} {
    %get3A = arith.constant 0 : index
    %get3A_0 = arith.constant 0 : index
    %get3A_1 = vector.load %arg4[%get3A, %get3A_0] : memref<1024x128xf32, #tpu.memory_space<vmem>>, vector<1024x128xf32>
    %get3A_2 = arith.constant 0 : index
    %get3A_3 = arith.constant 0 : index
    %get3A_4 = arith.constant 0 : index
    %get3A_5 = vector.load %arg1[%get3A_2, %get3A_3, %get3A_4] : memref<1x1024x128xf32, #tpu.memory_space<vmem>>, vector<1x1024x128xf32>
    %get3A_6 = vector.shape_cast %get3A_5 : vector<1x1024x128xf32> to vector<1024x128xf32>
    %get3A_7 = arith.constant 0 : index
    %get3A_8 = arith.constant 0 : index
    %get3A_9 = arith.constant 0 : index
    %get3A_10 = vector.load %arg2[%get3A_7, %get3A_8, %get3A_9] : memref<1x1024x128xf32, #tpu.memory_space<vmem>>, vector<1x1024x128xf32>
    %get3A_11 = vector.shape_cast %get3A_10 : vector<1x1024x128xf32> to vector<1024x128xf32>
    %add3A = arith.addf %get3A_6, %get3A_11 : vector<1024x128xf32>
    %mul3A = arith.mulf %get3A_1, %add3A : vector<1024x128xf32>
    %mul3A_12 = arith.mulf %get3A_1, %get3A_1 : vector<1024x128xf32>
    %get3A_13 = arith.constant 0 : index
    %get3A_14 = arith.constant 0 : index
    %get3A_15 = vector.load %arg3[%get3A_13, %get3A_14] : memref<1024x128xf32, #tpu.memory_space<vmem>>, vector<1024x128xf32>
    %mul3A_16 = arith.mulf %mul3A_12, %get3A_15 : vector<1024x128xf32>
    %add3A_17 = arith.addf %mul3A, %mul3A_16 : vector<1024x128xf32>
    %get3A_18 = arith.constant 0 : index
    %get3A_19 = arith.constant 0 : index
    %get3A_20 = vector.load %arg5[%get3A_18, %get3A_19] : memref<1x128xf32, #tpu.memory_space<vmem>>, vector<1x128xf32>
    %add3A_21 = vector.broadcast %get3A_20 : vector<1x128xf32> to vector<1024x128xf32>
    %add3A_22 = arith.addf %add3A_17, %add3A_21 : vector<1024x128xf32>
    %max3A = arith.constant 0.000000e+00 : f32
    %max3A_23 = vector.broadcast %max3A : f32 to vector<1024x128xf32>
    %max3A_24 = arith.maximumf %add3A_22, %max3A_23 : vector<1024x128xf32>
    %get3A_25 = arith.constant 0 : index
    %get3A_26 = arith.constant 0 : index
    %get3A_27 = vector.load %arg6[%get3A_25, %get3A_26] : memref<128x128xf32, #tpu.memory_space<vmem>>, vector<128x128xf32>
    %dot_general3A = arith.constant dense<0.000000e+00> : vector<1024x128xf32>
    %dot_general3A_28 = tpu.matmul %max3A_24, %get3A_27, %dot_general3A {dimension_numbers = #tpu.dot_dimension_numbers<[1], [0], [0], [1], [0, 0, 1, 1], [], []>, transpose_lhs_hint = false} : vector<1024x128xf32>, vector<128x128xf32>, vector<1024x128xf32> -> vector<1024x128xf32>
    %swap3A = arith.constant 0 : index
    %swap3A_29 = arith.constant 0 : index
    %swap3A_30 = vector.load %arg7[%swap3A, %swap3A_29] : memref<1024x128xf32, #tpu.memory_space<vmem>>, vector<1024x128xf32>
    tpu.vector_store %arg7[%swap3A, %swap3A_29], %dot_general3A_28 {strides = array<i32>} : memref<1024x128xf32, #tpu.memory_space<vmem>>, vector<1024x128xf32>,
    return
  }
  func.func @transform_0(%arg0: i32) -> (i32, i32, i32) {
    %c0_i32 = arith.constant 0 : i32
    %c0_i32_0 = arith.constant 0 : i32
    %c0_i32_1 = arith.constant 0 : i32
    return %c0_i32, %arg0, %c0_i32_0 : i32, i32, i32
  }
  func.func @transform_1(%arg0: i32) -> (i32, i32, i32) {
    %c1_i32 = arith.constant 1 : i32
    %c0_i32 = arith.constant 0 : i32
    %c0_i32_0 = arith.constant 0 : i32
    return %c1_i32, %arg0, %c0_i32 : i32, i32, i32
  }
  func.func @transform_2(%arg0: i32) -> (i32, i32) {
    %c0_i32 = arith.constant 0 : i32
    %c0_i32_0 = arith.constant 0 : i32
    return %arg0, %c0_i32 : i32, i32
  }
  func.func @transform_3(%arg0: i32) -> (i32, i32) {
    %c0_i32 = arith.constant 0 : i32
    %c0_i32_0 = arith.constant 0 : i32
    return %arg0, %c0_i32 : i32, i32
  }
  func.func @transform_4(%arg0: i32) -> (i32, i32) {
    %c0_i32 = arith.constant 0 : i32
    %c0_i32_0 = arith.constant 0 : i32
    %c0_i32_1 = arith.constant 0 : i32
    return %c0_i32, %c0_i32_0 : i32, i32
  }
  func.func @transform_5(%arg0: i32) -> (i32, i32) {
    %c0_i32 = arith.constant 0 : i32
    %c0_i32_0 = arith.constant 0 : i32
    %c0_i32_1 = arith.constant 0 : i32
    return %c0_i32, %c0_i32_0 : i32, i32
  }
  func.func @transform_6(%arg0: i32) -> (i32, i32) {
    %c0_i32 = arith.constant 0 : i32
    %c0_i32_0 = arith.constant 0 : i32
    return %arg0, %c0_i32 : i32, i32
  }
}

</mosaic_0001>

<sc_bundles>
// kernel: kernel.10.cloned.1.call-start
scs
__scs_entry_jumppad:
0x0: {  	(pc) =	sbr.rel $0x88, $3  }
0x1: {  	(tag) =	ssettag $0x0;
	lr =	simm.s32 $0x1  }
0x2: {  	[smem:$0x3F9A] =	sst lr;
	_ =	strace $0xD0000000  }
0x3: {  	_ = 	snop  }
0x4: {  	_ = 	snop  }
0x5: {  	_ = 	snop  }
0x6: {  	_ = 	snop  }
0x7: {  	_ = 	snop  }
__scs_overlays_trampoline_lowered:
0x8: {  	[smem:$0x3FA9] =	sst s0  }
0x9: {  	[smem:$0x3FAA] =	sst s1  }
0xa: {  	[smem:$0x3FAB] =	sst s2  }
0xb: {  	[smem:$0x3FAC] =	sst s3  }
0xc: {  	[smem:$0x3FAD] =	sst s4  }
0xd: {  	[smem:$0x3FAE] =	sst s5  }
0xe: {  	[smem:$0x3FAF] =	sst s6  }
0xf: {  	[smem:$0x3FB0] =	sst s7  }
0x10: {  	[smem:$0x3FB1] =	sst s8  }
0x11: {  	[smem:$0x3FB2] =	sst s9;
	s0 =	simm.s32 @!p0 $0x0  }
0x12: {  	s1 =	sld [smem:$0x3F98];
	s0 =	simm.s32 @p0 $0x1  }
0x13: {  	[smem:$0x3FB3] =	sst s0;
	s0 =	simm.s32 @!p1 $0x0  }
0x14: {  	s2 =	sld [smem:$0x3F97];
	s0 =	simm.s32 @p1 $0x1  }
0x15: {  	[smem:$0x3FB4] =	sst s0;
	s0 =	simm.s32 @!p2 $0x0  }
0x16: {  	s3 =	sld [smem:$0x3FDB];
	s0 =	simm.s32 @p2 $0x1  }
0x17: {  	s4 =	simm.s32 $0x1BF5;
	[smem:$0x3FB6] =	sst s0  }
0x18: {  	s0 =	sld [smem:$0x3F99];
	_ =	swait.ge [sflag:s4], $0x0  }
0x19: {  	s7 =	sld [smem:$0x3F9A]  }
0x1a: {  	s8 =	sadd.s32 $0xFFFFE003, lr  }
0x1b: {  	s9 =	sadd.s32 $0xFFFFFEF7, lr;
	s5 =	simm.s32 $0xFFFFFFFF;
	p2 =	slt.u32 s8, $0xFFFFF086  }
0x1c: {  	p1 =	slt.u32 s9, $0xF7A;
	s5 =	simm.s32 @!p2 $0x0  }
0x1d: {  	s5 =	simm.s32 @p1 $0x1;
	p0 =	seq.s32 s7, s2  }
0x1e: {  	s7 =	smul.u32 @!p0 $0xF7A, s2;
	p2 =	seq.s32 @!p0 s5, $0x0  }
0x1f: {  	s9 =	smul.u32 $0xF7A, s1;
	s8 =	simm.s32 @!p0 $0x1BF5;
	p2 =	por !p2, p0  }
0x20: {  	[sflag:s8] =	ssyncset.s32 @!p0 $0xFFFFF086;
	s6 =	sadd.s32 @!p0 s3, s7;
	s7 =	simm.s32 @!p0 $0x108  }
0x21: {  	s3 =	sadd.s32 s3, s9;
	s6 =	sadd.s32 @!p0 $0x88, s6;
	s7 =	simm.s32 @p2 $0x1082  }
0x22: {  	[simem:s7], [sflag:s8] =	dma.local @!p0 [hbm:s6], $0xF7A  }
0x23: {  	s9 =	sor.u32 $0xD0000000, s2;
	s6 =	simm.s32 $0x108;
	_ =	swait.ge @!p0 [sflag:s8], $0x0  }
0x24: {  	s3 =	sadd.s32 $0x88, s3;
	s6 =	simm.s32 @!p1 $0x1082;
	[sflag:s4] =	ssyncset.s32 $0xFFFFF086  }
0x25: {  	[simem:s6], [sflag:s4] =	dma.local [hbm:s3], $0xF7A  }
0x26: {  	[smem:$0x3F9A] =	sst s1;
	(tag) =	ssettag s2;
	_ =	strace s9  }
0x27: {  	s1 =	sld [smem:$0x3FAA]  }
0x28: {  	s2 =	sld [smem:$0x3FAB]  }
0x29: {  	s4 =	sld [smem:$0x3FAD]  }
0x2a: {  	p0 =	seq.s32 s5, $0x0;
	s5 =	sld [smem:$0x3FAE]  }
0x2b: {  	s6 =	sld [smem:$0x3FAF]  }
0x2c: {  	s7 =	sld [smem:$0x3FB0]  }
0x2d: {  	s3 =	simm.s32 $0x108;
	s8 =	sld [smem:$0x3FB1]  }
0x2e: {  	s3 =	simm.s32 @!p0 $0x1082;
	s9 =	sld [smem:$0x3FB2]  }
0x2f: {  	lr =	sadd.s32 s0, s3;
	s0 =	sld [smem:$0x3FA9]  }
0x30: {  	s3 =	sld [smem:$0x3FAC]  }
0x31: {  	[smem:$0x3FB5] =	sst s10  }
0x32: {  	s10 =	sld [smem:$0x3FB3];
	_ =	sdelay $0x3  }
0x33: {  	p0 =	seq.s32 s10, $0x1;
	s10 =	sld [smem:$0x3FB5];
	_ =	sdelay $0x3  }
0x34: {  	[smem:$0x3FB5] =	sst s10  }
0x35: {  	s10 =	sld [smem:$0x3FB4];
	_ =	sdelay $0x3  }
0x36: {  	p1 =	seq.s32 s10, $0x1;
	s10 =	sld [smem:$0x3FB5];
	_ =	sdelay $0x3  }
0x37: {  	[smem:$0x3FB5] =	sst s10  }
0x38: {  	s10 =	sld [smem:$0x3FB6]  }
0x39: {  	_ = 	snop;
	(pc) =	sbr.ind lr, $3  }
0x3a: {  	_ = 	snop  }
0x3b: {  	_ = 	snop  }
0x3c: {  	p2 =	seq.s32 s10, $0x1;
	s10 =	sld [smem:$0x3FB5]  }
0x3d: {  	_ =	shalt  }
0x3e: {  	_ =	shalt  }
0x3f: {  	_ =	shalt  }
0x40: {  	_ =	shalt  }
0x41: {  	_ =	shalt  }
0x42: {  	_ =	shalt  }
0x43: {  	_ =	shalt  }
0x44: {  	_ =	shalt  }
0x45: {  	_ =	shalt  }
0x46: {  	_ =	shalt  }
0x47: {  	_ =	shalt  }
0x48: {  	_ =	shalt  }
0x49: {  	_ =	shalt  }
0x4a: {  	_ =	shalt  }
0x4b: {  	_ =	shalt  }
0x4c: {  	_ =	shalt  }
0x4d: {  	_ =	shalt  }
0x4e: {  	_ =	shalt  }
0x4f: {  	_ =	shalt  }
0x50: {  	_ =	shalt  }
0x51: {  	_ =	shalt  }
0x52: {  	_ =	shalt  }
0x53: {  	_ =	shalt  }
0x54: {  	_ =	shalt  }
0x55: {  	_ =	shalt  }
0x56: {  	_ =	shalt  }
0x57: {  	_ =	shalt  }
0x58: {  	_ =	shalt  }
0x59: {  	_ =	shalt  }
0x5a: {  	_ =	shalt  }
0x5b: {  	_ =	shalt  }
0x5c: {  	_ =	shalt  }
0x5d: {  	_ =	shalt  }
0x5e: {  	_ =	shalt  }
0x5f: {  	_ =	shalt  }
0x60: {  	_ =	shalt  }
0x61: {  	_ =	shalt  }
0x62: {  	_ =	shalt  }
0x63: {  	_ =	shalt  }
0x64: {  	_ =	shalt  }
0x65: {  	_ =	shalt  }
0x66: {  	_ =	shalt  }
0x67: {  	_ =	shalt  }
0x68: {  	_ =	shalt  }
0x69: {  	_ =	shalt  }
0x6a: {  	_ =	shalt  }
0x6b: {  	_ =	shalt  }
0x6c: {  	_ =	shalt  }
0x6d: {  	_ =	shalt  }
0x6e: {  	_ =	shalt  }
0x6f: {  	_ =	shalt  }
0x70: {  	_ =	shalt  }
0x71: {  	_ =	shalt  }
0x72: {  	_ =	shalt  }
0x73: {  	_ =	shalt  }
0x74: {  	_ =	shalt  }
0x75: {  	_ =	shalt  }
0x76: {  	_ =	shalt  }
0x77: {  	_ =	shalt  }
0x78: {  	_ =	shalt  }
0x79: {  	_ =	shalt  }
0x7a: {  	_ =	shalt  }
0x7b: {  	_ =	shalt  }
0x7c: {  	_ =	shalt  }
0x7d: {  	_ =	shalt  }
0x7e: {  	_ =	shalt  }
0x7f: {  	_ =	shalt  }
0x80: {  	_ =	shalt  }
0x81: {  	_ =	shalt  }
0x82: {  	_ =	shalt  }
0x83: {  	_ =	shalt  }
0x84: {  	_ =	shalt  }
0x85: {  	_ =	shalt  }
0x86: {  	_ =	shalt  }
0x87: {  	_ =	shalt  }
.Lfunc_end0:
.L_simem_size_0:
called_computation.1_lowered:
.L_overlay_start_0:
0x88: {  	s2 =	sld [smem:$0x3FD9]  }
0x89: {  	s3 =	sld [smem:$0x3FFE];
	_ =	sdelay $0x1  }
0x8a: {  	s1 =	srdreg.scid  }
0x8b: {  	s0 =	sand.u32 $0x1, s1  }
0x8c: {  	s16 =	sshll.u32 s0, $0xA;
	s2 =	sadd.s32 s3, s2  }
0x8d: {  	s2 =	sadd.s32 s2, s16  }
0x8e: {  	[smem:$0x3FC1] =	sst s2  }
0x8f: {  	_ = 	snop  }
0x90: {  	(tm) =	ssettm $0x1  }
0x91: {  	s17 =	sld [smem:$0x3FFB];
	_ =	sdelay $0x3  }
0x92: {  	_ =	strace s17  }
0x93: {  	s2 =	sld [smem:$0x3FFC];
	_ =	sdelay $0x3  }
0x94: {  	_ =	strace s2  }
0x95: {  	s2 =	sld [smem:$0x3FFD];
	_ =	sdelay $0x3  }
0x96: {  	_ =	strace s2  }
0x97: {  	_ =	strace $0x8FFFFFFF  }
0x98: {  	s18 =	sld [smem:$0x3FDB];
	_ =	sdelay $0x1  }
0x99: {  	s19 =	simm.s32 $_scs_section_size  }
0x9a: {  	s4 =	simm.s32 $_size__tile_overlayer_lowered;
	s5 =	simm.s32 $_tile_overlayer_lowered  }
0x9b: {  	s22 =	simm.s32 $0x1BFF;
	s21 =	sshll.u32 s5, $0x1;
	s2 =	sadd.s32 s19, s18  }
0x9c: {  	s6 =	simm.s32 $0x0;
	s20 =	sshll.u32 s4, $0x1;
	s4 =	sadd.s32 s21, s2  }
0x9d: {  	[timem:s6], [sflag:s22] =	dma.local [hbm:s4], s20  }
0x9e: {  	_ =	swait.ge [sflag:s22], s20  }
0x9f: {  	s3 =	ssub.s32 $0x0, s20;
	[sflag:s22] =	ssyncset.done $0x0  }
0xa0: {  	[sflag:s22] =	ssyncadd.s32 s3;
	_ =	sdelay $0x1  }
0xa1: {  	s23 =	simm.s32 $0x1B8B  }
0xa2: {  	_ =	swait.ge [sflag:s23], $0x1  }
0xa3: {  	[sflag:s23] =	ssyncset.done $0x0  }
0xa4: {  	s25 =	simm.s32 $0x1B8E;
	s24 =	sld [smem:$0x3FFE];
	[sflag:s23] =	ssyncadd.s32 $0xFFFFFFFF  }
0xa5: {  	s26 =	simm.s32 $execute0_lowered;
	[smem:$0x3FD2] =	sst s25  }
0xa6: {  	s4 =	sshll.u32 s26, $0x1;
	_ =	strace $0x80000049;
	[dreg:$0x1] =	wrdreg $0xFFFFFFFF  }
0xa7: {  	s28 =	simm.s32 $_size_execute0_lowered;
	s2 =	sadd.s32 s2, s4;
	[dreg:$0x0] =	wrdreg $0x0  }
0xa8: {  	s4 =	sshll.u32 s28, $0x1;
	[dreg:$0x2] =	wrdreg s2  }
0xa9: {  	[dreg:$0x3] =	wrdreg s4  }
0xaa: {  	[dreg:$0x4] =	wrdreg $0xC0  }
0xab: {  	_ =	task [dreg:s6], $0x5FFFF  }
0xac: {  	[dreg:$0x1] =	wrdreg $0xFFFFFFFF  }
0xad: {  	[dreg:$0x0] =	wrdreg $0x60  }
0xae: {  	[dreg:$0x2] =	wrdreg s24  }
0xaf: {  	[dreg:$0x3] =	wrdreg $0x0  }
0xb0: {  	[dreg:$0x4] =	wrdreg $0x9  }
0xb1: {  	_ =	task.clear_ibuf [dreg:s6], $0x5FFFF;
	_ =	strace $0x90000049  }
0xb2: {  	s29 =	simm.s32 $0x9;
	_ =	strace $0x8000004B  }
0xb3: {  	_ =	swait.ge [sflag:s29], $0x1  }
0xb4: {  	[sflag:s29] =	ssyncadd.s32 $0xFFFFFFFF  }
0xb5: {  	_ =	strace $0x9000004B  }
0xb6: {  	_ =	sfence  }
0xb7: {  	s30 =	sld [smem:$0x0];
	_ =	sdelay $0x2  }
0xb8: {  	s31 =	sshll.u32 s1, $0xD;
	s1 =	sshrl.u32 s1, $0x2  }
0xb9: {  	s3 =	sand.u32 $0x4000, s31;
	s1 =	sadd.s32 s1, s30  }
0xba: {  	s0 =	sor.u32 s3, s0;
	s1 =	sshll.u32 s1, $0x11  }
0xbb: {  	s0 =	sor.u32 s1, s0  }
0xbc: {  	s0 =	sadd.s32 $0x8F2B, s0  }
0xbd: {  	[sflag:s0] =	ssyncadd.remote.s32 $0x1  }
0xbe: {  	_ =	sfence.sel $0xFFFF  }
0xbf: {  	[dreg:$0x0] =	wrdreg $0xFFFFFFFF;
	(pc) =	sbr.abs _section_cstart, $3  }
0xc0: {  	[dreg:$0x1] =	wrdreg $0xFFFFFFFF  }
0xc1: {  	_ =	task.clear_ibuf [dreg:s6], $0x2FFFF;
	_ =	strace $0x9FFFFFFF  }
0xc2: {  	(tm) =	ssettm $0x7FFFFFFF  }
0xc3: {  	_ =	shalt  }
tec
execute0_lowered:
.L_overlay_start_1:
0x0: {  	(tag) =	ssettag $0x1  }
0x1: {  	s0 =	rddreg [dreg:$0x0]  }
0x2: {  	s1 =	rddreg [dreg:$0x1];
	s2 =	simm.s32 $0x0  }
0x3: {  	s3 =	srdreg.scid;
	s11 =	stileid.u32;
	s30 =	simm.s32 $0x14100  }
0x4: {  	s31 =	simm.s32 $0x80;
	s29 =	simm.s32 $0x14280;
	s28 =	simm.s32 $0x0  }
0x5: {  	[smem:$0x7FF] =	sst s2;
	s4 =	sadd.s32 $0x20600, s0;
	s5 =	sadd.s32 $0x16600, s0  }
0x6: {  	s3 =	sand.u32 $0x1, s3;
	s8 =	smul.u32 $0x14000, s11;
	s6 =	sadd.s32 $0x1A00, s0  }
0x7: {  	s7 =	sadd.s32 $0xBA00, s0;
	s9 =	smul.u32 $0x2800, s11;
	s15 =	sadd.s32 $0x16000, s0  }
0x8: {  	_ =	strace $0x8000004A;
	p0 =	seq.s32 s3, $0x1;
	s10 =	sshll.u32 s3, $0x4  }
0x9: {  	s3 =	ssub.s32 $0x2, s3;
	[dreg:$0x3] =	wrdreg s15;
	s8 =	sshrl.u32 s8, $0x3  }
0xa: {  	s10 =	sor.u32 s11, s10;
	s11 =	smul.u32 $0x50000, s11;
	s16 =	sshrl.u32 s3, $0x1  }
0xb: {  	s8 =	sadd.s32 $0x28000, s8;
	s14 =	smul.u32 $0x2800, s10;
	s3 =	ssub.s32 s3, s16  }
0xc: {  	s9 =	smov.u32 @p0 s8;
	s17 =	sshrl.u32 s11, $0x2;
	s3 =	smax.u32 s3, $0x1  }
0xd: {  	s8 =	simm.s32 $0x18300;
	s11 =	simm.s32 $0x2;
	s18 =	sshrl.u32 s14, $0x3  }
0xe: {  	s0 =	sadd.s32 s9, s0;
	[dreg:$0xa] =	wrdreg s3;
	s19 =	sadd.s32 s5, s18  }
0xf: {  	s9 =	sadd.s32 s17, s1;
	s12 =	sadd.s32 s7, s18;
	[dreg:$0x4] =	wrdreg s19  }
0x10: {  	s16 =	sor.u32 $0x100, s14;
	s10 =	sadd.s32 s6, s18;
	[dreg:$0x5] =	wrdreg s12  }
0x11: {  	s17 =	sor.u32 $0x180, s14;
	s24 =	sadd.s32 $0x4000, s9;
	[dreg:$0x6] =	wrdreg s10  }
0x12: {  	s3 =	simm.s32 $0x14180;
	s25 =	sadd.s32 $0x8000, s9;
	[dreg:$0xb] =	wrdreg s24  }
0x13: {  	s20 =	sor.u32 $0x10, s18;
	s26 =	sadd.s32 $0xC000, s9;
	[dreg:$0xc] =	wrdreg s25  }
.Ltmp0:
0x14: {  	s21 =	sadd.s32 s5, s20;
	[dreg:$0xd] =	wrdreg s26;
	(pc) =	sbr.rel .LBB2_1-.Ltmp0, $4  }
0x15: {  	s22 =	sadd.s32 s7, s20;
	s23 =	sadd.s32 s6, s20;
	[dreg:$0x7] =	wrdreg s21  }
0x16: {  	s24 =	simm.s32 $0x14300;
	s25 =	simm.s32 $0x3;
	[dreg:$0x8] =	wrdreg s22  }
0x17: {  	s26 =	simm.s32 $0x1C300;
	s10 =	simm.s32 $0x1;
	[dreg:$0x9] =	wrdreg s23  }
0x18: {  	v0 =	vimm.f32 $0.0e+00;
	s22 =	sadd.s32 $0x10000, s9;
	s23 =	sadd.s32 $0x48600, s0;
	s0 =	simm.s32 $0x14080  }
.LBB2_10:
0x19: {  	s12 =	stileid.u32  }
0x1a: {  	s12 =	sshll.u32 s12, $0x6  }
0x1b: {  	[bflag:$0x0] =	sbarrier.arrive $0xFFFF;
	s13 =	sshrl.u32 s9, $0x3;
	s12 =	sor.u32 $0x1C03, s12  }
0x1c: {  	[hbm:s23], [sflag:s12] =	dma.local [spmem:s13], $0x2800  }
0x1d: {  	_ =	swait.ge [sflag:s25], $0x2800  }
0x1e: {  	s28 =	sadd.s32 $0x1, s28;
	s21 =	rddreg [dreg:$0xa]  }
0x1f: {  	p0 =	sne.s32 s28, s21  }
.Ltmp1:
0x20: {  	_ = 	snop;
	(pc) =	sbr.rel @!p0 .LBB2_11-.Ltmp1, $3  }
0x21: {  	_ =	sdelay $0x1  }
0x22: {  	[sflag:s25] =	ssyncset.done $0x0  }
0x23: {  	[sflag:s25] =	ssyncadd.s32 $0xFFFFD800  }
.LBB2_1:
0x24: {  	s12 =	simm.s32 $0x0;
	s13 =	simm.s32 $0x200  }
.LBB2_2:
0x25: {  	p0 =	sne.s32 s13, $0xFE00;
	[tilespmem:s12+$0x14370] =	vst v0  }
0x26: {  	[tilespmem:s12+$0x14300] =	vst v0  }
0x27: {  	[tilespmem:s12+$0x14310] =	vst v0  }
.Ltmp2:
0x28: {  	[tilespmem:s12+$0x14320] =	vst v0;
	(pc) =	sbr.rel @p0 .LBB2_2-.Ltmp2, $4  }
0x29: {  	[tilespmem:s12+$0x14330] =	vst v0  }
0x2a: {  	[tilespmem:s12+$0x14340] =	vst v0  }
0x2b: {  	[tilespmem:s12+$0x14350] =	vst v0  }
0x2c: {  	[tilespmem:s12+$0x14360] =	vst v0;
	s12 =	sshra.s32 s13, $0x2;
	s13 =	sadd.s32 $0x200, s13  }
0x2d: {  	[tilespmem:s12+$0x14370] =	vst v0  }
0x2e: {  	[tilespmem:s12+$0x14300] =	vst v0  }
0x2f: {  	[tilespmem:s12+$0x14310] =	vst v0  }
0x30: {  	[tilespmem:s12+$0x14320] =	vst v0  }
0x31: {  	[tilespmem:s12+$0x14330] =	vst v0  }
0x32: {  	[tilespmem:s12+$0x14340] =	vst v0  }
0x33: {  	[tilespmem:s12+$0x14350] =	vst v0  }
0x34: {  	[tilespmem:s12+$0x14360] =	vst v0  }
0x35: {  	[spmem:s9] =	stream.linear.scatter [tilespmem:s24], [sflag:$0x3], $0x4000, $0x38;
	[tilespmem:$0x1EB00] =	vst v63  }
0x36: {  	_ =	swait.ge [sflag:s25], $0x4000  }
0x37: {  	[sflag:s25] =	ssyncset.done $0x0  }
0x38: {  	s15 =	rddreg [dreg:$0xb];
	[sflag:s25] =	ssyncadd.s32 $0xFFFFC000  }
0x39: {  	[spmem:s15] =	stream.linear.scatter [tilespmem:s24], [sflag:$0x3], $0x4000, $0x38;
	[tilespmem:$0x1EB00] =	vst v63  }
0x3a: {  	_ =	swait.ge [sflag:s25], $0x4000  }
0x3b: {  	[sflag:s25] =	ssyncset.done $0x0  }
0x3c: {  	s18 =	rddreg [dreg:$0xc];
	[sflag:s25] =	ssyncadd.s32 $0xFFFFC000  }
0x3d: {  	[spmem:s18] =	stream.linear.scatter [tilespmem:s24], [sflag:$0x3], $0x4000, $0x38;
	[tilespmem:$0x1EB00] =	vst v63  }
0x3e: {  	_ =	swait.ge [sflag:s25], $0x4000  }
0x3f: {  	[sflag:s25] =	ssyncset.done $0x0  }
0x40: {  	s19 =	rddreg [dreg:$0xd];
	[sflag:s25] =	ssyncadd.s32 $0xFFFFC000  }
0x41: {  	[spmem:s19] =	stream.linear.scatter [tilespmem:s24], [sflag:$0x3], $0x4000, $0x38;
	[tilespmem:$0x1EB00] =	vst v63  }
0x42: {  	_ =	swait.ge [sflag:s25], $0x4000  }
0x43: {  	[sflag:s25] =	ssyncset.done $0x0  }
0x44: {  	[sflag:s25] =	ssyncadd.s32 $0xFFFFC000  }
0x45: {  	[spmem:s22] =	stream.linear.scatter [tilespmem:s24], [sflag:$0x3], $0x4000, $0x38;
	[tilespmem:$0x1EB00] =	vst v63  }
0x46: {  	_ =	swait.ge [sflag:s25], $0x4000  }
0x47: {  	[sflag:s25] =	ssyncset.done $0x0  }
0x48: {  	[sflag:s25] =	ssyncadd.s32 $0xFFFFC000  }
0x49: {  	[bflag:$0x0] =	sbarrier.arrive $0xFFFF  }
0x4a: {  	s12 =	simm.s32 $0x0;
	s13 =	rddreg [dreg:$0x3]  }
0x4b: {  	[tilespmem:s26], [sflag:$0x3] =	stream.linear.gather [hbm4b:s13+s12], $0x2800, $0x38;
	[tilespmem:$0x1EB00] =	vst v63  }
0x4c: {  	_ =	swait.ge [sflag:s25], $0x2800  }
0x4d: {  	[sflag:s25] =	ssyncset.done $0x0  }
0x4e: {  	s14 =	simm.s32 $0x14000;
	s20 =	rddreg [dreg:$0x4];
	[sflag:s25] =	ssyncadd.s32 $0xFFFFD800  }
0x4f: {  	[tilespmem:s14], [sflag:$0x3] =	stream.linear.gather [hbm4b:s20+s12], $0x80, $0x38;
	[tilespmem:$0x1EB00] =	vst v63  }
0x50: {  	_ =	swait.ge [sflag:s25], $0x80  }
0x51: {  	[sflag:s25] =	ssyncset.done $0x0  }
0x52: {  	s15 =	simm.s32 $0x14200;
	s21 =	rddreg [dreg:$0x5];
	[sflag:s25] =	ssyncadd.s32 $0xFFFFFF80  }
0x53: {  	[tilespmem:s15], [sflag:$0x3] =	stream.linear.gather [hbm4b:s21+s12], $0x80, $0x38;
	[tilespmem:$0x1EB00] =	vst v63  }
0x54: {  	_ =	swait.ge [sflag:s25], $0x80  }
0x55: {  	[sflag:s25] =	ssyncset.done $0x0  }
0x56: {  	s18 =	rddreg [dreg:$0x6];
	[sflag:s25] =	ssyncadd.s32 $0xFFFFFF80  }
0x57: {  	[tilespmem:s30], [sflag:$0x3] =	stream.linear.gather [hbm4b:s18+s12], $0x80, $0x38;
	[tilespmem:$0x1EB00] =	vst v63  }
0x58: {  	_ =	swait.ge [sflag:s25], $0x80  }
0x59: {  	[sflag:s25] =	ssyncset.done $0x0  }
0x5a: {  	[sflag:s25] =	ssyncadd.s32 $0xFFFFFF80  }
0x5b: {  	[tilespmem:s24], [sflag:$0x1] =	stream.indirect.gather [hbm4b:s4+s31], $0x80, s14, s31, $0xb8;
	[tilespmem:$0x1EB00] =	vst v63  }
0x5c: {  	s19 =	rddreg [dreg:$0x7]  }
0x5d: {  	[tilespmem:s0], [sflag:$0x3] =	stream.linear.gather [hbm4b:s19+s12], $0x80, $0x38;
	[tilespmem:$0x1EB00] =	vst v63  }
0x5e: {  	_ =	swait.ge [sflag:s25], $0x80  }
0x5f: {  	[sflag:s25] =	ssyncset.done $0x0  }
0x60: {  	s20 =	rddreg [dreg:$0x8];
	[sflag:s25] =	ssyncadd.s32 $0xFFFFFF80  }
0x61: {  	[tilespmem:s29], [sflag:$0x3] =	stream.linear.gather [hbm4b:s20+s12], $0x80, $0x38;
	[tilespmem:$0x1EB00] =	vst v63  }
0x62: {  	_ =	swait.ge [sflag:s25], $0x80  }
0x63: {  	[sflag:s25] =	ssyncset.done $0x0  }
0x64: {  	s21 =	rddreg [dreg:$0x9];
	[sflag:s25] =	ssyncadd.s32 $0xFFFFFF80  }
0x65: {  	[tilespmem:s3], [sflag:$0x3] =	stream.linear.gather [hbm4b:s21+s12], $0x80, $0x38;
	[tilespmem:$0x1EB00] =	vst v63  }
0x66: {  	_ =	swait.ge [sflag:s25], $0x80  }
0x67: {  	[sflag:s25] =	ssyncset.done $0x0  }
0x68: {  	[sflag:s25] =	ssyncadd.s32 $0xFFFFFF80  }
0x69: {  	[tilespmem:s8], [sflag:$0x2] =	stream.indirect.gather [hbm4b:s4+s31], $0x80, s0, s31, $0xb8;
	[tilespmem:$0x1EB00] =	vst v63  }
.LBB2_4:
0x6a: {  	_ =	swait.ge [sflag:s10], $0x4000  }
0x6b: {  	[sflag:s10] =	ssyncset.done $0x0  }
0x6c: {  	s13 =	simm.s32 $0x0;
	[sflag:s10] =	ssyncadd.s32 $0xFFFFC000  }
.LBB2_5:
0x6d: {  	s14 =	sshll.u32 s13, $0x4  }
0x6e: {  	v1 =	vld [tilespmem:s14+$0x14000];
	_ =	sdelay $0x6  }
0x6f: {  	v2 =	vld [tilespmem:s14+$0x14200]  }
0x70: {  	v1 =	vld.idx.msk [tilespmem:v1+s26+$0x0], $0xffff;
	_ =	sdelay $0x1  }
0x71: {  	s21 =	sshll.u32 s13, $0xB  }
0x72: {  	s14 =	sand.u32 $0x3FFFF800, s21  }
0x73: {  	v3 =	vld [tilespmem:s14+$0x14300]  }
0x74: {  	v1 =	vmul.f32 v2, v1;
	v2 =	vld [tilespmem:s14+$0x14310]  }
0x75: {  	v4 =	vld [tilespmem:s14+$0x14320]  }
0x76: {  	v6 =	vld [tilespmem:s14+$0x14330];
	v5 =	vbroadcast v1, $0x0  }
0x77: {  	v7 =	vld [tilespmem:s14+$0x14340]  }
0x78: {  	v8 =	vld [tilespmem:s14+$0x14350];
	v3 =	vmul.f32 v5, v3  }
0x79: {  	v9 =	vld [tilespmem:s14+$0x14360];
	v2 =	vmul.f32 v2, v5  }
0x7a: {  	v34 =	vld [tilespmem:s14+$0x14370];
	[tilespmem:s14+$0x14300] =	vst v3;
	v3 =	vmul.f32 v4, v5  }
0x7b: {  	v35 =	vld [tilespmem:s14+$0x14380];
	[tilespmem:s14+$0x14310] =	vst v2;
	v2 =	vmul.f32 v6, v5  }
0x7c: {  	v36 =	vld [tilespmem:s14+$0x14390];
	[tilespmem:s14+$0x14320] =	vst v3;
	v3 =	vmul.f32 v7, v5  }
0x7d: {  	v37 =	vld [tilespmem:s14+$0x143A0];
	[tilespmem:s14+$0x14330] =	vst v2;
	v2 =	vmul.f32 v8, v5  }
0x7e: {  	v10 =	vld [tilespmem:s14+$0x143B0];
	v38 =	vbroadcast v1, $0x1;
	[tilespmem:s14+$0x14340] =	vst v3;
	v3 =	vmul.f32 v9, v5  }
0x7f: {  	v39 =	vld [tilespmem:s14+$0x143C0];
	[tilespmem:s14+$0x14350] =	vst v2;
	v2 =	vmul.f32 v34, v5  }
0x80: {  	v40 =	vld [tilespmem:s14+$0x143D0];
	[tilespmem:s14+$0x14360] =	vst v3;
	v3 =	vmul.f32 v35, v38  }
0x81: {  	v41 =	vld [tilespmem:s14+$0x143E0];
	[tilespmem:s14+$0x14370] =	vst v2;
	v2 =	vmul.f32 v36, v38  }
0x82: {  	v42 =	vld [tilespmem:s14+$0x143F0];
	[tilespmem:s14+$0x14380] =	vst v3;
	v3 =	vmul.f32 v37, v38  }
0x83: {  	v43 =	vld [tilespmem:s14+$0x14400];
	[tilespmem:s14+$0x14390] =	vst v2;
	v2 =	vmul.f32 v10, v38  }
0x84: {  	v44 =	vld [tilespmem:s14+$0x14410];
	[tilespmem:s14+$0x143A0] =	vst v3;
	v3 =	vmul.f32 v39, v38  }
0x85: {  	v45 =	vld [tilespmem:s14+$0x14420];
	[tilespmem:s14+$0x143B0] =	vst v2;
	v2 =	vmul.f32 v40, v38  }
0x86: {  	v47 =	vld [tilespmem:s14+$0x14430];
	v46 =	vbroadcast v1, $0x2;
	[tilespmem:s14+$0x143C0] =	vst v3;
	v3 =	vmul.f32 v41, v38  }
0x87: {  	v48 =	vld [tilespmem:s14+$0x14440];
	[tilespmem:s14+$0x143D0] =	vst v2;
	v2 =	vmul.f32 v42, v38  }
0x88: {  	v49 =	vld [tilespmem:s14+$0x14450];
	[tilespmem:s14+$0x143E0] =	vst v3;
	v3 =	vmul.f32 v43, v46  }
0x89: {  	v50 =	vld [tilespmem:s14+$0x14460];
	[tilespmem:s14+$0x143F0] =	vst v2;
	v2 =	vmul.f32 v44, v46  }
0x8a: {  	v51 =	vld [tilespmem:s14+$0x14470];
	[tilespmem:s14+$0x14400] =	vst v3;
	v3 =	vmul.f32 v45, v46  }
0x8b: {  	v52 =	vld [tilespmem:s14+$0x14480];
	[tilespmem:s14+$0x14410] =	vst v2;
	v2 =	vmul.f32 v47, v46  }
0x8c: {  	v53 =	vld [tilespmem:s14+$0x14490];
	[tilespmem:s14+$0x14420] =	vst v3;
	v3 =	vmul.f32 v48, v46  }
0x8d: {  	v54 =	vld [tilespmem:s14+$0x144A0];
	[tilespmem:s14+$0x14430] =	vst v2;
	v2 =	vmul.f32 v49, v46  }
0x8e: {  	v56 =	vld [tilespmem:s14+$0x144B0];
	v55 =	vbroadcast v1, $0x3;
	[tilespmem:s14+$0x14440] =	vst v3;
	v3 =	vmul.f32 v50, v46  }
0x8f: {  	v57 =	vld [tilespmem:s14+$0x144C0];
	[tilespmem:s14+$0x14450] =	vst v2;
	v2 =	vmul.f32 v51, v46  }
0x90: {  	v58 =	vld [tilespmem:s14+$0x144D0];
	[tilespmem:s14+$0x14460] =	vst v3;
	v3 =	vmul.f32 v52, v55  }
0x91: {  	v59 =	vld [tilespmem:s14+$0x144E0];
	[tilespmem:s14+$0x14470] =	vst v2;
	v2 =	vmul.f32 v53, v55  }
0x92: {  	v60 =	vld [tilespmem:s14+$0x144F0];
	[tilespmem:s14+$0x14480] =	vst v3;
	v3 =	vmul.f32 v54, v55  }
0x93: {  	v61 =	vld [tilespmem:s14+$0x14500];
	[tilespmem:s14+$0x14490] =	vst v2;
	v2 =	vmul.f32 v56, v55  }
0x94: {  	v62 =	vld [tilespmem:s14+$0x14510];
	[tilespmem:s14+$0x144A0] =	vst v3;
	v3 =	vmul.f32 v57, v55  }
0x95: {  	v63 =	vld [tilespmem:s14+$0x14520];
	[tilespmem:s14+$0x144B0] =	vst v2;
	v2 =	vmul.f32 v58, v55  }
0x96: {  	v13 =	vld [tilespmem:s14+$0x14530];
	v12 =	vbroadcast v1, $0x4;
	[tilespmem:s14+$0x144C0] =	vst v3;
	v3 =	vmul.f32 v59, v55  }
0x97: {  	v14 =	vld [tilespmem:s14+$0x14540];
	[tilespmem:s14+$0x144D0] =	vst v2;
	v2 =	vmul.f32 v60, v55  }
0x98: {  	v15 =	vld [tilespmem:s14+$0x14550];
	[tilespmem:s14+$0x144E0] =	vst v3;
	v3 =	vmul.f32 v61, v12  }
0x99: {  	v16 =	vld [tilespmem:s14+$0x14560];
	[tilespmem:s14+$0x144F0] =	vst v2;
	v2 =	vmul.f32 v62, v12  }
0x9a: {  	v17 =	vld [tilespmem:s14+$0x14570];
	[tilespmem:s14+$0x14500] =	vst v3;
	v3 =	vmul.f32 v63, v12  }
0x9b: {  	v18 =	vld [tilespmem:s14+$0x14580];
	[tilespmem:s14+$0x14510] =	vst v2;
	v2 =	vmul.f32 v13, v12  }
0x9c: {  	v19 =	vld [tilespmem:s14+$0x14590];
	[tilespmem:s14+$0x14520] =	vst v3;
	v3 =	vmul.f32 v14, v12  }
0x9d: {  	v20 =	vld [tilespmem:s14+$0x145A0];
	[tilespmem:s14+$0x14530] =	vst v2;
	v2 =	vmul.f32 v15, v12  }
0x9e: {  	v22 =	vld [tilespmem:s14+$0x145B0];
	v21 =	vbroadcast v1, $0x5;
	[tilespmem:s14+$0x14540] =	vst v3;
	v3 =	vmul.f32 v16, v12  }
0x9f: {  	v23 =	vld [tilespmem:s14+$0x145C0];
	[tilespmem:s14+$0x14550] =	vst v2;
	v2 =	vmul.f32 v17, v12  }
0xa0: {  	v24 =	vld [tilespmem:s14+$0x145D0];
	[tilespmem:s14+$0x14560] =	vst v3;
	v3 =	vmul.f32 v18, v21  }
0xa1: {  	v25 =	vld [tilespmem:s14+$0x145E0];
	[tilespmem:s14+$0x14570] =	vst v2;
	v2 =	vmul.f32 v19, v21  }
0xa2: {  	v26 =	vld [tilespmem:s14+$0x145F0];
	[tilespmem:s14+$0x14580] =	vst v3;
	v3 =	vmul.f32 v20, v21  }
0xa3: {  	v27 =	vld [tilespmem:s14+$0x14600];
	[tilespmem:s14+$0x14590] =	vst v2;
	v2 =	vmul.f32 v22, v21  }
0xa4: {  	v28 =	vld [tilespmem:s14+$0x14610];
	[tilespmem:s14+$0x145A0] =	vst v3;
	v3 =	vmul.f32 v23, v21  }
0xa5: {  	v29 =	vld [tilespmem:s14+$0x14620];
	[tilespmem:s14+$0x145B0] =	vst v2;
	v2 =	vmul.f32 v24, v21  }
0xa6: {  	v31 =	vld [tilespmem:s14+$0x14630];
	v30 =	vbroadcast v1, $0x6;
	[tilespmem:s14+$0x145C0] =	vst v3;
	v3 =	vmul.f32 v25, v21  }
0xa7: {  	v32 =	vld [tilespmem:s14+$0x14640];
	[tilespmem:s14+$0x145D0] =	vst v2;
	v2 =	vmul.f32 v26, v21  }
0xa8: {  	v33 =	vld [tilespmem:s14+$0x14650];
	[tilespmem:s14+$0x145E0] =	vst v3;
	v3 =	vmul.f32 v27, v30  }
0xa9: {  	v34 =	vld [tilespmem:s14+$0x14660];
	[tilespmem:s14+$0x145F0] =	vst v2;
	v2 =	vmul.f32 v28, v30  }
0xaa: {  	v35 =	vld [tilespmem:s14+$0x14670];
	[tilespmem:s14+$0x14600] =	vst v3;
	v3 =	vmul.f32 v29, v30  }
0xab: {  	v36 =	vld [tilespmem:s14+$0x14680];
	[tilespmem:s14+$0x14610] =	vst v2;
	v2 =	vmul.f32 v31, v30  }
0xac: {  	v37 =	vld [tilespmem:s14+$0x14690];
	[tilespmem:s14+$0x14620] =	vst v3;
	v3 =	vmul.f32 v32, v30  }
0xad: {  	v38 =	vld [tilespmem:s14+$0x146A0];
	[tilespmem:s14+$0x14630] =	vst v2;
	v2 =	vmul.f32 v33, v30  }
0xae: {  	v39 =	vbroadcast v1, $0x7;
	v40 =	vld [tilespmem:s14+$0x146B0];
	[tilespmem:s14+$0x14640] =	vst v3;
	v3 =	vmul.f32 v34, v30  }
0xaf: {  	v41 =	vld [tilespmem:s14+$0x146C0];
	[tilespmem:s14+$0x14650] =	vst v2;
	v2 =	vmul.f32 v35, v30  }
0xb0: {  	v42 =	vld [tilespmem:s14+$0x146D0];
	[tilespmem:s14+$0x14660] =	vst v3;
	v3 =	vmul.f32 v36, v39  }
0xb1: {  	v43 =	vld [tilespmem:s14+$0x146E0];
	[tilespmem:s14+$0x14670] =	vst v2;
	v2 =	vmul.f32 v37, v39  }
0xb2: {  	v44 =	vld [tilespmem:s14+$0x146F0];
	[tilespmem:s14+$0x14680] =	vst v3;
	v3 =	vmul.f32 v38, v39  }
0xb3: {  	v45 =	vld [tilespmem:s14+$0x14700];
	[tilespmem:s14+$0x14690] =	vst v2;
	v2 =	vmul.f32 v40, v39  }
0xb4: {  	v46 =	vld [tilespmem:s14+$0x14710];
	[tilespmem:s14+$0x146A0] =	vst v3;
	v3 =	vmul.f32 v41, v39  }
0xb5: {  	v47 =	vld [tilespmem:s14+$0x14720];
	[tilespmem:s14+$0x146B0] =	vst v2;
	v2 =	vmul.f32 v42, v39  }
0xb6: {  	v48 =	vbroadcast v1, $0x8;
	v49 =	vld [tilespmem:s14+$0x14730];
	[tilespmem:s14+$0x146C0] =	vst v3;
	v3 =	vmul.f32 v43, v39  }
0xb7: {  	v50 =	vld [tilespmem:s14+$0x14740];
	[tilespmem:s14+$0x146D0] =	vst v2;
	v2 =	vmul.f32 v44, v39  }
0xb8: {  	v51 =	vld [tilespmem:s14+$0x14750];
	[tilespmem:s14+$0x146E0] =	vst v3;
	v3 =	vmul.f32 v45, v48  }
0xb9: {  	v52 =	vld [tilespmem:s14+$0x14760];
	[tilespmem:s14+$0x146F0] =	vst v2;
	v2 =	vmul.f32 v46, v48  }
0xba: {  	v53 =	vld [tilespmem:s14+$0x14770];
	[tilespmem:s14+$0x14700] =	vst v3;
	v3 =	vmul.f32 v47, v48  }
0xbb: {  	v54 =	vld [tilespmem:s14+$0x14780];
	[tilespmem:s14+$0x14710] =	vst v2;
	v2 =	vmul.f32 v49, v48  }
0xbc: {  	v55 =	vld [tilespmem:s14+$0x14790];
	[tilespmem:s14+$0x14720] =	vst v3;
	v3 =	vmul.f32 v50, v48  }
0xbd: {  	v56 =	vld [tilespmem:s14+$0x147A0];
	[tilespmem:s14+$0x14730] =	vst v2;
	v2 =	vmul.f32 v51, v48  }
0xbe: {  	v57 =	vbroadcast v1, $0x9;
	v58 =	vld [tilespmem:s14+$0x147B0];
	[tilespmem:s14+$0x14740] =	vst v3;
	v3 =	vmul.f32 v52, v48  }
0xbf: {  	v59 =	vld [tilespmem:s14+$0x147C0];
	[tilespmem:s14+$0x14750] =	vst v2;
	v2 =	vmul.f32 v53, v48  }
0xc0: {  	v60 =	vld [tilespmem:s14+$0x147D0];
	[tilespmem:s14+$0x14760] =	vst v3;
	v3 =	vmul.f32 v54, v57  }
0xc1: {  	v61 =	vld [tilespmem:s14+$0x147E0];
	[tilespmem:s14+$0x14770] =	vst v2;
	v2 =	vmul.f32 v55, v57  }
0xc2: {  	v62 =	vld [tilespmem:s14+$0x147F0];
	[tilespmem:s14+$0x14780] =	vst v3;
	v3 =	vmul.f32 v56, v57  }
0xc3: {  	v63 =	vld [tilespmem:s14+$0x14800];
	[tilespmem:s14+$0x14790] =	vst v2;
	v2 =	vmul.f32 v58, v57  }
0xc4: {  	v12 =	vld [tilespmem:s14+$0x14810];
	[tilespmem:s14+$0x147A0] =	vst v3;
	v3 =	vmul.f32 v59, v57  }
0xc5: {  	v13 =	vld [tilespmem:s14+$0x14820];
	[tilespmem:s14+$0x147B0] =	vst v2;
	v2 =	vmul.f32 v60, v57  }
0xc6: {  	v14 =	vbroadcast v1, $0xA;
	v15 =	vld [tilespmem:s14+$0x14830];
	[tilespmem:s14+$0x147C0] =	vst v3;
	v3 =	vmul.f32 v61, v57  }
0xc7: {  	v16 =	vld [tilespmem:s14+$0x14840];
	[tilespmem:s14+$0x147D0] =	vst v2;
	v2 =	vmul.f32 v62, v57  }
0xc8: {  	v17 =	vld [tilespmem:s14+$0x14850];
	[tilespmem:s14+$0x147E0] =	vst v3;
	v3 =	vmul.f32 v63, v14  }
0xc9: {  	v18 =	vld [tilespmem:s14+$0x14860];
	[tilespmem:s14+$0x147F0] =	vst v2;
	v2 =	vmul.f32 v12, v14  }
0xca: {  	v19 =	vld [tilespmem:s14+$0x14870];
	[tilespmem:s14+$0x14800] =	vst v3;
	v3 =	vmul.f32 v13, v14  }
0xcb: {  	v20 =	vld [tilespmem:s14+$0x14880];
	[tilespmem:s14+$0x14810] =	vst v2;
	v2 =	vmul.f32 v15, v14  }
0xcc: {  	v21 =	vld [tilespmem:s14+$0x14890];
	[tilespmem:s14+$0x14820] =	vst v3;
	v3 =	vmul.f32 v16, v14  }
0xcd: {  	v22 =	vld [tilespmem:s14+$0x148A0];
	[tilespmem:s14+$0x14830] =	vst v2;
	v2 =	vmul.f32 v17, v14  }
0xce: {  	v23 =	vbroadcast v1, $0xB;
	v24 =	vld [tilespmem:s14+$0x148B0];
	[tilespmem:s14+$0x14840] =	vst v3;
	v3 =	vmul.f32 v18, v14  }
0xcf: {  	v25 =	vld [tilespmem:s14+$0x148C0];
	[tilespmem:s14+$0x14850] =	vst v2;
	v2 =	vmul.f32 v19, v14  }
0xd0: {  	v26 =	vld [tilespmem:s14+$0x148D0];
	[tilespmem:s14+$0x14860] =	vst v3;
	v3 =	vmul.f32 v20, v23  }
0xd1: {  	v27 =	vld [tilespmem:s14+$0x148E0];
	[tilespmem:s14+$0x14870] =	vst v2;
	v2 =	vmul.f32 v21, v23  }
0xd2: {  	v28 =	vld [tilespmem:s14+$0x148F0];
	[tilespmem:s14+$0x14880] =	vst v3;
	v3 =	vmul.f32 v22, v23  }
0xd3: {  	v29 =	vld [tilespmem:s14+$0x14900];
	[tilespmem:s14+$0x14890] =	vst v2;
	v2 =	vmul.f32 v24, v23  }
0xd4: {  	v30 =	vld [tilespmem:s14+$0x14910];
	[tilespmem:s14+$0x148A0] =	vst v3;
	v3 =	vmul.f32 v25, v23  }
0xd5: {  	v31 =	vld [tilespmem:s14+$0x14920];
	[tilespmem:s14+$0x148B0] =	vst v2;
	v2 =	vmul.f32 v26, v23  }
0xd6: {  	v32 =	vbroadcast v1, $0xC;
	v33 =	vld [tilespmem:s14+$0x14930];
	[tilespmem:s14+$0x148C0] =	vst v3;
	v3 =	vmul.f32 v27, v23  }
0xd7: {  	v34 =	vld [tilespmem:s14+$0x14940];
	[tilespmem:s14+$0x148D0] =	vst v2;
	v2 =	vmul.f32 v28, v23  }
0xd8: {  	v35 =	vld [tilespmem:s14+$0x14950];
	[tilespmem:s14+$0x148E0] =	vst v3;
	v3 =	vmul.f32 v29, v32  }
0xd9: {  	v36 =	vld [tilespmem:s14+$0x14960];
	[tilespmem:s14+$0x148F0] =	vst v2;
	v2 =	vmul.f32 v30, v32  }
0xda: {  	v37 =	vld [tilespmem:s14+$0x14970];
	[tilespmem:s14+$0x14900] =	vst v3;
	v3 =	vmul.f32 v31, v32  }
0xdb: {  	v38 =	vld [tilespmem:s14+$0x14980];
	[tilespmem:s14+$0x14910] =	vst v2;
	v2 =	vmul.f32 v33, v32  }
0xdc: {  	v39 =	vld [tilespmem:s14+$0x14990];
	[tilespmem:s14+$0x14920] =	vst v3;
	v3 =	vmul.f32 v34, v32  }
0xdd: {  	v40 =	vld [tilespmem:s14+$0x149A0];
	[tilespmem:s14+$0x14930] =	vst v2;
	v2 =	vmul.f32 v35, v32  }
0xde: {  	v41 =	vbroadcast v1, $0xD;
	v42 =	vld [tilespmem:s14+$0x149B0];
	[tilespmem:s14+$0x14940] =	vst v3;
	v3 =	vmul.f32 v36, v32  }
0xdf: {  	v43 =	vld [tilespmem:s14+$0x149C0];
	[tilespmem:s14+$0x14950] =	vst v2;
	v2 =	vmul.f32 v37, v32  }
0xe0: {  	v44 =	vld [tilespmem:s14+$0x149D0];
	[tilespmem:s14+$0x14960] =	vst v3;
	v3 =	vmul.f32 v38, v41  }
0xe1: {  	v45 =	vld [tilespmem:s14+$0x149E0];
	[tilespmem:s14+$0x14970] =	vst v2;
	v2 =	vmul.f32 v39, v41  }
0xe2: {  	v46 =	vld [tilespmem:s14+$0x149F0];
	[tilespmem:s14+$0x14980] =	vst v3;
	v3 =	vmul.f32 v40, v41  }
0xe3: {  	v47 =	vld [tilespmem:s14+$0x14A00];
	[tilespmem:s14+$0x14990] =	vst v2;
	v2 =	vmul.f32 v42, v41  }
0xe4: {  	v48 =	vld [tilespmem:s14+$0x14A10];
	[tilespmem:s14+$0x149A0] =	vst v3;
	v3 =	vmul.f32 v43, v41  }
0xe5: {  	v49 =	vld [tilespmem:s14+$0x14A20];
	[tilespmem:s14+$0x149B0] =	vst v2;
	v2 =	vmul.f32 v44, v41  }
0xe6: {  	v50 =	vbroadcast v1, $0xE;
	v51 =	vld [tilespmem:s14+$0x14A30];
	[tilespmem:s14+$0x149C0] =	vst v3;
	v3 =	vmul.f32 v45, v41  }
0xe7: {  	v52 =	vld [tilespmem:s14+$0x14A40];
	[tilespmem:s14+$0x149D0] =	vst v2;
	v2 =	vmul.f32 v46, v41  }
0xe8: {  	v53 =	vld [tilespmem:s14+$0x14A50];
	[tilespmem:s14+$0x149E0] =	vst v3;
	v3 =	vmul.f32 v47, v50  }
0xe9: {  	v54 =	vld [tilespmem:s14+$0x14A60];
	[tilespmem:s14+$0x149F0] =	vst v2;
	v2 =	vmul.f32 v48, v50  }
0xea: {  	v55 =	vld [tilespmem:s14+$0x14A70];
	[tilespmem:s14+$0x14A00] =	vst v3;
	v3 =	vmul.f32 v49, v50  }
0xeb: {  	v56 =	vld [tilespmem:s14+$0x14A80];
	[tilespmem:s14+$0x14A10] =	vst v2;
	v2 =	vmul.f32 v51, v50  }
0xec: {  	v57 =	vld [tilespmem:s14+$0x14A90];
	[tilespmem:s14+$0x14A20] =	vst v3;
	v3 =	vmul.f32 v52, v50  }
0xed: {  	v58 =	vld [tilespmem:s14+$0x14AA0];
	[tilespmem:s14+$0x14A30] =	vst v2;
	v2 =	vmul.f32 v53, v50  }
0xee: {  	v1 =	vbroadcast v1, $0xF;
	v59 =	vld [tilespmem:s14+$0x14AB0];
	[tilespmem:s14+$0x14A40] =	vst v3;
	v3 =	vmul.f32 v54, v50  }
0xef: {  	v60 =	vld [tilespmem:s14+$0x14AC0];
	[tilespmem:s14+$0x14A50] =	vst v2;
	v2 =	vmul.f32 v55, v50  }
0xf0: {  	v61 =	vld [tilespmem:s14+$0x14AD0];
	[tilespmem:s14+$0x14A60] =	vst v3;
	v3 =	vmul.f32 v56, v1  }
0xf1: {  	v62 =	vld [tilespmem:s14+$0x14AE0];
	[tilespmem:s14+$0x14A70] =	vst v2;
	v2 =	vmul.f32 v57, v1  }
0xf2: {  	v63 =	vld [tilespmem:s14+$0x14AF0];
	[tilespmem:s14+$0x14A80] =	vst v3;
	v3 =	vmul.f32 v58, v1  }
0xf3: {  	[tilespmem:s14+$0x14A90] =	vst v2;
	v2 =	vmul.f32 v59, v1  }
0xf4: {  	p0 =	sne.s32 s13, $0x7;
	[tilespmem:s14+$0x14AA0] =	vst v3;
	v3 =	vmul.f32 v60, v1  }
.Ltmp3:
0xf5: {  	[tilespmem:s14+$0x14AB0] =	vst v2;
	v2 =	vmul.f32 v61, v1;
	(pc) =	sbr.rel @p0 .LBB2_5-.Ltmp3, $4  }
0xf6: {  	[tilespmem:s14+$0x14AC0] =	vst v3;
	v3 =	vmul.f32 v62, v1  }
0xf7: {  	v1 =	vmul.f32 v63, v1;
	[tilespmem:s14+$0x14AD0] =	vst v2  }
0xf8: {  	[tilespmem:s14+$0x14AE0] =	vst v3  }
0xf9: {  	s13 =	sadd.s32 $0x1, s13;
	[tilespmem:s14+$0x14AF0] =	vst v1  }
0xfa: {  	[spmem:s1] =	stream.indirect.scatter.add.f32 [tilespmem:s24], [sflag:$0x3], $0x80, s30, s31, $0xb8;
	[tilespmem:$0x1EB00] =	vst v63  }
0xfb: {  	s13 =	sshll.u32 s12, $0x8;
	p0 =	seq.s32 s12, $0x27  }
0xfc: {  	_ =	swait.ge [sflag:s25], $0x4000;
	s14 =	sadd.s32 @!p0 s13, s16  }
0xfd: {  	s18 =	simm.s32 @!p0 $0x0;
	[sflag:s25] =	ssyncset.done $0x0;
	s14 =	sshrl.u32 @!p0 s14, $0x3  }
0xfe: {  	s19 =	simm.s32 @!p0 $0x14000;
	[sflag:s25] =	ssyncadd.s32 $0xFFFFC000;
	s15 =	sadd.s32 @!p0 s5, s14  }
0xff: {  	[tilespmem:s19], [sflag:$0x3] =	stream.linear.gather @!p0 [hbm4b:s15+s18], $0x80, $0x38;
	[tilespmem:$0x1EB00] =	vst v63  }
0x100: {  	s15 =	simm.s32 @!p0 $0x3  }
0x101: {  	_ =	swait.ge @!p0 [sflag:s15], $0x80  }
0x102: {  	[sflag:s15] =	ssyncset.done @!p0 $0x0  }
0x103: {  	s21 =	simm.s32 @!p0 $0x14200;
	s20 =	sadd.s32 @!p0 s7, s14;
	[sflag:s15] =	ssyncadd.s32 @!p0 $0xFFFFFF80  }
0x104: {  	[tilespmem:s21], [sflag:$0x3] =	stream.linear.gather @!p0 [hbm4b:s20+s18], $0x80, $0x38;
	[tilespmem:$0x1EB00] =	vst v63  }
0x105: {  	_ =	swait.ge @!p0 [sflag:s15], $0x80  }
0x106: {  	[sflag:s15] =	ssyncset.done @!p0 $0x0  }
0x107: {  	s14 =	sadd.s32 @!p0 s6, s14;
	s20 =	simm.s32 @!p0 $0x14100;
	[sflag:s15] =	ssyncadd.s32 @!p0 $0xFFFFFF80  }
0x108: {  	[tilespmem:s20], [sflag:$0x3] =	stream.linear.gather @!p0 [hbm4b:s14+s18], $0x80, $0x38;
	[tilespmem:$0x1EB00] =	vst v63  }
0x109: {  	_ =	swait.ge @!p0 [sflag:s15], $0x80  }
0x10a: {  	[sflag:s15] =	ssyncset.done @!p0 $0x0  }
0x10b: {  	s14 =	simm.s32 @!p0 $0x80;
	[sflag:s15] =	ssyncadd.s32 @!p0 $0xFFFFFF80;
	s15 =	simm.s32 @!p0 $0x14300  }
0x10c: {  	[tilespmem:s15], [sflag:$0x1] =	stream.indirect.gather @!p0 [hbm4b:s4+s14], $0x80, s19, s14, $0xb8;
	[tilespmem:$0x1EB00] =	vst v63  }
0x10d: {  	_ =	swait.ge [sflag:s11], $0x4000  }
0x10e: {  	[sflag:s11] =	ssyncset.done $0x0  }
0x10f: {  	s14 =	simm.s32 $0x0;
	[sflag:s11] =	ssyncadd.s32 $0xFFFFC000  }
.LBB2_7:
0x110: {  	s15 =	sshll.u32 s14, $0x4  }
0x111: {  	v1 =	vld [tilespmem:s15+$0x14080];
	_ =	sdelay $0x6  }
0x112: {  	v2 =	vld [tilespmem:s15+$0x14280]  }
0x113: {  	v1 =	vld.idx.msk [tilespmem:v1+s26+$0x0], $0xffff;
	_ =	sdelay $0x1  }
0x114: {  	s21 =	sshll.u32 s14, $0xB  }
0x115: {  	s15 =	sand.u32 $0x3FFFF800, s21  }
0x116: {  	v3 =	vld [tilespmem:s15+$0x18300]  }
0x117: {  	v1 =	vmul.f32 v2, v1;
	v2 =	vld [tilespmem:s15+$0x18310]  }
0x118: {  	v4 =	vld [tilespmem:s15+$0x18320]  }
0x119: {  	v6 =	vld [tilespmem:s15+$0x18330];
	v5 =	vbroadcast v1, $0x0  }
0x11a: {  	v7 =	vld [tilespmem:s15+$0x18340]  }
0x11b: {  	v8 =	vld [tilespmem:s15+$0x18350];
	v3 =	vmul.f32 v5, v3  }
0x11c: {  	v9 =	vld [tilespmem:s15+$0x18360];
	v2 =	vmul.f32 v2, v5  }
0x11d: {  	v34 =	vld [tilespmem:s15+$0x18370];
	[tilespmem:s15+$0x18300] =	vst v3;
	v3 =	vmul.f32 v4, v5  }
0x11e: {  	v35 =	vld [tilespmem:s15+$0x18380];
	[tilespmem:s15+$0x18310] =	vst v2;
	v2 =	vmul.f32 v6, v5  }
0x11f: {  	v36 =	vld [tilespmem:s15+$0x18390];
	[tilespmem:s15+$0x18320] =	vst v3;
	v3 =	vmul.f32 v7, v5  }
0x120: {  	v37 =	vld [tilespmem:s15+$0x183A0];
	[tilespmem:s15+$0x18330] =	vst v2;
	v2 =	vmul.f32 v8, v5  }
0x121: {  	v10 =	vld [tilespmem:s15+$0x183B0];
	v38 =	vbroadcast v1, $0x1;
	[tilespmem:s15+$0x18340] =	vst v3;
	v3 =	vmul.f32 v9, v5  }
0x122: {  	v39 =	vld [tilespmem:s15+$0x183C0];
	[tilespmem:s15+$0x18350] =	vst v2;
	v2 =	vmul.f32 v34, v5  }
0x123: {  	v40 =	vld [tilespmem:s15+$0x183D0];
	[tilespmem:s15+$0x18360] =	vst v3;
	v3 =	vmul.f32 v35, v38  }
0x124: {  	v41 =	vld [tilespmem:s15+$0x183E0];
	[tilespmem:s15+$0x18370] =	vst v2;
	v2 =	vmul.f32 v36, v38  }
0x125: {  	v42 =	vld [tilespmem:s15+$0x183F0];
	[tilespmem:s15+$0x18380] =	vst v3;
	v3 =	vmul.f32 v37, v38  }
0x126: {  	v43 =	vld [tilespmem:s15+$0x18400];
	[tilespmem:s15+$0x18390] =	vst v2;
	v2 =	vmul.f32 v10, v38  }
0x127: {  	v44 =	vld [tilespmem:s15+$0x18410];
	[tilespmem:s15+$0x183A0] =	vst v3;
	v3 =	vmul.f32 v39, v38  }
0x128: {  	v45 =	vld [tilespmem:s15+$0x18420];
	[tilespmem:s15+$0x183B0] =	vst v2;
	v2 =	vmul.f32 v40, v38  }
0x129: {  	v47 =	vld [tilespmem:s15+$0x18430];
	v46 =	vbroadcast v1, $0x2;
	[tilespmem:s15+$0x183C0] =	vst v3;
	v3 =	vmul.f32 v41, v38  }
0x12a: {  	v48 =	vld [tilespmem:s15+$0x18440];
	[tilespmem:s15+$0x183D0] =	vst v2;
	v2 =	vmul.f32 v42, v38  }
0x12b: {  	v49 =	vld [tilespmem:s15+$0x18450];
	[tilespmem:s15+$0x183E0] =	vst v3;
	v3 =	vmul.f32 v43, v46  }
0x12c: {  	v50 =	vld [tilespmem:s15+$0x18460];
	[tilespmem:s15+$0x183F0] =	vst v2;
	v2 =	vmul.f32 v44, v46  }
0x12d: {  	v51 =	vld [tilespmem:s15+$0x18470];
	[tilespmem:s15+$0x18400] =	vst v3;
	v3 =	vmul.f32 v45, v46  }
0x12e: {  	v52 =	vld [tilespmem:s15+$0x18480];
	[tilespmem:s15+$0x18410] =	vst v2;
	v2 =	vmul.f32 v47, v46  }
0x12f: {  	v53 =	vld [tilespmem:s15+$0x18490];
	[tilespmem:s15+$0x18420] =	vst v3;
	v3 =	vmul.f32 v48, v46  }
0x130: {  	v54 =	vld [tilespmem:s15+$0x184A0];
	[tilespmem:s15+$0x18430] =	vst v2;
	v2 =	vmul.f32 v49, v46  }
0x131: {  	v56 =	vld [tilespmem:s15+$0x184B0];
	v55 =	vbroadcast v1, $0x3;
	[tilespmem:s15+$0x18440] =	vst v3;
	v3 =	vmul.f32 v50, v46  }
0x132: {  	v57 =	vld [tilespmem:s15+$0x184C0];
	[tilespmem:s15+$0x18450] =	vst v2;
	v2 =	vmul.f32 v51, v46  }
0x133: {  	v58 =	vld [tilespmem:s15+$0x184D0];
	[tilespmem:s15+$0x18460] =	vst v3;
	v3 =	vmul.f32 v52, v55  }
0x134: {  	v59 =	vld [tilespmem:s15+$0x184E0];
	[tilespmem:s15+$0x18470] =	vst v2;
	v2 =	vmul.f32 v53, v55  }
0x135: {  	v60 =	vld [tilespmem:s15+$0x184F0];
	[tilespmem:s15+$0x18480] =	vst v3;
	v3 =	vmul.f32 v54, v55  }
0x136: {  	v61 =	vld [tilespmem:s15+$0x18500];
	[tilespmem:s15+$0x18490] =	vst v2;
	v2 =	vmul.f32 v56, v55  }
0x137: {  	v62 =	vld [tilespmem:s15+$0x18510];
	[tilespmem:s15+$0x184A0] =	vst v3;
	v3 =	vmul.f32 v57, v55  }
0x138: {  	v63 =	vld [tilespmem:s15+$0x18520];
	[tilespmem:s15+$0x184B0] =	vst v2;
	v2 =	vmul.f32 v58, v55  }
0x139: {  	v13 =	vld [tilespmem:s15+$0x18530];
	v12 =	vbroadcast v1, $0x4;
	[tilespmem:s15+$0x184C0] =	vst v3;
	v3 =	vmul.f32 v59, v55  }
0x13a: {  	v14 =	vld [tilespmem:s15+$0x18540];
	[tilespmem:s15+$0x184D0] =	vst v2;
	v2 =	vmul.f32 v60, v55  }
0x13b: {  	v15 =	vld [tilespmem:s15+$0x18550];
	[tilespmem:s15+$0x184E0] =	vst v3;
	v3 =	vmul.f32 v61, v12  }
0x13c: {  	v16 =	vld [tilespmem:s15+$0x18560];
	[tilespmem:s15+$0x184F0] =	vst v2;
	v2 =	vmul.f32 v62, v12  }
0x13d: {  	v17 =	vld [tilespmem:s15+$0x18570];
	[tilespmem:s15+$0x18500] =	vst v3;
	v3 =	vmul.f32 v63, v12  }
0x13e: {  	v18 =	vld [tilespmem:s15+$0x18580];
	[tilespmem:s15+$0x18510] =	vst v2;
	v2 =	vmul.f32 v13, v12  }
0x13f: {  	v19 =	vld [tilespmem:s15+$0x18590];
	[tilespmem:s15+$0x18520] =	vst v3;
	v3 =	vmul.f32 v14, v12  }
0x140: {  	v20 =	vld [tilespmem:s15+$0x185A0];
	[tilespmem:s15+$0x18530] =	vst v2;
	v2 =	vmul.f32 v15, v12  }
0x141: {  	v22 =	vld [tilespmem:s15+$0x185B0];
	v21 =	vbroadcast v1, $0x5;
	[tilespmem:s15+$0x18540] =	vst v3;
	v3 =	vmul.f32 v16, v12  }
0x142: {  	v23 =	vld [tilespmem:s15+$0x185C0];
	[tilespmem:s15+$0x18550] =	vst v2;
	v2 =	vmul.f32 v17, v12  }
0x143: {  	v24 =	vld [tilespmem:s15+$0x185D0];
	[tilespmem:s15+$0x18560] =	vst v3;
	v3 =	vmul.f32 v18, v21  }
0x144: {  	v25 =	vld [tilespmem:s15+$0x185E0];
	[tilespmem:s15+$0x18570] =	vst v2;
	v2 =	vmul.f32 v19, v21  }
0x145: {  	v26 =	vld [tilespmem:s15+$0x185F0];
	[tilespmem:s15+$0x18580] =	vst v3;
	v3 =	vmul.f32 v20, v21  }
0x146: {  	v27 =	vld [tilespmem:s15+$0x18600];
	[tilespmem:s15+$0x18590] =	vst v2;
	v2 =	vmul.f32 v22, v21  }
0x147: {  	v28 =	vld [tilespmem:s15+$0x18610];
	[tilespmem:s15+$0x185A0] =	vst v3;
	v3 =	vmul.f32 v23, v21  }
0x148: {  	v29 =	vld [tilespmem:s15+$0x18620];
	[tilespmem:s15+$0x185B0] =	vst v2;
	v2 =	vmul.f32 v24, v21  }
0x149: {  	v31 =	vld [tilespmem:s15+$0x18630];
	v30 =	vbroadcast v1, $0x6;
	[tilespmem:s15+$0x185C0] =	vst v3;
	v3 =	vmul.f32 v25, v21  }
0x14a: {  	v32 =	vld [tilespmem:s15+$0x18640];
	[tilespmem:s15+$0x185D0] =	vst v2;
	v2 =	vmul.f32 v26, v21  }
0x14b: {  	v33 =	vld [tilespmem:s15+$0x18650];
	[tilespmem:s15+$0x185E0] =	vst v3;
	v3 =	vmul.f32 v27, v30  }
0x14c: {  	v34 =	vld [tilespmem:s15+$0x18660];
	[tilespmem:s15+$0x185F0] =	vst v2;
	v2 =	vmul.f32 v28, v30  }
0x14d: {  	v35 =	vld [tilespmem:s15+$0x18670];
	[tilespmem:s15+$0x18600] =	vst v3;
	v3 =	vmul.f32 v29, v30  }
0x14e: {  	v36 =	vld [tilespmem:s15+$0x18680];
	[tilespmem:s15+$0x18610] =	vst v2;
	v2 =	vmul.f32 v31, v30  }
0x14f: {  	v37 =	vld [tilespmem:s15+$0x18690];
	[tilespmem:s15+$0x18620] =	vst v3;
	v3 =	vmul.f32 v32, v30  }
0x150: {  	v38 =	vld [tilespmem:s15+$0x186A0];
	[tilespmem:s15+$0x18630] =	vst v2;
	v2 =	vmul.f32 v33, v30  }
0x151: {  	v39 =	vbroadcast v1, $0x7;
	v40 =	vld [tilespmem:s15+$0x186B0];
	[tilespmem:s15+$0x18640] =	vst v3;
	v3 =	vmul.f32 v34, v30  }
0x152: {  	v41 =	vld [tilespmem:s15+$0x186C0];
	[tilespmem:s15+$0x18650] =	vst v2;
	v2 =	vmul.f32 v35, v30  }
0x153: {  	v42 =	vld [tilespmem:s15+$0x186D0];
	[tilespmem:s15+$0x18660] =	vst v3;
	v3 =	vmul.f32 v36, v39  }
0x154: {  	v43 =	vld [tilespmem:s15+$0x186E0];
	[tilespmem:s15+$0x18670] =	vst v2;
	v2 =	vmul.f32 v37, v39  }
0x155: {  	v44 =	vld [tilespmem:s15+$0x186F0];
	[tilespmem:s15+$0x18680] =	vst v3;
	v3 =	vmul.f32 v38, v39  }
0x156: {  	v45 =	vld [tilespmem:s15+$0x18700];
	[tilespmem:s15+$0x18690] =	vst v2;
	v2 =	vmul.f32 v40, v39  }
0x157: {  	v46 =	vld [tilespmem:s15+$0x18710];
	[tilespmem:s15+$0x186A0] =	vst v3;
	v3 =	vmul.f32 v41, v39  }
0x158: {  	v47 =	vld [tilespmem:s15+$0x18720];
	[tilespmem:s15+$0x186B0] =	vst v2;
	v2 =	vmul.f32 v42, v39  }
0x159: {  	v48 =	vbroadcast v1, $0x8;
	v49 =	vld [tilespmem:s15+$0x18730];
	[tilespmem:s15+$0x186C0] =	vst v3;
	v3 =	vmul.f32 v43, v39  }
0x15a: {  	v50 =	vld [tilespmem:s15+$0x18740];
	[tilespmem:s15+$0x186D0] =	vst v2;
	v2 =	vmul.f32 v44, v39  }
0x15b: {  	v51 =	vld [tilespmem:s15+$0x18750];
	[tilespmem:s15+$0x186E0] =	vst v3;
	v3 =	vmul.f32 v45, v48  }
0x15c: {  	v52 =	vld [tilespmem:s15+$0x18760];
	[tilespmem:s15+$0x186F0] =	vst v2;
	v2 =	vmul.f32 v46, v48  }
0x15d: {  	v53 =	vld [tilespmem:s15+$0x18770];
	[tilespmem:s15+$0x18700] =	vst v3;
	v3 =	vmul.f32 v47, v48  }
0x15e: {  	v54 =	vld [tilespmem:s15+$0x18780];
	[tilespmem:s15+$0x18710] =	vst v2;
	v2 =	vmul.f32 v49, v48  }
0x15f: {  	v55 =	vld [tilespmem:s15+$0x18790];
	[tilespmem:s15+$0x18720] =	vst v3;
	v3 =	vmul.f32 v50, v48  }
0x160: {  	v56 =	vld [tilespmem:s15+$0x187A0];
	[tilespmem:s15+$0x18730] =	vst v2;
	v2 =	vmul.f32 v51, v48  }
0x161: {  	v57 =	vbroadcast v1, $0x9;
	v58 =	vld [tilespmem:s15+$0x187B0];
	[tilespmem:s15+$0x18740] =	vst v3;
	v3 =	vmul.f32 v52, v48  }
0x162: {  	v59 =	vld [tilespmem:s15+$0x187C0];
	[tilespmem:s15+$0x18750] =	vst v2;
	v2 =	vmul.f32 v53, v48  }
0x163: {  	v60 =	vld [tilespmem:s15+$0x187D0];
	[tilespmem:s15+$0x18760] =	vst v3;
	v3 =	vmul.f32 v54, v57  }
0x164: {  	v61 =	vld [tilespmem:s15+$0x187E0];
	[tilespmem:s15+$0x18770] =	vst v2;
	v2 =	vmul.f32 v55, v57  }
0x165: {  	v62 =	vld [tilespmem:s15+$0x187F0];
	[tilespmem:s15+$0x18780] =	vst v3;
	v3 =	vmul.f32 v56, v57  }
0x166: {  	v63 =	vld [tilespmem:s15+$0x18800];
	[tilespmem:s15+$0x18790] =	vst v2;
	v2 =	vmul.f32 v58, v57  }
0x167: {  	v12 =	vld [tilespmem:s15+$0x18810];
	[tilespmem:s15+$0x187A0] =	vst v3;
	v3 =	vmul.f32 v59, v57  }
0x168: {  	v13 =	vld [tilespmem:s15+$0x18820];
	[tilespmem:s15+$0x187B0] =	vst v2;
	v2 =	vmul.f32 v60, v57  }
0x169: {  	v14 =	vbroadcast v1, $0xA;
	v15 =	vld [tilespmem:s15+$0x18830];
	[tilespmem:s15+$0x187C0] =	vst v3;
	v3 =	vmul.f32 v61, v57  }
0x16a: {  	v16 =	vld [tilespmem:s15+$0x18840];
	[tilespmem:s15+$0x187D0] =	vst v2;
	v2 =	vmul.f32 v62, v57  }
0x16b: {  	v17 =	vld [tilespmem:s15+$0x18850];
	[tilespmem:s15+$0x187E0] =	vst v3;
	v3 =	vmul.f32 v63, v14  }
0x16c: {  	v18 =	vld [tilespmem:s15+$0x18860];
	[tilespmem:s15+$0x187F0] =	vst v2;
	v2 =	vmul.f32 v12, v14  }
0x16d: {  	v19 =	vld [tilespmem:s15+$0x18870];
	[tilespmem:s15+$0x18800] =	vst v3;
	v3 =	vmul.f32 v13, v14  }
0x16e: {  	v20 =	vld [tilespmem:s15+$0x18880];
	[tilespmem:s15+$0x18810] =	vst v2;
	v2 =	vmul.f32 v15, v14  }
0x16f: {  	v21 =	vld [tilespmem:s15+$0x18890];
	[tilespmem:s15+$0x18820] =	vst v3;
	v3 =	vmul.f32 v16, v14  }
0x170: {  	v22 =	vld [tilespmem:s15+$0x188A0];
	[tilespmem:s15+$0x18830] =	vst v2;
	v2 =	vmul.f32 v17, v14  }
0x171: {  	v23 =	vbroadcast v1, $0xB;
	v24 =	vld [tilespmem:s15+$0x188B0];
	[tilespmem:s15+$0x18840] =	vst v3;
	v3 =	vmul.f32 v18, v14  }
0x172: {  	v25 =	vld [tilespmem:s15+$0x188C0];
	[tilespmem:s15+$0x18850] =	vst v2;
	v2 =	vmul.f32 v19, v14  }
0x173: {  	v26 =	vld [tilespmem:s15+$0x188D0];
	[tilespmem:s15+$0x18860] =	vst v3;
	v3 =	vmul.f32 v20, v23  }
0x174: {  	v27 =	vld [tilespmem:s15+$0x188E0];
	[tilespmem:s15+$0x18870] =	vst v2;
	v2 =	vmul.f32 v21, v23  }
0x175: {  	v28 =	vld [tilespmem:s15+$0x188F0];
	[tilespmem:s15+$0x18880] =	vst v3;
	v3 =	vmul.f32 v22, v23  }
0x176: {  	v29 =	vld [tilespmem:s15+$0x18900];
	[tilespmem:s15+$0x18890] =	vst v2;
	v2 =	vmul.f32 v24, v23  }
0x177: {  	v30 =	vld [tilespmem:s15+$0x18910];
	[tilespmem:s15+$0x188A0] =	vst v3;
	v3 =	vmul.f32 v25, v23  }
0x178: {  	v31 =	vld [tilespmem:s15+$0x18920];
	[tilespmem:s15+$0x188B0] =	vst v2;
	v2 =	vmul.f32 v26, v23  }
0x179: {  	v32 =	vbroadcast v1, $0xC;
	v33 =	vld [tilespmem:s15+$0x18930];
	[tilespmem:s15+$0x188C0] =	vst v3;
	v3 =	vmul.f32 v27, v23  }
0x17a: {  	v34 =	vld [tilespmem:s15+$0x18940];
	[tilespmem:s15+$0x188D0] =	vst v2;
	v2 =	vmul.f32 v28, v23  }
0x17b: {  	v35 =	vld [tilespmem:s15+$0x18950];
	[tilespmem:s15+$0x188E0] =	vst v3;
	v3 =	vmul.f32 v29, v32  }
0x17c: {  	v36 =	vld [tilespmem:s15+$0x18960];
	[tilespmem:s15+$0x188F0] =	vst v2;
	v2 =	vmul.f32 v30, v32  }
0x17d: {  	v37 =	vld [tilespmem:s15+$0x18970];
	[tilespmem:s15+$0x18900] =	vst v3;
	v3 =	vmul.f32 v31, v32  }
0x17e: {  	v38 =	vld [tilespmem:s15+$0x18980];
	[tilespmem:s15+$0x18910] =	vst v2;
	v2 =	vmul.f32 v33, v32  }
0x17f: {  	v39 =	vld [tilespmem:s15+$0x18990];
	[tilespmem:s15+$0x18920] =	vst v3;
	v3 =	vmul.f32 v34, v32  }
0x180: {  	v40 =	vld [tilespmem:s15+$0x189A0];
	[tilespmem:s15+$0x18930] =	vst v2;
	v2 =	vmul.f32 v35, v32  }
0x181: {  	v41 =	vbroadcast v1, $0xD;
	v42 =	vld [tilespmem:s15+$0x189B0];
	[tilespmem:s15+$0x18940] =	vst v3;
	v3 =	vmul.f32 v36, v32  }
0x182: {  	v43 =	vld [tilespmem:s15+$0x189C0];
	[tilespmem:s15+$0x18950] =	vst v2;
	v2 =	vmul.f32 v37, v32  }
0x183: {  	v44 =	vld [tilespmem:s15+$0x189D0];
	[tilespmem:s15+$0x18960] =	vst v3;
	v3 =	vmul.f32 v38, v41  }
0x184: {  	v45 =	vld [tilespmem:s15+$0x189E0];
	[tilespmem:s15+$0x18970] =	vst v2;
	v2 =	vmul.f32 v39, v41  }
0x185: {  	v46 =	vld [tilespmem:s15+$0x189F0];
	[tilespmem:s15+$0x18980] =	vst v3;
	v3 =	vmul.f32 v40, v41  }
0x186: {  	v47 =	vld [tilespmem:s15+$0x18A00];
	[tilespmem:s15+$0x18990] =	vst v2;
	v2 =	vmul.f32 v42, v41  }
0x187: {  	v48 =	vld [tilespmem:s15+$0x18A10];
	[tilespmem:s15+$0x189A0] =	vst v3;
	v3 =	vmul.f32 v43, v41  }
0x188: {  	v49 =	vld [tilespmem:s15+$0x18A20];
	[tilespmem:s15+$0x189B0] =	vst v2;
	v2 =	vmul.f32 v44, v41  }
0x189: {  	v50 =	vbroadcast v1, $0xE;
	v51 =	vld [tilespmem:s15+$0x18A30];
	[tilespmem:s15+$0x189C0] =	vst v3;
	v3 =	vmul.f32 v45, v41  }
0x18a: {  	v52 =	vld [tilespmem:s15+$0x18A40];
	[tilespmem:s15+$0x189D0] =	vst v2;
	v2 =	vmul.f32 v46, v41  }
0x18b: {  	v53 =	vld [tilespmem:s15+$0x18A50];
	[tilespmem:s15+$0x189E0] =	vst v3;
	v3 =	vmul.f32 v47, v50  }
0x18c: {  	v54 =	vld [tilespmem:s15+$0x18A60];
	[tilespmem:s15+$0x189F0] =	vst v2;
	v2 =	vmul.f32 v48, v50  }
0x18d: {  	v55 =	vld [tilespmem:s15+$0x18A70];
	[tilespmem:s15+$0x18A00] =	vst v3;
	v3 =	vmul.f32 v49, v50  }
0x18e: {  	v56 =	vld [tilespmem:s15+$0x18A80];
	[tilespmem:s15+$0x18A10] =	vst v2;
	v2 =	vmul.f32 v51, v50  }
0x18f: {  	v57 =	vld [tilespmem:s15+$0x18A90];
	[tilespmem:s15+$0x18A20] =	vst v3;
	v3 =	vmul.f32 v52, v50  }
0x190: {  	v58 =	vld [tilespmem:s15+$0x18AA0];
	[tilespmem:s15+$0x18A30] =	vst v2;
	v2 =	vmul.f32 v53, v50  }
0x191: {  	v1 =	vbroadcast v1, $0xF;
	v59 =	vld [tilespmem:s15+$0x18AB0];
	[tilespmem:s15+$0x18A40] =	vst v3;
	v3 =	vmul.f32 v54, v50  }
0x192: {  	v60 =	vld [tilespmem:s15+$0x18AC0];
	[tilespmem:s15+$0x18A50] =	vst v2;
	v2 =	vmul.f32 v55, v50  }
0x193: {  	v61 =	vld [tilespmem:s15+$0x18AD0];
	[tilespmem:s15+$0x18A60] =	vst v3;
	v3 =	vmul.f32 v56, v1  }
0x194: {  	v62 =	vld [tilespmem:s15+$0x18AE0];
	[tilespmem:s15+$0x18A70] =	vst v2;
	v2 =	vmul.f32 v57, v1  }
0x195: {  	v63 =	vld [tilespmem:s15+$0x18AF0];
	[tilespmem:s15+$0x18A80] =	vst v3;
	v3 =	vmul.f32 v58, v1  }
0x196: {  	[tilespmem:s15+$0x18A90] =	vst v2;
	v2 =	vmul.f32 v59, v1  }
0x197: {  	p1 =	sne.s32 s14, $0x7;
	[tilespmem:s15+$0x18AA0] =	vst v3;
	v3 =	vmul.f32 v60, v1  }
.Ltmp4:
0x198: {  	[tilespmem:s15+$0x18AB0] =	vst v2;
	v2 =	vmul.f32 v61, v1;
	(pc) =	sbr.rel @p1 .LBB2_7-.Ltmp4, $4  }
0x199: {  	[tilespmem:s15+$0x18AC0] =	vst v3;
	v3 =	vmul.f32 v62, v1  }
0x19a: {  	v1 =	vmul.f32 v63, v1;
	[tilespmem:s15+$0x18AD0] =	vst v2  }
0x19b: {  	[tilespmem:s15+$0x18AE0] =	vst v3  }
0x19c: {  	s14 =	sadd.s32 $0x1, s14;
	[tilespmem:s15+$0x18AF0] =	vst v1  }
.Ltmp5:
0x19d: {  	(pc) =	sbr.rel @p0 .LBB2_10-.Ltmp5, $4  }
0x19e: {  	[spmem:s1] =	stream.indirect.scatter.add.f32 [tilespmem:s8], [sflag:$0x3], $0x80, s3, s31, $0xb8;
	[tilespmem:$0x1EB00] =	vst v63  }
0x19f: {  	_ =	swait.ge [sflag:s25], $0x4000  }
0x1a0: {  	[sflag:s25] =	ssyncset.done $0x0  }
0x1a1: {  	[sflag:s25] =	ssyncadd.s32 $0xFFFFC000  }
0x1a2: {  	s13 =	sadd.s32 s13, s17  }
0x1a3: {  	s13 =	sshrl.u32 s13, $0x3  }
0x1a4: {  	s14 =	sadd.s32 s5, s13  }
0x1a5: {  	[tilespmem:s0], [sflag:$0x3] =	stream.linear.gather [hbm4b:s14+s2], $0x80, $0x38;
	[tilespmem:$0x1EB00] =	vst v63  }
0x1a6: {  	_ =	swait.ge [sflag:s25], $0x80  }
0x1a7: {  	[sflag:s25] =	ssyncset.done $0x0  }
0x1a8: {  	s21 =	sadd.s32 s7, s13;
	[sflag:s25] =	ssyncadd.s32 $0xFFFFFF80  }
0x1a9: {  	[tilespmem:s29], [sflag:$0x3] =	stream.linear.gather [hbm4b:s21+s2], $0x80, $0x38;
	[tilespmem:$0x1EB00] =	vst v63  }
0x1aa: {  	_ =	swait.ge [sflag:s25], $0x80  }
0x1ab: {  	[sflag:s25] =	ssyncset.done $0x0  }
0x1ac: {  	s13 =	sadd.s32 s6, s13;
	[sflag:s25] =	ssyncadd.s32 $0xFFFFFF80  }
0x1ad: {  	[tilespmem:s3], [sflag:$0x3] =	stream.linear.gather [hbm4b:s13+s2], $0x80, $0x38;
	[tilespmem:$0x1EB00] =	vst v63  }
.Ltmp6:
0x1ae: {  	_ = 	snop;
	(pc) =	sbr.rel .LBB2_4-.Ltmp6, $4  }
0x1af: {  	_ =	swait.ge [sflag:s25], $0x80  }
0x1b0: {  	[sflag:s25] =	ssyncset.done $0x0  }
0x1b1: {  	s12 =	sadd.s32 $0x1, s12;
	[sflag:s25] =	ssyncadd.s32 $0xFFFFFF80  }
0x1b2: {  	[tilespmem:s8], [sflag:$0x2] =	stream.indirect.gather [hbm4b:s4+s31], $0x80, s0, s31, $0xb8;
	[tilespmem:$0x1EB00] =	vst v63  }
.LBB2_11:
0x1b3: {  	_ =	sfence.sel $0x180000  }
0x1b4: {  	[bflag:$0x0] =	sbarrier.arrive $0xFFFF  }
0x1b5: {  	_ =	strace $0x9000004A  }
0x1b6: {  	s0 =	stileid.u32;
	[bflag:$0x2] =	sbarrier.arrive $0xFFFF  }
0x1b7: {  	p0 =	sne.s32 s0, $0x0;
	s0 =	rddreg [dreg:$0x2]  }
0x1b8: {  	s0 =	sadd.s32 @!p0 $0x100000, s0  }
0x1b9: {  	[sflag:s0] =	ssyncadd.tile.s32 @!p0 $0x1;
	_ =	shalt  }
.Lfunc_end2:
_tile_overlayer_lowered:
.L_overlay_start_2:
0x1ba: {  	(tag) =	ssettag $0x2  }
0x1bb: {  	s0 =	rddreg [dreg:$0x0];
	s2 =	stileid.u32  }
0x1bc: {  	s1 =	rddreg [dreg:$0x1];
	p0 =	sne.s32 s2, $0x0  }
0x1bd: {  	s3 =	rddreg [dreg:$0x2];
	[bflag:$0x3] =	sbarrier.arrive $0xFFFF;
	s2 =	simm.s32 @!p0 $0x1C03  }
0x1be: {  	[timem:s3], [sflag:s2] =	dma.local @!p0 [hbm:s0], s1  }
0x1bf: {  	s0 =	simm.s32 @!p0 $0x3  }
0x1c0: {  	_ =	swait.ge @!p0 [sflag:s0], s1  }
0x1c1: {  	s1 =	ssub.s32 @!p0 $0x0, s1;
	[sflag:s0] =	ssyncset.done @!p0 $0x0  }
0x1c2: {  	[sflag:s0] =	ssyncadd.s32 @!p0 s1  }
0x1c3: {  	[bflag:$0x3] =	sbarrier.arrive $0xFFFF  }
0x1c4: {  	_ =	shalt  }

// kernel: kernel.13.cloned.1.call-start
scs
__scs_entry_jumppad:
0x0: {  	(pc) =	sbr.rel $0x88, $3  }
0x1: {  	(tag) =	ssettag $0x0;
	lr =	simm.s32 $0x1  }
0x2: {  	[smem:$0x3F9A] =	sst lr;
	_ =	strace $0xD0000000  }
0x3: {  	_ = 	snop  }
0x4: {  	_ = 	snop  }
0x5: {  	_ = 	snop  }
0x6: {  	_ = 	snop  }
0x7: {  	_ = 	snop  }
__scs_overlays_trampoline_lowered:
0x8: {  	[smem:$0x3FA9] =	sst s0  }
0x9: {  	[smem:$0x3FAA] =	sst s1  }
0xa: {  	[smem:$0x3FAB] =	sst s2  }
0xb: {  	[smem:$0x3FAC] =	sst s3  }
0xc: {  	[smem:$0x3FAD] =	sst s4  }
0xd: {  	[smem:$0x3FAE] =	sst s5  }
0xe: {  	[smem:$0x3FAF] =	sst s6  }
0xf: {  	[smem:$0x3FB0] =	sst s7  }
0x10: {  	[smem:$0x3FB1] =	sst s8  }
0x11: {  	[smem:$0x3FB2] =	sst s9;
	s0 =	simm.s32 @!p0 $0x0  }
0x12: {  	s1 =	sld [smem:$0x3F98];
	s0 =	simm.s32 @p0 $0x1  }
0x13: {  	[smem:$0x3FB3] =	sst s0;
	s0 =	simm.s32 @!p1 $0x0  }
0x14: {  	s2 =	sld [smem:$0x3F97];
	s0 =	simm.s32 @p1 $0x1  }
0x15: {  	[smem:$0x3FB4] =	sst s0;
	s0 =	simm.s32 @!p2 $0x0  }
0x16: {  	s3 =	sld [smem:$0x3FDB];
	s0 =	simm.s32 @p2 $0x1  }
0x17: {  	s4 =	simm.s32 $0x1BF5;
	[smem:$0x3FB6] =	sst s0  }
0x18: {  	s0 =	sld [smem:$0x3F99];
	_ =	swait.ge [sflag:s4], $0x0  }
0x19: {  	s7 =	sld [smem:$0x3F9A]  }
0x1a: {  	s8 =	sadd.s32 $0xFFFFE003, lr  }
0x1b: {  	s9 =	sadd.s32 $0xFFFFFEF7, lr;
	s5 =	simm.s32 $0xFFFFFFFF;
	p2 =	slt.u32 s8, $0xFFFFF086  }
0x1c: {  	p1 =	slt.u32 s9, $0xF7A;
	s5 =	simm.s32 @!p2 $0x0  }
0x1d: {  	s5 =	simm.s32 @p1 $0x1;
	p0 =	seq.s32 s7, s2  }
0x1e: {  	s7 =	smul.u32 @!p0 $0xF7A, s2;
	p2 =	seq.s32 @!p0 s5, $0x0  }
0x1f: {  	s9 =	smul.u32 $0xF7A, s1;
	s8 =	simm.s32 @!p0 $0x1BF5;
	p2 =	por !p2, p0  }
0x20: {  	[sflag:s8] =	ssyncset.s32 @!p0 $0xFFFFF086;
	s6 =	sadd.s32 @!p0 s3, s7;
	s7 =	simm.s32 @!p0 $0x108  }
0x21: {  	s3 =	sadd.s32 s3, s9;
	s6 =	sadd.s32 @!p0 $0x88, s6;
	s7 =	simm.s32 @p2 $0x1082  }
0x22: {  	[simem:s7], [sflag:s8] =	dma.local @!p0 [hbm:s6], $0xF7A  }
0x23: {  	s9 =	sor.u32 $0xD0000000, s2;
	s6 =	simm.s32 $0x108;
	_ =	swait.ge @!p0 [sflag:s8], $0x0  }
0x24: {  	s3 =	sadd.s32 $0x88, s3;
	s6 =	simm.s32 @!p1 $0x1082;
	[sflag:s4] =	ssyncset.s32 $0xFFFFF086  }
0x25: {  	[simem:s6], [sflag:s4] =	dma.local [hbm:s3], $0xF7A  }
0x26: {  	[smem:$0x3F9A] =	sst s1;
	(tag) =	ssettag s2;
	_ =	strace s9  }
0x27: {  	s1 =	sld [smem:$0x3FAA]  }
0x28: {  	s2 =	sld [smem:$0x3FAB]  }
0x29: {  	s4 =	sld [smem:$0x3FAD]  }
0x2a: {  	p0 =	seq.s32 s5, $0x0;
	s5 =	sld [smem:$0x3FAE]  }
0x2b: {  	s6 =	sld [smem:$0x3FAF]  }
0x2c: {  	s7 =	sld [smem:$0x3FB0]  }
0x2d: {  	s3 =	simm.s32 $0x108;
	s8 =	sld [smem:$0x3FB1]  }
0x2e: {  	s3 =	simm.s32 @!p0 $0x1082;
	s9 =	sld [smem:$0x3FB2]  }
0x2f: {  	lr =	sadd.s32 s0, s3;
	s0 =	sld [smem:$0x3FA9]  }
0x30: {  	s3 =	sld [smem:$0x3FAC]  }
0x31: {  	[smem:$0x3FB5] =	sst s10  }
0x32: {  	s10 =	sld [smem:$0x3FB3];
	_ =	sdelay $0x3  }
0x33: {  	p0 =	seq.s32 s10, $0x1;
	s10 =	sld [smem:$0x3FB5];
	_ =	sdelay $0x3  }
0x34: {  	[smem:$0x3FB5] =	sst s10  }
0x35: {  	s10 =	sld [smem:$0x3FB4];
	_ =	sdelay $0x3  }
0x36: {  	p1 =	seq.s32 s10, $0x1;
	s10 =	sld [smem:$0x3FB5];
	_ =	sdelay $0x3  }
0x37: {  	[smem:$0x3FB5] =	sst s10  }
0x38: {  	s10 =	sld [smem:$0x3FB6]  }
0x39: {  	_ = 	snop;
	(pc) =	sbr.ind lr, $3  }
0x3a: {  	_ = 	snop  }
0x3b: {  	_ = 	snop  }
0x3c: {  	p2 =	seq.s32 s10, $0x1;
	s10 =	sld [smem:$0x3FB5]  }
0x3d: {  	_ =	shalt  }
0x3e: {  	_ =	shalt  }
0x3f: {  	_ =	shalt  }
0x40: {  	_ =	shalt  }
0x41: {  	_ =	shalt  }
0x42: {  	_ =	shalt  }
0x43: {  	_ =	shalt  }
0x44: {  	_ =	shalt  }
0x45: {  	_ =	shalt  }
0x46: {  	_ =	shalt  }
0x47: {  	_ =	shalt  }
0x48: {  	_ =	shalt  }
0x49: {  	_ =	shalt  }
0x4a: {  	_ =	shalt  }
0x4b: {  	_ =	shalt  }
0x4c: {  	_ =	shalt  }
0x4d: {  	_ =	shalt  }
0x4e: {  	_ =	shalt  }
0x4f: {  	_ =	shalt  }
0x50: {  	_ =	shalt  }
0x51: {  	_ =	shalt  }
0x52: {  	_ =	shalt  }
0x53: {  	_ =	shalt  }
0x54: {  	_ =	shalt  }
0x55: {  	_ =	shalt  }
0x56: {  	_ =	shalt  }
0x57: {  	_ =	shalt  }
0x58: {  	_ =	shalt  }
0x59: {  	_ =	shalt  }
0x5a: {  	_ =	shalt  }
0x5b: {  	_ =	shalt  }
0x5c: {  	_ =	shalt  }
0x5d: {  	_ =	shalt  }
0x5e: {  	_ =	shalt  }
0x5f: {  	_ =	shalt  }
0x60: {  	_ =	shalt  }
0x61: {  	_ =	shalt  }
0x62: {  	_ =	shalt  }
0x63: {  	_ =	shalt  }
0x64: {  	_ =	shalt  }
0x65: {  	_ =	shalt  }
0x66: {  	_ =	shalt  }
0x67: {  	_ =	shalt  }
0x68: {  	_ =	shalt  }
0x69: {  	_ =	shalt  }
0x6a: {  	_ =	shalt  }
0x6b: {  	_ =	shalt  }
0x6c: {  	_ =	shalt  }
0x6d: {  	_ =	shalt  }
0x6e: {  	_ =	shalt  }
0x6f: {  	_ =	shalt  }
0x70: {  	_ =	shalt  }
0x71: {  	_ =	shalt  }
0x72: {  	_ =	shalt  }
0x73: {  	_ =	shalt  }
0x74: {  	_ =	shalt  }
0x75: {  	_ =	shalt  }
0x76: {  	_ =	shalt  }
0x77: {  	_ =	shalt  }
0x78: {  	_ =	shalt  }
0x79: {  	_ =	shalt  }
0x7a: {  	_ =	shalt  }
0x7b: {  	_ =	shalt  }
0x7c: {  	_ =	shalt  }
0x7d: {  	_ =	shalt  }
0x7e: {  	_ =	shalt  }
0x7f: {  	_ =	shalt  }
0x80: {  	_ =	shalt  }
0x81: {  	_ =	shalt  }
0x82: {  	_ =	shalt  }
0x83: {  	_ =	shalt  }
0x84: {  	_ =	shalt  }
0x85: {  	_ =	shalt  }
0x86: {  	_ =	shalt  }
0x87: {  	_ =	shalt  }
.Lfunc_end0:
.L_simem_size_0:
called_computation.2_lowered:
.L_overlay_start_0:
0x88: {  	s2 =	sld [smem:$0x3FD9]  }
0x89: {  	s3 =	sld [smem:$0x3FFE];
	_ =	sdelay $0x1  }
0x8a: {  	s1 =	srdreg.scid  }
0x8b: {  	s0 =	sand.u32 $0x1, s1  }
0x8c: {  	s16 =	sshll.u32 s0, $0xA;
	s2 =	sadd.s32 s3, s2  }
0x8d: {  	s2 =	sadd.s32 s2, s16  }
0x8e: {  	[smem:$0x3FC1] =	sst s2  }
0x8f: {  	_ = 	snop  }
0x90: {  	(tm) =	ssettm $0x1  }
0x91: {  	s17 =	sld [smem:$0x3FFB];
	_ =	sdelay $0x3  }
0x92: {  	_ =	strace s17  }
0x93: {  	s2 =	sld [smem:$0x3FFC];
	_ =	sdelay $0x3  }
0x94: {  	_ =	strace s2  }
0x95: {  	s2 =	sld [smem:$0x3FFD];
	_ =	sdelay $0x3  }
0x96: {  	_ =	strace s2  }
0x97: {  	_ =	strace $0x8FFFFFFF  }
0x98: {  	s18 =	sld [smem:$0x3FDB];
	_ =	sdelay $0x1  }
0x99: {  	s19 =	simm.s32 $_scs_section_size  }
0x9a: {  	s4 =	simm.s32 $_size__tile_overlayer_lowered;
	s5 =	simm.s32 $_tile_overlayer_lowered  }
0x9b: {  	s22 =	simm.s32 $0x1BFF;
	s21 =	sshll.u32 s5, $0x1;
	s2 =	sadd.s32 s19, s18  }
0x9c: {  	s6 =	simm.s32 $0x0;
	s20 =	sshll.u32 s4, $0x1;
	s4 =	sadd.s32 s21, s2  }
0x9d: {  	[timem:s6], [sflag:s22] =	dma.local [hbm:s4], s20  }
0x9e: {  	_ =	swait.ge [sflag:s22], s20  }
0x9f: {  	s3 =	ssub.s32 $0x0, s20;
	[sflag:s22] =	ssyncset.done $0x0  }
0xa0: {  	[sflag:s22] =	ssyncadd.s32 s3;
	_ =	sdelay $0x1  }
0xa1: {  	s23 =	simm.s32 $0x1B8B  }
0xa2: {  	_ =	swait.ge [sflag:s23], $0x1  }
0xa3: {  	[sflag:s23] =	ssyncset.done $0x0  }
0xa4: {  	s25 =	simm.s32 $0x1B8E;
	s24 =	sld [smem:$0x3FFE];
	[sflag:s23] =	ssyncadd.s32 $0xFFFFFFFF  }
0xa5: {  	s26 =	simm.s32 $execute0_lowered;
	[smem:$0x3FD2] =	sst s25  }
0xa6: {  	s4 =	sshll.u32 s26, $0x1;
	_ =	strace $0x8000004C;
	[dreg:$0x1] =	wrdreg $0xFFFFFFFF  }
0xa7: {  	s28 =	simm.s32 $_size_execute0_lowered;
	s2 =	sadd.s32 s2, s4;
	[dreg:$0x0] =	wrdreg $0x0  }
0xa8: {  	s4 =	sshll.u32 s28, $0x1;
	[dreg:$0x2] =	wrdreg s2  }
0xa9: {  	[dreg:$0x3] =	wrdreg s4  }
0xaa: {  	[dreg:$0x4] =	wrdreg $0xC0  }
0xab: {  	_ =	task [dreg:s6], $0x5FFFF  }
0xac: {  	[dreg:$0x1] =	wrdreg $0xFFFFFFFF  }
0xad: {  	[dreg:$0x0] =	wrdreg $0x60  }
0xae: {  	[dreg:$0x2] =	wrdreg s24  }
0xaf: {  	[dreg:$0x3] =	wrdreg $0x0  }
0xb0: {  	[dreg:$0x4] =	wrdreg $0x9  }
0xb1: {  	_ =	task.clear_ibuf [dreg:s6], $0x5FFFF;
	_ =	strace $0x9000004C  }
0xb2: {  	s29 =	simm.s32 $0x9;
	_ =	strace $0x8000004E  }
0xb3: {  	_ =	swait.ge [sflag:s29], $0x1  }
0xb4: {  	[sflag:s29] =	ssyncadd.s32 $0xFFFFFFFF  }
0xb5: {  	_ =	strace $0x9000004E  }
0xb6: {  	_ =	sfence  }
0xb7: {  	s30 =	sld [smem:$0x0];
	_ =	sdelay $0x2  }
0xb8: {  	s31 =	sshll.u32 s1, $0xD;
	s1 =	sshrl.u32 s1, $0x2  }
0xb9: {  	s3 =	sand.u32 $0x4000, s31;
	s1 =	sadd.s32 s1, s30  }
0xba: {  	s0 =	sor.u32 s3, s0;
	s1 =	sshll.u32 s1, $0x11  }
0xbb: {  	s0 =	sor.u32 s1, s0  }
0xbc: {  	s0 =	sadd.s32 $0x8F2B, s0  }
0xbd: {  	[sflag:s0] =	ssyncadd.remote.s32 $0x1  }
0xbe: {  	_ =	sfence.sel $0xFFFF  }
0xbf: {  	[dreg:$0x0] =	wrdreg $0xFFFFFFFF;
	(pc) =	sbr.abs _section_cstart, $3  }
0xc0: {  	[dreg:$0x1] =	wrdreg $0xFFFFFFFF  }
0xc1: {  	_ =	task.clear_ibuf [dreg:s6], $0x2FFFF;
	_ =	strace $0x9FFFFFFF  }
0xc2: {  	(tm) =	ssettm $0x7FFFFFFF  }
0xc3: {  	_ =	shalt  }
tec
execute0_lowered:
.L_overlay_start_1:
0x0: {  	(tag) =	ssettag $0x1  }
0x1: {  	s1 =	srdreg.scid  }
0x2: {  	s1 =	sand.u32 $0x1, s1  }
0x3: {  	p0 =	seq.s32 s1, $0x1  }
.Ltmp0:
0x4: {  	_ = 	snop;
	(pc) =	sbr.rel @p0 .LBB2_6-.Ltmp0, $4  }
0x5: {  	s3 =	rddreg [dreg:$0x0]  }
0x6: {  	s4 =	rddreg [dreg:$0x1];
	s5 =	simm.s32 $0x0  }
0x7: {  	[smem:$0x7FF] =	sst s5  }
0x8: {  	s0 =	rddreg [dreg:$0x2];
	_ =	strace $0x8000004D;
	s1 =	stileid.u32  }
0x9: {  	s2 =	smul.u32 $0x280, s1  }
0xa: {  	s7 =	sadd.s32 $0x15A00, s3  }
0xb: {  	s8 =	sshll.u32 s1, $0x6;
	s10 =	sshrl.u32 s2, $0x3;
	s6 =	sadd.s32 s2, s4  }
0xc: {  	s8 =	sor.u32 $0x1C01, s8;
	s7 =	sadd.s32 s7, s10;
	s9 =	sshrl.u32 s6, $0x3  }
0xd: {  	[spmem:s9], [sflag:s8] =	dma.local [hbm:s7], $0x50  }
0xe: {  	s7 =	simm.s32 $0x1  }
0xf: {  	_ =	swait.ge [sflag:s7], $0x50  }
0x10: {  	[sflag:s7] =	ssyncset.done $0x0  }
0x11: {  	[sflag:s7] =	ssyncadd.s32 $0xFFFFFFB0  }
0x12: {  	s22 =	sadd.s32 $0x20600, s3;
	s8 =	simm.s32 $0x280;
	[bflag:$0x0] =	sbarrier.arrive $0xFFFF  }
0x13: {  	[tilespmem:s8], [sflag:$0x1] =	stream.linear.gather [hbm4b:s22+s5], $0x2800, $0x38;
	[tilespmem:$0x14380] =	vst v63  }
0x14: {  	_ =	swait.ge [sflag:s7], $0x2800  }
0x15: {  	[sflag:s7] =	ssyncset.done $0x0  }
0x16: {  	s11 =	sadd.s32 $0x16000, s3;
	s9 =	simm.s32 $0x2A80;
	[sflag:s7] =	ssyncadd.s32 $0xFFFFD800  }
0x17: {  	[tilespmem:s9], [sflag:$0x1] =	stream.linear.gather [hbm4b:s11+s5], $0x2800, $0x38;
	[tilespmem:$0x14380] =	vst v63  }
0x18: {  	s23 =	smul.u32 $0xA00, s1;
	_ =	swait.ge [sflag:s7], $0x2800  }
0x19: {  	s12 =	sadd.s32 $0x16600, s3;
	[sflag:s7] =	ssyncset.done $0x0  }
0x1a: {  	s13 =	simm.s32 $0x5280;
	s12 =	sadd.s32 s12, s23;
	[sflag:s7] =	ssyncadd.s32 $0xFFFFD800  }
0x1b: {  	[tilespmem:s13], [sflag:$0x1] =	stream.linear.gather [hbm4b:s12+s5], $0x5000, $0x38;
	[tilespmem:$0x14380] =	vst v63  }
0x1c: {  	_ =	swait.ge [sflag:s7], $0x5000  }
0x1d: {  	s24 =	sadd.s32 $0xBA00, s3;
	[sflag:s7] =	ssyncset.done $0x0  }
0x1e: {  	s25 =	simm.s32 $0xA280;
	s12 =	sadd.s32 s24, s23;
	[sflag:s7] =	ssyncadd.s32 $0xFFFFB000  }
0x1f: {  	[tilespmem:s25], [sflag:$0x1] =	stream.linear.gather [hbm4b:s12+s5], $0x5000, $0x38;
	[tilespmem:$0x14380] =	vst v63  }
0x20: {  	_ =	swait.ge [sflag:s7], $0x5000  }
0x21: {  	s26 =	sadd.s32 $0x1A00, s3;
	[sflag:s7] =	ssyncset.done $0x0  }
0x22: {  	s28 =	simm.s32 $0xF280;
	s11 =	sadd.s32 s26, s23;
	[sflag:s7] =	ssyncadd.s32 $0xFFFFB000  }
0x23: {  	[tilespmem:s28], [sflag:$0x1] =	stream.linear.gather [hbm4b:s11+s5], $0x5000, $0x38;
	[tilespmem:$0x14380] =	vst v63  }
0x24: {  	_ =	swait.ge [sflag:s7], $0x5000  }
0x25: {  	[sflag:s7] =	ssyncset.done $0x0  }
0x26: {  	s29 =	sadd.s32 $0x20C00, s3;
	s30 =	simm.s32 $0x14300;
	[sflag:s7] =	ssyncadd.s32 $0xFFFFB000  }
0x27: {  	[tilespmem:s30], [sflag:$0x1] =	stream.linear.gather [hbm4b:s29+s5], $0x80, $0x38;
	[tilespmem:$0x14380] =	vst v63  }
0x28: {  	_ =	swait.ge [sflag:s7], $0x80  }
0x29: {  	s31 =	sadd.s32 s10, s3;
	s10 =	simm.s32 $0x80;
	[sflag:s7] =	ssyncset.done $0x0  }
0x2a: {  	s3 =	sadd.s32 $0x20E00, s31;
	s11 =	simm.s32 $0x14280;
	[sflag:s7] =	ssyncadd.s32 $0xFFFFFF80  }
.LBB2_2:
0x2b: {  	s12 =	sshra.s32 s5, $0x2  }
0x2c: {  	v0 =	vld [tilespmem:s12+$0x5280];
	_ =	sdelay $0x7  }
0x2d: {  	v1 =	vld.idx.msk [tilespmem:v0+s8+$0x0], $0xffff  }
0x2e: {  	v0 =	vld.idx.msk [tilespmem:v0+s9+$0x0], $0xffff;
	_ =	sdelay $0x1  }
0x2f: {  	v2 =	vld [tilespmem:s12+$0xA280];
	_ =	sdelay $0x2  }
0x30: {  	v0 =	vmul.f32 v0, v1;
	_ =	sdelay $0x1  }
0x31: {  	v0 =	vmul.f32 v2, v0;
	_ =	sdelay $0x1  }
0x32: {  	[tilespmem:$0x14280] =	vst v0  }
0x33: {  	v0 =	vld [tilespmem:s12+$0x5290];
	_ =	sdelay $0x7  }
0x34: {  	v50 =	vld.idx.msk [tilespmem:v0+s8+$0x0], $0xffff  }
0x35: {  	v0 =	vld.idx.msk [tilespmem:v0+s9+$0x0], $0xffff;
	_ =	sdelay $0x1  }
0x36: {  	v51 =	vld [tilespmem:s12+$0xA290];
	_ =	sdelay $0x2  }
0x37: {  	v0 =	vmul.f32 v0, v50;
	_ =	sdelay $0x1  }
0x38: {  	v0 =	vmul.f32 v51, v0;
	_ =	sdelay $0x1  }
0x39: {  	[tilespmem:$0x14290] =	vst v0  }
0x3a: {  	v0 =	vld [tilespmem:s12+$0x52A0];
	_ =	sdelay $0x7  }
0x3b: {  	v52 =	vld.idx.msk [tilespmem:v0+s8+$0x0], $0xffff  }
0x3c: {  	v0 =	vld.idx.msk [tilespmem:v0+s9+$0x0], $0xffff;
	_ =	sdelay $0x1  }
0x3d: {  	v53 =	vld [tilespmem:s12+$0xA2A0];
	_ =	sdelay $0x2  }
0x3e: {  	v0 =	vmul.f32 v0, v52;
	_ =	sdelay $0x1  }
0x3f: {  	v0 =	vmul.f32 v53, v0;
	_ =	sdelay $0x1  }
0x40: {  	[tilespmem:$0x142A0] =	vst v0  }
0x41: {  	v0 =	vld [tilespmem:s12+$0x52B0];
	_ =	sdelay $0x7  }
0x42: {  	v54 =	vld.idx.msk [tilespmem:v0+s8+$0x0], $0xffff  }
0x43: {  	v0 =	vld.idx.msk [tilespmem:v0+s9+$0x0], $0xffff;
	_ =	sdelay $0x1  }
0x44: {  	v55 =	vld [tilespmem:s12+$0xA2B0];
	_ =	sdelay $0x2  }
0x45: {  	v0 =	vmul.f32 v0, v54;
	_ =	sdelay $0x1  }
0x46: {  	v0 =	vmul.f32 v55, v0;
	_ =	sdelay $0x1  }
0x47: {  	[tilespmem:$0x142B0] =	vst v0  }
0x48: {  	v0 =	vld [tilespmem:s12+$0x52C0];
	_ =	sdelay $0x7  }
0x49: {  	v56 =	vld.idx.msk [tilespmem:v0+s8+$0x0], $0xffff  }
0x4a: {  	v0 =	vld.idx.msk [tilespmem:v0+s9+$0x0], $0xffff;
	_ =	sdelay $0x1  }
0x4b: {  	v57 =	vld [tilespmem:s12+$0xA2C0];
	_ =	sdelay $0x2  }
0x4c: {  	v0 =	vmul.f32 v0, v56;
	_ =	sdelay $0x1  }
0x4d: {  	v0 =	vmul.f32 v57, v0;
	_ =	sdelay $0x1  }
0x4e: {  	[tilespmem:$0x142C0] =	vst v0  }
0x4f: {  	v0 =	vld [tilespmem:s12+$0x52D0];
	_ =	sdelay $0x7  }
0x50: {  	v58 =	vld.idx.msk [tilespmem:v0+s8+$0x0], $0xffff  }
0x51: {  	v0 =	vld.idx.msk [tilespmem:v0+s9+$0x0], $0xffff;
	_ =	sdelay $0x1  }
0x52: {  	v59 =	vld [tilespmem:s12+$0xA2D0];
	_ =	sdelay $0x2  }
0x53: {  	v0 =	vmul.f32 v0, v58;
	_ =	sdelay $0x1  }
0x54: {  	v0 =	vmul.f32 v59, v0;
	_ =	sdelay $0x1  }
0x55: {  	[tilespmem:$0x142D0] =	vst v0  }
0x56: {  	v0 =	vld [tilespmem:s12+$0x52E0];
	_ =	sdelay $0x7  }
0x57: {  	v60 =	vld.idx.msk [tilespmem:v0+s8+$0x0], $0xffff  }
0x58: {  	v0 =	vld.idx.msk [tilespmem:v0+s9+$0x0], $0xffff;
	_ =	sdelay $0x1  }
0x59: {  	v61 =	vld [tilespmem:s12+$0xA2E0];
	_ =	sdelay $0x2  }
0x5a: {  	v0 =	vmul.f32 v0, v60;
	_ =	sdelay $0x1  }
0x5b: {  	v0 =	vmul.f32 v61, v0;
	_ =	sdelay $0x1  }
0x5c: {  	[tilespmem:$0x142E0] =	vst v0  }
0x5d: {  	v0 =	vld [tilespmem:s12+$0x52F0];
	_ =	sdelay $0x7  }
0x5e: {  	v62 =	vld.idx.msk [tilespmem:v0+s8+$0x0], $0xffff  }
0x5f: {  	v0 =	vld.idx.msk [tilespmem:v0+s9+$0x0], $0xffff;
	_ =	sdelay $0x1  }
0x60: {  	v63 =	vld [tilespmem:s12+$0xA2F0];
	_ =	sdelay $0x2  }
0x61: {  	v0 =	vmul.f32 v0, v62;
	_ =	sdelay $0x1  }
0x62: {  	v0 =	vmul.f32 v63, v0  }
0x63: {  	p0 =	sne.s32 s5, $0x13E00  }
.Ltmp1:
0x64: {  	s12 =	sadd.s32 $0xF280, s12;
	[tilespmem:$0x142F0] =	vst v0;
	(pc) =	sbr.rel @p0 .LBB2_2-.Ltmp1, $4  }
0x65: {  	[spmem:s4] =	stream.indirect.scatter.add.f32 [tilespmem:s11], [sflag:$0x1], $0x1, s12, s10, $0xb8;
	[tilespmem:$0x14380] =	vst v63  }
0x66: {  	_ =	swait.ge [sflag:s7], $0x80  }
0x67: {  	[sflag:s7] =	ssyncset.done $0x0  }
0x68: {  	s5 =	sadd.s32 $0x200, s5;
	[sflag:s7] =	ssyncadd.s32 $0xFFFFFF80  }
0x69: {  	[bflag:$0x0] =	sbarrier.arrive $0xFFFF;
	s4 =	simm.s32 $0xA280;
	s5 =	simm.s32 $0x1  }
0x6a: {  	[tilespmem:s4], [sflag:$0x1] =	stream.linear.gather [spmem:s6], $0x280, $0x38;
	[tilespmem:$0x14380] =	vst v63  }
0x6b: {  	s30 =	simm.s32 $0x0;
	s7 =	sadd.s32 $0x0, s2;
	_ =	swait.ge [sflag:s5], $0x280  }
0x6c: {  	s7 =	sand.u32 $0x7F80, s7;
	s6 =	sand.u32 $0x70, s30;
	[sflag:s5] =	ssyncset.done $0x0  }
0x6d: {  	s31 =	sor.u32 s6, s7;
	[sflag:s5] =	ssyncadd.s32 $0xFFFFFD80  }
0x6e: {  	v0 =	vld [tilespmem:s31+$0x2A80]  }
0x6f: {  	v1 =	vld [tilespmem:s4+$0x0]  }
0x70: {  	v2 =	vld [tilespmem:s31+$0x280];
	_ =	sdelay $0x2  }
0x71: {  	v3 =	vmul.f32 v0, v0  }
0x72: {  	v4 =	vld [tilespmem:$0x14300]  }
0x73: {  	v0 =	vmul.f32 v0, v1;
	v1 =	vmul.f32 v2, v3;
	_ =	sdelay $0x1  }
0x74: {  	v0 =	vadd.f32 v1, v0;
	_ =	sdelay $0x1  }
0x75: {  	s7 =	sadd.s32 $0x10, s2;
	s6 =	simm.s32 $0x20;
	s5 =	simm.s32 $0x10;
	v0 =	vadd.f32 v0, v4  }
.LBB2_4:
0x76: {  	p0 =	sne.s32 s6, $0x270;
	s7 =	sand.u32 $0x7F80, s7;
	s5 =	sand.u32 $0x70, s5  }
0x77: {  	s7 =	sor.u32 s5, s7;
	[tilespmem:s4+$0x0] =	vst v0;
	s5 =	smov.u32 s6  }
0x78: {  	s4 =	sadd.s32 $0x10, s4;
	v0 =	vld [tilespmem:s7+$0x2A80]  }
0x79: {  	v1 =	vld [tilespmem:s4+$0x0]  }
0x7a: {  	v2 =	vld [tilespmem:s7+$0x280];
	_ =	sdelay $0x2  }
0x7b: {  	v3 =	vmul.f32 v0, v0  }
0x7c: {  	v4 =	vld [tilespmem:$0x14300]  }
.Ltmp2:
0x7d: {  	v0 =	vmul.f32 v0, v1;
	v1 =	vmul.f32 v2, v3;
	(pc) =	sbr.rel @p0 .LBB2_4-.Ltmp2, $3  }
0x7e: {  	_ = 	snop  }
0x7f: {  	v0 =	vadd.f32 v1, v0;
	_ =	sdelay $0x1  }
0x80: {  	s6 =	sadd.s32 $0x10, s6;
	s7 =	sadd.s32 s5, s2;
	v0 =	vadd.f32 v0, v4  }
0x81: {  	s2 =	sand.u32 $0x7F80, s7;
	s5 =	sand.u32 $0x70, s5  }
0x82: {  	s2 =	sor.u32 s5, s2;
	[tilespmem:s4+$0x0] =	vst v0  }
0x83: {  	s28 =	sadd.s32 $0x10, s4;
	v0 =	vld [tilespmem:s2+$0x2A80]  }
0x84: {  	v1 =	vld [tilespmem:s28+$0x0]  }
0x85: {  	v2 =	vld [tilespmem:s2+$0x280];
	_ =	sdelay $0x2  }
0x86: {  	v3 =	vmul.f32 v0, v0  }
0x87: {  	v4 =	vld [tilespmem:$0x14300]  }
0x88: {  	v0 =	vmul.f32 v0, v1;
	v63 =	vmul.f32 v2, v3;
	_ =	sdelay $0x1  }
0x89: {  	v0 =	vadd.f32 v63, v0;
	_ =	sdelay $0x1  }
0x8a: {  	v0 =	vadd.f32 v0, v4;
	_ =	sdelay $0x1  }
0x8b: {  	s29 =	simm.s32 $0x0;
	s30 =	simm.s32 $0xA280;
	s31 =	simm.s32 $0x1;
	[tilespmem:s28+$0x0] =	vst v0  }
0x8c: {  	[hbm4b:s3+s29] =	stream.linear.scatter [tilespmem:s30], [sflag:$0x1], $0x280, $0x38;
	[tilespmem:$0x14380] =	vst v63  }
0x8d: {  	_ =	swait.ge [sflag:s31], $0x280  }
0x8e: {  	[sflag:s31] =	ssyncset.done $0x0  }
0x8f: {  	[sflag:s31] =	ssyncadd.s32 $0xFFFFFD80  }
.LBB2_6:
0x90: {  	_ =	sfence.sel $0x180000  }
0x91: {  	[bflag:$0x0] =	sbarrier.arrive $0xFFFF  }
0x92: {  	p0 =	sne.s32 s1, $0x0;
	_ =	strace $0x9000004D  }
0x93: {  	s0 =	sadd.s32 @!p0 $0x100000, s0;
	[bflag:$0x2] =	sbarrier.arrive $0xFFFF  }
0x94: {  	[sflag:s0] =	ssyncadd.tile.s32 @!p0 $0x1;
	_ =	shalt  }
.Lfunc_end2:
_tile_overlayer_lowered:
.L_overlay_start_2:
0x95: {  	(tag) =	ssettag $0x2  }
0x96: {  	s0 =	rddreg [dreg:$0x0];
	s2 =	stileid.u32  }
0x97: {  	s1 =	rddreg [dreg:$0x1];
	p0 =	sne.s32 s2, $0x0  }
0x98: {  	s3 =	rddreg [dreg:$0x2];
	[bflag:$0x3] =	sbarrier.arrive $0xFFFF;
	s2 =	simm.s32 @!p0 $0x1C01  }
0x99: {  	[timem:s3], [sflag:s2] =	dma.local @!p0 [hbm:s0], s1  }
0x9a: {  	s0 =	simm.s32 @!p0 $0x1  }
0x9b: {  	_ =	swait.ge @!p0 [sflag:s0], s1  }
0x9c: {  	s1 =	ssub.s32 @!p0 $0x0, s1;
	[sflag:s0] =	ssyncset.done @!p0 $0x0  }
0x9d: {  	[sflag:s0] =	ssyncadd.s32 @!p0 s1  }
0x9e: {  	[bflag:$0x3] =	sbarrier.arrive $0xFFFF  }
0x9f: {  	_ =	shalt  }

// kernel: kernel.7.cloned.1.call-start
scs
__scs_entry_jumppad:
0x0: {  	(pc) =	sbr.rel $0x88, $3  }
0x1: {  	(tag) =	ssettag $0x0;
	lr =	simm.s32 $0x1  }
0x2: {  	[smem:$0x3F9A] =	sst lr;
	_ =	strace $0xD0000000  }
0x3: {  	_ = 	snop  }
0x4: {  	_ = 	snop  }
0x5: {  	_ = 	snop  }
0x6: {  	_ = 	snop  }
0x7: {  	_ = 	snop  }
__scs_overlays_trampoline_lowered:
0x8: {  	[smem:$0x3FA9] =	sst s0  }
0x9: {  	[smem:$0x3FAA] =	sst s1  }
0xa: {  	[smem:$0x3FAB] =	sst s2  }
0xb: {  	[smem:$0x3FAC] =	sst s3  }
0xc: {  	[smem:$0x3FAD] =	sst s4  }
0xd: {  	[smem:$0x3FAE] =	sst s5  }
0xe: {  	[smem:$0x3FAF] =	sst s6  }
0xf: {  	[smem:$0x3FB0] =	sst s7  }
0x10: {  	[smem:$0x3FB1] =	sst s8  }
0x11: {  	[smem:$0x3FB2] =	sst s9;
	s0 =	simm.s32 @!p0 $0x0  }
0x12: {  	s1 =	sld [smem:$0x3F98];
	s0 =	simm.s32 @p0 $0x1  }
0x13: {  	[smem:$0x3FB3] =	sst s0;
	s0 =	simm.s32 @!p1 $0x0  }
0x14: {  	s2 =	sld [smem:$0x3F97];
	s0 =	simm.s32 @p1 $0x1  }
0x15: {  	[smem:$0x3FB4] =	sst s0;
	s0 =	simm.s32 @!p2 $0x0  }
0x16: {  	s3 =	sld [smem:$0x3FDB];
	s0 =	simm.s32 @p2 $0x1  }
0x17: {  	s4 =	simm.s32 $0x1BF5;
	[smem:$0x3FB6] =	sst s0  }
0x18: {  	s0 =	sld [smem:$0x3F99];
	_ =	swait.ge [sflag:s4], $0x0  }
0x19: {  	s7 =	sld [smem:$0x3F9A]  }
0x1a: {  	s8 =	sadd.s32 $0xFFFFE003, lr  }
0x1b: {  	s9 =	sadd.s32 $0xFFFFFEF7, lr;
	s5 =	simm.s32 $0xFFFFFFFF;
	p2 =	slt.u32 s8, $0xFFFFF086  }
0x1c: {  	p1 =	slt.u32 s9, $0xF7A;
	s5 =	simm.s32 @!p2 $0x0  }
0x1d: {  	s5 =	simm.s32 @p1 $0x1;
	p0 =	seq.s32 s7, s2  }
0x1e: {  	s7 =	smul.u32 @!p0 $0xF7A, s2;
	p2 =	seq.s32 @!p0 s5, $0x0  }
0x1f: {  	s9 =	smul.u32 $0xF7A, s1;
	s8 =	simm.s32 @!p0 $0x1BF5;
	p2 =	por !p2, p0  }
0x20: {  	[sflag:s8] =	ssyncset.s32 @!p0 $0xFFFFF086;
	s6 =	sadd.s32 @!p0 s3, s7;
	s7 =	simm.s32 @!p0 $0x108  }
0x21: {  	s3 =	sadd.s32 s3, s9;
	s6 =	sadd.s32 @!p0 $0x88, s6;
	s7 =	simm.s32 @p2 $0x1082  }
0x22: {  	[simem:s7], [sflag:s8] =	dma.local @!p0 [hbm:s6], $0xF7A  }
0x23: {  	s9 =	sor.u32 $0xD0000000, s2;
	s6 =	simm.s32 $0x108;
	_ =	swait.ge @!p0 [sflag:s8], $0x0  }
0x24: {  	s3 =	sadd.s32 $0x88, s3;
	s6 =	simm.s32 @!p1 $0x1082;
	[sflag:s4] =	ssyncset.s32 $0xFFFFF086  }
0x25: {  	[simem:s6], [sflag:s4] =	dma.local [hbm:s3], $0xF7A  }
0x26: {  	[smem:$0x3F9A] =	sst s1;
	(tag) =	ssettag s2;
	_ =	strace s9  }
0x27: {  	s1 =	sld [smem:$0x3FAA]  }
0x28: {  	s2 =	sld [smem:$0x3FAB]  }
0x29: {  	s4 =	sld [smem:$0x3FAD]  }
0x2a: {  	p0 =	seq.s32 s5, $0x0;
	s5 =	sld [smem:$0x3FAE]  }
0x2b: {  	s6 =	sld [smem:$0x3FAF]  }
0x2c: {  	s7 =	sld [smem:$0x3FB0]  }
0x2d: {  	s3 =	simm.s32 $0x108;
	s8 =	sld [smem:$0x3FB1]  }
0x2e: {  	s3 =	simm.s32 @!p0 $0x1082;
	s9 =	sld [smem:$0x3FB2]  }
0x2f: {  	lr =	sadd.s32 s0, s3;
	s0 =	sld [smem:$0x3FA9]  }
0x30: {  	s3 =	sld [smem:$0x3FAC]  }
0x31: {  	[smem:$0x3FB5] =	sst s10  }
0x32: {  	s10 =	sld [smem:$0x3FB3];
	_ =	sdelay $0x3  }
0x33: {  	p0 =	seq.s32 s10, $0x1;
	s10 =	sld [smem:$0x3FB5];
	_ =	sdelay $0x3  }
0x34: {  	[smem:$0x3FB5] =	sst s10  }
0x35: {  	s10 =	sld [smem:$0x3FB4];
	_ =	sdelay $0x3  }
0x36: {  	p1 =	seq.s32 s10, $0x1;
	s10 =	sld [smem:$0x3FB5];
	_ =	sdelay $0x3  }
0x37: {  	[smem:$0x3FB5] =	sst s10  }
0x38: {  	s10 =	sld [smem:$0x3FB6]  }
0x39: {  	_ = 	snop;
	(pc) =	sbr.ind lr, $3  }
0x3a: {  	_ = 	snop  }
0x3b: {  	_ = 	snop  }
0x3c: {  	p2 =	seq.s32 s10, $0x1;
	s10 =	sld [smem:$0x3FB5]  }
0x3d: {  	_ =	shalt  }
0x3e: {  	_ =	shalt  }
0x3f: {  	_ =	shalt  }
0x40: {  	_ =	shalt  }
0x41: {  	_ =	shalt  }
0x42: {  	_ =	shalt  }
0x43: {  	_ =	shalt  }
0x44: {  	_ =	shalt  }
0x45: {  	_ =	shalt  }
0x46: {  	_ =	shalt  }
0x47: {  	_ =	shalt  }
0x48: {  	_ =	shalt  }
0x49: {  	_ =	shalt  }
0x4a: {  	_ =	shalt  }
0x4b: {  	_ =	shalt  }
0x4c: {  	_ =	shalt  }
0x4d: {  	_ =	shalt  }
0x4e: {  	_ =	shalt  }
0x4f: {  	_ =	shalt  }
0x50: {  	_ =	shalt  }
0x51: {  	_ =	shalt  }
0x52: {  	_ =	shalt  }
0x53: {  	_ =	shalt  }
0x54: {  	_ =	shalt  }
0x55: {  	_ =	shalt  }
0x56: {  	_ =	shalt  }
0x57: {  	_ =	shalt  }
0x58: {  	_ =	shalt  }
0x59: {  	_ =	shalt  }
0x5a: {  	_ =	shalt  }
0x5b: {  	_ =	shalt  }
0x5c: {  	_ =	shalt  }
0x5d: {  	_ =	shalt  }
0x5e: {  	_ =	shalt  }
0x5f: {  	_ =	shalt  }
0x60: {  	_ =	shalt  }
0x61: {  	_ =	shalt  }
0x62: {  	_ =	shalt  }
0x63: {  	_ =	shalt  }
0x64: {  	_ =	shalt  }
0x65: {  	_ =	shalt  }
0x66: {  	_ =	shalt  }
0x67: {  	_ =	shalt  }
0x68: {  	_ =	shalt  }
0x69: {  	_ =	shalt  }
0x6a: {  	_ =	shalt  }
0x6b: {  	_ =	shalt  }
0x6c: {  	_ =	shalt  }
0x6d: {  	_ =	shalt  }
0x6e: {  	_ =	shalt  }
0x6f: {  	_ =	shalt  }
0x70: {  	_ =	shalt  }
0x71: {  	_ =	shalt  }
0x72: {  	_ =	shalt  }
0x73: {  	_ =	shalt  }
0x74: {  	_ =	shalt  }
0x75: {  	_ =	shalt  }
0x76: {  	_ =	shalt  }
0x77: {  	_ =	shalt  }
0x78: {  	_ =	shalt  }
0x79: {  	_ =	shalt  }
0x7a: {  	_ =	shalt  }
0x7b: {  	_ =	shalt  }
0x7c: {  	_ =	shalt  }
0x7d: {  	_ =	shalt  }
0x7e: {  	_ =	shalt  }
0x7f: {  	_ =	shalt  }
0x80: {  	_ =	shalt  }
0x81: {  	_ =	shalt  }
0x82: {  	_ =	shalt  }
0x83: {  	_ =	shalt  }
0x84: {  	_ =	shalt  }
0x85: {  	_ =	shalt  }
0x86: {  	_ =	shalt  }
0x87: {  	_ =	shalt  }
.Lfunc_end0:
.L_simem_size_0:
called_computation_lowered:
.L_overlay_start_0:
0x88: {  	s2 =	sld [smem:$0x3FD9]  }
0x89: {  	s3 =	sld [smem:$0x3FFE];
	_ =	sdelay $0x1  }
0x8a: {  	s1 =	srdreg.scid  }
0x8b: {  	s0 =	sand.u32 $0x1, s1  }
0x8c: {  	s16 =	sshll.u32 s0, $0xA;
	s2 =	sadd.s32 s3, s2  }
0x8d: {  	s2 =	sadd.s32 s2, s16  }
0x8e: {  	[smem:$0x3FC1] =	sst s2  }
0x8f: {  	_ = 	snop  }
0x90: {  	(tm) =	ssettm $0x1  }
0x91: {  	s17 =	sld [smem:$0x3FFB];
	_ =	sdelay $0x3  }
0x92: {  	_ =	strace s17  }
0x93: {  	s2 =	sld [smem:$0x3FFC];
	_ =	sdelay $0x3  }
0x94: {  	_ =	strace s2  }
0x95: {  	s2 =	sld [smem:$0x3FFD];
	_ =	sdelay $0x3  }
0x96: {  	_ =	strace s2  }
0x97: {  	_ =	strace $0x8FFFFFFF  }
0x98: {  	s18 =	sld [smem:$0x3FDB];
	_ =	sdelay $0x1  }
0x99: {  	s19 =	simm.s32 $_scs_section_size  }
0x9a: {  	s4 =	simm.s32 $_size__tile_overlayer_lowered;
	s5 =	simm.s32 $_tile_overlayer_lowered  }
0x9b: {  	s22 =	simm.s32 $0x1BFF;
	s21 =	sshll.u32 s5, $0x1;
	s2 =	sadd.s32 s19, s18  }
0x9c: {  	s6 =	simm.s32 $0x0;
	s20 =	sshll.u32 s4, $0x1;
	s4 =	sadd.s32 s21, s2  }
0x9d: {  	[timem:s6], [sflag:s22] =	dma.local [hbm:s4], s20  }
0x9e: {  	_ =	swait.ge [sflag:s22], s20  }
0x9f: {  	s3 =	ssub.s32 $0x0, s20;
	[sflag:s22] =	ssyncset.done $0x0  }
0xa0: {  	[sflag:s22] =	ssyncadd.s32 s3;
	_ =	sdelay $0x1  }
0xa1: {  	s23 =	simm.s32 $0x1B8B  }
0xa2: {  	_ =	swait.ge [sflag:s23], $0x1  }
0xa3: {  	[sflag:s23] =	ssyncset.done $0x0  }
0xa4: {  	s25 =	simm.s32 $0x1B8E;
	s24 =	sld [smem:$0x3FFE];
	[sflag:s23] =	ssyncadd.s32 $0xFFFFFFFF  }
0xa5: {  	s26 =	simm.s32 $execute0_lowered;
	[smem:$0x3FD2] =	sst s25  }
0xa6: {  	s4 =	sshll.u32 s26, $0x1;
	_ =	strace $0x80000046;
	[dreg:$0x1] =	wrdreg $0xFFFFFFFF  }
0xa7: {  	s28 =	simm.s32 $_size_execute0_lowered;
	s2 =	sadd.s32 s2, s4;
	[dreg:$0x0] =	wrdreg $0x0  }
0xa8: {  	s4 =	sshll.u32 s28, $0x1;
	[dreg:$0x2] =	wrdreg s2  }
0xa9: {  	[dreg:$0x3] =	wrdreg s4  }
0xaa: {  	[dreg:$0x4] =	wrdreg $0xC0  }
0xab: {  	_ =	task [dreg:s6], $0x5FFFF  }
0xac: {  	[dreg:$0x1] =	wrdreg $0xFFFFFFFF  }
0xad: {  	[dreg:$0x0] =	wrdreg $0x60  }
0xae: {  	[dreg:$0x2] =	wrdreg s24  }
0xaf: {  	[dreg:$0x3] =	wrdreg $0x0  }
0xb0: {  	[dreg:$0x4] =	wrdreg $0x9  }
0xb1: {  	_ =	task.clear_ibuf [dreg:s6], $0x5FFFF;
	_ =	strace $0x90000046  }
0xb2: {  	s29 =	simm.s32 $0x9;
	_ =	strace $0x80000048  }
0xb3: {  	_ =	swait.ge [sflag:s29], $0x1  }
0xb4: {  	[sflag:s29] =	ssyncadd.s32 $0xFFFFFFFF  }
0xb5: {  	_ =	strace $0x90000048  }
0xb6: {  	_ =	sfence  }
0xb7: {  	s30 =	sld [smem:$0x0];
	_ =	sdelay $0x2  }
0xb8: {  	s31 =	sshll.u32 s1, $0xD;
	s1 =	sshrl.u32 s1, $0x2  }
0xb9: {  	s3 =	sand.u32 $0x4000, s31;
	s1 =	sadd.s32 s1, s30  }
0xba: {  	s0 =	sor.u32 s3, s0;
	s1 =	sshll.u32 s1, $0x11  }
0xbb: {  	s0 =	sor.u32 s1, s0  }
0xbc: {  	s0 =	sadd.s32 $0x8F2B, s0  }
0xbd: {  	[sflag:s0] =	ssyncadd.remote.s32 $0x1  }
0xbe: {  	_ =	sfence.sel $0xFFFF  }
0xbf: {  	[dreg:$0x0] =	wrdreg $0xFFFFFFFF;
	(pc) =	sbr.abs _section_cstart, $3  }
0xc0: {  	[dreg:$0x1] =	wrdreg $0xFFFFFFFF  }
0xc1: {  	_ =	task.clear_ibuf [dreg:s6], $0x2FFFF;
	_ =	strace $0x9FFFFFFF  }
0xc2: {  	(tm) =	ssettm $0x7FFFFFFF  }
0xc3: {  	_ =	shalt  }
tec
execute0_lowered:
.L_overlay_start_1:
0x0: {  	(tag) =	ssettag $0x1  }
0x1: {  	s4 =	rddreg [dreg:$0x0]  }
0x2: {  	s2 =	rddreg [dreg:$0x1]  }
0x3: {  	s0 =	rddreg [dreg:$0x2]  }
0x4: {  	s1 =	stileid.u32;
	s5 =	srdreg.scid  }
0x5: {  	s3 =	simm.s32 $0x0;
	s14 =	simm.s32 $0x5280;
	s15 =	simm.s32 $0x80  }
0x6: {  	s16 =	simm.s32 $0x1;
	s17 =	simm.s32 $0xA280;
	s9 =	smul.u32 $0x280, s1  }
0x7: {  	s18 =	sand.u32 $0x1, s5;
	[smem:$0x7FF] =	sst s3;
	s30 =	smul.u32 $0xA00, s1  }
0x8: {  	s31 =	sshll.u32 s1, $0x6;
	s6 =	ssub.s32 $0x2, s18;
	_ =	strace $0x80000047  }
0x9: {  	s5 =	sor.u32 $0x1C02, s31;
	p0 =	sne.s32 s18, $0x0;
	s18 =	simm.s32 $0x0  }
0xa: {  	s7 =	sshrl.u32 s9, $0x3;
	s8 =	sshrl.u32 s6, $0x1;
	s10 =	sadd.s32 s30, s4  }
0xb: {  	s13 =	sadd.s32 s9, s2;
	s9 =	sadd.s32 $0xA280, s9;
	s11 =	sadd.s32 s7, s4  }
0xc: {  	s12 =	ssub.s32 s6, s8;
	s6 =	sadd.s32 $0x1A00, s10;
	s7 =	sadd.s32 $0xBA00, s10  }
0xd: {  	s4 =	sadd.s32 $0x15A00, s11;
	s8 =	sadd.s32 $0x16000, s11;
	s10 =	smax.u32 s12, $0x1  }
0xe: {  	s11 =	sshrl.u32 s13, $0x3;
	s12 =	simm.s32 $0x2;
	s13 =	simm.s32 $0x280  }
.LBB2_1:
0xf: {  	[spmem:s11], [sflag:s5] =	dma.local [hbm:s4], $0x50  }
0x10: {  	_ =	swait.ge [sflag:s12], $0x50  }
0x11: {  	[sflag:s12] =	ssyncset.done $0x0  }
0x12: {  	[sflag:s12] =	ssyncadd.s32 $0xFFFFFFB0  }
0x13: {  	[bflag:$0x0] =	sbarrier.arrive $0xFFFF  }
0x14: {  	[tilespmem:s13], [sflag:$0x2] =	stream.linear.gather [hbm4b:s6+s3], $0x5000, $0x38;
	[tilespmem:$0xCA80] =	vst v63  }
0x15: {  	_ =	swait.ge [sflag:s12], $0x5000  }
0x16: {  	[sflag:s12] =	ssyncset.done $0x0  }
0x17: {  	[sflag:s12] =	ssyncadd.s32 $0xFFFFB000  }
0x18: {  	[tilespmem:s14], [sflag:$0x2] =	stream.linear.gather [hbm4b:s7+s3], $0x5000, $0x38;
	[tilespmem:$0xCA80] =	vst v63  }
0x19: {  	_ =	swait.ge [sflag:s12], $0x5000  }
0x1a: {  	[sflag:s12] =	ssyncset.done $0x0  }
0x1b: {  	s19 =	simm.s32 $0x5280;
	s20 =	simm.s32 $0x280;
	[sflag:s12] =	ssyncadd.s32 $0xFFFFB000  }
0x1c: {  	[spmem:s2] =	stream.indirect.scatter.add.f32 [tilespmem:s19], [sflag:$0x1], $0x1, s20, s15, $0xb8;
	[tilespmem:$0xCA80] =	vst v63  }
0x1d: {  	s28 =	simm.s32 $0x5300;
	s29 =	simm.s32 $0x300  }
0x1e: {  	[spmem:s2] =	stream.indirect.scatter.add.f32 [tilespmem:s28], [sflag:$0x1], $0x1, s29, s15, $0xb8;
	[tilespmem:$0xCA80] =	vst v63  }
0x1f: {  	s30 =	simm.s32 $0x5380;
	s31 =	simm.s32 $0x380  }
0x20: {  	[spmem:s2] =	stream.indirect.scatter.add.f32 [tilespmem:s30], [sflag:$0x1], $0x1, s31, s15, $0xb8;
	[tilespmem:$0xCA80] =	vst v63  }
0x21: {  	s21 =	simm.s32 $0x5400;
	s22 =	simm.s32 $0x400  }
0x22: {  	[spmem:s2] =	stream.indirect.scatter.add.f32 [tilespmem:s21], [sflag:$0x1], $0x1, s22, s15, $0xb8;
	[tilespmem:$0xCA80] =	vst v63  }
0x23: {  	s23 =	simm.s32 $0x5480;
	s24 =	simm.s32 $0x480  }
0x24: {  	[spmem:s2] =	stream.indirect.scatter.add.f32 [tilespmem:s23], [sflag:$0x1], $0x1, s24, s15, $0xb8;
	[tilespmem:$0xCA80] =	vst v63  }
0x25: {  	s25 =	simm.s32 $0x5500;
	s26 =	simm.s32 $0x500  }
0x26: {  	[spmem:s2] =	stream.indirect.scatter.add.f32 [tilespmem:s25], [sflag:$0x1], $0x1, s26, s15, $0xb8;
	[tilespmem:$0xCA80] =	vst v63  }
0x27: {  	s28 =	simm.s32 $0x5580;
	s29 =	simm.s32 $0x580  }
0x28: {  	[spmem:s2] =	stream.indirect.scatter.add.f32 [tilespmem:s28], [sflag:$0x1], $0x1, s29, s15, $0xb8;
	[tilespmem:$0xCA80] =	vst v63  }
0x29: {  	s30 =	simm.s32 $0x5600;
	s31 =	simm.s32 $0x600  }
0x2a: {  	[spmem:s2] =	stream.indirect.scatter.add.f32 [tilespmem:s30], [sflag:$0x1], $0x1, s31, s15, $0xb8;
	[tilespmem:$0xCA80] =	vst v63  }
0x2b: {  	_ =	swait.ge [sflag:s16], $0x80  }
0x2c: {  	[sflag:s16] =	ssyncset.done $0x0  }
0x2d: {  	[sflag:s16] =	ssyncadd.s32 $0xFFFFFF80  }
0x2e: {  	_ =	swait.ge [sflag:s16], $0x80  }
0x2f: {  	[sflag:s16] =	ssyncset.done $0x0  }
0x30: {  	[sflag:s16] =	ssyncadd.s32 $0xFFFFFF80  }
0x31: {  	_ =	swait.ge [sflag:s16], $0x80  }
0x32: {  	[sflag:s16] =	ssyncset.done $0x0  }
0x33: {  	[sflag:s16] =	ssyncadd.s32 $0xFFFFFF80  }
0x34: {  	_ =	swait.ge [sflag:s16], $0x80  }
0x35: {  	[sflag:s16] =	ssyncset.done $0x0  }
0x36: {  	[sflag:s16] =	ssyncadd.s32 $0xFFFFFF80  }
0x37: {  	_ =	swait.ge [sflag:s16], $0x80  }
0x38: {  	[sflag:s16] =	ssyncset.done $0x0  }
0x39: {  	[sflag:s16] =	ssyncadd.s32 $0xFFFFFF80  }
0x3a: {  	_ =	swait.ge [sflag:s16], $0x80  }
0x3b: {  	[sflag:s16] =	ssyncset.done $0x0  }
0x3c: {  	[sflag:s16] =	ssyncadd.s32 $0xFFFFFF80  }
0x3d: {  	_ =	swait.ge [sflag:s16], $0x80  }
0x3e: {  	[sflag:s16] =	ssyncset.done $0x0  }
0x3f: {  	[sflag:s16] =	ssyncadd.s32 $0xFFFFFF80  }
0x40: {  	_ =	swait.ge [sflag:s16], $0x80  }
0x41: {  	s22 =	simm.s32 $0x2000;
	s21 =	simm.s32 $0x400;
	[sflag:s16] =	ssyncset.done $0x0  }
.LBB2_2:
0x42: {  	s20 =	sadd.s32 $0x5280, s21  }
0x43: {  	s23 =	sadd.s32 $0x280, s21;
	[sflag:s16] =	ssyncadd.s32 $0xFFFFFF80;
	s19 =	smov.u32 s22  }
0x44: {  	[spmem:s2] =	stream.indirect.scatter.add.f32 [tilespmem:s20], [sflag:$0x1], $0x1, s23, s15, $0xb8;
	[tilespmem:$0xCA80] =	vst v63  }
0x45: {  	s24 =	sadd.s32 $0x300, s21;
	s20 =	sadd.s32 $0x1000, s22;
	s23 =	sadd.s32 $0x5300, s21  }
0x46: {  	[spmem:s2] =	stream.indirect.scatter.add.f32 [tilespmem:s23], [sflag:$0x1], $0x1, s24, s15, $0xb8;
	[tilespmem:$0xCA80] =	vst v63  }
0x47: {  	p1 =	sne.s32 s22, $0x13000;
	s22 =	sadd.s32 $0x5380, s21;
	s23 =	sadd.s32 $0x380, s21  }
0x48: {  	[spmem:s2] =	stream.indirect.scatter.add.f32 [tilespmem:s22], [sflag:$0x1], $0x1, s23, s15, $0xb8;
	[tilespmem:$0xCA80] =	vst v63  }
0x49: {  	s22 =	sadd.s32 $0x5400, s21;
	s23 =	sadd.s32 $0x400, s21  }
0x4a: {  	[spmem:s2] =	stream.indirect.scatter.add.f32 [tilespmem:s22], [sflag:$0x1], $0x1, s23, s15, $0xb8;
	[tilespmem:$0xCA80] =	vst v63  }
0x4b: {  	s22 =	sadd.s32 $0x5480, s21;
	s23 =	sadd.s32 $0x480, s21  }
0x4c: {  	[spmem:s2] =	stream.indirect.scatter.add.f32 [tilespmem:s22], [sflag:$0x1], $0x1, s23, s15, $0xb8;
	[tilespmem:$0xCA80] =	vst v63  }
0x4d: {  	s22 =	sadd.s32 $0x5500, s21;
	s23 =	sadd.s32 $0x500, s21  }
0x4e: {  	[spmem:s2] =	stream.indirect.scatter.add.f32 [tilespmem:s22], [sflag:$0x1], $0x1, s23, s15, $0xb8;
	[tilespmem:$0xCA80] =	vst v63  }
0x4f: {  	s22 =	sadd.s32 $0x5580, s21;
	s23 =	sadd.s32 $0x580, s21  }
0x50: {  	[spmem:s2] =	stream.indirect.scatter.add.f32 [tilespmem:s22], [sflag:$0x1], $0x1, s23, s15, $0xb8;
	[tilespmem:$0xCA80] =	vst v63  }
0x51: {  	s22 =	sadd.s32 $0x5600, s21;
	s21 =	sadd.s32 $0x600, s21  }
0x52: {  	[spmem:s2] =	stream.indirect.scatter.add.f32 [tilespmem:s22], [sflag:$0x1], $0x1, s21, s15, $0xb8;
	[tilespmem:$0xCA80] =	vst v63  }
0x53: {  	_ =	swait.ge [sflag:s16], $0x80  }
0x54: {  	[sflag:s16] =	ssyncset.done $0x0  }
0x55: {  	[sflag:s16] =	ssyncadd.s32 $0xFFFFFF80  }
0x56: {  	_ =	swait.ge [sflag:s16], $0x80  }
0x57: {  	[sflag:s16] =	ssyncset.done $0x0  }
0x58: {  	[sflag:s16] =	ssyncadd.s32 $0xFFFFFF80  }
0x59: {  	_ =	swait.ge [sflag:s16], $0x80  }
0x5a: {  	[sflag:s16] =	ssyncset.done $0x0  }
0x5b: {  	[sflag:s16] =	ssyncadd.s32 $0xFFFFFF80  }
0x5c: {  	_ =	swait.ge [sflag:s16], $0x80  }
0x5d: {  	[sflag:s16] =	ssyncset.done $0x0  }
0x5e: {  	[sflag:s16] =	ssyncadd.s32 $0xFFFFFF80  }
0x5f: {  	_ =	swait.ge [sflag:s16], $0x80  }
0x60: {  	[sflag:s16] =	ssyncset.done $0x0  }
0x61: {  	[sflag:s16] =	ssyncadd.s32 $0xFFFFFF80  }
0x62: {  	_ =	swait.ge [sflag:s16], $0x80  }
0x63: {  	[sflag:s16] =	ssyncset.done $0x0  }
0x64: {  	[sflag:s16] =	ssyncadd.s32 $0xFFFFFF80  }
.Ltmp0:
0x65: {  	_ =	swait.ge [sflag:s16], $0x80;
	(pc) =	sbr.rel @p1 .LBB2_2-.Ltmp0, $4  }
0x66: {  	[sflag:s16] =	ssyncset.done $0x0  }
0x67: {  	[sflag:s16] =	ssyncadd.s32 $0xFFFFFF80  }
0x68: {  	_ =	swait.ge [sflag:s16], $0x80  }
0x69: {  	s21 =	sshra.s32 s19, $0x2;
	s22 =	smov.u32 s20;
	[sflag:s16] =	ssyncset.done $0x0  }
0x6a: {  	s19 =	sadd.s32 $0x5280, s21;
	s20 =	sadd.s32 $0x280, s21;
	[sflag:s16] =	ssyncadd.s32 $0xFFFFFF80  }
0x6b: {  	[spmem:s2] =	stream.indirect.scatter.add.f32 [tilespmem:s19], [sflag:$0x1], $0x1, s20, s15, $0xb8;
	[tilespmem:$0xCA80] =	vst v63  }
0x6c: {  	s28 =	sadd.s32 $0x5300, s21;
	s29 =	sadd.s32 $0x300, s21  }
0x6d: {  	[spmem:s2] =	stream.indirect.scatter.add.f32 [tilespmem:s28], [sflag:$0x1], $0x1, s29, s15, $0xb8;
	[tilespmem:$0xCA80] =	vst v63  }
0x6e: {  	s30 =	sadd.s32 $0x5380, s21;
	s31 =	sadd.s32 $0x380, s21  }
0x6f: {  	[spmem:s2] =	stream.indirect.scatter.add.f32 [tilespmem:s30], [sflag:$0x1], $0x1, s31, s15, $0xb8;
	[tilespmem:$0xCA80] =	vst v63  }
0x70: {  	s22 =	sadd.s32 $0x400, s21;
	s20 =	sadd.s32 $0x5400, s21  }
0x71: {  	[spmem:s2] =	stream.indirect.scatter.add.f32 [tilespmem:s20], [sflag:$0x1], $0x1, s22, s15, $0xb8;
	[tilespmem:$0xCA80] =	vst v63  }
0x72: {  	s23 =	sadd.s32 $0x5480, s21;
	s24 =	sadd.s32 $0x480, s21  }
0x73: {  	[spmem:s2] =	stream.indirect.scatter.add.f32 [tilespmem:s23], [sflag:$0x1], $0x1, s24, s15, $0xb8;
	[tilespmem:$0xCA80] =	vst v63  }
0x74: {  	s25 =	sadd.s32 $0x5500, s21;
	s26 =	sadd.s32 $0x500, s21  }
0x75: {  	[spmem:s2] =	stream.indirect.scatter.add.f32 [tilespmem:s25], [sflag:$0x1], $0x1, s26, s15, $0xb8;
	[tilespmem:$0xCA80] =	vst v63  }
0x76: {  	s28 =	sadd.s32 $0x5580, s21;
	s29 =	sadd.s32 $0x580, s21  }
0x77: {  	[spmem:s2] =	stream.indirect.scatter.add.f32 [tilespmem:s28], [sflag:$0x1], $0x1, s29, s15, $0xb8;
	[tilespmem:$0xCA80] =	vst v63  }
0x78: {  	s30 =	sadd.s32 $0x5600, s21;
	s31 =	sadd.s32 $0x600, s21  }
0x79: {  	[spmem:s2] =	stream.indirect.scatter.add.f32 [tilespmem:s30], [sflag:$0x1], $0x1, s31, s15, $0xb8;
	[tilespmem:$0xCA80] =	vst v63  }
0x7a: {  	_ =	swait.ge [sflag:s16], $0x80  }
0x7b: {  	[sflag:s16] =	ssyncset.done $0x0  }
0x7c: {  	[sflag:s16] =	ssyncadd.s32 $0xFFFFFF80  }
0x7d: {  	_ =	swait.ge [sflag:s16], $0x80  }
0x7e: {  	[sflag:s16] =	ssyncset.done $0x0  }
0x7f: {  	[sflag:s16] =	ssyncadd.s32 $0xFFFFFF80  }
0x80: {  	_ =	swait.ge [sflag:s16], $0x80  }
0x81: {  	[sflag:s16] =	ssyncset.done $0x0  }
0x82: {  	[sflag:s16] =	ssyncadd.s32 $0xFFFFFF80  }
0x83: {  	_ =	swait.ge [sflag:s16], $0x80  }
0x84: {  	[sflag:s16] =	ssyncset.done $0x0  }
0x85: {  	[sflag:s16] =	ssyncadd.s32 $0xFFFFFF80  }
0x86: {  	_ =	swait.ge [sflag:s16], $0x80  }
0x87: {  	[sflag:s16] =	ssyncset.done $0x0  }
0x88: {  	[sflag:s16] =	ssyncadd.s32 $0xFFFFFF80  }
0x89: {  	_ =	swait.ge [sflag:s16], $0x80  }
0x8a: {  	[sflag:s16] =	ssyncset.done $0x0  }
0x8b: {  	[sflag:s16] =	ssyncadd.s32 $0xFFFFFF80  }
0x8c: {  	_ =	swait.ge [sflag:s16], $0x80  }
0x8d: {  	[sflag:s16] =	ssyncset.done $0x0  }
0x8e: {  	[sflag:s16] =	ssyncadd.s32 $0xFFFFFF80  }
0x8f: {  	_ =	swait.ge [sflag:s16], $0x80  }
0x90: {  	[sflag:s16] =	ssyncset.done $0x0  }
0x91: {  	[sflag:s16] =	ssyncadd.s32 $0xFFFFFF80  }
0x92: {  	[bflag:$0x0] =	sbarrier.arrive $0xFFFF  }
0x93: {  	[tilespmem:s17], [sflag:$0x2] =	stream.linear.gather [spmem:s2], $0x2800, $0x38;
	[tilespmem:$0xCA80] =	vst v63  }
0x94: {  	_ =	swait.ge [sflag:s12], $0x2800  }
0x95: {  	[sflag:s12] =	ssyncset.done $0x0  }
0x96: {  	s19 =	simm.s32 $0x0;
	s20 =	simm.s32 $0x40;
	[sflag:s12] =	ssyncadd.s32 $0xFFFFD800  }
.LBB2_4:
0x97: {  	p1 =	sne.s32 s20, $0x9FC0;
	v0 =	vld [tilespmem:s19+$0xA280];
	_ =	sdelay $0x4  }
0x98: {  	v0 =	vadd.f32 $1.000000000e+00, v0;
	_ =	sdelay $0x1  }
0x99: {  	v1 =	vshra.s32 v0, $0x1;
	v0 =	vmul.f32 $5.000000000e-01, v0  }
0x9a: {  	v1 =	vsub.s32 $0x5F3759DF, v1  }
0x9b: {  	v2 =	vmul.f32 v1, v0;
	_ =	sdelay $0x1  }
0x9c: {  	v2 =	vmul.f32 v1, v2;
	_ =	sdelay $0x1  }
0x9d: {  	v2 =	vsub.f32 $1.500000000e+00, v2;
	_ =	sdelay $0x1  }
0x9e: {  	v1 =	vmul.f32 v1, v2;
	_ =	sdelay $0x1  }
0x9f: {  	v2 =	vmul.f32 v1, v0;
	_ =	sdelay $0x1  }
0xa0: {  	v2 =	vmul.f32 v2, v1;
	_ =	sdelay $0x1  }
0xa1: {  	v2 =	vsub.f32 $1.500000000e+00, v2;
	_ =	sdelay $0x1  }
0xa2: {  	v1 =	vmul.f32 v2, v1;
	_ =	sdelay $0x1  }
0xa3: {  	v0 =	vmul.f32 v1, v0;
	_ =	sdelay $0x1  }
0xa4: {  	v0 =	vmul.f32 v0, v1;
	_ =	sdelay $0x1  }
.Ltmp1:
0xa5: {  	v0 =	vsub.f32 $1.500000000e+00, v0;
	(pc) =	sbr.rel @p1 .LBB2_4-.Ltmp1, $3  }
0xa6: {  	_ = 	snop  }
0xa7: {  	v0 =	vmul.f32 v0, v1;
	_ =	sdelay $0x1  }
0xa8: {  	[tilespmem:s19+$0xA280] =	vst v0;
	s19 =	sshra.s32 s20, $0x2;
	s20 =	sadd.s32 $0x40, s20  }
0xa9: {  	v0 =	vld [tilespmem:s19+$0xA280];
	_ =	sdelay $0x4  }
0xaa: {  	v0 =	vadd.f32 $1.000000000e+00, v0;
	_ =	sdelay $0x1  }
0xab: {  	v1 =	vshra.s32 v0, $0x1;
	v0 =	vmul.f32 $5.000000000e-01, v0  }
0xac: {  	v1 =	vsub.s32 $0x5F3759DF, v1  }
0xad: {  	v2 =	vmul.f32 v1, v0;
	_ =	sdelay $0x1  }
0xae: {  	v2 =	vmul.f32 v1, v2;
	_ =	sdelay $0x1  }
0xaf: {  	v2 =	vsub.f32 $1.500000000e+00, v2;
	_ =	sdelay $0x1  }
0xb0: {  	v1 =	vmul.f32 v1, v2;
	_ =	sdelay $0x1  }
0xb1: {  	v2 =	vmul.f32 v1, v0;
	_ =	sdelay $0x1  }
0xb2: {  	v2 =	vmul.f32 v2, v1;
	_ =	sdelay $0x1  }
0xb3: {  	v2 =	vsub.f32 $1.500000000e+00, v2;
	_ =	sdelay $0x1  }
0xb4: {  	v1 =	vmul.f32 v2, v1;
	_ =	sdelay $0x1  }
0xb5: {  	v0 =	vmul.f32 v1, v0;
	_ =	sdelay $0x1  }
0xb6: {  	v0 =	vmul.f32 v0, v1;
	_ =	sdelay $0x1  }
0xb7: {  	v0 =	vsub.f32 $1.500000000e+00, v0;
	_ =	sdelay $0x1  }
0xb8: {  	v0 =	vmul.f32 v0, v1  }
0xb9: {  	s18 =	sadd.s32 $0x1, s18  }
0xba: {  	p1 =	sne.s32 s18, s10;
	[tilespmem:s19+$0xA280] =	vst v0;
	s19 =	simm.s32 @!p0 $0x0  }
0xbb: {  	[hbm4b:s8+s19] =	stream.linear.scatter @!p0 [tilespmem:s9], [sflag:$0x2], $0x280, $0x38;
	[tilespmem:$0xCA80] =	vst v63  }
.Ltmp2:
0xbc: {  	_ = 	snop;
	(pc) =	sbr.rel @p1 .LBB2_1-.Ltmp2, $4  }
0xbd: {  	s19 =	simm.s32 @!p0 $0x2  }
0xbe: {  	_ =	swait.ge @!p0 [sflag:s19], $0x280  }
0xbf: {  	[sflag:s19] =	ssyncset.done @!p0 $0x0  }
0xc0: {  	[sflag:s19] =	ssyncadd.s32 @!p0 $0xFFFFFD80  }
0xc1: {  	_ =	sfence.sel $0x180000  }
0xc2: {  	[bflag:$0x0] =	sbarrier.arrive $0xFFFF  }
0xc3: {  	p0 =	sne.s32 s1, $0x0;
	_ =	strace $0x90000047  }
0xc4: {  	s0 =	sadd.s32 @!p0 $0x100000, s0;
	[bflag:$0x2] =	sbarrier.arrive $0xFFFF  }
0xc5: {  	[sflag:s0] =	ssyncadd.tile.s32 @!p0 $0x1;
	_ =	shalt  }
.Lfunc_end2:
_tile_overlayer_lowered:
.L_overlay_start_2:
0xc6: {  	(tag) =	ssettag $0x2  }
0xc7: {  	s0 =	rddreg [dreg:$0x0];
	s2 =	stileid.u32  }
0xc8: {  	s1 =	rddreg [dreg:$0x1];
	p0 =	sne.s32 s2, $0x0  }
0xc9: {  	s3 =	rddreg [dreg:$0x2];
	[bflag:$0x3] =	sbarrier.arrive $0xFFFF;
	s2 =	simm.s32 @!p0 $0x1C02  }
0xca: {  	[timem:s3], [sflag:s2] =	dma.local @!p0 [hbm:s0], s1  }
0xcb: {  	s0 =	simm.s32 @!p0 $0x2  }
0xcc: {  	_ =	swait.ge @!p0 [sflag:s0], s1  }
0xcd: {  	s1 =	ssub.s32 @!p0 $0x0, s1;
	[sflag:s0] =	ssyncset.done @!p0 $0x0  }
0xce: {  	[sflag:s0] =	ssyncadd.s32 @!p0 s1  }
0xcf: {  	[bflag:$0x3] =	sbarrier.arrive $0xFFFF  }
0xd0: {  	_ =	shalt  }

</sc_bundles>
